<compile_context>
chip_gen: v7x
topology: tpu7x:2x2x1
jax: 0.10.2.dev20260603
libtpu: 0.0.44.dev20260713+nightly
codegen_flags: <defaults>
</compile_context>

<pallas_src>
import functools

import jax
import jax.numpy as jnp
from jax import lax
from jax.experimental import pallas as pl
from jax.experimental.pallas import tpu as pltpu
from jax.experimental.pallas import tpu_sc as plsc

NC = 2
NS = 16
NW = NC * NS
LANES = 16
K = 128
KA = 64


def _sc_mesh():
    return plsc.VectorSubcoreMesh(core_axis_name="c", subcore_axis_name="s")


def _make_hist(n_pad, nb, d):
    rows_per_tile = n_pad // NS
    ch = nb // 2

    @functools.partial(
        pl.kernel,
        out_type=jax.ShapeDtypeStruct((NC, n_pad, d), jnp.float32),
        mesh=_sc_mesh(),
        scratch_types=[
            pltpu.VMEM((2, ch, K), jnp.int32),
            pltpu.VMEM((K, d), jnp.float32),
            pltpu.VMEM((K, d), jnp.float32),
            pltpu.VMEM_SHARED((n_pad, d), jnp.float32),
            pltpu.SemaphoreType.DMA,
        ],
    )
    def hist(src_hbm, dst_hbm, degp_hbm, idx_v, onel_v, oner_v, deg_sh, semh):
        c = lax.axis_index("c")
        s = lax.axis_index("s")
        wid = s * NC + c

        @pl.loop(0, K)
        def _zero(i):
            for g in range(d // LANES):
                onel_v[i, pl.ds(g * LANES, LANES)] = jnp.zeros((LANES,), jnp.float32)

        base = s * rows_per_tile
        for t in range(rows_per_tile // K):
            pltpu.sync_copy(onel_v, deg_sh.at[pl.ds(base + t * K, K)])

        @pl.loop(0, K)
        def _fill(i):
            for g in range(d // LANES):
                val = 1.0 if g < (d // LANES) // 2 else 0.0
                onel_v[i, pl.ds(g * LANES, LANES)] = jnp.full((LANES,), val, jnp.float32)
                oner_v[i, pl.ds(g * LANES, LANES)] = jnp.full((LANES,), 1.0 - val, jnp.float32)

        plsc.subcore_barrier()

        for chunk in range(nb // ch):
            pltpu.sync_copy(src_hbm.at[wid, pl.ds(chunk * ch, ch)], idx_v.at[0])
            pltpu.sync_copy(dst_hbm.at[wid, pl.ds(chunk * ch, ch)], idx_v.at[1])

            @pl.loop(0, ch)
            def _accum(j):
                @pl.when(j > 0)
                def _drain_prev():
                    pltpu.make_async_copy(onel_v, deg_sh.at[idx_v.at[0, 0]],
                                          semh).wait()
                    pltpu.make_async_copy(oner_v, deg_sh.at[idx_v.at[1, 0]],
                                          semh).wait()

                pltpu.async_copy(onel_v, deg_sh.at[idx_v.at[0, j]], semh, add=True)
                pltpu.async_copy(oner_v, deg_sh.at[idx_v.at[1, j]], semh, add=True)

            pltpu.make_async_copy(onel_v, deg_sh.at[idx_v.at[0, 0]], semh).wait()
            pltpu.make_async_copy(oner_v, deg_sh.at[idx_v.at[1, 0]], semh).wait()

        plsc.subcore_barrier()
        pltpu.sync_copy(deg_sh.at[pl.ds(base, rows_per_tile)],
                        degp_hbm.at[c, pl.ds(base, rows_per_tile)])

    return hist


def _make_agg(n_pad, nb, d):
    rows_per_tile = n_pad // NS
    ch = nb // 4

    @functools.partial(
        pl.kernel,
        out_type=jax.ShapeDtypeStruct((NC, n_pad, d), jnp.float32),
        mesh=_sc_mesh(),
        scratch_types=[
            pltpu.VMEM((2, ch, KA), jnp.int32),
            pltpu.VMEM((4, KA, d), jnp.float32),
            pltpu.VMEM_SHARED((n_pad, d), jnp.float32),
            [pltpu.SemaphoreType.DMA] * 4,
            [pltpu.SemaphoreType.DMA] * 4,
        ],
    )
    def agg(h_hbm, src_hbm, dst_hbm, aggp_hbm, idx_v, rows_v, agg_sh,
            semg, semsc):
        c = lax.axis_index("c")
        s = lax.axis_index("s")
        wid = s * NC + c

        @pl.loop(0, KA)
        def _zero(r):
            for g in range(d // LANES):
                rows_v[0, r, pl.ds(g * LANES, LANES)] = jnp.zeros((LANES,), jnp.float32)

        base = s * rows_per_tile
        for t in range(rows_per_tile // KA):
            pltpu.sync_copy(rows_v.at[0], agg_sh.at[pl.ds(base + t * KA, KA)])

        plsc.subcore_barrier()

        for chunk in range(nb // ch):
            off = chunk * ch
            pltpu.sync_copy(src_hbm.at[wid, pl.ds(off, ch)], idx_v.at[0])
            pltpu.sync_copy(dst_hbm.at[wid, pl.ds(off, ch)], idx_v.at[1])
            for i in range(4):
                pltpu.async_copy(h_hbm.at[idx_v.at[0, i]], rows_v.at[i], semg[i])

            @pl.loop(0, ch // 4)
            def _quads(q):
                j0 = 4 * q
                for i in range(4):
                    pltpu.make_async_copy(h_hbm.at[idx_v.at[0, j0 + i]],
                                          rows_v.at[i], semg[i]).wait()
                    pltpu.async_copy(rows_v.at[i], agg_sh.at[idx_v.at[1, j0 + i]],
                                     semsc[i], add=True)

                @pl.when(q < ch // 4 - 1)
                def _next():
                    for i in range(4):
                        pltpu.make_async_copy(rows_v.at[i],
                                              agg_sh.at[idx_v.at[1, j0 + i]],
                                              semsc[i]).wait()
                        pltpu.async_copy(h_hbm.at[idx_v.at[0, j0 + 4 + i]],
                                         rows_v.at[i], semg[i])

            for i in range(4):
                pltpu.make_async_copy(rows_v.at[i], agg_sh.at[idx_v.at[1, i]],
                                      semsc[i]).wait()

        plsc.subcore_barrier()
        pltpu.sync_copy(agg_sh.at[pl.ds(base, rows_per_tile)],
                        aggp_hbm.at[c, pl.ds(base, rows_per_tile)])

    return agg


def _h_tc(x_ref, degp_ref, h_ref):
    deg = degp_ref[0] + degp_ref[1]
    half = deg.shape[-1] // 2
    dego = jnp.max(deg[:, :half], axis=-1)
    norm = lax.rsqrt(jnp.maximum(dego, 1.0))
    h_ref[...] = x_ref[...] * norm[:, None]


def _final_tc(n, aggp_ref, degp_ref, w_ref, b_ref, o_ref):
    agg = aggp_ref[0] + aggp_ref[1]
    deg = degp_ref[0] + degp_ref[1]
    half = deg.shape[-1] // 2
    degi = jnp.max(deg[:, half:], axis=-1)
    r = jnp.dot(agg, w_ref[...], preferred_element_type=jnp.float32)
    norm = lax.rsqrt(jnp.maximum(degi, 1.0))
    r = r * norm[:, None] + b_ref[...]
    o_ref[...] = r[:n, :]


def kernel(x, edge_index, W, b):
    n, d = x.shape
    e = edge_index.shape[1]

    n_pad = ((n + NS * K - 1) // (NS * K)) * (NS * K)
    e_per_w = (((e + NW - 1) // NW + 8 * K - 1) // (8 * K)) * (8 * K)
    nb = e_per_w // K
    e_pad = e_per_w * NW

    src = edge_index[0].astype(jnp.int32)
    dst = edge_index[1].astype(jnp.int32)
    pad_ids = jnp.full((e_pad - e,), n, jnp.int32)
    srcp = jnp.concatenate([src, pad_ids]).reshape(NW, nb, K)
    dstp = jnp.concatenate([dst, pad_ids]).reshape(NW, nb, K)
    x_pad = jnp.pad(x, ((0, n_pad - n), (0, 0)))

    degp = _make_hist(n_pad, nb, d)(srcp, dstp)

    h_pad = pl.pallas_call(
        _h_tc,
        out_shape=jax.ShapeDtypeStruct((n_pad, d), jnp.float32),
    )(x_pad, degp)

    nba = e_per_w // KA
    srcp_a = srcp.reshape(NW, nba, KA)
    dstp_a = dstp.reshape(NW, nba, KA)
    aggp = _make_agg(n_pad, nba, d)(h_pad, srcp_a, dstp_a)

    out = pl.pallas_call(
        functools.partial(_final_tc, n),
        out_shape=jax.ShapeDtypeStruct((n, d), jnp.float32),
    )(aggp, degp, W, b.reshape(1, d))
    return out

# --- scband reference (transcript-rebuilt; emitter-appended) ---
"""Pipeline reference for scband-dist-graph-conv-51032801411438 (READ-ONLY COPY).

The authoritative reference and input builder live on the scoring server;
editing this copy changes nothing except your own understanding.
"""

import jax, jax.numpy as jnp
import numpy as np

N_NODES = 10000
N_EDGES = 320000
D_IN = 128
D_OUT = 128


def setup_inputs(seed: int = 0) -> dict:
    key = jax.random.key(seed)
    k1, k2, k3 = jax.random.split(key, 3)
    x = jax.random.normal(k1, (N_NODES, D_IN), dtype=jnp.float32)
    edge_index = jax.random.randint(k2, (2, N_EDGES), 0, N_NODES, dtype=jnp.int64)
    # Xavier-uniform-like init for the weight matrix
    limit = float(np.sqrt(6.0 / (D_IN + D_OUT)))
    W = jax.random.uniform(k3, (D_IN, D_OUT), dtype=jnp.float32, minval=-limit, maxval=limit)
    b = jnp.zeros((D_OUT,), dtype=jnp.float32)
    return {"x": x, "edge_index": edge_index, "W": W, "b": b}


def reference(x, edge_index, W, b):
    # GraphConv with norm='both' (symmetric GCN normalization), no edge weights,
    # no activation. Distributed comm (sync_tensor / dist_mm) collapses to the
    # single-partition math: SPMM aggregation + dense GEMM + bias.
    N = x.shape[0]
    src = edge_index[0]
    dst = edge_index[1]
    # left normalization: out-degree^{-1/2} on source features
    deg_out = jnp.bincount(src, length=N).astype(x.dtype)
    deg_out = jnp.clip(deg_out, 1.0)
    norm_l = jnp.power(deg_out, -0.5)
    h = x * norm_l[:, None]
    # message passing: copy_u('h','m') then sum('m','h')  == scatter-add over dst
    msgs = jnp.take(h, src, axis=0)
    agg = jax.ops.segment_sum(msgs, dst, num_segments=N)
    # dense transform (dist_mm -> plain matmul on one partition)
    rst = agg @ W
    # right normalization: in-degree^{-1/2} on destination rows
    deg_in = jnp.bincount(dst, length=N).astype(x.dtype)
    deg_in = jnp.clip(deg_in, 1.0)
    norm_r = jnp.power(deg_in, -0.5)
    rst = rst * norm_r[:, None]
    rst = rst + b
    return rst

if __name__ == "__main__":
    import jax
    _d = setup_inputs()
    print(jax.jit(kernel)(*tuple(_d.values())))

</pallas_src>

<mosaic_0001>
#map = affine_map<(d0, d1) -> (0, 0, 0)>
module attributes {stable_mosaic.version = 14 : i64} {
  func.func @hist(%arg0: i32, %arg1: i32, %arg2: memref<32x80x128xi32, #tpu.memory_space<hbm>>, %arg3: memref<32x80x128xi32, #tpu.memory_space<hbm>>, %arg4: memref<2x10240x128xf32, #tpu.memory_space<hbm>>, %arg5: memref<2x40x128xi32, #tpu.memory_space<vmem>>, %arg6: memref<128x128xf32, #tpu.memory_space<vmem>>, %arg7: memref<128x128xf32, #tpu.memory_space<vmem>>, %arg8: memref<10240x128xf32, #tpu.memory_space<vmem_shared>>, %arg9: memref<!tpu.dma_semaphore, #tpu.memory_space<semaphore_mem>>) attributes {dimension_semantics = [#tpu.dimension_semantics<core_parallel>, #tpu.dimension_semantics<subcore_parallel>], iteration_bounds = array<i64: 2, 16>, scalar_prefetch = 0 : i64, scratch_operands = 5 : i64, tpu.core_type = #tpu.core_type<sc_vector_subcore>, window_params = [{transform_indices = #map}, {transform_indices = #map}, {transform_indices = #map}]} {
    %mul3A = arith.constant 2 : i32
    %mul3A_0 = arith.muli %arg1, %mul3A : i32
    %add3A = arith.addi %mul3A_0, %arg0 : i32
    %scan3A = arith.constant 0 : i32
    %scan3A_1 = arith.constant 128 : i32
    %scan3A_2 = arith.addi %scan3A, %scan3A_1 : i32
    %scan3A_3 = arith.constant 1 : i32
    scf.for %scan3A_67 = %scan3A to %scan3A_2 step %scan3A_3  : i32 {
      %mul3A_68 = arith.constant 1 : i32
      %mul3A_69 = arith.muli %scan3A_67, %mul3A_68 : i32
      %add3A_70 = arith.constant 0 : i32
      %add3A_71 = arith.addi %add3A_70, %mul3A_69 : i32
      %broadcast_in_dim3A = arith.constant 0.000000e+00 : f32
      %broadcast_in_dim3A_72 = vector.broadcast %broadcast_in_dim3A : f32 to vector<16xf32>
      %swap3A = arith.index_cast %add3A_71 : i32 to index
      %swap3A_73 = arith.constant 0 : index
      %swap3A_74 = tpu.vector_load %arg6[%swap3A, %swap3A_73] {strides = array<i32>} : memref<128x128xf32, #tpu.memory_space<vmem>>, vector<1x16xf32>,
      %swap3A_75 = vector.shape_cast %swap3A_74 : vector<1x16xf32> to vector<16xf32>
      %swap3A_76 = vector.shape_cast %broadcast_in_dim3A_72 : vector<16xf32> to vector<1x16xf32>
      tpu.vector_store %arg6[%swap3A, %swap3A_73], %swap3A_76 {strides = array<i32>} : memref<128x128xf32, #tpu.memory_space<vmem>>, vector<1x16xf32>,
      %broadcast_in_dim3A_77 = arith.constant 0.000000e+00 : f32
      %broadcast_in_dim3A_78 = vector.broadcast %broadcast_in_dim3A_77 : f32 to vector<16xf32>
      %swap3A_79 = arith.index_cast %add3A_71 : i32 to index
      %swap3A_80 = arith.constant 16 : index
      %swap3A_81 = tpu.vector_load %arg6[%swap3A_79, %swap3A_80] {strides = array<i32>} : memref<128x128xf32, #tpu.memory_space<vmem>>, vector<1x16xf32>,
      %swap3A_82 = vector.shape_cast %swap3A_81 : vector<1x16xf32> to vector<16xf32>
      %swap3A_83 = vector.shape_cast %broadcast_in_dim3A_78 : vector<16xf32> to vector<1x16xf32>
      tpu.vector_store %arg6[%swap3A_79, %swap3A_80], %swap3A_83 {strides = array<i32>} : memref<128x128xf32, #tpu.memory_space<vmem>>, vector<1x16xf32>,
      %broadcast_in_dim3A_84 = arith.constant 0.000000e+00 : f32
      %broadcast_in_dim3A_85 = vector.broadcast %broadcast_in_dim3A_84 : f32 to vector<16xf32>
      %swap3A_86 = arith.index_cast %add3A_71 : i32 to index
      %swap3A_87 = arith.constant 32 : index
      %swap3A_88 = tpu.vector_load %arg6[%swap3A_86, %swap3A_87] {strides = array<i32>} : memref<128x128xf32, #tpu.memory_space<vmem>>, vector<1x16xf32>,
      %swap3A_89 = vector.shape_cast %swap3A_88 : vector<1x16xf32> to vector<16xf32>
      %swap3A_90 = vector.shape_cast %broadcast_in_dim3A_85 : vector<16xf32> to vector<1x16xf32>
      tpu.vector_store %arg6[%swap3A_86, %swap3A_87], %swap3A_90 {strides = array<i32>} : memref<128x128xf32, #tpu.memory_space<vmem>>, vector<1x16xf32>,
      %broadcast_in_dim3A_91 = arith.constant 0.000000e+00 : f32
      %broadcast_in_dim3A_92 = vector.broadcast %broadcast_in_dim3A_91 : f32 to vector<16xf32>
      %swap3A_93 = arith.index_cast %add3A_71 : i32 to index
      %swap3A_94 = arith.constant 48 : index
      %swap3A_95 = tpu.vector_load %arg6[%swap3A_93, %swap3A_94] {strides = array<i32>} : memref<128x128xf32, #tpu.memory_space<vmem>>, vector<1x16xf32>,
      %swap3A_96 = vector.shape_cast %swap3A_95 : vector<1x16xf32> to vector<16xf32>
      %swap3A_97 = vector.shape_cast %broadcast_in_dim3A_92 : vector<16xf32> to vector<1x16xf32>
      tpu.vector_store %arg6[%swap3A_93, %swap3A_94], %swap3A_97 {strides = array<i32>} : memref<128x128xf32, #tpu.memory_space<vmem>>, vector<1x16xf32>,
      %broadcast_in_dim3A_98 = arith.constant 0.000000e+00 : f32
      %broadcast_in_dim3A_99 = vector.broadcast %broadcast_in_dim3A_98 : f32 to vector<16xf32>
      %swap3A_100 = arith.index_cast %add3A_71 : i32 to index
      %swap3A_101 = arith.constant 64 : index
      %swap3A_102 = tpu.vector_load %arg6[%swap3A_100, %swap3A_101] {strides = array<i32>} : memref<128x128xf32, #tpu.memory_space<vmem>>, vector<1x16xf32>,
      %swap3A_103 = vector.shape_cast %swap3A_102 : vector<1x16xf32> to vector<16xf32>
      %swap3A_104 = vector.shape_cast %broadcast_in_dim3A_99 : vector<16xf32> to vector<1x16xf32>
      tpu.vector_store %arg6[%swap3A_100, %swap3A_101], %swap3A_104 {strides = array<i32>} : memref<128x128xf32, #tpu.memory_space<vmem>>, vector<1x16xf32>,
      %broadcast_in_dim3A_105 = arith.constant 0.000000e+00 : f32
      %broadcast_in_dim3A_106 = vector.broadcast %broadcast_in_dim3A_105 : f32 to vector<16xf32>
      %swap3A_107 = arith.index_cast %add3A_71 : i32 to index
      %swap3A_108 = arith.constant 80 : index
      %swap3A_109 = tpu.vector_load %arg6[%swap3A_107, %swap3A_108] {strides = array<i32>} : memref<128x128xf32, #tpu.memory_space<vmem>>, vector<1x16xf32>,
      %swap3A_110 = vector.shape_cast %swap3A_109 : vector<1x16xf32> to vector<16xf32>
      %swap3A_111 = vector.shape_cast %broadcast_in_dim3A_106 : vector<16xf32> to vector<1x16xf32>
      tpu.vector_store %arg6[%swap3A_107, %swap3A_108], %swap3A_111 {strides = array<i32>} : memref<128x128xf32, #tpu.memory_space<vmem>>, vector<1x16xf32>,
      %broadcast_in_dim3A_112 = arith.constant 0.000000e+00 : f32
      %broadcast_in_dim3A_113 = vector.broadcast %broadcast_in_dim3A_112 : f32 to vector<16xf32>
      %swap3A_114 = arith.index_cast %add3A_71 : i32 to index
      %swap3A_115 = arith.constant 96 : index
      %swap3A_116 = tpu.vector_load %arg6[%swap3A_114, %swap3A_115] {strides = array<i32>} : memref<128x128xf32, #tpu.memory_space<vmem>>, vector<1x16xf32>,
      %swap3A_117 = vector.shape_cast %swap3A_116 : vector<1x16xf32> to vector<16xf32>
      %swap3A_118 = vector.shape_cast %broadcast_in_dim3A_113 : vector<16xf32> to vector<1x16xf32>
      tpu.vector_store %arg6[%swap3A_114, %swap3A_115], %swap3A_118 {strides = array<i32>} : memref<128x128xf32, #tpu.memory_space<vmem>>, vector<1x16xf32>,
      %broadcast_in_dim3A_119 = arith.constant 0.000000e+00 : f32
      %broadcast_in_dim3A_120 = vector.broadcast %broadcast_in_dim3A_119 : f32 to vector<16xf32>
      %swap3A_121 = arith.index_cast %add3A_71 : i32 to index
      %swap3A_122 = arith.constant 112 : index
      %swap3A_123 = tpu.vector_load %arg6[%swap3A_121, %swap3A_122] {strides = array<i32>} : memref<128x128xf32, #tpu.memory_space<vmem>>, vector<1x16xf32>,
      %swap3A_124 = vector.shape_cast %swap3A_123 : vector<1x16xf32> to vector<16xf32>
      %swap3A_125 = vector.shape_cast %broadcast_in_dim3A_120 : vector<16xf32> to vector<1x16xf32>
      tpu.vector_store %arg6[%swap3A_121, %swap3A_122], %swap3A_125 {strides = array<i32>} : memref<128x128xf32, #tpu.memory_space<vmem>>, vector<1x16xf32>,
    }
    %scan3A_4 = arith.constant 128 : i32
    %mul3A_5 = arith.constant 640 : i32
    %mul3A_6 = arith.muli %arg1, %mul3A_5 : i32
    %add3A_7 = arith.constant 0 : i32
    %add3A_8 = arith.addi %mul3A_6, %add3A_7 : i32
    "tpu.region"() ({
      %run_scoped3A_67 = tpu.sem_alloc : memref<!tpu.dma_semaphore, #tpu.memory_space<semaphore_mem>>
      %dma_start3A = arith.constant 0 : i32
      %dma_start3A_68 = tpu.memref_slice %arg8[%add3A_8, %dma_start3A] : memref<10240x128xf32, #tpu.memory_space<vmem_shared>> -> memref<128x128xf32, #tpu.memory_space<vmem_shared>>
      %dma_start3A_69 = arith.constant 0 : i32
      %dma_start3A_70 = tpu.memref_slice %arg8[%add3A_8, %dma_start3A_69] : memref<10240x128xf32, #tpu.memory_space<vmem_shared>> -> memref<128x128xf32, #tpu.memory_space<vmem_shared>>
      tpu.enqueue_dma source(%arg6 : memref<128x128xf32, #tpu.memory_space<vmem>>) target(%dma_start3A_70 : memref<128x128xf32, #tpu.memory_space<vmem_shared>>) target_semaphore(%run_scoped3A_67 : memref<!tpu.dma_semaphore, #tpu.memory_space<semaphore_mem>>)
      %dma_wait3A_71 = arith.constant 0 : i32
      %dma_wait3A_72 = tpu.memref_slice %arg8[%add3A_8, %dma_wait3A_71] : memref<10240x128xf32, #tpu.memory_space<vmem_shared>> -> memref<128x128xf32, #tpu.memory_space<vmem_shared>>
      %dma_wait3A_73 = arith.constant 0 : i32
      %dma_wait3A_74 = tpu.memref_slice %arg8[%add3A_8, %dma_wait3A_73] : memref<10240x128xf32, #tpu.memory_space<vmem_shared>> -> memref<128x128xf32, #tpu.memory_space<vmem_shared>>
      tpu.wait_dma2 semaphore(%run_scoped3A_67 : memref<!tpu.dma_semaphore, #tpu.memory_space<semaphore_mem>>) src(%arg6 : memref<128x128xf32, #tpu.memory_space<vmem>>) dst(%dma_wait3A_74 : memref<128x128xf32, #tpu.memory_space<vmem_shared>>)
      tpu.yield
    }) : () -> ()
    %add3A_9 = arith.constant 128 : i32
    %add3A_10 = arith.addi %mul3A_6, %add3A_9 : i32
    "tpu.region"() ({
      %run_scoped3A_67 = tpu.sem_alloc : memref<!tpu.dma_semaphore, #tpu.memory_space<semaphore_mem>>
      %dma_start3A = arith.constant 0 : i32
      %dma_start3A_68 = tpu.memref_slice %arg8[%add3A_10, %dma_start3A] : memref<10240x128xf32, #tpu.memory_space<vmem_shared>> -> memref<128x128xf32, #tpu.memory_space<vmem_shared>>
      %dma_start3A_69 = arith.constant 0 : i32
      %dma_start3A_70 = tpu.memref_slice %arg8[%add3A_10, %dma_start3A_69] : memref<10240x128xf32, #tpu.memory_space<vmem_shared>> -> memref<128x128xf32, #tpu.memory_space<vmem_shared>>
      tpu.enqueue_dma source(%arg6 : memref<128x128xf32, #tpu.memory_space<vmem>>) target(%dma_start3A_70 : memref<128x128xf32, #tpu.memory_space<vmem_shared>>) target_semaphore(%run_scoped3A_67 : memref<!tpu.dma_semaphore, #tpu.memory_space<semaphore_mem>>)
      %dma_wait3A_71 = arith.constant 0 : i32
      %dma_wait3A_72 = tpu.memref_slice %arg8[%add3A_10, %dma_wait3A_71] : memref<10240x128xf32, #tpu.memory_space<vmem_shared>> -> memref<128x128xf32, #tpu.memory_space<vmem_shared>>
      %dma_wait3A_73 = arith.constant 0 : i32
      %dma_wait3A_74 = tpu.memref_slice %arg8[%add3A_10, %dma_wait3A_73] : memref<10240x128xf32, #tpu.memory_space<vmem_shared>> -> memref<128x128xf32, #tpu.memory_space<vmem_shared>>
      tpu.wait_dma2 semaphore(%run_scoped3A_67 : memref<!tpu.dma_semaphore, #tpu.memory_space<semaphore_mem>>) src(%arg6 : memref<128x128xf32, #tpu.memory_space<vmem>>) dst(%dma_wait3A_74 : memref<128x128xf32, #tpu.memory_space<vmem_shared>>)
      tpu.yield
    }) : () -> ()
    %add3A_11 = arith.constant 256 : i32
    %add3A_12 = arith.addi %mul3A_6, %add3A_11 : i32
    "tpu.region"() ({
      %run_scoped3A_67 = tpu.sem_alloc : memref<!tpu.dma_semaphore, #tpu.memory_space<semaphore_mem>>
      %dma_start3A = arith.constant 0 : i32
      %dma_start3A_68 = tpu.memref_slice %arg8[%add3A_12, %dma_start3A] : memref<10240x128xf32, #tpu.memory_space<vmem_shared>> -> memref<128x128xf32, #tpu.memory_space<vmem_shared>>
      %dma_start3A_69 = arith.constant 0 : i32
      %dma_start3A_70 = tpu.memref_slice %arg8[%add3A_12, %dma_start3A_69] : memref<10240x128xf32, #tpu.memory_space<vmem_shared>> -> memref<128x128xf32, #tpu.memory_space<vmem_shared>>
      tpu.enqueue_dma source(%arg6 : memref<128x128xf32, #tpu.memory_space<vmem>>) target(%dma_start3A_70 : memref<128x128xf32, #tpu.memory_space<vmem_shared>>) target_semaphore(%run_scoped3A_67 : memref<!tpu.dma_semaphore, #tpu.memory_space<semaphore_mem>>)
      %dma_wait3A_71 = arith.constant 0 : i32
      %dma_wait3A_72 = tpu.memref_slice %arg8[%add3A_12, %dma_wait3A_71] : memref<10240x128xf32, #tpu.memory_space<vmem_shared>> -> memref<128x128xf32, #tpu.memory_space<vmem_shared>>
      %dma_wait3A_73 = arith.constant 0 : i32
      %dma_wait3A_74 = tpu.memref_slice %arg8[%add3A_12, %dma_wait3A_73] : memref<10240x128xf32, #tpu.memory_space<vmem_shared>> -> memref<128x128xf32, #tpu.memory_space<vmem_shared>>
      tpu.wait_dma2 semaphore(%run_scoped3A_67 : memref<!tpu.dma_semaphore, #tpu.memory_space<semaphore_mem>>) src(%arg6 : memref<128x128xf32, #tpu.memory_space<vmem>>) dst(%dma_wait3A_74 : memref<128x128xf32, #tpu.memory_space<vmem_shared>>)
      tpu.yield
    }) : () -> ()
    %add3A_13 = arith.constant 384 : i32
    %add3A_14 = arith.addi %mul3A_6, %add3A_13 : i32
    "tpu.region"() ({
      %run_scoped3A_67 = tpu.sem_alloc : memref<!tpu.dma_semaphore, #tpu.memory_space<semaphore_mem>>
      %dma_start3A = arith.constant 0 : i32
      %dma_start3A_68 = tpu.memref_slice %arg8[%add3A_14, %dma_start3A] : memref<10240x128xf32, #tpu.memory_space<vmem_shared>> -> memref<128x128xf32, #tpu.memory_space<vmem_shared>>
      %dma_start3A_69 = arith.constant 0 : i32
      %dma_start3A_70 = tpu.memref_slice %arg8[%add3A_14, %dma_start3A_69] : memref<10240x128xf32, #tpu.memory_space<vmem_shared>> -> memref<128x128xf32, #tpu.memory_space<vmem_shared>>
      tpu.enqueue_dma source(%arg6 : memref<128x128xf32, #tpu.memory_space<vmem>>) target(%dma_start3A_70 : memref<128x128xf32, #tpu.memory_space<vmem_shared>>) target_semaphore(%run_scoped3A_67 : memref<!tpu.dma_semaphore, #tpu.memory_space<semaphore_mem>>)
      %dma_wait3A_71 = arith.constant 0 : i32
      %dma_wait3A_72 = tpu.memref_slice %arg8[%add3A_14, %dma_wait3A_71] : memref<10240x128xf32, #tpu.memory_space<vmem_shared>> -> memref<128x128xf32, #tpu.memory_space<vmem_shared>>
      %dma_wait3A_73 = arith.constant 0 : i32
      %dma_wait3A_74 = tpu.memref_slice %arg8[%add3A_14, %dma_wait3A_73] : memref<10240x128xf32, #tpu.memory_space<vmem_shared>> -> memref<128x128xf32, #tpu.memory_space<vmem_shared>>
      tpu.wait_dma2 semaphore(%run_scoped3A_67 : memref<!tpu.dma_semaphore, #tpu.memory_space<semaphore_mem>>) src(%arg6 : memref<128x128xf32, #tpu.memory_space<vmem>>) dst(%dma_wait3A_74 : memref<128x128xf32, #tpu.memory_space<vmem_shared>>)
      tpu.yield
    }) : () -> ()
    %add3A_15 = arith.constant 512 : i32
    %add3A_16 = arith.addi %mul3A_6, %add3A_15 : i32
    "tpu.region"() ({
      %run_scoped3A_67 = tpu.sem_alloc : memref<!tpu.dma_semaphore, #tpu.memory_space<semaphore_mem>>
      %dma_start3A = arith.constant 0 : i32
      %dma_start3A_68 = tpu.memref_slice %arg8[%add3A_16, %dma_start3A] : memref<10240x128xf32, #tpu.memory_space<vmem_shared>> -> memref<128x128xf32, #tpu.memory_space<vmem_shared>>
      %dma_start3A_69 = arith.constant 0 : i32
      %dma_start3A_70 = tpu.memref_slice %arg8[%add3A_16, %dma_start3A_69] : memref<10240x128xf32, #tpu.memory_space<vmem_shared>> -> memref<128x128xf32, #tpu.memory_space<vmem_shared>>
      tpu.enqueue_dma source(%arg6 : memref<128x128xf32, #tpu.memory_space<vmem>>) target(%dma_start3A_70 : memref<128x128xf32, #tpu.memory_space<vmem_shared>>) target_semaphore(%run_scoped3A_67 : memref<!tpu.dma_semaphore, #tpu.memory_space<semaphore_mem>>)
      %dma_wait3A_71 = arith.constant 0 : i32
      %dma_wait3A_72 = tpu.memref_slice %arg8[%add3A_16, %dma_wait3A_71] : memref<10240x128xf32, #tpu.memory_space<vmem_shared>> -> memref<128x128xf32, #tpu.memory_space<vmem_shared>>
      %dma_wait3A_73 = arith.constant 0 : i32
      %dma_wait3A_74 = tpu.memref_slice %arg8[%add3A_16, %dma_wait3A_73] : memref<10240x128xf32, #tpu.memory_space<vmem_shared>> -> memref<128x128xf32, #tpu.memory_space<vmem_shared>>
      tpu.wait_dma2 semaphore(%run_scoped3A_67 : memref<!tpu.dma_semaphore, #tpu.memory_space<semaphore_mem>>) src(%arg6 : memref<128x128xf32, #tpu.memory_space<vmem>>) dst(%dma_wait3A_74 : memref<128x128xf32, #tpu.memory_space<vmem_shared>>)
      tpu.yield
    }) : () -> ()
    %scan3A_17 = arith.constant 0 : i32
    %scan3A_18 = arith.constant 128 : i32
    %scan3A_19 = arith.addi %scan3A_17, %scan3A_18 : i32
    %scan3A_20 = arith.constant 1 : i32
    scf.for %scan3A_67 = %scan3A_17 to %scan3A_19 step %scan3A_20  : i32 {
      %mul3A_68 = arith.constant 1 : i32
      %mul3A_69 = arith.muli %scan3A_67, %mul3A_68 : i32
      %add3A_70 = arith.constant 0 : i32
      %add3A_71 = arith.addi %add3A_70, %mul3A_69 : i32
      %broadcast_in_dim3A = arith.constant 1.000000e+00 : f32
      %broadcast_in_dim3A_72 = vector.broadcast %broadcast_in_dim3A : f32 to vector<16xf32>
      %swap3A = arith.index_cast %add3A_71 : i32 to index
      %swap3A_73 = arith.constant 0 : index
      %swap3A_74 = tpu.vector_load %arg6[%swap3A, %swap3A_73] {strides = array<i32>} : memref<128x128xf32, #tpu.memory_space<vmem>>, vector<1x16xf32>,
      %swap3A_75 = vector.shape_cast %swap3A_74 : vector<1x16xf32> to vector<16xf32>
      %swap3A_76 = vector.shape_cast %broadcast_in_dim3A_72 : vector<16xf32> to vector<1x16xf32>
      tpu.vector_store %arg6[%swap3A, %swap3A_73], %swap3A_76 {strides = array<i32>} : memref<128x128xf32, #tpu.memory_space<vmem>>, vector<1x16xf32>,
      %broadcast_in_dim3A_77 = arith.constant 0.000000e+00 : f32
      %broadcast_in_dim3A_78 = vector.broadcast %broadcast_in_dim3A_77 : f32 to vector<16xf32>
      %swap3A_79 = arith.index_cast %add3A_71 : i32 to index
      %swap3A_80 = arith.constant 0 : index
      %swap3A_81 = tpu.vector_load %arg7[%swap3A_79, %swap3A_80] {strides = array<i32>} : memref<128x128xf32, #tpu.memory_space<vmem>>, vector<1x16xf32>,
      %swap3A_82 = vector.shape_cast %swap3A_81 : vector<1x16xf32> to vector<16xf32>
      %swap3A_83 = vector.shape_cast %broadcast_in_dim3A_78 : vector<16xf32> to vector<1x16xf32>
      tpu.vector_store %arg7[%swap3A_79, %swap3A_80], %swap3A_83 {strides = array<i32>} : memref<128x128xf32, #tpu.memory_space<vmem>>, vector<1x16xf32>,
      %broadcast_in_dim3A_84 = arith.constant 1.000000e+00 : f32
      %broadcast_in_dim3A_85 = vector.broadcast %broadcast_in_dim3A_84 : f32 to vector<16xf32>
      %swap3A_86 = arith.index_cast %add3A_71 : i32 to index
      %swap3A_87 = arith.constant 16 : index
      %swap3A_88 = tpu.vector_load %arg6[%swap3A_86, %swap3A_87] {strides = array<i32>} : memref<128x128xf32, #tpu.memory_space<vmem>>, vector<1x16xf32>,
      %swap3A_89 = vector.shape_cast %swap3A_88 : vector<1x16xf32> to vector<16xf32>
      %swap3A_90 = vector.shape_cast %broadcast_in_dim3A_85 : vector<16xf32> to vector<1x16xf32>
      tpu.vector_store %arg6[%swap3A_86, %swap3A_87], %swap3A_90 {strides = array<i32>} : memref<128x128xf32, #tpu.memory_space<vmem>>, vector<1x16xf32>,
      %broadcast_in_dim3A_91 = arith.constant 0.000000e+00 : f32
      %broadcast_in_dim3A_92 = vector.broadcast %broadcast_in_dim3A_91 : f32 to vector<16xf32>
      %swap3A_93 = arith.index_cast %add3A_71 : i32 to index
      %swap3A_94 = arith.constant 16 : index
      %swap3A_95 = tpu.vector_load %arg7[%swap3A_93, %swap3A_94] {strides = array<i32>} : memref<128x128xf32, #tpu.memory_space<vmem>>, vector<1x16xf32>,
      %swap3A_96 = vector.shape_cast %swap3A_95 : vector<1x16xf32> to vector<16xf32>
      %swap3A_97 = vector.shape_cast %broadcast_in_dim3A_92 : vector<16xf32> to vector<1x16xf32>
      tpu.vector_store %arg7[%swap3A_93, %swap3A_94], %swap3A_97 {strides = array<i32>} : memref<128x128xf32, #tpu.memory_space<vmem>>, vector<1x16xf32>,
      %broadcast_in_dim3A_98 = arith.constant 1.000000e+00 : f32
      %broadcast_in_dim3A_99 = vector.broadcast %broadcast_in_dim3A_98 : f32 to vector<16xf32>
      %swap3A_100 = arith.index_cast %add3A_71 : i32 to index
      %swap3A_101 = arith.constant 32 : index
      %swap3A_102 = tpu.vector_load %arg6[%swap3A_100, %swap3A_101] {strides = array<i32>} : memref<128x128xf32, #tpu.memory_space<vmem>>, vector<1x16xf32>,
      %swap3A_103 = vector.shape_cast %swap3A_102 : vector<1x16xf32> to vector<16xf32>
      %swap3A_104 = vector.shape_cast %broadcast_in_dim3A_99 : vector<16xf32> to vector<1x16xf32>
      tpu.vector_store %arg6[%swap3A_100, %swap3A_101], %swap3A_104 {strides = array<i32>} : memref<128x128xf32, #tpu.memory_space<vmem>>, vector<1x16xf32>,
      %broadcast_in_dim3A_105 = arith.constant 0.000000e+00 : f32
      %broadcast_in_dim3A_106 = vector.broadcast %broadcast_in_dim3A_105 : f32 to vector<16xf32>
      %swap3A_107 = arith.index_cast %add3A_71 : i32 to index
      %swap3A_108 = arith.constant 32 : index
      %swap3A_109 = tpu.vector_load %arg7[%swap3A_107, %swap3A_108] {strides = array<i32>} : memref<128x128xf32, #tpu.memory_space<vmem>>, vector<1x16xf32>,
      %swap3A_110 = vector.shape_cast %swap3A_109 : vector<1x16xf32> to vector<16xf32>
      %swap3A_111 = vector.shape_cast %broadcast_in_dim3A_106 : vector<16xf32> to vector<1x16xf32>
      tpu.vector_store %arg7[%swap3A_107, %swap3A_108], %swap3A_111 {strides = array<i32>} : memref<128x128xf32, #tpu.memory_space<vmem>>, vector<1x16xf32>,
      %broadcast_in_dim3A_112 = arith.constant 1.000000e+00 : f32
      %broadcast_in_dim3A_113 = vector.broadcast %broadcast_in_dim3A_112 : f32 to vector<16xf32>
      %swap3A_114 = arith.index_cast %add3A_71 : i32 to index
      %swap3A_115 = arith.constant 48 : index
      %swap3A_116 = tpu.vector_load %arg6[%swap3A_114, %swap3A_115] {strides = array<i32>} : memref<128x128xf32, #tpu.memory_space<vmem>>, vector<1x16xf32>,
      %swap3A_117 = vector.shape_cast %swap3A_116 : vector<1x16xf32> to vector<16xf32>
      %swap3A_118 = vector.shape_cast %broadcast_in_dim3A_113 : vector<16xf32> to vector<1x16xf32>
      tpu.vector_store %arg6[%swap3A_114, %swap3A_115], %swap3A_118 {strides = array<i32>} : memref<128x128xf32, #tpu.memory_space<vmem>>, vector<1x16xf32>,
      %broadcast_in_dim3A_119 = arith.constant 0.000000e+00 : f32
      %broadcast_in_dim3A_120 = vector.broadcast %broadcast_in_dim3A_119 : f32 to vector<16xf32>
      %swap3A_121 = arith.index_cast %add3A_71 : i32 to index
      %swap3A_122 = arith.constant 48 : index
      %swap3A_123 = tpu.vector_load %arg7[%swap3A_121, %swap3A_122] {strides = array<i32>} : memref<128x128xf32, #tpu.memory_space<vmem>>, vector<1x16xf32>,
      %swap3A_124 = vector.shape_cast %swap3A_123 : vector<1x16xf32> to vector<16xf32>
      %swap3A_125 = vector.shape_cast %broadcast_in_dim3A_120 : vector<16xf32> to vector<1x16xf32>
      tpu.vector_store %arg7[%swap3A_121, %swap3A_122], %swap3A_125 {strides = array<i32>} : memref<128x128xf32, #tpu.memory_space<vmem>>, vector<1x16xf32>,
      %broadcast_in_dim3A_126 = arith.constant 0.000000e+00 : f32
      %broadcast_in_dim3A_127 = vector.broadcast %broadcast_in_dim3A_126 : f32 to vector<16xf32>
      %swap3A_128 = arith.index_cast %add3A_71 : i32 to index
      %swap3A_129 = arith.constant 64 : index
      %swap3A_130 = tpu.vector_load %arg6[%swap3A_128, %swap3A_129] {strides = array<i32>} : memref<128x128xf32, #tpu.memory_space<vmem>>, vector<1x16xf32>,
      %swap3A_131 = vector.shape_cast %swap3A_130 : vector<1x16xf32> to vector<16xf32>
      %swap3A_132 = vector.shape_cast %broadcast_in_dim3A_127 : vector<16xf32> to vector<1x16xf32>
      tpu.vector_store %arg6[%swap3A_128, %swap3A_129], %swap3A_132 {strides = array<i32>} : memref<128x128xf32, #tpu.memory_space<vmem>>, vector<1x16xf32>,
      %broadcast_in_dim3A_133 = arith.constant 1.000000e+00 : f32
      %broadcast_in_dim3A_134 = vector.broadcast %broadcast_in_dim3A_133 : f32 to vector<16xf32>
      %swap3A_135 = arith.index_cast %add3A_71 : i32 to index
      %swap3A_136 = arith.constant 64 : index
      %swap3A_137 = tpu.vector_load %arg7[%swap3A_135, %swap3A_136] {strides = array<i32>} : memref<128x128xf32, #tpu.memory_space<vmem>>, vector<1x16xf32>,
      %swap3A_138 = vector.shape_cast %swap3A_137 : vector<1x16xf32> to vector<16xf32>
      %swap3A_139 = vector.shape_cast %broadcast_in_dim3A_134 : vector<16xf32> to vector<1x16xf32>
      tpu.vector_store %arg7[%swap3A_135, %swap3A_136], %swap3A_139 {strides = array<i32>} : memref<128x128xf32, #tpu.memory_space<vmem>>, vector<1x16xf32>,
      %broadcast_in_dim3A_140 = arith.constant 0.000000e+00 : f32
      %broadcast_in_dim3A_141 = vector.broadcast %broadcast_in_dim3A_140 : f32 to vector<16xf32>
      %swap3A_142 = arith.index_cast %add3A_71 : i32 to index
      %swap3A_143 = arith.constant 80 : index
      %swap3A_144 = tpu.vector_load %arg6[%swap3A_142, %swap3A_143] {strides = array<i32>} : memref<128x128xf32, #tpu.memory_space<vmem>>, vector<1x16xf32>,
      %swap3A_145 = vector.shape_cast %swap3A_144 : vector<1x16xf32> to vector<16xf32>
      %swap3A_146 = vector.shape_cast %broadcast_in_dim3A_141 : vector<16xf32> to vector<1x16xf32>
      tpu.vector_store %arg6[%swap3A_142, %swap3A_143], %swap3A_146 {strides = array<i32>} : memref<128x128xf32, #tpu.memory_space<vmem>>, vector<1x16xf32>,
      %broadcast_in_dim3A_147 = arith.constant 1.000000e+00 : f32
      %broadcast_in_dim3A_148 = vector.broadcast %broadcast_in_dim3A_147 : f32 to vector<16xf32>
      %swap3A_149 = arith.index_cast %add3A_71 : i32 to index
      %swap3A_150 = arith.constant 80 : index
      %swap3A_151 = tpu.vector_load %arg7[%swap3A_149, %swap3A_150] {strides = array<i32>} : memref<128x128xf32, #tpu.memory_space<vmem>>, vector<1x16xf32>,
      %swap3A_152 = vector.shape_cast %swap3A_151 : vector<1x16xf32> to vector<16xf32>
      %swap3A_153 = vector.shape_cast %broadcast_in_dim3A_148 : vector<16xf32> to vector<1x16xf32>
      tpu.vector_store %arg7[%swap3A_149, %swap3A_150], %swap3A_153 {strides = array<i32>} : memref<128x128xf32, #tpu.memory_space<vmem>>, vector<1x16xf32>,
      %broadcast_in_dim3A_154 = arith.constant 0.000000e+00 : f32
      %broadcast_in_dim3A_155 = vector.broadcast %broadcast_in_dim3A_154 : f32 to vector<16xf32>
      %swap3A_156 = arith.index_cast %add3A_71 : i32 to index
      %swap3A_157 = arith.constant 96 : index
      %swap3A_158 = tpu.vector_load %arg6[%swap3A_156, %swap3A_157] {strides = array<i32>} : memref<128x128xf32, #tpu.memory_space<vmem>>, vector<1x16xf32>,
      %swap3A_159 = vector.shape_cast %swap3A_158 : vector<1x16xf32> to vector<16xf32>
      %swap3A_160 = vector.shape_cast %broadcast_in_dim3A_155 : vector<16xf32> to vector<1x16xf32>
      tpu.vector_store %arg6[%swap3A_156, %swap3A_157], %swap3A_160 {strides = array<i32>} : memref<128x128xf32, #tpu.memory_space<vmem>>, vector<1x16xf32>,
      %broadcast_in_dim3A_161 = arith.constant 1.000000e+00 : f32
      %broadcast_in_dim3A_162 = vector.broadcast %broadcast_in_dim3A_161 : f32 to vector<16xf32>
      %swap3A_163 = arith.index_cast %add3A_71 : i32 to index
      %swap3A_164 = arith.constant 96 : index
      %swap3A_165 = tpu.vector_load %arg7[%swap3A_163, %swap3A_164] {strides = array<i32>} : memref<128x128xf32, #tpu.memory_space<vmem>>, vector<1x16xf32>,
      %swap3A_166 = vector.shape_cast %swap3A_165 : vector<1x16xf32> to vector<16xf32>
      %swap3A_167 = vector.shape_cast %broadcast_in_dim3A_162 : vector<16xf32> to vector<1x16xf32>
      tpu.vector_store %arg7[%swap3A_163, %swap3A_164], %swap3A_167 {strides = array<i32>} : memref<128x128xf32, #tpu.memory_space<vmem>>, vector<1x16xf32>,
      %broadcast_in_dim3A_168 = arith.constant 0.000000e+00 : f32
      %broadcast_in_dim3A_169 = vector.broadcast %broadcast_in_dim3A_168 : f32 to vector<16xf32>
      %swap3A_170 = arith.index_cast %add3A_71 : i32 to index
      %swap3A_171 = arith.constant 112 : index
      %swap3A_172 = tpu.vector_load %arg6[%swap3A_170, %swap3A_171] {strides = array<i32>} : memref<128x128xf32, #tpu.memory_space<vmem>>, vector<1x16xf32>,
      %swap3A_173 = vector.shape_cast %swap3A_172 : vector<1x16xf32> to vector<16xf32>
      %swap3A_174 = vector.shape_cast %broadcast_in_dim3A_169 : vector<16xf32> to vector<1x16xf32>
      tpu.vector_store %arg6[%swap3A_170, %swap3A_171], %swap3A_174 {strides = array<i32>} : memref<128x128xf32, #tpu.memory_space<vmem>>, vector<1x16xf32>,
      %broadcast_in_dim3A_175 = arith.constant 1.000000e+00 : f32
      %broadcast_in_dim3A_176 = vector.broadcast %broadcast_in_dim3A_175 : f32 to vector<16xf32>
      %swap3A_177 = arith.index_cast %add3A_71 : i32 to index
      %swap3A_178 = arith.constant 112 : index
      %swap3A_179 = tpu.vector_load %arg7[%swap3A_177, %swap3A_178] {strides = array<i32>} : memref<128x128xf32, #tpu.memory_space<vmem>>, vector<1x16xf32>,
      %swap3A_180 = vector.shape_cast %swap3A_179 : vector<1x16xf32> to vector<16xf32>
      %swap3A_181 = vector.shape_cast %broadcast_in_dim3A_176 : vector<16xf32> to vector<1x16xf32>
      tpu.vector_store %arg7[%swap3A_177, %swap3A_178], %swap3A_181 {strides = array<i32>} : memref<128x128xf32, #tpu.memory_space<vmem>>, vector<1x16xf32>,
    }
    %scan3A_21 = arith.constant 128 : i32
    %barrier3A = arith.constant 0 : index
    tpu.barrier barrier_id(%barrier3A)
    %run_scoped3A = arith.constant 0 : i32
    "tpu.region"() ({
      %run_scoped3A_67 = tpu.sem_alloc : memref<!tpu.dma_semaphore, #tpu.memory_space<semaphore_mem>>
      %dma_start3A = arith.constant 0 : i32
      %dma_start3A_68 = arith.constant 0 : i32
      %dma_start3A_69 = tpu.memref_slice %arg5[%run_scoped3A, %dma_start3A, %dma_start3A_68] : memref<2x40x128xi32, #tpu.memory_space<vmem>> -> memref<1x40x128xi32, #tpu.memory_space<vmem>>
      %dma_start3A_70 = tpu.memref_squeeze %dma_start3A_69 : memref<1x40x128xi32, #tpu.memory_space<vmem>> -> memref<40x128xi32, #tpu.memory_space<vmem>>
      %dma_start3A_71 = arith.constant 0 : i32
      %dma_start3A_72 = arith.constant 0 : i32
      %dma_start3A_73 = tpu.memref_slice %arg2[%add3A, %dma_start3A_71, %dma_start3A_72] : memref<32x80x128xi32, #tpu.memory_space<hbm>> -> memref<1x40x128xi32, #tpu.memory_space<hbm>>
      %dma_start3A_74 = tpu.memref_squeeze %dma_start3A_73 : memref<1x40x128xi32, #tpu.memory_space<hbm>> -> memref<40x128xi32, #tpu.memory_space<hbm>>
      %dma_start3A_75 = arith.constant 0 : i32
      %dma_start3A_76 = arith.constant 0 : i32
      %dma_start3A_77 = tpu.memref_slice %arg5[%run_scoped3A, %dma_start3A_75, %dma_start3A_76] : memref<2x40x128xi32, #tpu.memory_space<vmem>> -> memref<1x40x128xi32, #tpu.memory_space<vmem>>
      %dma_start3A_78 = tpu.memref_squeeze %dma_start3A_77 : memref<1x40x128xi32, #tpu.memory_space<vmem>> -> memref<40x128xi32, #tpu.memory_space<vmem>>
      %dma_start3A_79 = arith.constant 0 : i32
      %dma_start3A_80 = arith.constant 0 : i32
      %dma_start3A_81 = tpu.memref_slice %arg2[%add3A, %dma_start3A_79, %dma_start3A_80] : memref<32x80x128xi32, #tpu.memory_space<hbm>> -> memref<1x40x128xi32, #tpu.memory_space<hbm>>
      %dma_start3A_82 = tpu.memref_squeeze %dma_start3A_81 : memref<1x40x128xi32, #tpu.memory_space<hbm>> -> memref<40x128xi32, #tpu.memory_space<hbm>>
      tpu.enqueue_dma source(%dma_start3A_82 : memref<40x128xi32, #tpu.memory_space<hbm>>) target(%dma_start3A_78 : memref<40x128xi32, #tpu.memory_space<vmem>>) target_semaphore(%run_scoped3A_67 : memref<!tpu.dma_semaphore, #tpu.memory_space<semaphore_mem>>)
      %dma_wait3A_83 = arith.constant 0 : i32
      %dma_wait3A_84 = arith.constant 0 : i32
      %dma_wait3A_85 = tpu.memref_slice %arg5[%run_scoped3A, %dma_wait3A_83, %dma_wait3A_84] : memref<2x40x128xi32, #tpu.memory_space<vmem>> -> memref<1x40x128xi32, #tpu.memory_space<vmem>>
      %dma_wait3A_86 = tpu.memref_squeeze %dma_wait3A_85 : memref<1x40x128xi32, #tpu.memory_space<vmem>> -> memref<40x128xi32, #tpu.memory_space<vmem>>
      %dma_wait3A_87 = arith.constant 0 : i32
      %dma_wait3A_88 = arith.constant 0 : i32
      %dma_wait3A_89 = tpu.memref_slice %arg2[%add3A, %dma_wait3A_87, %dma_wait3A_88] : memref<32x80x128xi32, #tpu.memory_space<hbm>> -> memref<1x40x128xi32, #tpu.memory_space<hbm>>
      %dma_wait3A_90 = tpu.memref_squeeze %dma_wait3A_89 : memref<1x40x128xi32, #tpu.memory_space<hbm>> -> memref<40x128xi32, #tpu.memory_space<hbm>>
      %dma_wait3A_91 = arith.constant 0 : i32
      %dma_wait3A_92 = arith.constant 0 : i32
      %dma_wait3A_93 = tpu.memref_slice %arg5[%run_scoped3A, %dma_wait3A_91, %dma_wait3A_92] : memref<2x40x128xi32, #tpu.memory_space<vmem>> -> memref<1x40x128xi32, #tpu.memory_space<vmem>>
      %dma_wait3A_94 = tpu.memref_squeeze %dma_wait3A_93 : memref<1x40x128xi32, #tpu.memory_space<vmem>> -> memref<40x128xi32, #tpu.memory_space<vmem>>
      %dma_wait3A_95 = arith.constant 0 : i32
      %dma_wait3A_96 = arith.constant 0 : i32
      %dma_wait3A_97 = tpu.memref_slice %arg2[%add3A, %dma_wait3A_95, %dma_wait3A_96] : memref<32x80x128xi32, #tpu.memory_space<hbm>> -> memref<1x40x128xi32, #tpu.memory_space<hbm>>
      %dma_wait3A_98 = tpu.memref_squeeze %dma_wait3A_97 : memref<1x40x128xi32, #tpu.memory_space<hbm>> -> memref<40x128xi32, #tpu.memory_space<hbm>>
      tpu.wait_dma2 semaphore(%run_scoped3A_67 : memref<!tpu.dma_semaphore, #tpu.memory_space<semaphore_mem>>) src(%dma_wait3A_98 : memref<40x128xi32, #tpu.memory_space<hbm>>) dst(%dma_wait3A_94 : memref<40x128xi32, #tpu.memory_space<vmem>>)
      tpu.yield
    }) : () -> ()
    %run_scoped3A_22 = arith.constant 1 : i32
    "tpu.region"() ({
      %run_scoped3A_67 = tpu.sem_alloc : memref<!tpu.dma_semaphore, #tpu.memory_space<semaphore_mem>>
      %dma_start3A = arith.constant 0 : i32
      %dma_start3A_68 = arith.constant 0 : i32
      %dma_start3A_69 = tpu.memref_slice %arg5[%run_scoped3A_22, %dma_start3A, %dma_start3A_68] : memref<2x40x128xi32, #tpu.memory_space<vmem>> -> memref<1x40x128xi32, #tpu.memory_space<vmem>>
      %dma_start3A_70 = tpu.memref_squeeze %dma_start3A_69 : memref<1x40x128xi32, #tpu.memory_space<vmem>> -> memref<40x128xi32, #tpu.memory_space<vmem>>
      %dma_start3A_71 = arith.constant 0 : i32
      %dma_start3A_72 = arith.constant 0 : i32
      %dma_start3A_73 = tpu.memref_slice %arg3[%add3A, %dma_start3A_71, %dma_start3A_72] : memref<32x80x128xi32, #tpu.memory_space<hbm>> -> memref<1x40x128xi32, #tpu.memory_space<hbm>>
      %dma_start3A_74 = tpu.memref_squeeze %dma_start3A_73 : memref<1x40x128xi32, #tpu.memory_space<hbm>> -> memref<40x128xi32, #tpu.memory_space<hbm>>
      %dma_start3A_75 = arith.constant 0 : i32
      %dma_start3A_76 = arith.constant 0 : i32
      %dma_start3A_77 = tpu.memref_slice %arg5[%run_scoped3A_22, %dma_start3A_75, %dma_start3A_76] : memref<2x40x128xi32, #tpu.memory_space<vmem>> -> memref<1x40x128xi32, #tpu.memory_space<vmem>>
      %dma_start3A_78 = tpu.memref_squeeze %dma_start3A_77 : memref<1x40x128xi32, #tpu.memory_space<vmem>> -> memref<40x128xi32, #tpu.memory_space<vmem>>
      %dma_start3A_79 = arith.constant 0 : i32
      %dma_start3A_80 = arith.constant 0 : i32
      %dma_start3A_81 = tpu.memref_slice %arg3[%add3A, %dma_start3A_79, %dma_start3A_80] : memref<32x80x128xi32, #tpu.memory_space<hbm>> -> memref<1x40x128xi32, #tpu.memory_space<hbm>>
      %dma_start3A_82 = tpu.memref_squeeze %dma_start3A_81 : memref<1x40x128xi32, #tpu.memory_space<hbm>> -> memref<40x128xi32, #tpu.memory_space<hbm>>
      tpu.enqueue_dma source(%dma_start3A_82 : memref<40x128xi32, #tpu.memory_space<hbm>>) target(%dma_start3A_78 : memref<40x128xi32, #tpu.memory_space<vmem>>) target_semaphore(%run_scoped3A_67 : memref<!tpu.dma_semaphore, #tpu.memory_space<semaphore_mem>>)
      %dma_wait3A_83 = arith.constant 0 : i32
      %dma_wait3A_84 = arith.constant 0 : i32
      %dma_wait3A_85 = tpu.memref_slice %arg5[%run_scoped3A_22, %dma_wait3A_83, %dma_wait3A_84] : memref<2x40x128xi32, #tpu.memory_space<vmem>> -> memref<1x40x128xi32, #tpu.memory_space<vmem>>
      %dma_wait3A_86 = tpu.memref_squeeze %dma_wait3A_85 : memref<1x40x128xi32, #tpu.memory_space<vmem>> -> memref<40x128xi32, #tpu.memory_space<vmem>>
      %dma_wait3A_87 = arith.constant 0 : i32
      %dma_wait3A_88 = arith.constant 0 : i32
      %dma_wait3A_89 = tpu.memref_slice %arg3[%add3A, %dma_wait3A_87, %dma_wait3A_88] : memref<32x80x128xi32, #tpu.memory_space<hbm>> -> memref<1x40x128xi32, #tpu.memory_space<hbm>>
      %dma_wait3A_90 = tpu.memref_squeeze %dma_wait3A_89 : memref<1x40x128xi32, #tpu.memory_space<hbm>> -> memref<40x128xi32, #tpu.memory_space<hbm>>
      %dma_wait3A_91 = arith.constant 0 : i32
      %dma_wait3A_92 = arith.constant 0 : i32
      %dma_wait3A_93 = tpu.memref_slice %arg5[%run_scoped3A_22, %dma_wait3A_91, %dma_wait3A_92] : memref<2x40x128xi32, #tpu.memory_space<vmem>> -> memref<1x40x128xi32, #tpu.memory_space<vmem>>
      %dma_wait3A_94 = tpu.memref_squeeze %dma_wait3A_93 : memref<1x40x128xi32, #tpu.memory_space<vmem>> -> memref<40x128xi32, #tpu.memory_space<vmem>>
      %dma_wait3A_95 = arith.constant 0 : i32
      %dma_wait3A_96 = arith.constant 0 : i32
      %dma_wait3A_97 = tpu.memref_slice %arg3[%add3A, %dma_wait3A_95, %dma_wait3A_96] : memref<32x80x128xi32, #tpu.memory_space<hbm>> -> memref<1x40x128xi32, #tpu.memory_space<hbm>>
      %dma_wait3A_98 = tpu.memref_squeeze %dma_wait3A_97 : memref<1x40x128xi32, #tpu.memory_space<hbm>> -> memref<40x128xi32, #tpu.memory_space<hbm>>
      tpu.wait_dma2 semaphore(%run_scoped3A_67 : memref<!tpu.dma_semaphore, #tpu.memory_space<semaphore_mem>>) src(%dma_wait3A_98 : memref<40x128xi32, #tpu.memory_space<hbm>>) dst(%dma_wait3A_94 : memref<40x128xi32, #tpu.memory_space<vmem>>)
      tpu.yield
    }) : () -> ()
    %scan3A_23 = arith.constant 0 : i32
    %scan3A_24 = arith.constant 40 : i32
    %scan3A_25 = arith.addi %scan3A_23, %scan3A_24 : i32
    %scan3A_26 = arith.constant 1 : i32
    scf.for %scan3A_67 = %scan3A_23 to %scan3A_25 step %scan3A_26  : i32 {
      %mul3A_68 = arith.constant 1 : i32
      %mul3A_69 = arith.muli %scan3A_67, %mul3A_68 : i32
      %add3A_70 = arith.constant 0 : i32
      %add3A_71 = arith.addi %add3A_70, %mul3A_69 : i32
      %gt3A = arith.constant 0 : i32
      %gt3A_72 = arith.cmpi sgt, %add3A_71, %gt3A : i32
      %convert_element_type3A = arith.extui %gt3A_72 : i1 to i32
      %cond3A = arith.constant 0 : i32
      %cond3A_73 = arith.cmpi ne, %convert_element_type3A, %cond3A : i32
      scf.if %cond3A_73 {
        %dma_wait3A_87 = arith.constant 0 : i32
        %dma_wait3A_88 = arith.constant 0 : i32
        %dma_wait3A_89 = arith.constant 0 : i32
        %dma_wait3A_90 = tpu.memref_slice %arg5[%dma_wait3A_87, %dma_wait3A_88, %dma_wait3A_89] : memref<2x40x128xi32, #tpu.memory_space<vmem>> -> memref<1x1x128xi32, #tpu.memory_space<vmem>>
        %dma_wait3A_91 = tpu.memref_squeeze %dma_wait3A_90 : memref<1x1x128xi32, #tpu.memory_space<vmem>> -> memref<128xi32, #tpu.memory_space<vmem>>
        %dma_wait3A_92 = arith.constant 0 : i32
        %dma_wait3A_93 = arith.constant 0 : i32
        %dma_wait3A_94 = tpu.memref_slice %arg8[%dma_wait3A_92, %dma_wait3A_93] : memref<10240x128xf32, #tpu.memory_space<vmem_shared>> -> memref<10240x128xf32, #tpu.memory_space<vmem_shared>>
        tpu.wait_indirect_dma semaphore(%arg9 : memref<!tpu.dma_semaphore, #tpu.memory_space<semaphore_mem>>) src(%arg6 : memref<128x128xf32, #tpu.memory_space<vmem>>) dst(%dma_wait3A_94 : memref<10240x128xf32, #tpu.memory_space<vmem_shared>>)
        %dma_wait3A_95 = arith.constant 1 : i32
        %dma_wait3A_96 = arith.constant 0 : i32
        %dma_wait3A_97 = arith.constant 0 : i32
        %dma_wait3A_98 = tpu.memref_slice %arg5[%dma_wait3A_95, %dma_wait3A_96, %dma_wait3A_97] : memref<2x40x128xi32, #tpu.memory_space<vmem>> -> memref<1x1x128xi32, #tpu.memory_space<vmem>>
        %dma_wait3A_99 = tpu.memref_squeeze %dma_wait3A_98 : memref<1x1x128xi32, #tpu.memory_space<vmem>> -> memref<128xi32, #tpu.memory_space<vmem>>
        %dma_wait3A_100 = arith.constant 0 : i32
        %dma_wait3A_101 = arith.constant 0 : i32
        %dma_wait3A_102 = tpu.memref_slice %arg8[%dma_wait3A_100, %dma_wait3A_101] : memref<10240x128xf32, #tpu.memory_space<vmem_shared>> -> memref<10240x128xf32, #tpu.memory_space<vmem_shared>>
        tpu.wait_indirect_dma semaphore(%arg9 : memref<!tpu.dma_semaphore, #tpu.memory_space<semaphore_mem>>) src(%arg7 : memref<128x128xf32, #tpu.memory_space<vmem>>) dst(%dma_wait3A_102 : memref<10240x128xf32, #tpu.memory_space<vmem_shared>>)
      } else {
      }
      %dma_start3A = arith.constant 0 : i32
      %dma_start3A_74 = arith.constant 0 : i32
      %dma_start3A_75 = tpu.memref_slice %arg5[%dma_start3A, %add3A_71, %dma_start3A_74] : memref<2x40x128xi32, #tpu.memory_space<vmem>> -> memref<1x1x128xi32, #tpu.memory_space<vmem>>
      %dma_start3A_76 = tpu.memref_squeeze %dma_start3A_75 : memref<1x1x128xi32, #tpu.memory_space<vmem>> -> memref<128xi32, #tpu.memory_space<vmem>>
      %dma_start3A_77 = arith.constant 0 : i32
      %dma_start3A_78 = arith.constant 0 : i32
      %dma_start3A_79 = tpu.memref_slice %arg8[%dma_start3A_77, %dma_start3A_78] : memref<10240x128xf32, #tpu.memory_space<vmem_shared>> -> memref<10240x128xf32, #tpu.memory_space<vmem_shared>>
      tpu.enqueue_indirect_dma source(%arg6 : memref<128x128xf32, #tpu.memory_space<vmem>>) target(%dma_start3A_79 : memref<10240x128xf32, #tpu.memory_space<vmem_shared>>) offsets(%dma_start3A_76 : memref<128xi32, #tpu.memory_space<vmem>>) semaphore(%arg9 : memref<!tpu.dma_semaphore, #tpu.memory_space<semaphore_mem>>) {add = true}
      %dma_start3A_80 = arith.constant 1 : i32
      %dma_start3A_81 = arith.constant 0 : i32
      %dma_start3A_82 = tpu.memref_slice %arg5[%dma_start3A_80, %add3A_71, %dma_start3A_81] : memref<2x40x128xi32, #tpu.memory_space<vmem>> -> memref<1x1x128xi32, #tpu.memory_space<vmem>>
      %dma_start3A_83 = tpu.memref_squeeze %dma_start3A_82 : memref<1x1x128xi32, #tpu.memory_space<vmem>> -> memref<128xi32, #tpu.memory_space<vmem>>
      %dma_start3A_84 = arith.constant 0 : i32
      %dma_start3A_85 = arith.constant 0 : i32
      %dma_start3A_86 = tpu.memref_slice %arg8[%dma_start3A_84, %dma_start3A_85] : memref<10240x128xf32, #tpu.memory_space<vmem_shared>> -> memref<10240x128xf32, #tpu.memory_space<vmem_shared>>
      tpu.enqueue_indirect_dma source(%arg7 : memref<128x128xf32, #tpu.memory_space<vmem>>) target(%dma_start3A_86 : memref<10240x128xf32, #tpu.memory_space<vmem_shared>>) offsets(%dma_start3A_83 : memref<128xi32, #tpu.memory_space<vmem>>) semaphore(%arg9 : memref<!tpu.dma_semaphore, #tpu.memory_space<semaphore_mem>>) {add = true}
    }
    %scan3A_27 = arith.constant 40 : i32
    %dma_wait3A = arith.constant 0 : i32
    %dma_wait3A_28 = arith.constant 0 : i32
    %dma_wait3A_29 = arith.constant 0 : i32
    %dma_wait3A_30 = tpu.memref_slice %arg5[%dma_wait3A, %dma_wait3A_28, %dma_wait3A_29] : memref<2x40x128xi32, #tpu.memory_space<vmem>> -> memref<1x1x128xi32, #tpu.memory_space<vmem>>
    %dma_wait3A_31 = tpu.memref_squeeze %dma_wait3A_30 : memref<1x1x128xi32, #tpu.memory_space<vmem>> -> memref<128xi32, #tpu.memory_space<vmem>>
    %dma_wait3A_32 = arith.constant 0 : i32
    %dma_wait3A_33 = arith.constant 0 : i32
    %dma_wait3A_34 = tpu.memref_slice %arg8[%dma_wait3A_32, %dma_wait3A_33] : memref<10240x128xf32, #tpu.memory_space<vmem_shared>> -> memref<10240x128xf32, #tpu.memory_space<vmem_shared>>
    tpu.wait_indirect_dma semaphore(%arg9 : memref<!tpu.dma_semaphore, #tpu.memory_space<semaphore_mem>>) src(%arg6 : memref<128x128xf32, #tpu.memory_space<vmem>>) dst(%dma_wait3A_34 : memref<10240x128xf32, #tpu.memory_space<vmem_shared>>)
    %dma_wait3A_35 = arith.constant 1 : i32
    %dma_wait3A_36 = arith.constant 0 : i32
    %dma_wait3A_37 = arith.constant 0 : i32
    %dma_wait3A_38 = tpu.memref_slice %arg5[%dma_wait3A_35, %dma_wait3A_36, %dma_wait3A_37] : memref<2x40x128xi32, #tpu.memory_space<vmem>> -> memref<1x1x128xi32, #tpu.memory_space<vmem>>
    %dma_wait3A_39 = tpu.memref_squeeze %dma_wait3A_38 : memref<1x1x128xi32, #tpu.memory_space<vmem>> -> memref<128xi32, #tpu.memory_space<vmem>>
    %dma_wait3A_40 = arith.constant 0 : i32
    %dma_wait3A_41 = arith.constant 0 : i32
    %dma_wait3A_42 = tpu.memref_slice %arg8[%dma_wait3A_40, %dma_wait3A_41] : memref<10240x128xf32, #tpu.memory_space<vmem_shared>> -> memref<10240x128xf32, #tpu.memory_space<vmem_shared>>
    tpu.wait_indirect_dma semaphore(%arg9 : memref<!tpu.dma_semaphore, #tpu.memory_space<semaphore_mem>>) src(%arg7 : memref<128x128xf32, #tpu.memory_space<vmem>>) dst(%dma_wait3A_42 : memref<10240x128xf32, #tpu.memory_space<vmem_shared>>)
    %run_scoped3A_43 = arith.constant 0 : i32
    "tpu.region"() ({
      %run_scoped3A_67 = tpu.sem_alloc : memref<!tpu.dma_semaphore, #tpu.memory_space<semaphore_mem>>
      %dma_start3A = arith.constant 0 : i32
      %dma_start3A_68 = arith.constant 0 : i32
      %dma_start3A_69 = tpu.memref_slice %arg5[%run_scoped3A_43, %dma_start3A, %dma_start3A_68] : memref<2x40x128xi32, #tpu.memory_space<vmem>> -> memref<1x40x128xi32, #tpu.memory_space<vmem>>
      %dma_start3A_70 = tpu.memref_squeeze %dma_start3A_69 : memref<1x40x128xi32, #tpu.memory_space<vmem>> -> memref<40x128xi32, #tpu.memory_space<vmem>>
      %dma_start3A_71 = arith.constant 40 : i32
      %dma_start3A_72 = arith.constant 0 : i32
      %dma_start3A_73 = tpu.memref_slice %arg2[%add3A, %dma_start3A_71, %dma_start3A_72] : memref<32x80x128xi32, #tpu.memory_space<hbm>> -> memref<1x40x128xi32, #tpu.memory_space<hbm>>
      %dma_start3A_74 = tpu.memref_squeeze %dma_start3A_73 : memref<1x40x128xi32, #tpu.memory_space<hbm>> -> memref<40x128xi32, #tpu.memory_space<hbm>>
      %dma_start3A_75 = arith.constant 0 : i32
      %dma_start3A_76 = arith.constant 0 : i32
      %dma_start3A_77 = tpu.memref_slice %arg5[%run_scoped3A_43, %dma_start3A_75, %dma_start3A_76] : memref<2x40x128xi32, #tpu.memory_space<vmem>> -> memref<1x40x128xi32, #tpu.memory_space<vmem>>
      %dma_start3A_78 = tpu.memref_squeeze %dma_start3A_77 : memref<1x40x128xi32, #tpu.memory_space<vmem>> -> memref<40x128xi32, #tpu.memory_space<vmem>>
      %dma_start3A_79 = arith.constant 40 : i32
      %dma_start3A_80 = arith.constant 0 : i32
      %dma_start3A_81 = tpu.memref_slice %arg2[%add3A, %dma_start3A_79, %dma_start3A_80] : memref<32x80x128xi32, #tpu.memory_space<hbm>> -> memref<1x40x128xi32, #tpu.memory_space<hbm>>
      %dma_start3A_82 = tpu.memref_squeeze %dma_start3A_81 : memref<1x40x128xi32, #tpu.memory_space<hbm>> -> memref<40x128xi32, #tpu.memory_space<hbm>>
      tpu.enqueue_dma source(%dma_start3A_82 : memref<40x128xi32, #tpu.memory_space<hbm>>) target(%dma_start3A_78 : memref<40x128xi32, #tpu.memory_space<vmem>>) target_semaphore(%run_scoped3A_67 : memref<!tpu.dma_semaphore, #tpu.memory_space<semaphore_mem>>)
      %dma_wait3A_83 = arith.constant 0 : i32
      %dma_wait3A_84 = arith.constant 0 : i32
      %dma_wait3A_85 = tpu.memref_slice %arg5[%run_scoped3A_43, %dma_wait3A_83, %dma_wait3A_84] : memref<2x40x128xi32, #tpu.memory_space<vmem>> -> memref<1x40x128xi32, #tpu.memory_space<vmem>>
      %dma_wait3A_86 = tpu.memref_squeeze %dma_wait3A_85 : memref<1x40x128xi32, #tpu.memory_space<vmem>> -> memref<40x128xi32, #tpu.memory_space<vmem>>
      %dma_wait3A_87 = arith.constant 40 : i32
      %dma_wait3A_88 = arith.constant 0 : i32
      %dma_wait3A_89 = tpu.memref_slice %arg2[%add3A, %dma_wait3A_87, %dma_wait3A_88] : memref<32x80x128xi32, #tpu.memory_space<hbm>> -> memref<1x40x128xi32, #tpu.memory_space<hbm>>
      %dma_wait3A_90 = tpu.memref_squeeze %dma_wait3A_89 : memref<1x40x128xi32, #tpu.memory_space<hbm>> -> memref<40x128xi32, #tpu.memory_space<hbm>>
      %dma_wait3A_91 = arith.constant 0 : i32
      %dma_wait3A_92 = arith.constant 0 : i32
      %dma_wait3A_93 = tpu.memref_slice %arg5[%run_scoped3A_43, %dma_wait3A_91, %dma_wait3A_92] : memref<2x40x128xi32, #tpu.memory_space<vmem>> -> memref<1x40x128xi32, #tpu.memory_space<vmem>>
      %dma_wait3A_94 = tpu.memref_squeeze %dma_wait3A_93 : memref<1x40x128xi32, #tpu.memory_space<vmem>> -> memref<40x128xi32, #tpu.memory_space<vmem>>
      %dma_wait3A_95 = arith.constant 40 : i32
      %dma_wait3A_96 = arith.constant 0 : i32
      %dma_wait3A_97 = tpu.memref_slice %arg2[%add3A, %dma_wait3A_95, %dma_wait3A_96] : memref<32x80x128xi32, #tpu.memory_space<hbm>> -> memref<1x40x128xi32, #tpu.memory_space<hbm>>
      %dma_wait3A_98 = tpu.memref_squeeze %dma_wait3A_97 : memref<1x40x128xi32, #tpu.memory_space<hbm>> -> memref<40x128xi32, #tpu.memory_space<hbm>>
      tpu.wait_dma2 semaphore(%run_scoped3A_67 : memref<!tpu.dma_semaphore, #tpu.memory_space<semaphore_mem>>) src(%dma_wait3A_98 : memref<40x128xi32, #tpu.memory_space<hbm>>) dst(%dma_wait3A_94 : memref<40x128xi32, #tpu.memory_space<vmem>>)
      tpu.yield
    }) : () -> ()
    %run_scoped3A_44 = arith.constant 1 : i32
    "tpu.region"() ({
      %run_scoped3A_67 = tpu.sem_alloc : memref<!tpu.dma_semaphore, #tpu.memory_space<semaphore_mem>>
      %dma_start3A = arith.constant 0 : i32
      %dma_start3A_68 = arith.constant 0 : i32
      %dma_start3A_69 = tpu.memref_slice %arg5[%run_scoped3A_44, %dma_start3A, %dma_start3A_68] : memref<2x40x128xi32, #tpu.memory_space<vmem>> -> memref<1x40x128xi32, #tpu.memory_space<vmem>>
      %dma_start3A_70 = tpu.memref_squeeze %dma_start3A_69 : memref<1x40x128xi32, #tpu.memory_space<vmem>> -> memref<40x128xi32, #tpu.memory_space<vmem>>
      %dma_start3A_71 = arith.constant 40 : i32
      %dma_start3A_72 = arith.constant 0 : i32
      %dma_start3A_73 = tpu.memref_slice %arg3[%add3A, %dma_start3A_71, %dma_start3A_72] : memref<32x80x128xi32, #tpu.memory_space<hbm>> -> memref<1x40x128xi32, #tpu.memory_space<hbm>>
      %dma_start3A_74 = tpu.memref_squeeze %dma_start3A_73 : memref<1x40x128xi32, #tpu.memory_space<hbm>> -> memref<40x128xi32, #tpu.memory_space<hbm>>
      %dma_start3A_75 = arith.constant 0 : i32
      %dma_start3A_76 = arith.constant 0 : i32
      %dma_start3A_77 = tpu.memref_slice %arg5[%run_scoped3A_44, %dma_start3A_75, %dma_start3A_76] : memref<2x40x128xi32, #tpu.memory_space<vmem>> -> memref<1x40x128xi32, #tpu.memory_space<vmem>>
      %dma_start3A_78 = tpu.memref_squeeze %dma_start3A_77 : memref<1x40x128xi32, #tpu.memory_space<vmem>> -> memref<40x128xi32, #tpu.memory_space<vmem>>
      %dma_start3A_79 = arith.constant 40 : i32
      %dma_start3A_80 = arith.constant 0 : i32
      %dma_start3A_81 = tpu.memref_slice %arg3[%add3A, %dma_start3A_79, %dma_start3A_80] : memref<32x80x128xi32, #tpu.memory_space<hbm>> -> memref<1x40x128xi32, #tpu.memory_space<hbm>>
      %dma_start3A_82 = tpu.memref_squeeze %dma_start3A_81 : memref<1x40x128xi32, #tpu.memory_space<hbm>> -> memref<40x128xi32, #tpu.memory_space<hbm>>
      tpu.enqueue_dma source(%dma_start3A_82 : memref<40x128xi32, #tpu.memory_space<hbm>>) target(%dma_start3A_78 : memref<40x128xi32, #tpu.memory_space<vmem>>) target_semaphore(%run_scoped3A_67 : memref<!tpu.dma_semaphore, #tpu.memory_space<semaphore_mem>>)
      %dma_wait3A_83 = arith.constant 0 : i32
      %dma_wait3A_84 = arith.constant 0 : i32
      %dma_wait3A_85 = tpu.memref_slice %arg5[%run_scoped3A_44, %dma_wait3A_83, %dma_wait3A_84] : memref<2x40x128xi32, #tpu.memory_space<vmem>> -> memref<1x40x128xi32, #tpu.memory_space<vmem>>
      %dma_wait3A_86 = tpu.memref_squeeze %dma_wait3A_85 : memref<1x40x128xi32, #tpu.memory_space<vmem>> -> memref<40x128xi32, #tpu.memory_space<vmem>>
      %dma_wait3A_87 = arith.constant 40 : i32
      %dma_wait3A_88 = arith.constant 0 : i32
      %dma_wait3A_89 = tpu.memref_slice %arg3[%add3A, %dma_wait3A_87, %dma_wait3A_88] : memref<32x80x128xi32, #tpu.memory_space<hbm>> -> memref<1x40x128xi32, #tpu.memory_space<hbm>>
      %dma_wait3A_90 = tpu.memref_squeeze %dma_wait3A_89 : memref<1x40x128xi32, #tpu.memory_space<hbm>> -> memref<40x128xi32, #tpu.memory_space<hbm>>
      %dma_wait3A_91 = arith.constant 0 : i32
      %dma_wait3A_92 = arith.constant 0 : i32
      %dma_wait3A_93 = tpu.memref_slice %arg5[%run_scoped3A_44, %dma_wait3A_91, %dma_wait3A_92] : memref<2x40x128xi32, #tpu.memory_space<vmem>> -> memref<1x40x128xi32, #tpu.memory_space<vmem>>
      %dma_wait3A_94 = tpu.memref_squeeze %dma_wait3A_93 : memref<1x40x128xi32, #tpu.memory_space<vmem>> -> memref<40x128xi32, #tpu.memory_space<vmem>>
      %dma_wait3A_95 = arith.constant 40 : i32
      %dma_wait3A_96 = arith.constant 0 : i32
      %dma_wait3A_97 = tpu.memref_slice %arg3[%add3A, %dma_wait3A_95, %dma_wait3A_96] : memref<32x80x128xi32, #tpu.memory_space<hbm>> -> memref<1x40x128xi32, #tpu.memory_space<hbm>>
      %dma_wait3A_98 = tpu.memref_squeeze %dma_wait3A_97 : memref<1x40x128xi32, #tpu.memory_space<hbm>> -> memref<40x128xi32, #tpu.memory_space<hbm>>
      tpu.wait_dma2 semaphore(%run_scoped3A_67 : memref<!tpu.dma_semaphore, #tpu.memory_space<semaphore_mem>>) src(%dma_wait3A_98 : memref<40x128xi32, #tpu.memory_space<hbm>>) dst(%dma_wait3A_94 : memref<40x128xi32, #tpu.memory_space<vmem>>)
      tpu.yield
    }) : () -> ()
    %scan3A_45 = arith.constant 0 : i32
    %scan3A_46 = arith.constant 40 : i32
    %scan3A_47 = arith.addi %scan3A_45, %scan3A_46 : i32
    %scan3A_48 = arith.constant 1 : i32
    scf.for %scan3A_67 = %scan3A_45 to %scan3A_47 step %scan3A_48  : i32 {
      %mul3A_68 = arith.constant 1 : i32
      %mul3A_69 = arith.muli %scan3A_67, %mul3A_68 : i32
      %add3A_70 = arith.constant 0 : i32
      %add3A_71 = arith.addi %add3A_70, %mul3A_69 : i32
      %gt3A = arith.constant 0 : i32
      %gt3A_72 = arith.cmpi sgt, %add3A_71, %gt3A : i32
      %convert_element_type3A = arith.extui %gt3A_72 : i1 to i32
      %cond3A = arith.constant 0 : i32
      %cond3A_73 = arith.cmpi ne, %convert_element_type3A, %cond3A : i32
      scf.if %cond3A_73 {
        %dma_wait3A_87 = arith.constant 0 : i32
        %dma_wait3A_88 = arith.constant 0 : i32
        %dma_wait3A_89 = arith.constant 0 : i32
        %dma_wait3A_90 = tpu.memref_slice %arg5[%dma_wait3A_87, %dma_wait3A_88, %dma_wait3A_89] : memref<2x40x128xi32, #tpu.memory_space<vmem>> -> memref<1x1x128xi32, #tpu.memory_space<vmem>>
        %dma_wait3A_91 = tpu.memref_squeeze %dma_wait3A_90 : memref<1x1x128xi32, #tpu.memory_space<vmem>> -> memref<128xi32, #tpu.memory_space<vmem>>
        %dma_wait3A_92 = arith.constant 0 : i32
        %dma_wait3A_93 = arith.constant 0 : i32
        %dma_wait3A_94 = tpu.memref_slice %arg8[%dma_wait3A_92, %dma_wait3A_93] : memref<10240x128xf32, #tpu.memory_space<vmem_shared>> -> memref<10240x128xf32, #tpu.memory_space<vmem_shared>>
        tpu.wait_indirect_dma semaphore(%arg9 : memref<!tpu.dma_semaphore, #tpu.memory_space<semaphore_mem>>) src(%arg6 : memref<128x128xf32, #tpu.memory_space<vmem>>) dst(%dma_wait3A_94 : memref<10240x128xf32, #tpu.memory_space<vmem_shared>>)
        %dma_wait3A_95 = arith.constant 1 : i32
        %dma_wait3A_96 = arith.constant 0 : i32
        %dma_wait3A_97 = arith.constant 0 : i32
        %dma_wait3A_98 = tpu.memref_slice %arg5[%dma_wait3A_95, %dma_wait3A_96, %dma_wait3A_97] : memref<2x40x128xi32, #tpu.memory_space<vmem>> -> memref<1x1x128xi32, #tpu.memory_space<vmem>>
        %dma_wait3A_99 = tpu.memref_squeeze %dma_wait3A_98 : memref<1x1x128xi32, #tpu.memory_space<vmem>> -> memref<128xi32, #tpu.memory_space<vmem>>
        %dma_wait3A_100 = arith.constant 0 : i32
        %dma_wait3A_101 = arith.constant 0 : i32
        %dma_wait3A_102 = tpu.memref_slice %arg8[%dma_wait3A_100, %dma_wait3A_101] : memref<10240x128xf32, #tpu.memory_space<vmem_shared>> -> memref<10240x128xf32, #tpu.memory_space<vmem_shared>>
        tpu.wait_indirect_dma semaphore(%arg9 : memref<!tpu.dma_semaphore, #tpu.memory_space<semaphore_mem>>) src(%arg7 : memref<128x128xf32, #tpu.memory_space<vmem>>) dst(%dma_wait3A_102 : memref<10240x128xf32, #tpu.memory_space<vmem_shared>>)
      } else {
      }
      %dma_start3A = arith.constant 0 : i32
      %dma_start3A_74 = arith.constant 0 : i32
      %dma_start3A_75 = tpu.memref_slice %arg5[%dma_start3A, %add3A_71, %dma_start3A_74] : memref<2x40x128xi32, #tpu.memory_space<vmem>> -> memref<1x1x128xi32, #tpu.memory_space<vmem>>
      %dma_start3A_76 = tpu.memref_squeeze %dma_start3A_75 : memref<1x1x128xi32, #tpu.memory_space<vmem>> -> memref<128xi32, #tpu.memory_space<vmem>>
      %dma_start3A_77 = arith.constant 0 : i32
      %dma_start3A_78 = arith.constant 0 : i32
      %dma_start3A_79 = tpu.memref_slice %arg8[%dma_start3A_77, %dma_start3A_78] : memref<10240x128xf32, #tpu.memory_space<vmem_shared>> -> memref<10240x128xf32, #tpu.memory_space<vmem_shared>>
      tpu.enqueue_indirect_dma source(%arg6 : memref<128x128xf32, #tpu.memory_space<vmem>>) target(%dma_start3A_79 : memref<10240x128xf32, #tpu.memory_space<vmem_shared>>) offsets(%dma_start3A_76 : memref<128xi32, #tpu.memory_space<vmem>>) semaphore(%arg9 : memref<!tpu.dma_semaphore, #tpu.memory_space<semaphore_mem>>) {add = true}
      %dma_start3A_80 = arith.constant 1 : i32
      %dma_start3A_81 = arith.constant 0 : i32
      %dma_start3A_82 = tpu.memref_slice %arg5[%dma_start3A_80, %add3A_71, %dma_start3A_81] : memref<2x40x128xi32, #tpu.memory_space<vmem>> -> memref<1x1x128xi32, #tpu.memory_space<vmem>>
      %dma_start3A_83 = tpu.memref_squeeze %dma_start3A_82 : memref<1x1x128xi32, #tpu.memory_space<vmem>> -> memref<128xi32, #tpu.memory_space<vmem>>
      %dma_start3A_84 = arith.constant 0 : i32
      %dma_start3A_85 = arith.constant 0 : i32
      %dma_start3A_86 = tpu.memref_slice %arg8[%dma_start3A_84, %dma_start3A_85] : memref<10240x128xf32, #tpu.memory_space<vmem_shared>> -> memref<10240x128xf32, #tpu.memory_space<vmem_shared>>
      tpu.enqueue_indirect_dma source(%arg7 : memref<128x128xf32, #tpu.memory_space<vmem>>) target(%dma_start3A_86 : memref<10240x128xf32, #tpu.memory_space<vmem_shared>>) offsets(%dma_start3A_83 : memref<128xi32, #tpu.memory_space<vmem>>) semaphore(%arg9 : memref<!tpu.dma_semaphore, #tpu.memory_space<semaphore_mem>>) {add = true}
    }
    %scan3A_49 = arith.constant 40 : i32
    %dma_wait3A_50 = arith.constant 0 : i32
    %dma_wait3A_51 = arith.constant 0 : i32
    %dma_wait3A_52 = arith.constant 0 : i32
    %dma_wait3A_53 = tpu.memref_slice %arg5[%dma_wait3A_50, %dma_wait3A_51, %dma_wait3A_52] : memref<2x40x128xi32, #tpu.memory_space<vmem>> -> memref<1x1x128xi32, #tpu.memory_space<vmem>>
    %dma_wait3A_54 = tpu.memref_squeeze %dma_wait3A_53 : memref<1x1x128xi32, #tpu.memory_space<vmem>> -> memref<128xi32, #tpu.memory_space<vmem>>
    %dma_wait3A_55 = arith.constant 0 : i32
    %dma_wait3A_56 = arith.constant 0 : i32
    %dma_wait3A_57 = tpu.memref_slice %arg8[%dma_wait3A_55, %dma_wait3A_56] : memref<10240x128xf32, #tpu.memory_space<vmem_shared>> -> memref<10240x128xf32, #tpu.memory_space<vmem_shared>>
    tpu.wait_indirect_dma semaphore(%arg9 : memref<!tpu.dma_semaphore, #tpu.memory_space<semaphore_mem>>) src(%arg6 : memref<128x128xf32, #tpu.memory_space<vmem>>) dst(%dma_wait3A_57 : memref<10240x128xf32, #tpu.memory_space<vmem_shared>>)
    %dma_wait3A_58 = arith.constant 1 : i32
    %dma_wait3A_59 = arith.constant 0 : i32
    %dma_wait3A_60 = arith.constant 0 : i32
    %dma_wait3A_61 = tpu.memref_slice %arg5[%dma_wait3A_58, %dma_wait3A_59, %dma_wait3A_60] : memref<2x40x128xi32, #tpu.memory_space<vmem>> -> memref<1x1x128xi32, #tpu.memory_space<vmem>>
    %dma_wait3A_62 = tpu.memref_squeeze %dma_wait3A_61 : memref<1x1x128xi32, #tpu.memory_space<vmem>> -> memref<128xi32, #tpu.memory_space<vmem>>
    %dma_wait3A_63 = arith.constant 0 : i32
    %dma_wait3A_64 = arith.constant 0 : i32
    %dma_wait3A_65 = tpu.memref_slice %arg8[%dma_wait3A_63, %dma_wait3A_64] : memref<10240x128xf32, #tpu.memory_space<vmem_shared>> -> memref<10240x128xf32, #tpu.memory_space<vmem_shared>>
    tpu.wait_indirect_dma semaphore(%arg9 : memref<!tpu.dma_semaphore, #tpu.memory_space<semaphore_mem>>) src(%arg7 : memref<128x128xf32, #tpu.memory_space<vmem>>) dst(%dma_wait3A_65 : memref<10240x128xf32, #tpu.memory_space<vmem_shared>>)
    %barrier3A_66 = arith.constant 0 : index
    tpu.barrier barrier_id(%barrier3A_66)
    "tpu.region"() ({
      %run_scoped3A_67 = tpu.sem_alloc : memref<!tpu.dma_semaphore, #tpu.memory_space<semaphore_mem>>
      %dma_start3A = arith.constant 0 : i32
      %dma_start3A_68 = tpu.memref_slice %arg4[%arg0, %mul3A_6, %dma_start3A] : memref<2x10240x128xf32, #tpu.memory_space<hbm>> -> memref<1x640x128xf32, #tpu.memory_space<hbm>>
      %dma_start3A_69 = tpu.memref_squeeze %dma_start3A_68 : memref<1x640x128xf32, #tpu.memory_space<hbm>> -> memref<640x128xf32, #tpu.memory_space<hbm>>
      %dma_start3A_70 = arith.constant 0 : i32
      %dma_start3A_71 = tpu.memref_slice %arg8[%mul3A_6, %dma_start3A_70] : memref<10240x128xf32, #tpu.memory_space<vmem_shared>> -> memref<640x128xf32, #tpu.memory_space<vmem_shared>>
      tpu.enqueue_dma source(%dma_start3A_71 : memref<640x128xf32, #tpu.memory_space<vmem_shared>>) target(%dma_start3A_69 : memref<640x128xf32, #tpu.memory_space<hbm>>) target_semaphore(%run_scoped3A_67 : memref<!tpu.dma_semaphore, #tpu.memory_space<semaphore_mem>>)
      %dma_wait3A_72 = arith.constant 0 : i32
      %dma_wait3A_73 = tpu.memref_slice %arg4[%arg0, %mul3A_6, %dma_wait3A_72] : memref<2x10240x128xf32, #tpu.memory_space<hbm>> -> memref<1x640x128xf32, #tpu.memory_space<hbm>>
      %dma_wait3A_74 = tpu.memref_squeeze %dma_wait3A_73 : memref<1x640x128xf32, #tpu.memory_space<hbm>> -> memref<640x128xf32, #tpu.memory_space<hbm>>
      %dma_wait3A_75 = arith.constant 0 : i32
      %dma_wait3A_76 = tpu.memref_slice %arg8[%mul3A_6, %dma_wait3A_75] : memref<10240x128xf32, #tpu.memory_space<vmem_shared>> -> memref<640x128xf32, #tpu.memory_space<vmem_shared>>
      tpu.wait_dma2 semaphore(%run_scoped3A_67 : memref<!tpu.dma_semaphore, #tpu.memory_space<semaphore_mem>>) src(%dma_wait3A_76 : memref<640x128xf32, #tpu.memory_space<vmem_shared>>) dst(%dma_wait3A_74 : memref<640x128xf32, #tpu.memory_space<hbm>>)
      tpu.yield
    }) : () -> ()
    return
  }
}

#map = affine_map<(d0, d1) -> (0, 0)>
#map1 = affine_map<(d0, d1) -> (0, 0, 0)>
module attributes {stable_mosaic.version = 14 : i64} {
  func.func @agg(%arg0: i32, %arg1: i32, %arg2: memref<10240x128xf32, #tpu.memory_space<hbm>>, %arg3: memref<32x160x64xi32, #tpu.memory_space<hbm>>, %arg4: memref<32x160x64xi32, #tpu.memory_space<hbm>>, %arg5: memref<2x10240x128xf32, #tpu.memory_space<hbm>>, %arg6: memref<2x40x64xi32, #tpu.memory_space<vmem>>, %arg7: memref<4x64x128xf32, #tpu.memory_space<vmem>>, %arg8: memref<10240x128xf32, #tpu.memory_space<vmem_shared>>, %arg9: memref<!tpu.dma_semaphore, #tpu.memory_space<semaphore_mem>>, %arg10: memref<!tpu.dma_semaphore, #tpu.memory_space<semaphore_mem>>, %arg11: memref<!tpu.dma_semaphore, #tpu.memory_space<semaphore_mem>>, %arg12: memref<!tpu.dma_semaphore, #tpu.memory_space<semaphore_mem>>, %arg13: memref<!tpu.dma_semaphore, #tpu.memory_space<semaphore_mem>>, %arg14: memref<!tpu.dma_semaphore, #tpu.memory_space<semaphore_mem>>, %arg15: memref<!tpu.dma_semaphore, #tpu.memory_space<semaphore_mem>>, %arg16: memref<!tpu.dma_semaphore, #tpu.memory_space<semaphore_mem>>) attributes {dimension_semantics = [#tpu.dimension_semantics<core_parallel>, #tpu.dimension_semantics<subcore_parallel>], iteration_bounds = array<i64: 2, 16>, scalar_prefetch = 0 : i64, scratch_operands = 11 : i64, tpu.core_type = #tpu.core_type<sc_vector_subcore>, window_params = [{transform_indices = #map}, {transform_indices = #map1}, {transform_indices = #map1}, {transform_indices = #map1}]} {
    %mul3A = arith.constant 2 : i32
    %mul3A_0 = arith.muli %arg1, %mul3A : i32
    %add3A = arith.addi %mul3A_0, %arg0 : i32
    %scan3A = arith.constant 0 : i32
    %scan3A_1 = arith.constant 64 : i32
    %scan3A_2 = arith.addi %scan3A, %scan3A_1 : i32
    %scan3A_3 = arith.constant 1 : i32
    scf.for %scan3A_479 = %scan3A to %scan3A_2 step %scan3A_3  : i32 {
      %mul3A_480 = arith.constant 1 : i32
      %mul3A_481 = arith.muli %scan3A_479, %mul3A_480 : i32
      %add3A_482 = arith.constant 0 : i32
      %add3A_483 = arith.addi %add3A_482, %mul3A_481 : i32
      %broadcast_in_dim3A = arith.constant 0.000000e+00 : f32
      %broadcast_in_dim3A_484 = vector.broadcast %broadcast_in_dim3A : f32 to vector<16xf32>
      %swap3A = arith.constant 0 : i32
      %swap3A_485 = arith.index_cast %swap3A : i32 to index
      %swap3A_486 = arith.index_cast %add3A_483 : i32 to index
      %swap3A_487 = arith.constant 0 : index
      %swap3A_488 = tpu.vector_load %arg7[%swap3A_485, %swap3A_486, %swap3A_487] {strides = array<i32>} : memref<4x64x128xf32, #tpu.memory_space<vmem>>, vector<1x1x16xf32>,
      %swap3A_489 = vector.shape_cast %swap3A_488 : vector<1x1x16xf32> to vector<16xf32>
      %swap3A_490 = vector.shape_cast %broadcast_in_dim3A_484 : vector<16xf32> to vector<1x1x16xf32>
      tpu.vector_store %arg7[%swap3A_485, %swap3A_486, %swap3A_487], %swap3A_490 {strides = array<i32>} : memref<4x64x128xf32, #tpu.memory_space<vmem>>, vector<1x1x16xf32>,
      %broadcast_in_dim3A_491 = arith.constant 0.000000e+00 : f32
      %broadcast_in_dim3A_492 = vector.broadcast %broadcast_in_dim3A_491 : f32 to vector<16xf32>
      %swap3A_493 = arith.constant 0 : i32
      %swap3A_494 = arith.index_cast %swap3A_493 : i32 to index
      %swap3A_495 = arith.index_cast %add3A_483 : i32 to index
      %swap3A_496 = arith.constant 16 : index
      %swap3A_497 = tpu.vector_load %arg7[%swap3A_494, %swap3A_495, %swap3A_496] {strides = array<i32>} : memref<4x64x128xf32, #tpu.memory_space<vmem>>, vector<1x1x16xf32>,
      %swap3A_498 = vector.shape_cast %swap3A_497 : vector<1x1x16xf32> to vector<16xf32>
      %swap3A_499 = vector.shape_cast %broadcast_in_dim3A_492 : vector<16xf32> to vector<1x1x16xf32>
      tpu.vector_store %arg7[%swap3A_494, %swap3A_495, %swap3A_496], %swap3A_499 {strides = array<i32>} : memref<4x64x128xf32, #tpu.memory_space<vmem>>, vector<1x1x16xf32>,
      %broadcast_in_dim3A_500 = arith.constant 0.000000e+00 : f32
      %broadcast_in_dim3A_501 = vector.broadcast %broadcast_in_dim3A_500 : f32 to vector<16xf32>
      %swap3A_502 = arith.constant 0 : i32
      %swap3A_503 = arith.index_cast %swap3A_502 : i32 to index
      %swap3A_504 = arith.index_cast %add3A_483 : i32 to index
      %swap3A_505 = arith.constant 32 : index
      %swap3A_506 = tpu.vector_load %arg7[%swap3A_503, %swap3A_504, %swap3A_505] {strides = array<i32>} : memref<4x64x128xf32, #tpu.memory_space<vmem>>, vector<1x1x16xf32>,
      %swap3A_507 = vector.shape_cast %swap3A_506 : vector<1x1x16xf32> to vector<16xf32>
      %swap3A_508 = vector.shape_cast %broadcast_in_dim3A_501 : vector<16xf32> to vector<1x1x16xf32>
      tpu.vector_store %arg7[%swap3A_503, %swap3A_504, %swap3A_505], %swap3A_508 {strides = array<i32>} : memref<4x64x128xf32, #tpu.memory_space<vmem>>, vector<1x1x16xf32>,
      %broadcast_in_dim3A_509 = arith.constant 0.000000e+00 : f32
      %broadcast_in_dim3A_510 = vector.broadcast %broadcast_in_dim3A_509 : f32 to vector<16xf32>
      %swap3A_511 = arith.constant 0 : i32
      %swap3A_512 = arith.index_cast %swap3A_511 : i32 to index
      %swap3A_513 = arith.index_cast %add3A_483 : i32 to index
      %swap3A_514 = arith.constant 48 : index
      %swap3A_515 = tpu.vector_load %arg7[%swap3A_512, %swap3A_513, %swap3A_514] {strides = array<i32>} : memref<4x64x128xf32, #tpu.memory_space<vmem>>, vector<1x1x16xf32>,
      %swap3A_516 = vector.shape_cast %swap3A_515 : vector<1x1x16xf32> to vector<16xf32>
      %swap3A_517 = vector.shape_cast %broadcast_in_dim3A_510 : vector<16xf32> to vector<1x1x16xf32>
      tpu.vector_store %arg7[%swap3A_512, %swap3A_513, %swap3A_514], %swap3A_517 {strides = array<i32>} : memref<4x64x128xf32, #tpu.memory_space<vmem>>, vector<1x1x16xf32>,
      %broadcast_in_dim3A_518 = arith.constant 0.000000e+00 : f32
      %broadcast_in_dim3A_519 = vector.broadcast %broadcast_in_dim3A_518 : f32 to vector<16xf32>
      %swap3A_520 = arith.constant 0 : i32
      %swap3A_521 = arith.index_cast %swap3A_520 : i32 to index
      %swap3A_522 = arith.index_cast %add3A_483 : i32 to index
      %swap3A_523 = arith.constant 64 : index
      %swap3A_524 = tpu.vector_load %arg7[%swap3A_521, %swap3A_522, %swap3A_523] {strides = array<i32>} : memref<4x64x128xf32, #tpu.memory_space<vmem>>, vector<1x1x16xf32>,
      %swap3A_525 = vector.shape_cast %swap3A_524 : vector<1x1x16xf32> to vector<16xf32>
      %swap3A_526 = vector.shape_cast %broadcast_in_dim3A_519 : vector<16xf32> to vector<1x1x16xf32>
      tpu.vector_store %arg7[%swap3A_521, %swap3A_522, %swap3A_523], %swap3A_526 {strides = array<i32>} : memref<4x64x128xf32, #tpu.memory_space<vmem>>, vector<1x1x16xf32>,
      %broadcast_in_dim3A_527 = arith.constant 0.000000e+00 : f32
      %broadcast_in_dim3A_528 = vector.broadcast %broadcast_in_dim3A_527 : f32 to vector<16xf32>
      %swap3A_529 = arith.constant 0 : i32
      %swap3A_530 = arith.index_cast %swap3A_529 : i32 to index
      %swap3A_531 = arith.index_cast %add3A_483 : i32 to index
      %swap3A_532 = arith.constant 80 : index
      %swap3A_533 = tpu.vector_load %arg7[%swap3A_530, %swap3A_531, %swap3A_532] {strides = array<i32>} : memref<4x64x128xf32, #tpu.memory_space<vmem>>, vector<1x1x16xf32>,
      %swap3A_534 = vector.shape_cast %swap3A_533 : vector<1x1x16xf32> to vector<16xf32>
      %swap3A_535 = vector.shape_cast %broadcast_in_dim3A_528 : vector<16xf32> to vector<1x1x16xf32>
      tpu.vector_store %arg7[%swap3A_530, %swap3A_531, %swap3A_532], %swap3A_535 {strides = array<i32>} : memref<4x64x128xf32, #tpu.memory_space<vmem>>, vector<1x1x16xf32>,
      %broadcast_in_dim3A_536 = arith.constant 0.000000e+00 : f32
      %broadcast_in_dim3A_537 = vector.broadcast %broadcast_in_dim3A_536 : f32 to vector<16xf32>
      %swap3A_538 = arith.constant 0 : i32
      %swap3A_539 = arith.index_cast %swap3A_538 : i32 to index
      %swap3A_540 = arith.index_cast %add3A_483 : i32 to index
      %swap3A_541 = arith.constant 96 : index
      %swap3A_542 = tpu.vector_load %arg7[%swap3A_539, %swap3A_540, %swap3A_541] {strides = array<i32>} : memref<4x64x128xf32, #tpu.memory_space<vmem>>, vector<1x1x16xf32>,
      %swap3A_543 = vector.shape_cast %swap3A_542 : vector<1x1x16xf32> to vector<16xf32>
      %swap3A_544 = vector.shape_cast %broadcast_in_dim3A_537 : vector<16xf32> to vector<1x1x16xf32>
      tpu.vector_store %arg7[%swap3A_539, %swap3A_540, %swap3A_541], %swap3A_544 {strides = array<i32>} : memref<4x64x128xf32, #tpu.memory_space<vmem>>, vector<1x1x16xf32>,
      %broadcast_in_dim3A_545 = arith.constant 0.000000e+00 : f32
      %broadcast_in_dim3A_546 = vector.broadcast %broadcast_in_dim3A_545 : f32 to vector<16xf32>
      %swap3A_547 = arith.constant 0 : i32
      %swap3A_548 = arith.index_cast %swap3A_547 : i32 to index
      %swap3A_549 = arith.index_cast %add3A_483 : i32 to index
      %swap3A_550 = arith.constant 112 : index
      %swap3A_551 = tpu.vector_load %arg7[%swap3A_548, %swap3A_549, %swap3A_550] {strides = array<i32>} : memref<4x64x128xf32, #tpu.memory_space<vmem>>, vector<1x1x16xf32>,
      %swap3A_552 = vector.shape_cast %swap3A_551 : vector<1x1x16xf32> to vector<16xf32>
      %swap3A_553 = vector.shape_cast %broadcast_in_dim3A_546 : vector<16xf32> to vector<1x1x16xf32>
      tpu.vector_store %arg7[%swap3A_548, %swap3A_549, %swap3A_550], %swap3A_553 {strides = array<i32>} : memref<4x64x128xf32, #tpu.memory_space<vmem>>, vector<1x1x16xf32>,
    }
    %scan3A_4 = arith.constant 64 : i32
    %mul3A_5 = arith.constant 640 : i32
    %mul3A_6 = arith.muli %arg1, %mul3A_5 : i32
    %add3A_7 = arith.constant 0 : i32
    %add3A_8 = arith.addi %mul3A_6, %add3A_7 : i32
    %run_scoped3A = arith.constant 0 : i32
    "tpu.region"() ({
      %run_scoped3A_479 = tpu.sem_alloc : memref<!tpu.dma_semaphore, #tpu.memory_space<semaphore_mem>>
      %dma_start3A_480 = arith.constant 0 : i32
      %dma_start3A_481 = arith.constant 0 : i32
      %dma_start3A_482 = tpu.memref_slice %arg7[%run_scoped3A, %dma_start3A_480, %dma_start3A_481] : memref<4x64x128xf32, #tpu.memory_space<vmem>> -> memref<1x64x128xf32, #tpu.memory_space<vmem>>
      %dma_start3A_483 = tpu.memref_squeeze %dma_start3A_482 : memref<1x64x128xf32, #tpu.memory_space<vmem>> -> memref<64x128xf32, #tpu.memory_space<vmem>>
      %dma_start3A_484 = arith.constant 0 : i32
      %dma_start3A_485 = tpu.memref_slice %arg8[%add3A_8, %dma_start3A_484] : memref<10240x128xf32, #tpu.memory_space<vmem_shared>> -> memref<64x128xf32, #tpu.memory_space<vmem_shared>>
      %dma_start3A_486 = arith.constant 0 : i32
      %dma_start3A_487 = tpu.memref_slice %arg8[%add3A_8, %dma_start3A_486] : memref<10240x128xf32, #tpu.memory_space<vmem_shared>> -> memref<64x128xf32, #tpu.memory_space<vmem_shared>>
      %dma_start3A_488 = arith.constant 0 : i32
      %dma_start3A_489 = arith.constant 0 : i32
      %dma_start3A_490 = tpu.memref_slice %arg7[%run_scoped3A, %dma_start3A_488, %dma_start3A_489] : memref<4x64x128xf32, #tpu.memory_space<vmem>> -> memref<1x64x128xf32, #tpu.memory_space<vmem>>
      %dma_start3A_491 = tpu.memref_squeeze %dma_start3A_490 : memref<1x64x128xf32, #tpu.memory_space<vmem>> -> memref<64x128xf32, #tpu.memory_space<vmem>>
      tpu.enqueue_dma source(%dma_start3A_491 : memref<64x128xf32, #tpu.memory_space<vmem>>) target(%dma_start3A_487 : memref<64x128xf32, #tpu.memory_space<vmem_shared>>) target_semaphore(%run_scoped3A_479 : memref<!tpu.dma_semaphore, #tpu.memory_space<semaphore_mem>>)
      %dma_wait3A_492 = arith.constant 0 : i32
      %dma_wait3A_493 = arith.constant 0 : i32
      %dma_wait3A_494 = tpu.memref_slice %arg7[%run_scoped3A, %dma_wait3A_492, %dma_wait3A_493] : memref<4x64x128xf32, #tpu.memory_space<vmem>> -> memref<1x64x128xf32, #tpu.memory_space<vmem>>
      %dma_wait3A_495 = tpu.memref_squeeze %dma_wait3A_494 : memref<1x64x128xf32, #tpu.memory_space<vmem>> -> memref<64x128xf32, #tpu.memory_space<vmem>>
      %dma_wait3A_496 = arith.constant 0 : i32
      %dma_wait3A_497 = tpu.memref_slice %arg8[%add3A_8, %dma_wait3A_496] : memref<10240x128xf32, #tpu.memory_space<vmem_shared>> -> memref<64x128xf32, #tpu.memory_space<vmem_shared>>
      %dma_wait3A_498 = arith.constant 0 : i32
      %dma_wait3A_499 = tpu.memref_slice %arg8[%add3A_8, %dma_wait3A_498] : memref<10240x128xf32, #tpu.memory_space<vmem_shared>> -> memref<64x128xf32, #tpu.memory_space<vmem_shared>>
      %dma_wait3A_500 = arith.constant 0 : i32
      %dma_wait3A_501 = arith.constant 0 : i32
      %dma_wait3A_502 = tpu.memref_slice %arg7[%run_scoped3A, %dma_wait3A_500, %dma_wait3A_501] : memref<4x64x128xf32, #tpu.memory_space<vmem>> -> memref<1x64x128xf32, #tpu.memory_space<vmem>>
      %dma_wait3A_503 = tpu.memref_squeeze %dma_wait3A_502 : memref<1x64x128xf32, #tpu.memory_space<vmem>> -> memref<64x128xf32, #tpu.memory_space<vmem>>
      tpu.wait_dma2 semaphore(%run_scoped3A_479 : memref<!tpu.dma_semaphore, #tpu.memory_space<semaphore_mem>>) src(%dma_wait3A_503 : memref<64x128xf32, #tpu.memory_space<vmem>>) dst(%dma_wait3A_499 : memref<64x128xf32, #tpu.memory_space<vmem_shared>>)
      tpu.yield
    }) : () -> ()
    %add3A_9 = arith.constant 64 : i32
    %add3A_10 = arith.addi %mul3A_6, %add3A_9 : i32
    %run_scoped3A_11 = arith.constant 0 : i32
    "tpu.region"() ({
      %run_scoped3A_479 = tpu.sem_alloc : memref<!tpu.dma_semaphore, #tpu.memory_space<semaphore_mem>>
      %dma_start3A_480 = arith.constant 0 : i32
      %dma_start3A_481 = arith.constant 0 : i32
      %dma_start3A_482 = tpu.memref_slice %arg7[%run_scoped3A_11, %dma_start3A_480, %dma_start3A_481] : memref<4x64x128xf32, #tpu.memory_space<vmem>> -> memref<1x64x128xf32, #tpu.memory_space<vmem>>
      %dma_start3A_483 = tpu.memref_squeeze %dma_start3A_482 : memref<1x64x128xf32, #tpu.memory_space<vmem>> -> memref<64x128xf32, #tpu.memory_space<vmem>>
      %dma_start3A_484 = arith.constant 0 : i32
      %dma_start3A_485 = tpu.memref_slice %arg8[%add3A_10, %dma_start3A_484] : memref<10240x128xf32, #tpu.memory_space<vmem_shared>> -> memref<64x128xf32, #tpu.memory_space<vmem_shared>>
      %dma_start3A_486 = arith.constant 0 : i32
      %dma_start3A_487 = tpu.memref_slice %arg8[%add3A_10, %dma_start3A_486] : memref<10240x128xf32, #tpu.memory_space<vmem_shared>> -> memref<64x128xf32, #tpu.memory_space<vmem_shared>>
      %dma_start3A_488 = arith.constant 0 : i32
      %dma_start3A_489 = arith.constant 0 : i32
      %dma_start3A_490 = tpu.memref_slice %arg7[%run_scoped3A_11, %dma_start3A_488, %dma_start3A_489] : memref<4x64x128xf32, #tpu.memory_space<vmem>> -> memref<1x64x128xf32, #tpu.memory_space<vmem>>
      %dma_start3A_491 = tpu.memref_squeeze %dma_start3A_490 : memref<1x64x128xf32, #tpu.memory_space<vmem>> -> memref<64x128xf32, #tpu.memory_space<vmem>>
      tpu.enqueue_dma source(%dma_start3A_491 : memref<64x128xf32, #tpu.memory_space<vmem>>) target(%dma_start3A_487 : memref<64x128xf32, #tpu.memory_space<vmem_shared>>) target_semaphore(%run_scoped3A_479 : memref<!tpu.dma_semaphore, #tpu.memory_space<semaphore_mem>>)
      %dma_wait3A_492 = arith.constant 0 : i32
      %dma_wait3A_493 = arith.constant 0 : i32
      %dma_wait3A_494 = tpu.memref_slice %arg7[%run_scoped3A_11, %dma_wait3A_492, %dma_wait3A_493] : memref<4x64x128xf32, #tpu.memory_space<vmem>> -> memref<1x64x128xf32, #tpu.memory_space<vmem>>
      %dma_wait3A_495 = tpu.memref_squeeze %dma_wait3A_494 : memref<1x64x128xf32, #tpu.memory_space<vmem>> -> memref<64x128xf32, #tpu.memory_space<vmem>>
      %dma_wait3A_496 = arith.constant 0 : i32
      %dma_wait3A_497 = tpu.memref_slice %arg8[%add3A_10, %dma_wait3A_496] : memref<10240x128xf32, #tpu.memory_space<vmem_shared>> -> memref<64x128xf32, #tpu.memory_space<vmem_shared>>
      %dma_wait3A_498 = arith.constant 0 : i32
      %dma_wait3A_499 = tpu.memref_slice %arg8[%add3A_10, %dma_wait3A_498] : memref<10240x128xf32, #tpu.memory_space<vmem_shared>> -> memref<64x128xf32, #tpu.memory_space<vmem_shared>>
      %dma_wait3A_500 = arith.constant 0 : i32
      %dma_wait3A_501 = arith.constant 0 : i32
      %dma_wait3A_502 = tpu.memref_slice %arg7[%run_scoped3A_11, %dma_wait3A_500, %dma_wait3A_501] : memref<4x64x128xf32, #tpu.memory_space<vmem>> -> memref<1x64x128xf32, #tpu.memory_space<vmem>>
      %dma_wait3A_503 = tpu.memref_squeeze %dma_wait3A_502 : memref<1x64x128xf32, #tpu.memory_space<vmem>> -> memref<64x128xf32, #tpu.memory_space<vmem>>
      tpu.wait_dma2 semaphore(%run_scoped3A_479 : memref<!tpu.dma_semaphore, #tpu.memory_space<semaphore_mem>>) src(%dma_wait3A_503 : memref<64x128xf32, #tpu.memory_space<vmem>>) dst(%dma_wait3A_499 : memref<64x128xf32, #tpu.memory_space<vmem_shared>>)
      tpu.yield
    }) : () -> ()
    %add3A_12 = arith.constant 128 : i32
    %add3A_13 = arith.addi %mul3A_6, %add3A_12 : i32
    %run_scoped3A_14 = arith.constant 0 : i32
    "tpu.region"() ({
      %run_scoped3A_479 = tpu.sem_alloc : memref<!tpu.dma_semaphore, #tpu.memory_space<semaphore_mem>>
      %dma_start3A_480 = arith.constant 0 : i32
      %dma_start3A_481 = arith.constant 0 : i32
      %dma_start3A_482 = tpu.memref_slice %arg7[%run_scoped3A_14, %dma_start3A_480, %dma_start3A_481] : memref<4x64x128xf32, #tpu.memory_space<vmem>> -> memref<1x64x128xf32, #tpu.memory_space<vmem>>
      %dma_start3A_483 = tpu.memref_squeeze %dma_start3A_482 : memref<1x64x128xf32, #tpu.memory_space<vmem>> -> memref<64x128xf32, #tpu.memory_space<vmem>>
      %dma_start3A_484 = arith.constant 0 : i32
      %dma_start3A_485 = tpu.memref_slice %arg8[%add3A_13, %dma_start3A_484] : memref<10240x128xf32, #tpu.memory_space<vmem_shared>> -> memref<64x128xf32, #tpu.memory_space<vmem_shared>>
      %dma_start3A_486 = arith.constant 0 : i32
      %dma_start3A_487 = tpu.memref_slice %arg8[%add3A_13, %dma_start3A_486] : memref<10240x128xf32, #tpu.memory_space<vmem_shared>> -> memref<64x128xf32, #tpu.memory_space<vmem_shared>>
      %dma_start3A_488 = arith.constant 0 : i32
      %dma_start3A_489 = arith.constant 0 : i32
      %dma_start3A_490 = tpu.memref_slice %arg7[%run_scoped3A_14, %dma_start3A_488, %dma_start3A_489] : memref<4x64x128xf32, #tpu.memory_space<vmem>> -> memref<1x64x128xf32, #tpu.memory_space<vmem>>
      %dma_start3A_491 = tpu.memref_squeeze %dma_start3A_490 : memref<1x64x128xf32, #tpu.memory_space<vmem>> -> memref<64x128xf32, #tpu.memory_space<vmem>>
      tpu.enqueue_dma source(%dma_start3A_491 : memref<64x128xf32, #tpu.memory_space<vmem>>) target(%dma_start3A_487 : memref<64x128xf32, #tpu.memory_space<vmem_shared>>) target_semaphore(%run_scoped3A_479 : memref<!tpu.dma_semaphore, #tpu.memory_space<semaphore_mem>>)
      %dma_wait3A_492 = arith.constant 0 : i32
      %dma_wait3A_493 = arith.constant 0 : i32
      %dma_wait3A_494 = tpu.memref_slice %arg7[%run_scoped3A_14, %dma_wait3A_492, %dma_wait3A_493] : memref<4x64x128xf32, #tpu.memory_space<vmem>> -> memref<1x64x128xf32, #tpu.memory_space<vmem>>
      %dma_wait3A_495 = tpu.memref_squeeze %dma_wait3A_494 : memref<1x64x128xf32, #tpu.memory_space<vmem>> -> memref<64x128xf32, #tpu.memory_space<vmem>>
      %dma_wait3A_496 = arith.constant 0 : i32
      %dma_wait3A_497 = tpu.memref_slice %arg8[%add3A_13, %dma_wait3A_496] : memref<10240x128xf32, #tpu.memory_space<vmem_shared>> -> memref<64x128xf32, #tpu.memory_space<vmem_shared>>
      %dma_wait3A_498 = arith.constant 0 : i32
      %dma_wait3A_499 = tpu.memref_slice %arg8[%add3A_13, %dma_wait3A_498] : memref<10240x128xf32, #tpu.memory_space<vmem_shared>> -> memref<64x128xf32, #tpu.memory_space<vmem_shared>>
      %dma_wait3A_500 = arith.constant 0 : i32
      %dma_wait3A_501 = arith.constant 0 : i32
      %dma_wait3A_502 = tpu.memref_slice %arg7[%run_scoped3A_14, %dma_wait3A_500, %dma_wait3A_501] : memref<4x64x128xf32, #tpu.memory_space<vmem>> -> memref<1x64x128xf32, #tpu.memory_space<vmem>>
      %dma_wait3A_503 = tpu.memref_squeeze %dma_wait3A_502 : memref<1x64x128xf32, #tpu.memory_space<vmem>> -> memref<64x128xf32, #tpu.memory_space<vmem>>
      tpu.wait_dma2 semaphore(%run_scoped3A_479 : memref<!tpu.dma_semaphore, #tpu.memory_space<semaphore_mem>>) src(%dma_wait3A_503 : memref<64x128xf32, #tpu.memory_space<vmem>>) dst(%dma_wait3A_499 : memref<64x128xf32, #tpu.memory_space<vmem_shared>>)
      tpu.yield
    }) : () -> ()
    %add3A_15 = arith.constant 192 : i32
    %add3A_16 = arith.addi %mul3A_6, %add3A_15 : i32
    %run_scoped3A_17 = arith.constant 0 : i32
    "tpu.region"() ({
      %run_scoped3A_479 = tpu.sem_alloc : memref<!tpu.dma_semaphore, #tpu.memory_space<semaphore_mem>>
      %dma_start3A_480 = arith.constant 0 : i32
      %dma_start3A_481 = arith.constant 0 : i32
      %dma_start3A_482 = tpu.memref_slice %arg7[%run_scoped3A_17, %dma_start3A_480, %dma_start3A_481] : memref<4x64x128xf32, #tpu.memory_space<vmem>> -> memref<1x64x128xf32, #tpu.memory_space<vmem>>
      %dma_start3A_483 = tpu.memref_squeeze %dma_start3A_482 : memref<1x64x128xf32, #tpu.memory_space<vmem>> -> memref<64x128xf32, #tpu.memory_space<vmem>>
      %dma_start3A_484 = arith.constant 0 : i32
      %dma_start3A_485 = tpu.memref_slice %arg8[%add3A_16, %dma_start3A_484] : memref<10240x128xf32, #tpu.memory_space<vmem_shared>> -> memref<64x128xf32, #tpu.memory_space<vmem_shared>>
      %dma_start3A_486 = arith.constant 0 : i32
      %dma_start3A_487 = tpu.memref_slice %arg8[%add3A_16, %dma_start3A_486] : memref<10240x128xf32, #tpu.memory_space<vmem_shared>> -> memref<64x128xf32, #tpu.memory_space<vmem_shared>>
      %dma_start3A_488 = arith.constant 0 : i32
      %dma_start3A_489 = arith.constant 0 : i32
      %dma_start3A_490 = tpu.memref_slice %arg7[%run_scoped3A_17, %dma_start3A_488, %dma_start3A_489] : memref<4x64x128xf32, #tpu.memory_space<vmem>> -> memref<1x64x128xf32, #tpu.memory_space<vmem>>
      %dma_start3A_491 = tpu.memref_squeeze %dma_start3A_490 : memref<1x64x128xf32, #tpu.memory_space<vmem>> -> memref<64x128xf32, #tpu.memory_space<vmem>>
      tpu.enqueue_dma source(%dma_start3A_491 : memref<64x128xf32, #tpu.memory_space<vmem>>) target(%dma_start3A_487 : memref<64x128xf32, #tpu.memory_space<vmem_shared>>) target_semaphore(%run_scoped3A_479 : memref<!tpu.dma_semaphore, #tpu.memory_space<semaphore_mem>>)
      %dma_wait3A_492 = arith.constant 0 : i32
      %dma_wait3A_493 = arith.constant 0 : i32
      %dma_wait3A_494 = tpu.memref_slice %arg7[%run_scoped3A_17, %dma_wait3A_492, %dma_wait3A_493] : memref<4x64x128xf32, #tpu.memory_space<vmem>> -> memref<1x64x128xf32, #tpu.memory_space<vmem>>
      %dma_wait3A_495 = tpu.memref_squeeze %dma_wait3A_494 : memref<1x64x128xf32, #tpu.memory_space<vmem>> -> memref<64x128xf32, #tpu.memory_space<vmem>>
      %dma_wait3A_496 = arith.constant 0 : i32
      %dma_wait3A_497 = tpu.memref_slice %arg8[%add3A_16, %dma_wait3A_496] : memref<10240x128xf32, #tpu.memory_space<vmem_shared>> -> memref<64x128xf32, #tpu.memory_space<vmem_shared>>
      %dma_wait3A_498 = arith.constant 0 : i32
      %dma_wait3A_499 = tpu.memref_slice %arg8[%add3A_16, %dma_wait3A_498] : memref<10240x128xf32, #tpu.memory_space<vmem_shared>> -> memref<64x128xf32, #tpu.memory_space<vmem_shared>>
      %dma_wait3A_500 = arith.constant 0 : i32
      %dma_wait3A_501 = arith.constant 0 : i32
      %dma_wait3A_502 = tpu.memref_slice %arg7[%run_scoped3A_17, %dma_wait3A_500, %dma_wait3A_501] : memref<4x64x128xf32, #tpu.memory_space<vmem>> -> memref<1x64x128xf32, #tpu.memory_space<vmem>>
      %dma_wait3A_503 = tpu.memref_squeeze %dma_wait3A_502 : memref<1x64x128xf32, #tpu.memory_space<vmem>> -> memref<64x128xf32, #tpu.memory_space<vmem>>
      tpu.wait_dma2 semaphore(%run_scoped3A_479 : memref<!tpu.dma_semaphore, #tpu.memory_space<semaphore_mem>>) src(%dma_wait3A_503 : memref<64x128xf32, #tpu.memory_space<vmem>>) dst(%dma_wait3A_499 : memref<64x128xf32, #tpu.memory_space<vmem_shared>>)
      tpu.yield
    }) : () -> ()
    %add3A_18 = arith.constant 256 : i32
    %add3A_19 = arith.addi %mul3A_6, %add3A_18 : i32
    %run_scoped3A_20 = arith.constant 0 : i32
    "tpu.region"() ({
      %run_scoped3A_479 = tpu.sem_alloc : memref<!tpu.dma_semaphore, #tpu.memory_space<semaphore_mem>>
      %dma_start3A_480 = arith.constant 0 : i32
      %dma_start3A_481 = arith.constant 0 : i32
      %dma_start3A_482 = tpu.memref_slice %arg7[%run_scoped3A_20, %dma_start3A_480, %dma_start3A_481] : memref<4x64x128xf32, #tpu.memory_space<vmem>> -> memref<1x64x128xf32, #tpu.memory_space<vmem>>
      %dma_start3A_483 = tpu.memref_squeeze %dma_start3A_482 : memref<1x64x128xf32, #tpu.memory_space<vmem>> -> memref<64x128xf32, #tpu.memory_space<vmem>>
      %dma_start3A_484 = arith.constant 0 : i32
      %dma_start3A_485 = tpu.memref_slice %arg8[%add3A_19, %dma_start3A_484] : memref<10240x128xf32, #tpu.memory_space<vmem_shared>> -> memref<64x128xf32, #tpu.memory_space<vmem_shared>>
      %dma_start3A_486 = arith.constant 0 : i32
      %dma_start3A_487 = tpu.memref_slice %arg8[%add3A_19, %dma_start3A_486] : memref<10240x128xf32, #tpu.memory_space<vmem_shared>> -> memref<64x128xf32, #tpu.memory_space<vmem_shared>>
      %dma_start3A_488 = arith.constant 0 : i32
      %dma_start3A_489 = arith.constant 0 : i32
      %dma_start3A_490 = tpu.memref_slice %arg7[%run_scoped3A_20, %dma_start3A_488, %dma_start3A_489] : memref<4x64x128xf32, #tpu.memory_space<vmem>> -> memref<1x64x128xf32, #tpu.memory_space<vmem>>
      %dma_start3A_491 = tpu.memref_squeeze %dma_start3A_490 : memref<1x64x128xf32, #tpu.memory_space<vmem>> -> memref<64x128xf32, #tpu.memory_space<vmem>>
      tpu.enqueue_dma source(%dma_start3A_491 : memref<64x128xf32, #tpu.memory_space<vmem>>) target(%dma_start3A_487 : memref<64x128xf32, #tpu.memory_space<vmem_shared>>) target_semaphore(%run_scoped3A_479 : memref<!tpu.dma_semaphore, #tpu.memory_space<semaphore_mem>>)
      %dma_wait3A_492 = arith.constant 0 : i32
      %dma_wait3A_493 = arith.constant 0 : i32
      %dma_wait3A_494 = tpu.memref_slice %arg7[%run_scoped3A_20, %dma_wait3A_492, %dma_wait3A_493] : memref<4x64x128xf32, #tpu.memory_space<vmem>> -> memref<1x64x128xf32, #tpu.memory_space<vmem>>
      %dma_wait3A_495 = tpu.memref_squeeze %dma_wait3A_494 : memref<1x64x128xf32, #tpu.memory_space<vmem>> -> memref<64x128xf32, #tpu.memory_space<vmem>>
      %dma_wait3A_496 = arith.constant 0 : i32
      %dma_wait3A_497 = tpu.memref_slice %arg8[%add3A_19, %dma_wait3A_496] : memref<10240x128xf32, #tpu.memory_space<vmem_shared>> -> memref<64x128xf32, #tpu.memory_space<vmem_shared>>
      %dma_wait3A_498 = arith.constant 0 : i32
      %dma_wait3A_499 = tpu.memref_slice %arg8[%add3A_19, %dma_wait3A_498] : memref<10240x128xf32, #tpu.memory_space<vmem_shared>> -> memref<64x128xf32, #tpu.memory_space<vmem_shared>>
      %dma_wait3A_500 = arith.constant 0 : i32
      %dma_wait3A_501 = arith.constant 0 : i32
      %dma_wait3A_502 = tpu.memref_slice %arg7[%run_scoped3A_20, %dma_wait3A_500, %dma_wait3A_501] : memref<4x64x128xf32, #tpu.memory_space<vmem>> -> memref<1x64x128xf32, #tpu.memory_space<vmem>>
      %dma_wait3A_503 = tpu.memref_squeeze %dma_wait3A_502 : memref<1x64x128xf32, #tpu.memory_space<vmem>> -> memref<64x128xf32, #tpu.memory_space<vmem>>
      tpu.wait_dma2 semaphore(%run_scoped3A_479 : memref<!tpu.dma_semaphore, #tpu.memory_space<semaphore_mem>>) src(%dma_wait3A_503 : memref<64x128xf32, #tpu.memory_space<vmem>>) dst(%dma_wait3A_499 : memref<64x128xf32, #tpu.memory_space<vmem_shared>>)
      tpu.yield
    }) : () -> ()
    %add3A_21 = arith.constant 320 : i32
    %add3A_22 = arith.addi %mul3A_6, %add3A_21 : i32
    %run_scoped3A_23 = arith.constant 0 : i32
    "tpu.region"() ({
      %run_scoped3A_479 = tpu.sem_alloc : memref<!tpu.dma_semaphore, #tpu.memory_space<semaphore_mem>>
      %dma_start3A_480 = arith.constant 0 : i32
      %dma_start3A_481 = arith.constant 0 : i32
      %dma_start3A_482 = tpu.memref_slice %arg7[%run_scoped3A_23, %dma_start3A_480, %dma_start3A_481] : memref<4x64x128xf32, #tpu.memory_space<vmem>> -> memref<1x64x128xf32, #tpu.memory_space<vmem>>
      %dma_start3A_483 = tpu.memref_squeeze %dma_start3A_482 : memref<1x64x128xf32, #tpu.memory_space<vmem>> -> memref<64x128xf32, #tpu.memory_space<vmem>>
      %dma_start3A_484 = arith.constant 0 : i32
      %dma_start3A_485 = tpu.memref_slice %arg8[%add3A_22, %dma_start3A_484] : memref<10240x128xf32, #tpu.memory_space<vmem_shared>> -> memref<64x128xf32, #tpu.memory_space<vmem_shared>>
      %dma_start3A_486 = arith.constant 0 : i32
      %dma_start3A_487 = tpu.memref_slice %arg8[%add3A_22, %dma_start3A_486] : memref<10240x128xf32, #tpu.memory_space<vmem_shared>> -> memref<64x128xf32, #tpu.memory_space<vmem_shared>>
      %dma_start3A_488 = arith.constant 0 : i32
      %dma_start3A_489 = arith.constant 0 : i32
      %dma_start3A_490 = tpu.memref_slice %arg7[%run_scoped3A_23, %dma_start3A_488, %dma_start3A_489] : memref<4x64x128xf32, #tpu.memory_space<vmem>> -> memref<1x64x128xf32, #tpu.memory_space<vmem>>
      %dma_start3A_491 = tpu.memref_squeeze %dma_start3A_490 : memref<1x64x128xf32, #tpu.memory_space<vmem>> -> memref<64x128xf32, #tpu.memory_space<vmem>>
      tpu.enqueue_dma source(%dma_start3A_491 : memref<64x128xf32, #tpu.memory_space<vmem>>) target(%dma_start3A_487 : memref<64x128xf32, #tpu.memory_space<vmem_shared>>) target_semaphore(%run_scoped3A_479 : memref<!tpu.dma_semaphore, #tpu.memory_space<semaphore_mem>>)
      %dma_wait3A_492 = arith.constant 0 : i32
      %dma_wait3A_493 = arith.constant 0 : i32
      %dma_wait3A_494 = tpu.memref_slice %arg7[%run_scoped3A_23, %dma_wait3A_492, %dma_wait3A_493] : memref<4x64x128xf32, #tpu.memory_space<vmem>> -> memref<1x64x128xf32, #tpu.memory_space<vmem>>
      %dma_wait3A_495 = tpu.memref_squeeze %dma_wait3A_494 : memref<1x64x128xf32, #tpu.memory_space<vmem>> -> memref<64x128xf32, #tpu.memory_space<vmem>>
      %dma_wait3A_496 = arith.constant 0 : i32
      %dma_wait3A_497 = tpu.memref_slice %arg8[%add3A_22, %dma_wait3A_496] : memref<10240x128xf32, #tpu.memory_space<vmem_shared>> -> memref<64x128xf32, #tpu.memory_space<vmem_shared>>
      %dma_wait3A_498 = arith.constant 0 : i32
      %dma_wait3A_499 = tpu.memref_slice %arg8[%add3A_22, %dma_wait3A_498] : memref<10240x128xf32, #tpu.memory_space<vmem_shared>> -> memref<64x128xf32, #tpu.memory_space<vmem_shared>>
      %dma_wait3A_500 = arith.constant 0 : i32
      %dma_wait3A_501 = arith.constant 0 : i32
      %dma_wait3A_502 = tpu.memref_slice %arg7[%run_scoped3A_23, %dma_wait3A_500, %dma_wait3A_501] : memref<4x64x128xf32, #tpu.memory_space<vmem>> -> memref<1x64x128xf32, #tpu.memory_space<vmem>>
      %dma_wait3A_503 = tpu.memref_squeeze %dma_wait3A_502 : memref<1x64x128xf32, #tpu.memory_space<vmem>> -> memref<64x128xf32, #tpu.memory_space<vmem>>
      tpu.wait_dma2 semaphore(%run_scoped3A_479 : memref<!tpu.dma_semaphore, #tpu.memory_space<semaphore_mem>>) src(%dma_wait3A_503 : memref<64x128xf32, #tpu.memory_space<vmem>>) dst(%dma_wait3A_499 : memref<64x128xf32, #tpu.memory_space<vmem_shared>>)
      tpu.yield
    }) : () -> ()
    %add3A_24 = arith.constant 384 : i32
    %add3A_25 = arith.addi %mul3A_6, %add3A_24 : i32
    %run_scoped3A_26 = arith.constant 0 : i32
    "tpu.region"() ({
      %run_scoped3A_479 = tpu.sem_alloc : memref<!tpu.dma_semaphore, #tpu.memory_space<semaphore_mem>>
      %dma_start3A_480 = arith.constant 0 : i32
      %dma_start3A_481 = arith.constant 0 : i32
      %dma_start3A_482 = tpu.memref_slice %arg7[%run_scoped3A_26, %dma_start3A_480, %dma_start3A_481] : memref<4x64x128xf32, #tpu.memory_space<vmem>> -> memref<1x64x128xf32, #tpu.memory_space<vmem>>
      %dma_start3A_483 = tpu.memref_squeeze %dma_start3A_482 : memref<1x64x128xf32, #tpu.memory_space<vmem>> -> memref<64x128xf32, #tpu.memory_space<vmem>>
      %dma_start3A_484 = arith.constant 0 : i32
      %dma_start3A_485 = tpu.memref_slice %arg8[%add3A_25, %dma_start3A_484] : memref<10240x128xf32, #tpu.memory_space<vmem_shared>> -> memref<64x128xf32, #tpu.memory_space<vmem_shared>>
      %dma_start3A_486 = arith.constant 0 : i32
      %dma_start3A_487 = tpu.memref_slice %arg8[%add3A_25, %dma_start3A_486] : memref<10240x128xf32, #tpu.memory_space<vmem_shared>> -> memref<64x128xf32, #tpu.memory_space<vmem_shared>>
      %dma_start3A_488 = arith.constant 0 : i32
      %dma_start3A_489 = arith.constant 0 : i32
      %dma_start3A_490 = tpu.memref_slice %arg7[%run_scoped3A_26, %dma_start3A_488, %dma_start3A_489] : memref<4x64x128xf32, #tpu.memory_space<vmem>> -> memref<1x64x128xf32, #tpu.memory_space<vmem>>
      %dma_start3A_491 = tpu.memref_squeeze %dma_start3A_490 : memref<1x64x128xf32, #tpu.memory_space<vmem>> -> memref<64x128xf32, #tpu.memory_space<vmem>>
      tpu.enqueue_dma source(%dma_start3A_491 : memref<64x128xf32, #tpu.memory_space<vmem>>) target(%dma_start3A_487 : memref<64x128xf32, #tpu.memory_space<vmem_shared>>) target_semaphore(%run_scoped3A_479 : memref<!tpu.dma_semaphore, #tpu.memory_space<semaphore_mem>>)
      %dma_wait3A_492 = arith.constant 0 : i32
      %dma_wait3A_493 = arith.constant 0 : i32
      %dma_wait3A_494 = tpu.memref_slice %arg7[%run_scoped3A_26, %dma_wait3A_492, %dma_wait3A_493] : memref<4x64x128xf32, #tpu.memory_space<vmem>> -> memref<1x64x128xf32, #tpu.memory_space<vmem>>
      %dma_wait3A_495 = tpu.memref_squeeze %dma_wait3A_494 : memref<1x64x128xf32, #tpu.memory_space<vmem>> -> memref<64x128xf32, #tpu.memory_space<vmem>>
      %dma_wait3A_496 = arith.constant 0 : i32
      %dma_wait3A_497 = tpu.memref_slice %arg8[%add3A_25, %dma_wait3A_496] : memref<10240x128xf32, #tpu.memory_space<vmem_shared>> -> memref<64x128xf32, #tpu.memory_space<vmem_shared>>
      %dma_wait3A_498 = arith.constant 0 : i32
      %dma_wait3A_499 = tpu.memref_slice %arg8[%add3A_25, %dma_wait3A_498] : memref<10240x128xf32, #tpu.memory_space<vmem_shared>> -> memref<64x128xf32, #tpu.memory_space<vmem_shared>>
      %dma_wait3A_500 = arith.constant 0 : i32
      %dma_wait3A_501 = arith.constant 0 : i32
      %dma_wait3A_502 = tpu.memref_slice %arg7[%run_scoped3A_26, %dma_wait3A_500, %dma_wait3A_501] : memref<4x64x128xf32, #tpu.memory_space<vmem>> -> memref<1x64x128xf32, #tpu.memory_space<vmem>>
      %dma_wait3A_503 = tpu.memref_squeeze %dma_wait3A_502 : memref<1x64x128xf32, #tpu.memory_space<vmem>> -> memref<64x128xf32, #tpu.memory_space<vmem>>
      tpu.wait_dma2 semaphore(%run_scoped3A_479 : memref<!tpu.dma_semaphore, #tpu.memory_space<semaphore_mem>>) src(%dma_wait3A_503 : memref<64x128xf32, #tpu.memory_space<vmem>>) dst(%dma_wait3A_499 : memref<64x128xf32, #tpu.memory_space<vmem_shared>>)
      tpu.yield
    }) : () -> ()
    %add3A_27 = arith.constant 448 : i32
    %add3A_28 = arith.addi %mul3A_6, %add3A_27 : i32
    %run_scoped3A_29 = arith.constant 0 : i32
    "tpu.region"() ({
      %run_scoped3A_479 = tpu.sem_alloc : memref<!tpu.dma_semaphore, #tpu.memory_space<semaphore_mem>>
      %dma_start3A_480 = arith.constant 0 : i32
      %dma_start3A_481 = arith.constant 0 : i32
      %dma_start3A_482 = tpu.memref_slice %arg7[%run_scoped3A_29, %dma_start3A_480, %dma_start3A_481] : memref<4x64x128xf32, #tpu.memory_space<vmem>> -> memref<1x64x128xf32, #tpu.memory_space<vmem>>
      %dma_start3A_483 = tpu.memref_squeeze %dma_start3A_482 : memref<1x64x128xf32, #tpu.memory_space<vmem>> -> memref<64x128xf32, #tpu.memory_space<vmem>>
      %dma_start3A_484 = arith.constant 0 : i32
      %dma_start3A_485 = tpu.memref_slice %arg8[%add3A_28, %dma_start3A_484] : memref<10240x128xf32, #tpu.memory_space<vmem_shared>> -> memref<64x128xf32, #tpu.memory_space<vmem_shared>>
      %dma_start3A_486 = arith.constant 0 : i32
      %dma_start3A_487 = tpu.memref_slice %arg8[%add3A_28, %dma_start3A_486] : memref<10240x128xf32, #tpu.memory_space<vmem_shared>> -> memref<64x128xf32, #tpu.memory_space<vmem_shared>>
      %dma_start3A_488 = arith.constant 0 : i32
      %dma_start3A_489 = arith.constant 0 : i32
      %dma_start3A_490 = tpu.memref_slice %arg7[%run_scoped3A_29, %dma_start3A_488, %dma_start3A_489] : memref<4x64x128xf32, #tpu.memory_space<vmem>> -> memref<1x64x128xf32, #tpu.memory_space<vmem>>
      %dma_start3A_491 = tpu.memref_squeeze %dma_start3A_490 : memref<1x64x128xf32, #tpu.memory_space<vmem>> -> memref<64x128xf32, #tpu.memory_space<vmem>>
      tpu.enqueue_dma source(%dma_start3A_491 : memref<64x128xf32, #tpu.memory_space<vmem>>) target(%dma_start3A_487 : memref<64x128xf32, #tpu.memory_space<vmem_shared>>) target_semaphore(%run_scoped3A_479 : memref<!tpu.dma_semaphore, #tpu.memory_space<semaphore_mem>>)
      %dma_wait3A_492 = arith.constant 0 : i32
      %dma_wait3A_493 = arith.constant 0 : i32
      %dma_wait3A_494 = tpu.memref_slice %arg7[%run_scoped3A_29, %dma_wait3A_492, %dma_wait3A_493] : memref<4x64x128xf32, #tpu.memory_space<vmem>> -> memref<1x64x128xf32, #tpu.memory_space<vmem>>
      %dma_wait3A_495 = tpu.memref_squeeze %dma_wait3A_494 : memref<1x64x128xf32, #tpu.memory_space<vmem>> -> memref<64x128xf32, #tpu.memory_space<vmem>>
      %dma_wait3A_496 = arith.constant 0 : i32
      %dma_wait3A_497 = tpu.memref_slice %arg8[%add3A_28, %dma_wait3A_496] : memref<10240x128xf32, #tpu.memory_space<vmem_shared>> -> memref<64x128xf32, #tpu.memory_space<vmem_shared>>
      %dma_wait3A_498 = arith.constant 0 : i32
      %dma_wait3A_499 = tpu.memref_slice %arg8[%add3A_28, %dma_wait3A_498] : memref<10240x128xf32, #tpu.memory_space<vmem_shared>> -> memref<64x128xf32, #tpu.memory_space<vmem_shared>>
      %dma_wait3A_500 = arith.constant 0 : i32
      %dma_wait3A_501 = arith.constant 0 : i32
      %dma_wait3A_502 = tpu.memref_slice %arg7[%run_scoped3A_29, %dma_wait3A_500, %dma_wait3A_501] : memref<4x64x128xf32, #tpu.memory_space<vmem>> -> memref<1x64x128xf32, #tpu.memory_space<vmem>>
      %dma_wait3A_503 = tpu.memref_squeeze %dma_wait3A_502 : memref<1x64x128xf32, #tpu.memory_space<vmem>> -> memref<64x128xf32, #tpu.memory_space<vmem>>
      tpu.wait_dma2 semaphore(%run_scoped3A_479 : memref<!tpu.dma_semaphore, #tpu.memory_space<semaphore_mem>>) src(%dma_wait3A_503 : memref<64x128xf32, #tpu.memory_space<vmem>>) dst(%dma_wait3A_499 : memref<64x128xf32, #tpu.memory_space<vmem_shared>>)
      tpu.yield
    }) : () -> ()
    %add3A_30 = arith.constant 512 : i32
    %add3A_31 = arith.addi %mul3A_6, %add3A_30 : i32
    %run_scoped3A_32 = arith.constant 0 : i32
    "tpu.region"() ({
      %run_scoped3A_479 = tpu.sem_alloc : memref<!tpu.dma_semaphore, #tpu.memory_space<semaphore_mem>>
      %dma_start3A_480 = arith.constant 0 : i32
      %dma_start3A_481 = arith.constant 0 : i32
      %dma_start3A_482 = tpu.memref_slice %arg7[%run_scoped3A_32, %dma_start3A_480, %dma_start3A_481] : memref<4x64x128xf32, #tpu.memory_space<vmem>> -> memref<1x64x128xf32, #tpu.memory_space<vmem>>
      %dma_start3A_483 = tpu.memref_squeeze %dma_start3A_482 : memref<1x64x128xf32, #tpu.memory_space<vmem>> -> memref<64x128xf32, #tpu.memory_space<vmem>>
      %dma_start3A_484 = arith.constant 0 : i32
      %dma_start3A_485 = tpu.memref_slice %arg8[%add3A_31, %dma_start3A_484] : memref<10240x128xf32, #tpu.memory_space<vmem_shared>> -> memref<64x128xf32, #tpu.memory_space<vmem_shared>>
      %dma_start3A_486 = arith.constant 0 : i32
      %dma_start3A_487 = tpu.memref_slice %arg8[%add3A_31, %dma_start3A_486] : memref<10240x128xf32, #tpu.memory_space<vmem_shared>> -> memref<64x128xf32, #tpu.memory_space<vmem_shared>>
      %dma_start3A_488 = arith.constant 0 : i32
      %dma_start3A_489 = arith.constant 0 : i32
      %dma_start3A_490 = tpu.memref_slice %arg7[%run_scoped3A_32, %dma_start3A_488, %dma_start3A_489] : memref<4x64x128xf32, #tpu.memory_space<vmem>> -> memref<1x64x128xf32, #tpu.memory_space<vmem>>
      %dma_start3A_491 = tpu.memref_squeeze %dma_start3A_490 : memref<1x64x128xf32, #tpu.memory_space<vmem>> -> memref<64x128xf32, #tpu.memory_space<vmem>>
      tpu.enqueue_dma source(%dma_start3A_491 : memref<64x128xf32, #tpu.memory_space<vmem>>) target(%dma_start3A_487 : memref<64x128xf32, #tpu.memory_space<vmem_shared>>) target_semaphore(%run_scoped3A_479 : memref<!tpu.dma_semaphore, #tpu.memory_space<semaphore_mem>>)
      %dma_wait3A_492 = arith.constant 0 : i32
      %dma_wait3A_493 = arith.constant 0 : i32
      %dma_wait3A_494 = tpu.memref_slice %arg7[%run_scoped3A_32, %dma_wait3A_492, %dma_wait3A_493] : memref<4x64x128xf32, #tpu.memory_space<vmem>> -> memref<1x64x128xf32, #tpu.memory_space<vmem>>
      %dma_wait3A_495 = tpu.memref_squeeze %dma_wait3A_494 : memref<1x64x128xf32, #tpu.memory_space<vmem>> -> memref<64x128xf32, #tpu.memory_space<vmem>>
      %dma_wait3A_496 = arith.constant 0 : i32
      %dma_wait3A_497 = tpu.memref_slice %arg8[%add3A_31, %dma_wait3A_496] : memref<10240x128xf32, #tpu.memory_space<vmem_shared>> -> memref<64x128xf32, #tpu.memory_space<vmem_shared>>
      %dma_wait3A_498 = arith.constant 0 : i32
      %dma_wait3A_499 = tpu.memref_slice %arg8[%add3A_31, %dma_wait3A_498] : memref<10240x128xf32, #tpu.memory_space<vmem_shared>> -> memref<64x128xf32, #tpu.memory_space<vmem_shared>>
      %dma_wait3A_500 = arith.constant 0 : i32
      %dma_wait3A_501 = arith.constant 0 : i32
      %dma_wait3A_502 = tpu.memref_slice %arg7[%run_scoped3A_32, %dma_wait3A_500, %dma_wait3A_501] : memref<4x64x128xf32, #tpu.memory_space<vmem>> -> memref<1x64x128xf32, #tpu.memory_space<vmem>>
      %dma_wait3A_503 = tpu.memref_squeeze %dma_wait3A_502 : memref<1x64x128xf32, #tpu.memory_space<vmem>> -> memref<64x128xf32, #tpu.memory_space<vmem>>
      tpu.wait_dma2 semaphore(%run_scoped3A_479 : memref<!tpu.dma_semaphore, #tpu.memory_space<semaphore_mem>>) src(%dma_wait3A_503 : memref<64x128xf32, #tpu.memory_space<vmem>>) dst(%dma_wait3A_499 : memref<64x128xf32, #tpu.memory_space<vmem_shared>>)
      tpu.yield
    }) : () -> ()
    %add3A_33 = arith.constant 576 : i32
    %add3A_34 = arith.addi %mul3A_6, %add3A_33 : i32
    %run_scoped3A_35 = arith.constant 0 : i32
    "tpu.region"() ({
      %run_scoped3A_479 = tpu.sem_alloc : memref<!tpu.dma_semaphore, #tpu.memory_space<semaphore_mem>>
      %dma_start3A_480 = arith.constant 0 : i32
      %dma_start3A_481 = arith.constant 0 : i32
      %dma_start3A_482 = tpu.memref_slice %arg7[%run_scoped3A_35, %dma_start3A_480, %dma_start3A_481] : memref<4x64x128xf32, #tpu.memory_space<vmem>> -> memref<1x64x128xf32, #tpu.memory_space<vmem>>
      %dma_start3A_483 = tpu.memref_squeeze %dma_start3A_482 : memref<1x64x128xf32, #tpu.memory_space<vmem>> -> memref<64x128xf32, #tpu.memory_space<vmem>>
      %dma_start3A_484 = arith.constant 0 : i32
      %dma_start3A_485 = tpu.memref_slice %arg8[%add3A_34, %dma_start3A_484] : memref<10240x128xf32, #tpu.memory_space<vmem_shared>> -> memref<64x128xf32, #tpu.memory_space<vmem_shared>>
      %dma_start3A_486 = arith.constant 0 : i32
      %dma_start3A_487 = tpu.memref_slice %arg8[%add3A_34, %dma_start3A_486] : memref<10240x128xf32, #tpu.memory_space<vmem_shared>> -> memref<64x128xf32, #tpu.memory_space<vmem_shared>>
      %dma_start3A_488 = arith.constant 0 : i32
      %dma_start3A_489 = arith.constant 0 : i32
      %dma_start3A_490 = tpu.memref_slice %arg7[%run_scoped3A_35, %dma_start3A_488, %dma_start3A_489] : memref<4x64x128xf32, #tpu.memory_space<vmem>> -> memref<1x64x128xf32, #tpu.memory_space<vmem>>
      %dma_start3A_491 = tpu.memref_squeeze %dma_start3A_490 : memref<1x64x128xf32, #tpu.memory_space<vmem>> -> memref<64x128xf32, #tpu.memory_space<vmem>>
      tpu.enqueue_dma source(%dma_start3A_491 : memref<64x128xf32, #tpu.memory_space<vmem>>) target(%dma_start3A_487 : memref<64x128xf32, #tpu.memory_space<vmem_shared>>) target_semaphore(%run_scoped3A_479 : memref<!tpu.dma_semaphore, #tpu.memory_space<semaphore_mem>>)
      %dma_wait3A_492 = arith.constant 0 : i32
      %dma_wait3A_493 = arith.constant 0 : i32
      %dma_wait3A_494 = tpu.memref_slice %arg7[%run_scoped3A_35, %dma_wait3A_492, %dma_wait3A_493] : memref<4x64x128xf32, #tpu.memory_space<vmem>> -> memref<1x64x128xf32, #tpu.memory_space<vmem>>
      %dma_wait3A_495 = tpu.memref_squeeze %dma_wait3A_494 : memref<1x64x128xf32, #tpu.memory_space<vmem>> -> memref<64x128xf32, #tpu.memory_space<vmem>>
      %dma_wait3A_496 = arith.constant 0 : i32
      %dma_wait3A_497 = tpu.memref_slice %arg8[%add3A_34, %dma_wait3A_496] : memref<10240x128xf32, #tpu.memory_space<vmem_shared>> -> memref<64x128xf32, #tpu.memory_space<vmem_shared>>
      %dma_wait3A_498 = arith.constant 0 : i32
      %dma_wait3A_499 = tpu.memref_slice %arg8[%add3A_34, %dma_wait3A_498] : memref<10240x128xf32, #tpu.memory_space<vmem_shared>> -> memref<64x128xf32, #tpu.memory_space<vmem_shared>>
      %dma_wait3A_500 = arith.constant 0 : i32
      %dma_wait3A_501 = arith.constant 0 : i32
      %dma_wait3A_502 = tpu.memref_slice %arg7[%run_scoped3A_35, %dma_wait3A_500, %dma_wait3A_501] : memref<4x64x128xf32, #tpu.memory_space<vmem>> -> memref<1x64x128xf32, #tpu.memory_space<vmem>>
      %dma_wait3A_503 = tpu.memref_squeeze %dma_wait3A_502 : memref<1x64x128xf32, #tpu.memory_space<vmem>> -> memref<64x128xf32, #tpu.memory_space<vmem>>
      tpu.wait_dma2 semaphore(%run_scoped3A_479 : memref<!tpu.dma_semaphore, #tpu.memory_space<semaphore_mem>>) src(%dma_wait3A_503 : memref<64x128xf32, #tpu.memory_space<vmem>>) dst(%dma_wait3A_499 : memref<64x128xf32, #tpu.memory_space<vmem_shared>>)
      tpu.yield
    }) : () -> ()
    %barrier3A = arith.constant 0 : index
    tpu.barrier barrier_id(%barrier3A)
    %run_scoped3A_36 = arith.constant 0 : i32
    "tpu.region"() ({
      %run_scoped3A_479 = tpu.sem_alloc : memref<!tpu.dma_semaphore, #tpu.memory_space<semaphore_mem>>
      %dma_start3A_480 = arith.constant 0 : i32
      %dma_start3A_481 = arith.constant 0 : i32
      %dma_start3A_482 = tpu.memref_slice %arg6[%run_scoped3A_36, %dma_start3A_480, %dma_start3A_481] : memref<2x40x64xi32, #tpu.memory_space<vmem>> -> memref<1x40x64xi32, #tpu.memory_space<vmem>>
      %dma_start3A_483 = tpu.memref_squeeze %dma_start3A_482 : memref<1x40x64xi32, #tpu.memory_space<vmem>> -> memref<40x64xi32, #tpu.memory_space<vmem>>
      %dma_start3A_484 = arith.constant 0 : i32
      %dma_start3A_485 = arith.constant 0 : i32
      %dma_start3A_486 = tpu.memref_slice %arg3[%add3A, %dma_start3A_484, %dma_start3A_485] : memref<32x160x64xi32, #tpu.memory_space<hbm>> -> memref<1x40x64xi32, #tpu.memory_space<hbm>>
      %dma_start3A_487 = tpu.memref_squeeze %dma_start3A_486 : memref<1x40x64xi32, #tpu.memory_space<hbm>> -> memref<40x64xi32, #tpu.memory_space<hbm>>
      %dma_start3A_488 = arith.constant 0 : i32
      %dma_start3A_489 = arith.constant 0 : i32
      %dma_start3A_490 = tpu.memref_slice %arg6[%run_scoped3A_36, %dma_start3A_488, %dma_start3A_489] : memref<2x40x64xi32, #tpu.memory_space<vmem>> -> memref<1x40x64xi32, #tpu.memory_space<vmem>>
      %dma_start3A_491 = tpu.memref_squeeze %dma_start3A_490 : memref<1x40x64xi32, #tpu.memory_space<vmem>> -> memref<40x64xi32, #tpu.memory_space<vmem>>
      %dma_start3A_492 = arith.constant 0 : i32
      %dma_start3A_493 = arith.constant 0 : i32
      %dma_start3A_494 = tpu.memref_slice %arg3[%add3A, %dma_start3A_492, %dma_start3A_493] : memref<32x160x64xi32, #tpu.memory_space<hbm>> -> memref<1x40x64xi32, #tpu.memory_space<hbm>>
      %dma_start3A_495 = tpu.memref_squeeze %dma_start3A_494 : memref<1x40x64xi32, #tpu.memory_space<hbm>> -> memref<40x64xi32, #tpu.memory_space<hbm>>
      tpu.enqueue_dma source(%dma_start3A_495 : memref<40x64xi32, #tpu.memory_space<hbm>>) target(%dma_start3A_491 : memref<40x64xi32, #tpu.memory_space<vmem>>) target_semaphore(%run_scoped3A_479 : memref<!tpu.dma_semaphore, #tpu.memory_space<semaphore_mem>>)
      %dma_wait3A_496 = arith.constant 0 : i32
      %dma_wait3A_497 = arith.constant 0 : i32
      %dma_wait3A_498 = tpu.memref_slice %arg6[%run_scoped3A_36, %dma_wait3A_496, %dma_wait3A_497] : memref<2x40x64xi32, #tpu.memory_space<vmem>> -> memref<1x40x64xi32, #tpu.memory_space<vmem>>
      %dma_wait3A_499 = tpu.memref_squeeze %dma_wait3A_498 : memref<1x40x64xi32, #tpu.memory_space<vmem>> -> memref<40x64xi32, #tpu.memory_space<vmem>>
      %dma_wait3A_500 = arith.constant 0 : i32
      %dma_wait3A_501 = arith.constant 0 : i32
      %dma_wait3A_502 = tpu.memref_slice %arg3[%add3A, %dma_wait3A_500, %dma_wait3A_501] : memref<32x160x64xi32, #tpu.memory_space<hbm>> -> memref<1x40x64xi32, #tpu.memory_space<hbm>>
      %dma_wait3A_503 = tpu.memref_squeeze %dma_wait3A_502 : memref<1x40x64xi32, #tpu.memory_space<hbm>> -> memref<40x64xi32, #tpu.memory_space<hbm>>
      %dma_wait3A_504 = arith.constant 0 : i32
      %dma_wait3A_505 = arith.constant 0 : i32
      %dma_wait3A_506 = tpu.memref_slice %arg6[%run_scoped3A_36, %dma_wait3A_504, %dma_wait3A_505] : memref<2x40x64xi32, #tpu.memory_space<vmem>> -> memref<1x40x64xi32, #tpu.memory_space<vmem>>
      %dma_wait3A_507 = tpu.memref_squeeze %dma_wait3A_506 : memref<1x40x64xi32, #tpu.memory_space<vmem>> -> memref<40x64xi32, #tpu.memory_space<vmem>>
      %dma_wait3A_508 = arith.constant 0 : i32
      %dma_wait3A_509 = arith.constant 0 : i32
      %dma_wait3A_510 = tpu.memref_slice %arg3[%add3A, %dma_wait3A_508, %dma_wait3A_509] : memref<32x160x64xi32, #tpu.memory_space<hbm>> -> memref<1x40x64xi32, #tpu.memory_space<hbm>>
      %dma_wait3A_511 = tpu.memref_squeeze %dma_wait3A_510 : memref<1x40x64xi32, #tpu.memory_space<hbm>> -> memref<40x64xi32, #tpu.memory_space<hbm>>
      tpu.wait_dma2 semaphore(%run_scoped3A_479 : memref<!tpu.dma_semaphore, #tpu.memory_space<semaphore_mem>>) src(%dma_wait3A_511 : memref<40x64xi32, #tpu.memory_space<hbm>>) dst(%dma_wait3A_507 : memref<40x64xi32, #tpu.memory_space<vmem>>)
      tpu.yield
    }) : () -> ()
    %run_scoped3A_37 = arith.constant 1 : i32
    "tpu.region"() ({
      %run_scoped3A_479 = tpu.sem_alloc : memref<!tpu.dma_semaphore, #tpu.memory_space<semaphore_mem>>
      %dma_start3A_480 = arith.constant 0 : i32
      %dma_start3A_481 = arith.constant 0 : i32
      %dma_start3A_482 = tpu.memref_slice %arg6[%run_scoped3A_37, %dma_start3A_480, %dma_start3A_481] : memref<2x40x64xi32, #tpu.memory_space<vmem>> -> memref<1x40x64xi32, #tpu.memory_space<vmem>>
      %dma_start3A_483 = tpu.memref_squeeze %dma_start3A_482 : memref<1x40x64xi32, #tpu.memory_space<vmem>> -> memref<40x64xi32, #tpu.memory_space<vmem>>
      %dma_start3A_484 = arith.constant 0 : i32
      %dma_start3A_485 = arith.constant 0 : i32
      %dma_start3A_486 = tpu.memref_slice %arg4[%add3A, %dma_start3A_484, %dma_start3A_485] : memref<32x160x64xi32, #tpu.memory_space<hbm>> -> memref<1x40x64xi32, #tpu.memory_space<hbm>>
      %dma_start3A_487 = tpu.memref_squeeze %dma_start3A_486 : memref<1x40x64xi32, #tpu.memory_space<hbm>> -> memref<40x64xi32, #tpu.memory_space<hbm>>
      %dma_start3A_488 = arith.constant 0 : i32
      %dma_start3A_489 = arith.constant 0 : i32
      %dma_start3A_490 = tpu.memref_slice %arg6[%run_scoped3A_37, %dma_start3A_488, %dma_start3A_489] : memref<2x40x64xi32, #tpu.memory_space<vmem>> -> memref<1x40x64xi32, #tpu.memory_space<vmem>>
      %dma_start3A_491 = tpu.memref_squeeze %dma_start3A_490 : memref<1x40x64xi32, #tpu.memory_space<vmem>> -> memref<40x64xi32, #tpu.memory_space<vmem>>
      %dma_start3A_492 = arith.constant 0 : i32
      %dma_start3A_493 = arith.constant 0 : i32
      %dma_start3A_494 = tpu.memref_slice %arg4[%add3A, %dma_start3A_492, %dma_start3A_493] : memref<32x160x64xi32, #tpu.memory_space<hbm>> -> memref<1x40x64xi32, #tpu.memory_space<hbm>>
      %dma_start3A_495 = tpu.memref_squeeze %dma_start3A_494 : memref<1x40x64xi32, #tpu.memory_space<hbm>> -> memref<40x64xi32, #tpu.memory_space<hbm>>
      tpu.enqueue_dma source(%dma_start3A_495 : memref<40x64xi32, #tpu.memory_space<hbm>>) target(%dma_start3A_491 : memref<40x64xi32, #tpu.memory_space<vmem>>) target_semaphore(%run_scoped3A_479 : memref<!tpu.dma_semaphore, #tpu.memory_space<semaphore_mem>>)
      %dma_wait3A_496 = arith.constant 0 : i32
      %dma_wait3A_497 = arith.constant 0 : i32
      %dma_wait3A_498 = tpu.memref_slice %arg6[%run_scoped3A_37, %dma_wait3A_496, %dma_wait3A_497] : memref<2x40x64xi32, #tpu.memory_space<vmem>> -> memref<1x40x64xi32, #tpu.memory_space<vmem>>
      %dma_wait3A_499 = tpu.memref_squeeze %dma_wait3A_498 : memref<1x40x64xi32, #tpu.memory_space<vmem>> -> memref<40x64xi32, #tpu.memory_space<vmem>>
      %dma_wait3A_500 = arith.constant 0 : i32
      %dma_wait3A_501 = arith.constant 0 : i32
      %dma_wait3A_502 = tpu.memref_slice %arg4[%add3A, %dma_wait3A_500, %dma_wait3A_501] : memref<32x160x64xi32, #tpu.memory_space<hbm>> -> memref<1x40x64xi32, #tpu.memory_space<hbm>>
      %dma_wait3A_503 = tpu.memref_squeeze %dma_wait3A_502 : memref<1x40x64xi32, #tpu.memory_space<hbm>> -> memref<40x64xi32, #tpu.memory_space<hbm>>
      %dma_wait3A_504 = arith.constant 0 : i32
      %dma_wait3A_505 = arith.constant 0 : i32
      %dma_wait3A_506 = tpu.memref_slice %arg6[%run_scoped3A_37, %dma_wait3A_504, %dma_wait3A_505] : memref<2x40x64xi32, #tpu.memory_space<vmem>> -> memref<1x40x64xi32, #tpu.memory_space<vmem>>
      %dma_wait3A_507 = tpu.memref_squeeze %dma_wait3A_506 : memref<1x40x64xi32, #tpu.memory_space<vmem>> -> memref<40x64xi32, #tpu.memory_space<vmem>>
      %dma_wait3A_508 = arith.constant 0 : i32
      %dma_wait3A_509 = arith.constant 0 : i32
      %dma_wait3A_510 = tpu.memref_slice %arg4[%add3A, %dma_wait3A_508, %dma_wait3A_509] : memref<32x160x64xi32, #tpu.memory_space<hbm>> -> memref<1x40x64xi32, #tpu.memory_space<hbm>>
      %dma_wait3A_511 = tpu.memref_squeeze %dma_wait3A_510 : memref<1x40x64xi32, #tpu.memory_space<hbm>> -> memref<40x64xi32, #tpu.memory_space<hbm>>
      tpu.wait_dma2 semaphore(%run_scoped3A_479 : memref<!tpu.dma_semaphore, #tpu.memory_space<semaphore_mem>>) src(%dma_wait3A_511 : memref<40x64xi32, #tpu.memory_space<hbm>>) dst(%dma_wait3A_507 : memref<40x64xi32, #tpu.memory_space<vmem>>)
      tpu.yield
    }) : () -> ()
    %dma_start3A = arith.constant 0 : i32
    %dma_start3A_38 = arith.constant 0 : i32
    %dma_start3A_39 = arith.constant 0 : i32
    %dma_start3A_40 = arith.constant 0 : i32
    %dma_start3A_41 = arith.constant 0 : i32
    %dma_start3A_42 = tpu.memref_slice %arg7[%dma_start3A_39, %dma_start3A_40, %dma_start3A_41] : memref<4x64x128xf32, #tpu.memory_space<vmem>> -> memref<1x64x128xf32, #tpu.memory_space<vmem>>
    %dma_start3A_43 = tpu.memref_squeeze %dma_start3A_42 : memref<1x64x128xf32, #tpu.memory_space<vmem>> -> memref<64x128xf32, #tpu.memory_space<vmem>>
    %dma_start3A_44 = arith.constant 0 : i32
    %dma_start3A_45 = tpu.memref_slice %arg6[%dma_start3A, %dma_start3A_38, %dma_start3A_44] : memref<2x40x64xi32, #tpu.memory_space<vmem>> -> memref<1x1x64xi32, #tpu.memory_space<vmem>>
    %dma_start3A_46 = tpu.memref_squeeze %dma_start3A_45 : memref<1x1x64xi32, #tpu.memory_space<vmem>> -> memref<64xi32, #tpu.memory_space<vmem>>
    %dma_start3A_47 = arith.constant 0 : i32
    %dma_start3A_48 = arith.constant 0 : i32
    %dma_start3A_49 = tpu.memref_slice %arg2[%dma_start3A_47, %dma_start3A_48] : memref<10240x128xf32, #tpu.memory_space<hbm>> -> memref<10240x128xf32, #tpu.memory_space<hbm>>
    tpu.enqueue_indirect_dma source(%dma_start3A_49 : memref<10240x128xf32, #tpu.memory_space<hbm>>) target(%dma_start3A_43 : memref<64x128xf32, #tpu.memory_space<vmem>>) offsets(%dma_start3A_46 : memref<64xi32, #tpu.memory_space<vmem>>) semaphore(%arg9 : memref<!tpu.dma_semaphore, #tpu.memory_space<semaphore_mem>>)
    %dma_start3A_50 = arith.constant 0 : i32
    %dma_start3A_51 = arith.constant 1 : i32
    %dma_start3A_52 = arith.constant 1 : i32
    %dma_start3A_53 = arith.constant 0 : i32
    %dma_start3A_54 = arith.constant 0 : i32
    %dma_start3A_55 = tpu.memref_slice %arg7[%dma_start3A_52, %dma_start3A_53, %dma_start3A_54] : memref<4x64x128xf32, #tpu.memory_space<vmem>> -> memref<1x64x128xf32, #tpu.memory_space<vmem>>
    %dma_start3A_56 = tpu.memref_squeeze %dma_start3A_55 : memref<1x64x128xf32, #tpu.memory_space<vmem>> -> memref<64x128xf32, #tpu.memory_space<vmem>>
    %dma_start3A_57 = arith.constant 0 : i32
    %dma_start3A_58 = tpu.memref_slice %arg6[%dma_start3A_50, %dma_start3A_51, %dma_start3A_57] : memref<2x40x64xi32, #tpu.memory_space<vmem>> -> memref<1x1x64xi32, #tpu.memory_space<vmem>>
    %dma_start3A_59 = tpu.memref_squeeze %dma_start3A_58 : memref<1x1x64xi32, #tpu.memory_space<vmem>> -> memref<64xi32, #tpu.memory_space<vmem>>
    %dma_start3A_60 = arith.constant 0 : i32
    %dma_start3A_61 = arith.constant 0 : i32
    %dma_start3A_62 = tpu.memref_slice %arg2[%dma_start3A_60, %dma_start3A_61] : memref<10240x128xf32, #tpu.memory_space<hbm>> -> memref<10240x128xf32, #tpu.memory_space<hbm>>
    tpu.enqueue_indirect_dma source(%dma_start3A_62 : memref<10240x128xf32, #tpu.memory_space<hbm>>) target(%dma_start3A_56 : memref<64x128xf32, #tpu.memory_space<vmem>>) offsets(%dma_start3A_59 : memref<64xi32, #tpu.memory_space<vmem>>) semaphore(%arg10 : memref<!tpu.dma_semaphore, #tpu.memory_space<semaphore_mem>>)
    %dma_start3A_63 = arith.constant 0 : i32
    %dma_start3A_64 = arith.constant 2 : i32
    %dma_start3A_65 = arith.constant 2 : i32
    %dma_start3A_66 = arith.constant 0 : i32
    %dma_start3A_67 = arith.constant 0 : i32
    %dma_start3A_68 = tpu.memref_slice %arg7[%dma_start3A_65, %dma_start3A_66, %dma_start3A_67] : memref<4x64x128xf32, #tpu.memory_space<vmem>> -> memref<1x64x128xf32, #tpu.memory_space<vmem>>
    %dma_start3A_69 = tpu.memref_squeeze %dma_start3A_68 : memref<1x64x128xf32, #tpu.memory_space<vmem>> -> memref<64x128xf32, #tpu.memory_space<vmem>>
    %dma_start3A_70 = arith.constant 0 : i32
    %dma_start3A_71 = tpu.memref_slice %arg6[%dma_start3A_63, %dma_start3A_64, %dma_start3A_70] : memref<2x40x64xi32, #tpu.memory_space<vmem>> -> memref<1x1x64xi32, #tpu.memory_space<vmem>>
    %dma_start3A_72 = tpu.memref_squeeze %dma_start3A_71 : memref<1x1x64xi32, #tpu.memory_space<vmem>> -> memref<64xi32, #tpu.memory_space<vmem>>
    %dma_start3A_73 = arith.constant 0 : i32
    %dma_start3A_74 = arith.constant 0 : i32
    %dma_start3A_75 = tpu.memref_slice %arg2[%dma_start3A_73, %dma_start3A_74] : memref<10240x128xf32, #tpu.memory_space<hbm>> -> memref<10240x128xf32, #tpu.memory_space<hbm>>
    tpu.enqueue_indirect_dma source(%dma_start3A_75 : memref<10240x128xf32, #tpu.memory_space<hbm>>) target(%dma_start3A_69 : memref<64x128xf32, #tpu.memory_space<vmem>>) offsets(%dma_start3A_72 : memref<64xi32, #tpu.memory_space<vmem>>) semaphore(%arg11 : memref<!tpu.dma_semaphore, #tpu.memory_space<semaphore_mem>>)
    %dma_start3A_76 = arith.constant 0 : i32
    %dma_start3A_77 = arith.constant 3 : i32
    %dma_start3A_78 = arith.constant 3 : i32
    %dma_start3A_79 = arith.constant 0 : i32
    %dma_start3A_80 = arith.constant 0 : i32
    %dma_start3A_81 = tpu.memref_slice %arg7[%dma_start3A_78, %dma_start3A_79, %dma_start3A_80] : memref<4x64x128xf32, #tpu.memory_space<vmem>> -> memref<1x64x128xf32, #tpu.memory_space<vmem>>
    %dma_start3A_82 = tpu.memref_squeeze %dma_start3A_81 : memref<1x64x128xf32, #tpu.memory_space<vmem>> -> memref<64x128xf32, #tpu.memory_space<vmem>>
    %dma_start3A_83 = arith.constant 0 : i32
    %dma_start3A_84 = tpu.memref_slice %arg6[%dma_start3A_76, %dma_start3A_77, %dma_start3A_83] : memref<2x40x64xi32, #tpu.memory_space<vmem>> -> memref<1x1x64xi32, #tpu.memory_space<vmem>>
    %dma_start3A_85 = tpu.memref_squeeze %dma_start3A_84 : memref<1x1x64xi32, #tpu.memory_space<vmem>> -> memref<64xi32, #tpu.memory_space<vmem>>
    %dma_start3A_86 = arith.constant 0 : i32
    %dma_start3A_87 = arith.constant 0 : i32
    %dma_start3A_88 = tpu.memref_slice %arg2[%dma_start3A_86, %dma_start3A_87] : memref<10240x128xf32, #tpu.memory_space<hbm>> -> memref<10240x128xf32, #tpu.memory_space<hbm>>
    tpu.enqueue_indirect_dma source(%dma_start3A_88 : memref<10240x128xf32, #tpu.memory_space<hbm>>) target(%dma_start3A_82 : memref<64x128xf32, #tpu.memory_space<vmem>>) offsets(%dma_start3A_85 : memref<64xi32, #tpu.memory_space<vmem>>) semaphore(%arg12 : memref<!tpu.dma_semaphore, #tpu.memory_space<semaphore_mem>>)
    %scan3A_89 = arith.constant 0 : i32
    %scan3A_90 = arith.constant 10 : i32
    %scan3A_91 = arith.addi %scan3A_89, %scan3A_90 : i32
    %scan3A_92 = arith.constant 1 : i32
    scf.for %scan3A_479 = %scan3A_89 to %scan3A_91 step %scan3A_92  : i32 {
      %mul3A_480 = arith.constant 1 : i32
      %mul3A_481 = arith.muli %scan3A_479, %mul3A_480 : i32
      %add3A_482 = arith.constant 0 : i32
      %add3A_483 = arith.addi %add3A_482, %mul3A_481 : i32
      %mul3A_484 = arith.constant 4 : i32
      %mul3A_485 = arith.muli %mul3A_484, %add3A_483 : i32
      %add3A_486 = arith.constant 0 : i32
      %add3A_487 = arith.addi %mul3A_485, %add3A_486 : i32
      %dma_wait3A_488 = arith.constant 0 : i32
      %dma_wait3A_489 = arith.constant 0 : i32
      %dma_wait3A_490 = arith.constant 0 : i32
      %dma_wait3A_491 = arith.constant 0 : i32
      %dma_wait3A_492 = tpu.memref_slice %arg7[%dma_wait3A_489, %dma_wait3A_490, %dma_wait3A_491] : memref<4x64x128xf32, #tpu.memory_space<vmem>> -> memref<1x64x128xf32, #tpu.memory_space<vmem>>
      %dma_wait3A_493 = tpu.memref_squeeze %dma_wait3A_492 : memref<1x64x128xf32, #tpu.memory_space<vmem>> -> memref<64x128xf32, #tpu.memory_space<vmem>>
      %dma_wait3A_494 = arith.constant 0 : i32
      %dma_wait3A_495 = tpu.memref_slice %arg6[%dma_wait3A_488, %add3A_487, %dma_wait3A_494] : memref<2x40x64xi32, #tpu.memory_space<vmem>> -> memref<1x1x64xi32, #tpu.memory_space<vmem>>
      %dma_wait3A_496 = tpu.memref_squeeze %dma_wait3A_495 : memref<1x1x64xi32, #tpu.memory_space<vmem>> -> memref<64xi32, #tpu.memory_space<vmem>>
      %dma_wait3A_497 = arith.constant 0 : i32
      %dma_wait3A_498 = arith.constant 0 : i32
      %dma_wait3A_499 = tpu.memref_slice %arg2[%dma_wait3A_497, %dma_wait3A_498] : memref<10240x128xf32, #tpu.memory_space<hbm>> -> memref<10240x128xf32, #tpu.memory_space<hbm>>
      tpu.wait_indirect_dma semaphore(%arg9 : memref<!tpu.dma_semaphore, #tpu.memory_space<semaphore_mem>>) src(%dma_wait3A_499 : memref<10240x128xf32, #tpu.memory_space<hbm>>) dst(%dma_wait3A_493 : memref<64x128xf32, #tpu.memory_space<vmem>>)
      %add3A_500 = arith.constant 0 : i32
      %add3A_501 = arith.addi %mul3A_485, %add3A_500 : i32
      %dma_start3A_502 = arith.constant 0 : i32
      %dma_start3A_503 = arith.constant 1 : i32
      %dma_start3A_504 = arith.constant 0 : i32
      %dma_start3A_505 = arith.constant 0 : i32
      %dma_start3A_506 = tpu.memref_slice %arg7[%dma_start3A_502, %dma_start3A_504, %dma_start3A_505] : memref<4x64x128xf32, #tpu.memory_space<vmem>> -> memref<1x64x128xf32, #tpu.memory_space<vmem>>
      %dma_start3A_507 = tpu.memref_squeeze %dma_start3A_506 : memref<1x64x128xf32, #tpu.memory_space<vmem>> -> memref<64x128xf32, #tpu.memory_space<vmem>>
      %dma_start3A_508 = arith.constant 0 : i32
      %dma_start3A_509 = tpu.memref_slice %arg6[%dma_start3A_503, %add3A_501, %dma_start3A_508] : memref<2x40x64xi32, #tpu.memory_space<vmem>> -> memref<1x1x64xi32, #tpu.memory_space<vmem>>
      %dma_start3A_510 = tpu.memref_squeeze %dma_start3A_509 : memref<1x1x64xi32, #tpu.memory_space<vmem>> -> memref<64xi32, #tpu.memory_space<vmem>>
      %dma_start3A_511 = arith.constant 0 : i32
      %dma_start3A_512 = arith.constant 0 : i32
      %dma_start3A_513 = tpu.memref_slice %arg8[%dma_start3A_511, %dma_start3A_512] : memref<10240x128xf32, #tpu.memory_space<vmem_shared>> -> memref<10240x128xf32, #tpu.memory_space<vmem_shared>>
      tpu.enqueue_indirect_dma source(%dma_start3A_507 : memref<64x128xf32, #tpu.memory_space<vmem>>) target(%dma_start3A_513 : memref<10240x128xf32, #tpu.memory_space<vmem_shared>>) offsets(%dma_start3A_510 : memref<64xi32, #tpu.memory_space<vmem>>) semaphore(%arg13 : memref<!tpu.dma_semaphore, #tpu.memory_space<semaphore_mem>>) {add = true}
      %add3A_514 = arith.constant 1 : i32
      %add3A_515 = arith.addi %mul3A_485, %add3A_514 : i32
      %dma_wait3A_516 = arith.constant 0 : i32
      %dma_wait3A_517 = arith.constant 1 : i32
      %dma_wait3A_518 = arith.constant 0 : i32
      %dma_wait3A_519 = arith.constant 0 : i32
      %dma_wait3A_520 = tpu.memref_slice %arg7[%dma_wait3A_517, %dma_wait3A_518, %dma_wait3A_519] : memref<4x64x128xf32, #tpu.memory_space<vmem>> -> memref<1x64x128xf32, #tpu.memory_space<vmem>>
      %dma_wait3A_521 = tpu.memref_squeeze %dma_wait3A_520 : memref<1x64x128xf32, #tpu.memory_space<vmem>> -> memref<64x128xf32, #tpu.memory_space<vmem>>
      %dma_wait3A_522 = arith.constant 0 : i32
      %dma_wait3A_523 = tpu.memref_slice %arg6[%dma_wait3A_516, %add3A_515, %dma_wait3A_522] : memref<2x40x64xi32, #tpu.memory_space<vmem>> -> memref<1x1x64xi32, #tpu.memory_space<vmem>>
      %dma_wait3A_524 = tpu.memref_squeeze %dma_wait3A_523 : memref<1x1x64xi32, #tpu.memory_space<vmem>> -> memref<64xi32, #tpu.memory_space<vmem>>
      %dma_wait3A_525 = arith.constant 0 : i32
      %dma_wait3A_526 = arith.constant 0 : i32
      %dma_wait3A_527 = tpu.memref_slice %arg2[%dma_wait3A_525, %dma_wait3A_526] : memref<10240x128xf32, #tpu.memory_space<hbm>> -> memref<10240x128xf32, #tpu.memory_space<hbm>>
      tpu.wait_indirect_dma semaphore(%arg10 : memref<!tpu.dma_semaphore, #tpu.memory_space<semaphore_mem>>) src(%dma_wait3A_527 : memref<10240x128xf32, #tpu.memory_space<hbm>>) dst(%dma_wait3A_521 : memref<64x128xf32, #tpu.memory_space<vmem>>)
      %add3A_528 = arith.constant 1 : i32
      %add3A_529 = arith.addi %mul3A_485, %add3A_528 : i32
      %dma_start3A_530 = arith.constant 1 : i32
      %dma_start3A_531 = arith.constant 1 : i32
      %dma_start3A_532 = arith.constant 0 : i32
      %dma_start3A_533 = arith.constant 0 : i32
      %dma_start3A_534 = tpu.memref_slice %arg7[%dma_start3A_530, %dma_start3A_532, %dma_start3A_533] : memref<4x64x128xf32, #tpu.memory_space<vmem>> -> memref<1x64x128xf32, #tpu.memory_space<vmem>>
      %dma_start3A_535 = tpu.memref_squeeze %dma_start3A_534 : memref<1x64x128xf32, #tpu.memory_space<vmem>> -> memref<64x128xf32, #tpu.memory_space<vmem>>
      %dma_start3A_536 = arith.constant 0 : i32
      %dma_start3A_537 = tpu.memref_slice %arg6[%dma_start3A_531, %add3A_529, %dma_start3A_536] : memref<2x40x64xi32, #tpu.memory_space<vmem>> -> memref<1x1x64xi32, #tpu.memory_space<vmem>>
      %dma_start3A_538 = tpu.memref_squeeze %dma_start3A_537 : memref<1x1x64xi32, #tpu.memory_space<vmem>> -> memref<64xi32, #tpu.memory_space<vmem>>
      %dma_start3A_539 = arith.constant 0 : i32
      %dma_start3A_540 = arith.constant 0 : i32
      %dma_start3A_541 = tpu.memref_slice %arg8[%dma_start3A_539, %dma_start3A_540] : memref<10240x128xf32, #tpu.memory_space<vmem_shared>> -> memref<10240x128xf32, #tpu.memory_space<vmem_shared>>
      tpu.enqueue_indirect_dma source(%dma_start3A_535 : memref<64x128xf32, #tpu.memory_space<vmem>>) target(%dma_start3A_541 : memref<10240x128xf32, #tpu.memory_space<vmem_shared>>) offsets(%dma_start3A_538 : memref<64xi32, #tpu.memory_space<vmem>>) semaphore(%arg14 : memref<!tpu.dma_semaphore, #tpu.memory_space<semaphore_mem>>) {add = true}
      %add3A_542 = arith.constant 2 : i32
      %add3A_543 = arith.addi %mul3A_485, %add3A_542 : i32
      %dma_wait3A_544 = arith.constant 0 : i32
      %dma_wait3A_545 = arith.constant 2 : i32
      %dma_wait3A_546 = arith.constant 0 : i32
      %dma_wait3A_547 = arith.constant 0 : i32
      %dma_wait3A_548 = tpu.memref_slice %arg7[%dma_wait3A_545, %dma_wait3A_546, %dma_wait3A_547] : memref<4x64x128xf32, #tpu.memory_space<vmem>> -> memref<1x64x128xf32, #tpu.memory_space<vmem>>
      %dma_wait3A_549 = tpu.memref_squeeze %dma_wait3A_548 : memref<1x64x128xf32, #tpu.memory_space<vmem>> -> memref<64x128xf32, #tpu.memory_space<vmem>>
      %dma_wait3A_550 = arith.constant 0 : i32
      %dma_wait3A_551 = tpu.memref_slice %arg6[%dma_wait3A_544, %add3A_543, %dma_wait3A_550] : memref<2x40x64xi32, #tpu.memory_space<vmem>> -> memref<1x1x64xi32, #tpu.memory_space<vmem>>
      %dma_wait3A_552 = tpu.memref_squeeze %dma_wait3A_551 : memref<1x1x64xi32, #tpu.memory_space<vmem>> -> memref<64xi32, #tpu.memory_space<vmem>>
      %dma_wait3A_553 = arith.constant 0 : i32
      %dma_wait3A_554 = arith.constant 0 : i32
      %dma_wait3A_555 = tpu.memref_slice %arg2[%dma_wait3A_553, %dma_wait3A_554] : memref<10240x128xf32, #tpu.memory_space<hbm>> -> memref<10240x128xf32, #tpu.memory_space<hbm>>
      tpu.wait_indirect_dma semaphore(%arg11 : memref<!tpu.dma_semaphore, #tpu.memory_space<semaphore_mem>>) src(%dma_wait3A_555 : memref<10240x128xf32, #tpu.memory_space<hbm>>) dst(%dma_wait3A_549 : memref<64x128xf32, #tpu.memory_space<vmem>>)
      %add3A_556 = arith.constant 2 : i32
      %add3A_557 = arith.addi %mul3A_485, %add3A_556 : i32
      %dma_start3A_558 = arith.constant 2 : i32
      %dma_start3A_559 = arith.constant 1 : i32
      %dma_start3A_560 = arith.constant 0 : i32
      %dma_start3A_561 = arith.constant 0 : i32
      %dma_start3A_562 = tpu.memref_slice %arg7[%dma_start3A_558, %dma_start3A_560, %dma_start3A_561] : memref<4x64x128xf32, #tpu.memory_space<vmem>> -> memref<1x64x128xf32, #tpu.memory_space<vmem>>
      %dma_start3A_563 = tpu.memref_squeeze %dma_start3A_562 : memref<1x64x128xf32, #tpu.memory_space<vmem>> -> memref<64x128xf32, #tpu.memory_space<vmem>>
      %dma_start3A_564 = arith.constant 0 : i32
      %dma_start3A_565 = tpu.memref_slice %arg6[%dma_start3A_559, %add3A_557, %dma_start3A_564] : memref<2x40x64xi32, #tpu.memory_space<vmem>> -> memref<1x1x64xi32, #tpu.memory_space<vmem>>
      %dma_start3A_566 = tpu.memref_squeeze %dma_start3A_565 : memref<1x1x64xi32, #tpu.memory_space<vmem>> -> memref<64xi32, #tpu.memory_space<vmem>>
      %dma_start3A_567 = arith.constant 0 : i32
      %dma_start3A_568 = arith.constant 0 : i32
      %dma_start3A_569 = tpu.memref_slice %arg8[%dma_start3A_567, %dma_start3A_568] : memref<10240x128xf32, #tpu.memory_space<vmem_shared>> -> memref<10240x128xf32, #tpu.memory_space<vmem_shared>>
      tpu.enqueue_indirect_dma source(%dma_start3A_563 : memref<64x128xf32, #tpu.memory_space<vmem>>) target(%dma_start3A_569 : memref<10240x128xf32, #tpu.memory_space<vmem_shared>>) offsets(%dma_start3A_566 : memref<64xi32, #tpu.memory_space<vmem>>) semaphore(%arg15 : memref<!tpu.dma_semaphore, #tpu.memory_space<semaphore_mem>>) {add = true}
      %add3A_570 = arith.constant 3 : i32
      %add3A_571 = arith.addi %mul3A_485, %add3A_570 : i32
      %dma_wait3A_572 = arith.constant 0 : i32
      %dma_wait3A_573 = arith.constant 3 : i32
      %dma_wait3A_574 = arith.constant 0 : i32
      %dma_wait3A_575 = arith.constant 0 : i32
      %dma_wait3A_576 = tpu.memref_slice %arg7[%dma_wait3A_573, %dma_wait3A_574, %dma_wait3A_575] : memref<4x64x128xf32, #tpu.memory_space<vmem>> -> memref<1x64x128xf32, #tpu.memory_space<vmem>>
      %dma_wait3A_577 = tpu.memref_squeeze %dma_wait3A_576 : memref<1x64x128xf32, #tpu.memory_space<vmem>> -> memref<64x128xf32, #tpu.memory_space<vmem>>
      %dma_wait3A_578 = arith.constant 0 : i32
      %dma_wait3A_579 = tpu.memref_slice %arg6[%dma_wait3A_572, %add3A_571, %dma_wait3A_578] : memref<2x40x64xi32, #tpu.memory_space<vmem>> -> memref<1x1x64xi32, #tpu.memory_space<vmem>>
      %dma_wait3A_580 = tpu.memref_squeeze %dma_wait3A_579 : memref<1x1x64xi32, #tpu.memory_space<vmem>> -> memref<64xi32, #tpu.memory_space<vmem>>
      %dma_wait3A_581 = arith.constant 0 : i32
      %dma_wait3A_582 = arith.constant 0 : i32
      %dma_wait3A_583 = tpu.memref_slice %arg2[%dma_wait3A_581, %dma_wait3A_582] : memref<10240x128xf32, #tpu.memory_space<hbm>> -> memref<10240x128xf32, #tpu.memory_space<hbm>>
      tpu.wait_indirect_dma semaphore(%arg12 : memref<!tpu.dma_semaphore, #tpu.memory_space<semaphore_mem>>) src(%dma_wait3A_583 : memref<10240x128xf32, #tpu.memory_space<hbm>>) dst(%dma_wait3A_577 : memref<64x128xf32, #tpu.memory_space<vmem>>)
      %add3A_584 = arith.constant 3 : i32
      %add3A_585 = arith.addi %mul3A_485, %add3A_584 : i32
      %dma_start3A_586 = arith.constant 3 : i32
      %dma_start3A_587 = arith.constant 1 : i32
      %dma_start3A_588 = arith.constant 0 : i32
      %dma_start3A_589 = arith.constant 0 : i32
      %dma_start3A_590 = tpu.memref_slice %arg7[%dma_start3A_586, %dma_start3A_588, %dma_start3A_589] : memref<4x64x128xf32, #tpu.memory_space<vmem>> -> memref<1x64x128xf32, #tpu.memory_space<vmem>>
      %dma_start3A_591 = tpu.memref_squeeze %dma_start3A_590 : memref<1x64x128xf32, #tpu.memory_space<vmem>> -> memref<64x128xf32, #tpu.memory_space<vmem>>
      %dma_start3A_592 = arith.constant 0 : i32
      %dma_start3A_593 = tpu.memref_slice %arg6[%dma_start3A_587, %add3A_585, %dma_start3A_592] : memref<2x40x64xi32, #tpu.memory_space<vmem>> -> memref<1x1x64xi32, #tpu.memory_space<vmem>>
      %dma_start3A_594 = tpu.memref_squeeze %dma_start3A_593 : memref<1x1x64xi32, #tpu.memory_space<vmem>> -> memref<64xi32, #tpu.memory_space<vmem>>
      %dma_start3A_595 = arith.constant 0 : i32
      %dma_start3A_596 = arith.constant 0 : i32
      %dma_start3A_597 = tpu.memref_slice %arg8[%dma_start3A_595, %dma_start3A_596] : memref<10240x128xf32, #tpu.memory_space<vmem_shared>> -> memref<10240x128xf32, #tpu.memory_space<vmem_shared>>
      tpu.enqueue_indirect_dma source(%dma_start3A_591 : memref<64x128xf32, #tpu.memory_space<vmem>>) target(%dma_start3A_597 : memref<10240x128xf32, #tpu.memory_space<vmem_shared>>) offsets(%dma_start3A_594 : memref<64xi32, #tpu.memory_space<vmem>>) semaphore(%arg16 : memref<!tpu.dma_semaphore, #tpu.memory_space<semaphore_mem>>) {add = true}
      %lt3A = arith.constant 9 : i32
      %lt3A_598 = arith.cmpi slt, %add3A_483, %lt3A : i32
      %convert_element_type3A = arith.extui %lt3A_598 : i1 to i32
      %cond3A = arith.constant 0 : i32
      %cond3A_599 = arith.cmpi ne, %convert_element_type3A, %cond3A : i32
      scf.if %cond3A_599 {
        %add3A_600 = arith.constant 0 : i32
        %add3A_601 = arith.addi %mul3A_485, %add3A_600 : i32
        %dma_wait3A_602 = arith.constant 0 : i32
        %dma_wait3A_603 = arith.constant 1 : i32
        %dma_wait3A_604 = arith.constant 0 : i32
        %dma_wait3A_605 = arith.constant 0 : i32
        %dma_wait3A_606 = tpu.memref_slice %arg7[%dma_wait3A_602, %dma_wait3A_604, %dma_wait3A_605] : memref<4x64x128xf32, #tpu.memory_space<vmem>> -> memref<1x64x128xf32, #tpu.memory_space<vmem>>
        %dma_wait3A_607 = tpu.memref_squeeze %dma_wait3A_606 : memref<1x64x128xf32, #tpu.memory_space<vmem>> -> memref<64x128xf32, #tpu.memory_space<vmem>>
        %dma_wait3A_608 = arith.constant 0 : i32
        %dma_wait3A_609 = tpu.memref_slice %arg6[%dma_wait3A_603, %add3A_601, %dma_wait3A_608] : memref<2x40x64xi32, #tpu.memory_space<vmem>> -> memref<1x1x64xi32, #tpu.memory_space<vmem>>
        %dma_wait3A_610 = tpu.memref_squeeze %dma_wait3A_609 : memref<1x1x64xi32, #tpu.memory_space<vmem>> -> memref<64xi32, #tpu.memory_space<vmem>>
        %dma_wait3A_611 = arith.constant 0 : i32
        %dma_wait3A_612 = arith.constant 0 : i32
        %dma_wait3A_613 = tpu.memref_slice %arg8[%dma_wait3A_611, %dma_wait3A_612] : memref<10240x128xf32, #tpu.memory_space<vmem_shared>> -> memref<10240x128xf32, #tpu.memory_space<vmem_shared>>
        tpu.wait_indirect_dma semaphore(%arg13 : memref<!tpu.dma_semaphore, #tpu.memory_space<semaphore_mem>>) src(%dma_wait3A_607 : memref<64x128xf32, #tpu.memory_space<vmem>>) dst(%dma_wait3A_613 : memref<10240x128xf32, #tpu.memory_space<vmem_shared>>)
        %add3A_614 = arith.constant 4 : i32
        %add3A_615 = arith.addi %mul3A_485, %add3A_614 : i32
        %add3A_616 = arith.constant 0 : i32
        %add3A_617 = arith.addi %add3A_615, %add3A_616 : i32
        %dma_start3A_618 = arith.constant 0 : i32
        %dma_start3A_619 = arith.constant 0 : i32
        %dma_start3A_620 = arith.constant 0 : i32
        %dma_start3A_621 = arith.constant 0 : i32
        %dma_start3A_622 = tpu.memref_slice %arg7[%dma_start3A_619, %dma_start3A_620, %dma_start3A_621] : memref<4x64x128xf32, #tpu.memory_space<vmem>> -> memref<1x64x128xf32, #tpu.memory_space<vmem>>
        %dma_start3A_623 = tpu.memref_squeeze %dma_start3A_622 : memref<1x64x128xf32, #tpu.memory_space<vmem>> -> memref<64x128xf32, #tpu.memory_space<vmem>>
        %dma_start3A_624 = arith.constant 0 : i32
        %dma_start3A_625 = tpu.memref_slice %arg6[%dma_start3A_618, %add3A_617, %dma_start3A_624] : memref<2x40x64xi32, #tpu.memory_space<vmem>> -> memref<1x1x64xi32, #tpu.memory_space<vmem>>
        %dma_start3A_626 = tpu.memref_squeeze %dma_start3A_625 : memref<1x1x64xi32, #tpu.memory_space<vmem>> -> memref<64xi32, #tpu.memory_space<vmem>>
        %dma_start3A_627 = arith.constant 0 : i32
        %dma_start3A_628 = arith.constant 0 : i32
        %dma_start3A_629 = tpu.memref_slice %arg2[%dma_start3A_627, %dma_start3A_628] : memref<10240x128xf32, #tpu.memory_space<hbm>> -> memref<10240x128xf32, #tpu.memory_space<hbm>>
        tpu.enqueue_indirect_dma source(%dma_start3A_629 : memref<10240x128xf32, #tpu.memory_space<hbm>>) target(%dma_start3A_623 : memref<64x128xf32, #tpu.memory_space<vmem>>) offsets(%dma_start3A_626 : memref<64xi32, #tpu.memory_space<vmem>>) semaphore(%arg9 : memref<!tpu.dma_semaphore, #tpu.memory_space<semaphore_mem>>)
        %add3A_630 = arith.constant 1 : i32
        %add3A_631 = arith.addi %mul3A_485, %add3A_630 : i32
        %dma_wait3A_632 = arith.constant 1 : i32
        %dma_wait3A_633 = arith.constant 1 : i32
        %dma_wait3A_634 = arith.constant 0 : i32
        %dma_wait3A_635 = arith.constant 0 : i32
        %dma_wait3A_636 = tpu.memref_slice %arg7[%dma_wait3A_632, %dma_wait3A_634, %dma_wait3A_635] : memref<4x64x128xf32, #tpu.memory_space<vmem>> -> memref<1x64x128xf32, #tpu.memory_space<vmem>>
        %dma_wait3A_637 = tpu.memref_squeeze %dma_wait3A_636 : memref<1x64x128xf32, #tpu.memory_space<vmem>> -> memref<64x128xf32, #tpu.memory_space<vmem>>
        %dma_wait3A_638 = arith.constant 0 : i32
        %dma_wait3A_639 = tpu.memref_slice %arg6[%dma_wait3A_633, %add3A_631, %dma_wait3A_638] : memref<2x40x64xi32, #tpu.memory_space<vmem>> -> memref<1x1x64xi32, #tpu.memory_space<vmem>>
        %dma_wait3A_640 = tpu.memref_squeeze %dma_wait3A_639 : memref<1x1x64xi32, #tpu.memory_space<vmem>> -> memref<64xi32, #tpu.memory_space<vmem>>
        %dma_wait3A_641 = arith.constant 0 : i32
        %dma_wait3A_642 = arith.constant 0 : i32
        %dma_wait3A_643 = tpu.memref_slice %arg8[%dma_wait3A_641, %dma_wait3A_642] : memref<10240x128xf32, #tpu.memory_space<vmem_shared>> -> memref<10240x128xf32, #tpu.memory_space<vmem_shared>>
        tpu.wait_indirect_dma semaphore(%arg14 : memref<!tpu.dma_semaphore, #tpu.memory_space<semaphore_mem>>) src(%dma_wait3A_637 : memref<64x128xf32, #tpu.memory_space<vmem>>) dst(%dma_wait3A_643 : memref<10240x128xf32, #tpu.memory_space<vmem_shared>>)
        %add3A_644 = arith.constant 4 : i32
        %add3A_645 = arith.addi %mul3A_485, %add3A_644 : i32
        %add3A_646 = arith.constant 1 : i32
        %add3A_647 = arith.addi %add3A_645, %add3A_646 : i32
        %dma_start3A_648 = arith.constant 0 : i32
        %dma_start3A_649 = arith.constant 1 : i32
        %dma_start3A_650 = arith.constant 0 : i32
        %dma_start3A_651 = arith.constant 0 : i32
        %dma_start3A_652 = tpu.memref_slice %arg7[%dma_start3A_649, %dma_start3A_650, %dma_start3A_651] : memref<4x64x128xf32, #tpu.memory_space<vmem>> -> memref<1x64x128xf32, #tpu.memory_space<vmem>>
        %dma_start3A_653 = tpu.memref_squeeze %dma_start3A_652 : memref<1x64x128xf32, #tpu.memory_space<vmem>> -> memref<64x128xf32, #tpu.memory_space<vmem>>
        %dma_start3A_654 = arith.constant 0 : i32
        %dma_start3A_655 = tpu.memref_slice %arg6[%dma_start3A_648, %add3A_647, %dma_start3A_654] : memref<2x40x64xi32, #tpu.memory_space<vmem>> -> memref<1x1x64xi32, #tpu.memory_space<vmem>>
        %dma_start3A_656 = tpu.memref_squeeze %dma_start3A_655 : memref<1x1x64xi32, #tpu.memory_space<vmem>> -> memref<64xi32, #tpu.memory_space<vmem>>
        %dma_start3A_657 = arith.constant 0 : i32
        %dma_start3A_658 = arith.constant 0 : i32
        %dma_start3A_659 = tpu.memref_slice %arg2[%dma_start3A_657, %dma_start3A_658] : memref<10240x128xf32, #tpu.memory_space<hbm>> -> memref<10240x128xf32, #tpu.memory_space<hbm>>
        tpu.enqueue_indirect_dma source(%dma_start3A_659 : memref<10240x128xf32, #tpu.memory_space<hbm>>) target(%dma_start3A_653 : memref<64x128xf32, #tpu.memory_space<vmem>>) offsets(%dma_start3A_656 : memref<64xi32, #tpu.memory_space<vmem>>) semaphore(%arg10 : memref<!tpu.dma_semaphore, #tpu.memory_space<semaphore_mem>>)
        %add3A_660 = arith.constant 2 : i32
        %add3A_661 = arith.addi %mul3A_485, %add3A_660 : i32
        %dma_wait3A_662 = arith.constant 2 : i32
        %dma_wait3A_663 = arith.constant 1 : i32
        %dma_wait3A_664 = arith.constant 0 : i32
        %dma_wait3A_665 = arith.constant 0 : i32
        %dma_wait3A_666 = tpu.memref_slice %arg7[%dma_wait3A_662, %dma_wait3A_664, %dma_wait3A_665] : memref<4x64x128xf32, #tpu.memory_space<vmem>> -> memref<1x64x128xf32, #tpu.memory_space<vmem>>
        %dma_wait3A_667 = tpu.memref_squeeze %dma_wait3A_666 : memref<1x64x128xf32, #tpu.memory_space<vmem>> -> memref<64x128xf32, #tpu.memory_space<vmem>>
        %dma_wait3A_668 = arith.constant 0 : i32
        %dma_wait3A_669 = tpu.memref_slice %arg6[%dma_wait3A_663, %add3A_661, %dma_wait3A_668] : memref<2x40x64xi32, #tpu.memory_space<vmem>> -> memref<1x1x64xi32, #tpu.memory_space<vmem>>
        %dma_wait3A_670 = tpu.memref_squeeze %dma_wait3A_669 : memref<1x1x64xi32, #tpu.memory_space<vmem>> -> memref<64xi32, #tpu.memory_space<vmem>>
        %dma_wait3A_671 = arith.constant 0 : i32
        %dma_wait3A_672 = arith.constant 0 : i32
        %dma_wait3A_673 = tpu.memref_slice %arg8[%dma_wait3A_671, %dma_wait3A_672] : memref<10240x128xf32, #tpu.memory_space<vmem_shared>> -> memref<10240x128xf32, #tpu.memory_space<vmem_shared>>
        tpu.wait_indirect_dma semaphore(%arg15 : memref<!tpu.dma_semaphore, #tpu.memory_space<semaphore_mem>>) src(%dma_wait3A_667 : memref<64x128xf32, #tpu.memory_space<vmem>>) dst(%dma_wait3A_673 : memref<10240x128xf32, #tpu.memory_space<vmem_shared>>)
        %add3A_674 = arith.constant 4 : i32
        %add3A_675 = arith.addi %mul3A_485, %add3A_674 : i32
        %add3A_676 = arith.constant 2 : i32
        %add3A_677 = arith.addi %add3A_675, %add3A_676 : i32
        %dma_start3A_678 = arith.constant 0 : i32
        %dma_start3A_679 = arith.constant 2 : i32
        %dma_start3A_680 = arith.constant 0 : i32
        %dma_start3A_681 = arith.constant 0 : i32
        %dma_start3A_682 = tpu.memref_slice %arg7[%dma_start3A_679, %dma_start3A_680, %dma_start3A_681] : memref<4x64x128xf32, #tpu.memory_space<vmem>> -> memref<1x64x128xf32, #tpu.memory_space<vmem>>
        %dma_start3A_683 = tpu.memref_squeeze %dma_start3A_682 : memref<1x64x128xf32, #tpu.memory_space<vmem>> -> memref<64x128xf32, #tpu.memory_space<vmem>>
        %dma_start3A_684 = arith.constant 0 : i32
        %dma_start3A_685 = tpu.memref_slice %arg6[%dma_start3A_678, %add3A_677, %dma_start3A_684] : memref<2x40x64xi32, #tpu.memory_space<vmem>> -> memref<1x1x64xi32, #tpu.memory_space<vmem>>
        %dma_start3A_686 = tpu.memref_squeeze %dma_start3A_685 : memref<1x1x64xi32, #tpu.memory_space<vmem>> -> memref<64xi32, #tpu.memory_space<vmem>>
        %dma_start3A_687 = arith.constant 0 : i32
        %dma_start3A_688 = arith.constant 0 : i32
        %dma_start3A_689 = tpu.memref_slice %arg2[%dma_start3A_687, %dma_start3A_688] : memref<10240x128xf32, #tpu.memory_space<hbm>> -> memref<10240x128xf32, #tpu.memory_space<hbm>>
        tpu.enqueue_indirect_dma source(%dma_start3A_689 : memref<10240x128xf32, #tpu.memory_space<hbm>>) target(%dma_start3A_683 : memref<64x128xf32, #tpu.memory_space<vmem>>) offsets(%dma_start3A_686 : memref<64xi32, #tpu.memory_space<vmem>>) semaphore(%arg11 : memref<!tpu.dma_semaphore, #tpu.memory_space<semaphore_mem>>)
        %add3A_690 = arith.constant 3 : i32
        %add3A_691 = arith.addi %mul3A_485, %add3A_690 : i32
        %dma_wait3A_692 = arith.constant 3 : i32
        %dma_wait3A_693 = arith.constant 1 : i32
        %dma_wait3A_694 = arith.constant 0 : i32
        %dma_wait3A_695 = arith.constant 0 : i32
        %dma_wait3A_696 = tpu.memref_slice %arg7[%dma_wait3A_692, %dma_wait3A_694, %dma_wait3A_695] : memref<4x64x128xf32, #tpu.memory_space<vmem>> -> memref<1x64x128xf32, #tpu.memory_space<vmem>>
        %dma_wait3A_697 = tpu.memref_squeeze %dma_wait3A_696 : memref<1x64x128xf32, #tpu.memory_space<vmem>> -> memref<64x128xf32, #tpu.memory_space<vmem>>
        %dma_wait3A_698 = arith.constant 0 : i32
        %dma_wait3A_699 = tpu.memref_slice %arg6[%dma_wait3A_693, %add3A_691, %dma_wait3A_698] : memref<2x40x64xi32, #tpu.memory_space<vmem>> -> memref<1x1x64xi32, #tpu.memory_space<vmem>>
        %dma_wait3A_700 = tpu.memref_squeeze %dma_wait3A_699 : memref<1x1x64xi32, #tpu.memory_space<vmem>> -> memref<64xi32, #tpu.memory_space<vmem>>
        %dma_wait3A_701 = arith.constant 0 : i32
        %dma_wait3A_702 = arith.constant 0 : i32
        %dma_wait3A_703 = tpu.memref_slice %arg8[%dma_wait3A_701, %dma_wait3A_702] : memref<10240x128xf32, #tpu.memory_space<vmem_shared>> -> memref<10240x128xf32, #tpu.memory_space<vmem_shared>>
        tpu.wait_indirect_dma semaphore(%arg16 : memref<!tpu.dma_semaphore, #tpu.memory_space<semaphore_mem>>) src(%dma_wait3A_697 : memref<64x128xf32, #tpu.memory_space<vmem>>) dst(%dma_wait3A_703 : memref<10240x128xf32, #tpu.memory_space<vmem_shared>>)
        %add3A_704 = arith.constant 4 : i32
        %add3A_705 = arith.addi %mul3A_485, %add3A_704 : i32
        %add3A_706 = arith.constant 3 : i32
        %add3A_707 = arith.addi %add3A_705, %add3A_706 : i32
        %dma_start3A_708 = arith.constant 0 : i32
        %dma_start3A_709 = arith.constant 3 : i32
        %dma_start3A_710 = arith.constant 0 : i32
        %dma_start3A_711 = arith.constant 0 : i32
        %dma_start3A_712 = tpu.memref_slice %arg7[%dma_start3A_709, %dma_start3A_710, %dma_start3A_711] : memref<4x64x128xf32, #tpu.memory_space<vmem>> -> memref<1x64x128xf32, #tpu.memory_space<vmem>>
        %dma_start3A_713 = tpu.memref_squeeze %dma_start3A_712 : memref<1x64x128xf32, #tpu.memory_space<vmem>> -> memref<64x128xf32, #tpu.memory_space<vmem>>
        %dma_start3A_714 = arith.constant 0 : i32
        %dma_start3A_715 = tpu.memref_slice %arg6[%dma_start3A_708, %add3A_707, %dma_start3A_714] : memref<2x40x64xi32, #tpu.memory_space<vmem>> -> memref<1x1x64xi32, #tpu.memory_space<vmem>>
        %dma_start3A_716 = tpu.memref_squeeze %dma_start3A_715 : memref<1x1x64xi32, #tpu.memory_space<vmem>> -> memref<64xi32, #tpu.memory_space<vmem>>
        %dma_start3A_717 = arith.constant 0 : i32
        %dma_start3A_718 = arith.constant 0 : i32
        %dma_start3A_719 = tpu.memref_slice %arg2[%dma_start3A_717, %dma_start3A_718] : memref<10240x128xf32, #tpu.memory_space<hbm>> -> memref<10240x128xf32, #tpu.memory_space<hbm>>
        tpu.enqueue_indirect_dma source(%dma_start3A_719 : memref<10240x128xf32, #tpu.memory_space<hbm>>) target(%dma_start3A_713 : memref<64x128xf32, #tpu.memory_space<vmem>>) offsets(%dma_start3A_716 : memref<64xi32, #tpu.memory_space<vmem>>) semaphore(%arg12 : memref<!tpu.dma_semaphore, #tpu.memory_space<semaphore_mem>>)
      } else {
      }
    }
    %scan3A_93 = arith.constant 10 : i32
    %dma_wait3A = arith.constant 0 : i32
    %dma_wait3A_94 = arith.constant 1 : i32
    %dma_wait3A_95 = arith.constant 0 : i32
    %dma_wait3A_96 = arith.constant 0 : i32
    %dma_wait3A_97 = arith.constant 0 : i32
    %dma_wait3A_98 = tpu.memref_slice %arg7[%dma_wait3A, %dma_wait3A_96, %dma_wait3A_97] : memref<4x64x128xf32, #tpu.memory_space<vmem>> -> memref<1x64x128xf32, #tpu.memory_space<vmem>>
    %dma_wait3A_99 = tpu.memref_squeeze %dma_wait3A_98 : memref<1x64x128xf32, #tpu.memory_space<vmem>> -> memref<64x128xf32, #tpu.memory_space<vmem>>
    %dma_wait3A_100 = arith.constant 0 : i32
    %dma_wait3A_101 = tpu.memref_slice %arg6[%dma_wait3A_94, %dma_wait3A_95, %dma_wait3A_100] : memref<2x40x64xi32, #tpu.memory_space<vmem>> -> memref<1x1x64xi32, #tpu.memory_space<vmem>>
    %dma_wait3A_102 = tpu.memref_squeeze %dma_wait3A_101 : memref<1x1x64xi32, #tpu.memory_space<vmem>> -> memref<64xi32, #tpu.memory_space<vmem>>
    %dma_wait3A_103 = arith.constant 0 : i32
    %dma_wait3A_104 = arith.constant 0 : i32
    %dma_wait3A_105 = tpu.memref_slice %arg8[%dma_wait3A_103, %dma_wait3A_104] : memref<10240x128xf32, #tpu.memory_space<vmem_shared>> -> memref<10240x128xf32, #tpu.memory_space<vmem_shared>>
    tpu.wait_indirect_dma semaphore(%arg13 : memref<!tpu.dma_semaphore, #tpu.memory_space<semaphore_mem>>) src(%dma_wait3A_99 : memref<64x128xf32, #tpu.memory_space<vmem>>) dst(%dma_wait3A_105 : memref<10240x128xf32, #tpu.memory_space<vmem_shared>>)
    %dma_wait3A_106 = arith.constant 1 : i32
    %dma_wait3A_107 = arith.constant 1 : i32
    %dma_wait3A_108 = arith.constant 1 : i32
    %dma_wait3A_109 = arith.constant 0 : i32
    %dma_wait3A_110 = arith.constant 0 : i32
    %dma_wait3A_111 = tpu.memref_slice %arg7[%dma_wait3A_106, %dma_wait3A_109, %dma_wait3A_110] : memref<4x64x128xf32, #tpu.memory_space<vmem>> -> memref<1x64x128xf32, #tpu.memory_space<vmem>>
    %dma_wait3A_112 = tpu.memref_squeeze %dma_wait3A_111 : memref<1x64x128xf32, #tpu.memory_space<vmem>> -> memref<64x128xf32, #tpu.memory_space<vmem>>
    %dma_wait3A_113 = arith.constant 0 : i32
    %dma_wait3A_114 = tpu.memref_slice %arg6[%dma_wait3A_107, %dma_wait3A_108, %dma_wait3A_113] : memref<2x40x64xi32, #tpu.memory_space<vmem>> -> memref<1x1x64xi32, #tpu.memory_space<vmem>>
    %dma_wait3A_115 = tpu.memref_squeeze %dma_wait3A_114 : memref<1x1x64xi32, #tpu.memory_space<vmem>> -> memref<64xi32, #tpu.memory_space<vmem>>
    %dma_wait3A_116 = arith.constant 0 : i32
    %dma_wait3A_117 = arith.constant 0 : i32
    %dma_wait3A_118 = tpu.memref_slice %arg8[%dma_wait3A_116, %dma_wait3A_117] : memref<10240x128xf32, #tpu.memory_space<vmem_shared>> -> memref<10240x128xf32, #tpu.memory_space<vmem_shared>>
    tpu.wait_indirect_dma semaphore(%arg14 : memref<!tpu.dma_semaphore, #tpu.memory_space<semaphore_mem>>) src(%dma_wait3A_112 : memref<64x128xf32, #tpu.memory_space<vmem>>) dst(%dma_wait3A_118 : memref<10240x128xf32, #tpu.memory_space<vmem_shared>>)
    %dma_wait3A_119 = arith.constant 2 : i32
    %dma_wait3A_120 = arith.constant 1 : i32
    %dma_wait3A_121 = arith.constant 2 : i32
    %dma_wait3A_122 = arith.constant 0 : i32
    %dma_wait3A_123 = arith.constant 0 : i32
    %dma_wait3A_124 = tpu.memref_slice %arg7[%dma_wait3A_119, %dma_wait3A_122, %dma_wait3A_123] : memref<4x64x128xf32, #tpu.memory_space<vmem>> -> memref<1x64x128xf32, #tpu.memory_space<vmem>>
    %dma_wait3A_125 = tpu.memref_squeeze %dma_wait3A_124 : memref<1x64x128xf32, #tpu.memory_space<vmem>> -> memref<64x128xf32, #tpu.memory_space<vmem>>
    %dma_wait3A_126 = arith.constant 0 : i32
    %dma_wait3A_127 = tpu.memref_slice %arg6[%dma_wait3A_120, %dma_wait3A_121, %dma_wait3A_126] : memref<2x40x64xi32, #tpu.memory_space<vmem>> -> memref<1x1x64xi32, #tpu.memory_space<vmem>>
    %dma_wait3A_128 = tpu.memref_squeeze %dma_wait3A_127 : memref<1x1x64xi32, #tpu.memory_space<vmem>> -> memref<64xi32, #tpu.memory_space<vmem>>
    %dma_wait3A_129 = arith.constant 0 : i32
    %dma_wait3A_130 = arith.constant 0 : i32
    %dma_wait3A_131 = tpu.memref_slice %arg8[%dma_wait3A_129, %dma_wait3A_130] : memref<10240x128xf32, #tpu.memory_space<vmem_shared>> -> memref<10240x128xf32, #tpu.memory_space<vmem_shared>>
    tpu.wait_indirect_dma semaphore(%arg15 : memref<!tpu.dma_semaphore, #tpu.memory_space<semaphore_mem>>) src(%dma_wait3A_125 : memref<64x128xf32, #tpu.memory_space<vmem>>) dst(%dma_wait3A_131 : memref<10240x128xf32, #tpu.memory_space<vmem_shared>>)
    %dma_wait3A_132 = arith.constant 3 : i32
    %dma_wait3A_133 = arith.constant 1 : i32
    %dma_wait3A_134 = arith.constant 3 : i32
    %dma_wait3A_135 = arith.constant 0 : i32
    %dma_wait3A_136 = arith.constant 0 : i32
    %dma_wait3A_137 = tpu.memref_slice %arg7[%dma_wait3A_132, %dma_wait3A_135, %dma_wait3A_136] : memref<4x64x128xf32, #tpu.memory_space<vmem>> -> memref<1x64x128xf32, #tpu.memory_space<vmem>>
    %dma_wait3A_138 = tpu.memref_squeeze %dma_wait3A_137 : memref<1x64x128xf32, #tpu.memory_space<vmem>> -> memref<64x128xf32, #tpu.memory_space<vmem>>
    %dma_wait3A_139 = arith.constant 0 : i32
    %dma_wait3A_140 = tpu.memref_slice %arg6[%dma_wait3A_133, %dma_wait3A_134, %dma_wait3A_139] : memref<2x40x64xi32, #tpu.memory_space<vmem>> -> memref<1x1x64xi32, #tpu.memory_space<vmem>>
    %dma_wait3A_141 = tpu.memref_squeeze %dma_wait3A_140 : memref<1x1x64xi32, #tpu.memory_space<vmem>> -> memref<64xi32, #tpu.memory_space<vmem>>
    %dma_wait3A_142 = arith.constant 0 : i32
    %dma_wait3A_143 = arith.constant 0 : i32
    %dma_wait3A_144 = tpu.memref_slice %arg8[%dma_wait3A_142, %dma_wait3A_143] : memref<10240x128xf32, #tpu.memory_space<vmem_shared>> -> memref<10240x128xf32, #tpu.memory_space<vmem_shared>>
    tpu.wait_indirect_dma semaphore(%arg16 : memref<!tpu.dma_semaphore, #tpu.memory_space<semaphore_mem>>) src(%dma_wait3A_138 : memref<64x128xf32, #tpu.memory_space<vmem>>) dst(%dma_wait3A_144 : memref<10240x128xf32, #tpu.memory_space<vmem_shared>>)
    %run_scoped3A_145 = arith.constant 0 : i32
    "tpu.region"() ({
      %run_scoped3A_479 = tpu.sem_alloc : memref<!tpu.dma_semaphore, #tpu.memory_space<semaphore_mem>>
      %dma_start3A_480 = arith.constant 0 : i32
      %dma_start3A_481 = arith.constant 0 : i32
      %dma_start3A_482 = tpu.memref_slice %arg6[%run_scoped3A_145, %dma_start3A_480, %dma_start3A_481] : memref<2x40x64xi32, #tpu.memory_space<vmem>> -> memref<1x40x64xi32, #tpu.memory_space<vmem>>
      %dma_start3A_483 = tpu.memref_squeeze %dma_start3A_482 : memref<1x40x64xi32, #tpu.memory_space<vmem>> -> memref<40x64xi32, #tpu.memory_space<vmem>>
      %dma_start3A_484 = arith.constant 40 : i32
      %dma_start3A_485 = arith.constant 0 : i32
      %dma_start3A_486 = tpu.memref_slice %arg3[%add3A, %dma_start3A_484, %dma_start3A_485] : memref<32x160x64xi32, #tpu.memory_space<hbm>> -> memref<1x40x64xi32, #tpu.memory_space<hbm>>
      %dma_start3A_487 = tpu.memref_squeeze %dma_start3A_486 : memref<1x40x64xi32, #tpu.memory_space<hbm>> -> memref<40x64xi32, #tpu.memory_space<hbm>>
      %dma_start3A_488 = arith.constant 0 : i32
      %dma_start3A_489 = arith.constant 0 : i32
      %dma_start3A_490 = tpu.memref_slice %arg6[%run_scoped3A_145, %dma_start3A_488, %dma_start3A_489] : memref<2x40x64xi32, #tpu.memory_space<vmem>> -> memref<1x40x64xi32, #tpu.memory_space<vmem>>
      %dma_start3A_491 = tpu.memref_squeeze %dma_start3A_490 : memref<1x40x64xi32, #tpu.memory_space<vmem>> -> memref<40x64xi32, #tpu.memory_space<vmem>>
      %dma_start3A_492 = arith.constant 40 : i32
      %dma_start3A_493 = arith.constant 0 : i32
      %dma_start3A_494 = tpu.memref_slice %arg3[%add3A, %dma_start3A_492, %dma_start3A_493] : memref<32x160x64xi32, #tpu.memory_space<hbm>> -> memref<1x40x64xi32, #tpu.memory_space<hbm>>
      %dma_start3A_495 = tpu.memref_squeeze %dma_start3A_494 : memref<1x40x64xi32, #tpu.memory_space<hbm>> -> memref<40x64xi32, #tpu.memory_space<hbm>>
      tpu.enqueue_dma source(%dma_start3A_495 : memref<40x64xi32, #tpu.memory_space<hbm>>) target(%dma_start3A_491 : memref<40x64xi32, #tpu.memory_space<vmem>>) target_semaphore(%run_scoped3A_479 : memref<!tpu.dma_semaphore, #tpu.memory_space<semaphore_mem>>)
      %dma_wait3A_496 = arith.constant 0 : i32
      %dma_wait3A_497 = arith.constant 0 : i32
      %dma_wait3A_498 = tpu.memref_slice %arg6[%run_scoped3A_145, %dma_wait3A_496, %dma_wait3A_497] : memref<2x40x64xi32, #tpu.memory_space<vmem>> -> memref<1x40x64xi32, #tpu.memory_space<vmem>>
      %dma_wait3A_499 = tpu.memref_squeeze %dma_wait3A_498 : memref<1x40x64xi32, #tpu.memory_space<vmem>> -> memref<40x64xi32, #tpu.memory_space<vmem>>
      %dma_wait3A_500 = arith.constant 40 : i32
      %dma_wait3A_501 = arith.constant 0 : i32
      %dma_wait3A_502 = tpu.memref_slice %arg3[%add3A, %dma_wait3A_500, %dma_wait3A_501] : memref<32x160x64xi32, #tpu.memory_space<hbm>> -> memref<1x40x64xi32, #tpu.memory_space<hbm>>
      %dma_wait3A_503 = tpu.memref_squeeze %dma_wait3A_502 : memref<1x40x64xi32, #tpu.memory_space<hbm>> -> memref<40x64xi32, #tpu.memory_space<hbm>>
      %dma_wait3A_504 = arith.constant 0 : i32
      %dma_wait3A_505 = arith.constant 0 : i32
      %dma_wait3A_506 = tpu.memref_slice %arg6[%run_scoped3A_145, %dma_wait3A_504, %dma_wait3A_505] : memref<2x40x64xi32, #tpu.memory_space<vmem>> -> memref<1x40x64xi32, #tpu.memory_space<vmem>>
      %dma_wait3A_507 = tpu.memref_squeeze %dma_wait3A_506 : memref<1x40x64xi32, #tpu.memory_space<vmem>> -> memref<40x64xi32, #tpu.memory_space<vmem>>
      %dma_wait3A_508 = arith.constant 40 : i32
      %dma_wait3A_509 = arith.constant 0 : i32
      %dma_wait3A_510 = tpu.memref_slice %arg3[%add3A, %dma_wait3A_508, %dma_wait3A_509] : memref<32x160x64xi32, #tpu.memory_space<hbm>> -> memref<1x40x64xi32, #tpu.memory_space<hbm>>
      %dma_wait3A_511 = tpu.memref_squeeze %dma_wait3A_510 : memref<1x40x64xi32, #tpu.memory_space<hbm>> -> memref<40x64xi32, #tpu.memory_space<hbm>>
      tpu.wait_dma2 semaphore(%run_scoped3A_479 : memref<!tpu.dma_semaphore, #tpu.memory_space<semaphore_mem>>) src(%dma_wait3A_511 : memref<40x64xi32, #tpu.memory_space<hbm>>) dst(%dma_wait3A_507 : memref<40x64xi32, #tpu.memory_space<vmem>>)
      tpu.yield
    }) : () -> ()
    %run_scoped3A_146 = arith.constant 1 : i32
    "tpu.region"() ({
      %run_scoped3A_479 = tpu.sem_alloc : memref<!tpu.dma_semaphore, #tpu.memory_space<semaphore_mem>>
      %dma_start3A_480 = arith.constant 0 : i32
      %dma_start3A_481 = arith.constant 0 : i32
      %dma_start3A_482 = tpu.memref_slice %arg6[%run_scoped3A_146, %dma_start3A_480, %dma_start3A_481] : memref<2x40x64xi32, #tpu.memory_space<vmem>> -> memref<1x40x64xi32, #tpu.memory_space<vmem>>
      %dma_start3A_483 = tpu.memref_squeeze %dma_start3A_482 : memref<1x40x64xi32, #tpu.memory_space<vmem>> -> memref<40x64xi32, #tpu.memory_space<vmem>>
      %dma_start3A_484 = arith.constant 40 : i32
      %dma_start3A_485 = arith.constant 0 : i32
      %dma_start3A_486 = tpu.memref_slice %arg4[%add3A, %dma_start3A_484, %dma_start3A_485] : memref<32x160x64xi32, #tpu.memory_space<hbm>> -> memref<1x40x64xi32, #tpu.memory_space<hbm>>
      %dma_start3A_487 = tpu.memref_squeeze %dma_start3A_486 : memref<1x40x64xi32, #tpu.memory_space<hbm>> -> memref<40x64xi32, #tpu.memory_space<hbm>>
      %dma_start3A_488 = arith.constant 0 : i32
      %dma_start3A_489 = arith.constant 0 : i32
      %dma_start3A_490 = tpu.memref_slice %arg6[%run_scoped3A_146, %dma_start3A_488, %dma_start3A_489] : memref<2x40x64xi32, #tpu.memory_space<vmem>> -> memref<1x40x64xi32, #tpu.memory_space<vmem>>
      %dma_start3A_491 = tpu.memref_squeeze %dma_start3A_490 : memref<1x40x64xi32, #tpu.memory_space<vmem>> -> memref<40x64xi32, #tpu.memory_space<vmem>>
      %dma_start3A_492 = arith.constant 40 : i32
      %dma_start3A_493 = arith.constant 0 : i32
      %dma_start3A_494 = tpu.memref_slice %arg4[%add3A, %dma_start3A_492, %dma_start3A_493] : memref<32x160x64xi32, #tpu.memory_space<hbm>> -> memref<1x40x64xi32, #tpu.memory_space<hbm>>
      %dma_start3A_495 = tpu.memref_squeeze %dma_start3A_494 : memref<1x40x64xi32, #tpu.memory_space<hbm>> -> memref<40x64xi32, #tpu.memory_space<hbm>>
      tpu.enqueue_dma source(%dma_start3A_495 : memref<40x64xi32, #tpu.memory_space<hbm>>) target(%dma_start3A_491 : memref<40x64xi32, #tpu.memory_space<vmem>>) target_semaphore(%run_scoped3A_479 : memref<!tpu.dma_semaphore, #tpu.memory_space<semaphore_mem>>)
      %dma_wait3A_496 = arith.constant 0 : i32
      %dma_wait3A_497 = arith.constant 0 : i32
      %dma_wait3A_498 = tpu.memref_slice %arg6[%run_scoped3A_146, %dma_wait3A_496, %dma_wait3A_497] : memref<2x40x64xi32, #tpu.memory_space<vmem>> -> memref<1x40x64xi32, #tpu.memory_space<vmem>>
      %dma_wait3A_499 = tpu.memref_squeeze %dma_wait3A_498 : memref<1x40x64xi32, #tpu.memory_space<vmem>> -> memref<40x64xi32, #tpu.memory_space<vmem>>
      %dma_wait3A_500 = arith.constant 40 : i32
      %dma_wait3A_501 = arith.constant 0 : i32
      %dma_wait3A_502 = tpu.memref_slice %arg4[%add3A, %dma_wait3A_500, %dma_wait3A_501] : memref<32x160x64xi32, #tpu.memory_space<hbm>> -> memref<1x40x64xi32, #tpu.memory_space<hbm>>
      %dma_wait3A_503 = tpu.memref_squeeze %dma_wait3A_502 : memref<1x40x64xi32, #tpu.memory_space<hbm>> -> memref<40x64xi32, #tpu.memory_space<hbm>>
      %dma_wait3A_504 = arith.constant 0 : i32
      %dma_wait3A_505 = arith.constant 0 : i32
      %dma_wait3A_506 = tpu.memref_slice %arg6[%run_scoped3A_146, %dma_wait3A_504, %dma_wait3A_505] : memref<2x40x64xi32, #tpu.memory_space<vmem>> -> memref<1x40x64xi32, #tpu.memory_space<vmem>>
      %dma_wait3A_507 = tpu.memref_squeeze %dma_wait3A_506 : memref<1x40x64xi32, #tpu.memory_space<vmem>> -> memref<40x64xi32, #tpu.memory_space<vmem>>
      %dma_wait3A_508 = arith.constant 40 : i32
      %dma_wait3A_509 = arith.constant 0 : i32
      %dma_wait3A_510 = tpu.memref_slice %arg4[%add3A, %dma_wait3A_508, %dma_wait3A_509] : memref<32x160x64xi32, #tpu.memory_space<hbm>> -> memref<1x40x64xi32, #tpu.memory_space<hbm>>
      %dma_wait3A_511 = tpu.memref_squeeze %dma_wait3A_510 : memref<1x40x64xi32, #tpu.memory_space<hbm>> -> memref<40x64xi32, #tpu.memory_space<hbm>>
      tpu.wait_dma2 semaphore(%run_scoped3A_479 : memref<!tpu.dma_semaphore, #tpu.memory_space<semaphore_mem>>) src(%dma_wait3A_511 : memref<40x64xi32, #tpu.memory_space<hbm>>) dst(%dma_wait3A_507 : memref<40x64xi32, #tpu.memory_space<vmem>>)
      tpu.yield
    }) : () -> ()
    %dma_start3A_147 = arith.constant 0 : i32
    %dma_start3A_148 = arith.constant 0 : i32
    %dma_start3A_149 = arith.constant 0 : i32
    %dma_start3A_150 = arith.constant 0 : i32
    %dma_start3A_151 = arith.constant 0 : i32
    %dma_start3A_152 = tpu.memref_slice %arg7[%dma_start3A_149, %dma_start3A_150, %dma_start3A_151] : memref<4x64x128xf32, #tpu.memory_space<vmem>> -> memref<1x64x128xf32, #tpu.memory_space<vmem>>
    %dma_start3A_153 = tpu.memref_squeeze %dma_start3A_152 : memref<1x64x128xf32, #tpu.memory_space<vmem>> -> memref<64x128xf32, #tpu.memory_space<vmem>>
    %dma_start3A_154 = arith.constant 0 : i32
    %dma_start3A_155 = tpu.memref_slice %arg6[%dma_start3A_147, %dma_start3A_148, %dma_start3A_154] : memref<2x40x64xi32, #tpu.memory_space<vmem>> -> memref<1x1x64xi32, #tpu.memory_space<vmem>>
    %dma_start3A_156 = tpu.memref_squeeze %dma_start3A_155 : memref<1x1x64xi32, #tpu.memory_space<vmem>> -> memref<64xi32, #tpu.memory_space<vmem>>
    %dma_start3A_157 = arith.constant 0 : i32
    %dma_start3A_158 = arith.constant 0 : i32
    %dma_start3A_159 = tpu.memref_slice %arg2[%dma_start3A_157, %dma_start3A_158] : memref<10240x128xf32, #tpu.memory_space<hbm>> -> memref<10240x128xf32, #tpu.memory_space<hbm>>
    tpu.enqueue_indirect_dma source(%dma_start3A_159 : memref<10240x128xf32, #tpu.memory_space<hbm>>) target(%dma_start3A_153 : memref<64x128xf32, #tpu.memory_space<vmem>>) offsets(%dma_start3A_156 : memref<64xi32, #tpu.memory_space<vmem>>) semaphore(%arg9 : memref<!tpu.dma_semaphore, #tpu.memory_space<semaphore_mem>>)
    %dma_start3A_160 = arith.constant 0 : i32
    %dma_start3A_161 = arith.constant 1 : i32
    %dma_start3A_162 = arith.constant 1 : i32
    %dma_start3A_163 = arith.constant 0 : i32
    %dma_start3A_164 = arith.constant 0 : i32
    %dma_start3A_165 = tpu.memref_slice %arg7[%dma_start3A_162, %dma_start3A_163, %dma_start3A_164] : memref<4x64x128xf32, #tpu.memory_space<vmem>> -> memref<1x64x128xf32, #tpu.memory_space<vmem>>
    %dma_start3A_166 = tpu.memref_squeeze %dma_start3A_165 : memref<1x64x128xf32, #tpu.memory_space<vmem>> -> memref<64x128xf32, #tpu.memory_space<vmem>>
    %dma_start3A_167 = arith.constant 0 : i32
    %dma_start3A_168 = tpu.memref_slice %arg6[%dma_start3A_160, %dma_start3A_161, %dma_start3A_167] : memref<2x40x64xi32, #tpu.memory_space<vmem>> -> memref<1x1x64xi32, #tpu.memory_space<vmem>>
    %dma_start3A_169 = tpu.memref_squeeze %dma_start3A_168 : memref<1x1x64xi32, #tpu.memory_space<vmem>> -> memref<64xi32, #tpu.memory_space<vmem>>
    %dma_start3A_170 = arith.constant 0 : i32
    %dma_start3A_171 = arith.constant 0 : i32
    %dma_start3A_172 = tpu.memref_slice %arg2[%dma_start3A_170, %dma_start3A_171] : memref<10240x128xf32, #tpu.memory_space<hbm>> -> memref<10240x128xf32, #tpu.memory_space<hbm>>
    tpu.enqueue_indirect_dma source(%dma_start3A_172 : memref<10240x128xf32, #tpu.memory_space<hbm>>) target(%dma_start3A_166 : memref<64x128xf32, #tpu.memory_space<vmem>>) offsets(%dma_start3A_169 : memref<64xi32, #tpu.memory_space<vmem>>) semaphore(%arg10 : memref<!tpu.dma_semaphore, #tpu.memory_space<semaphore_mem>>)
    %dma_start3A_173 = arith.constant 0 : i32
    %dma_start3A_174 = arith.constant 2 : i32
    %dma_start3A_175 = arith.constant 2 : i32
    %dma_start3A_176 = arith.constant 0 : i32
    %dma_start3A_177 = arith.constant 0 : i32
    %dma_start3A_178 = tpu.memref_slice %arg7[%dma_start3A_175, %dma_start3A_176, %dma_start3A_177] : memref<4x64x128xf32, #tpu.memory_space<vmem>> -> memref<1x64x128xf32, #tpu.memory_space<vmem>>
    %dma_start3A_179 = tpu.memref_squeeze %dma_start3A_178 : memref<1x64x128xf32, #tpu.memory_space<vmem>> -> memref<64x128xf32, #tpu.memory_space<vmem>>
    %dma_start3A_180 = arith.constant 0 : i32
    %dma_start3A_181 = tpu.memref_slice %arg6[%dma_start3A_173, %dma_start3A_174, %dma_start3A_180] : memref<2x40x64xi32, #tpu.memory_space<vmem>> -> memref<1x1x64xi32, #tpu.memory_space<vmem>>
    %dma_start3A_182 = tpu.memref_squeeze %dma_start3A_181 : memref<1x1x64xi32, #tpu.memory_space<vmem>> -> memref<64xi32, #tpu.memory_space<vmem>>
    %dma_start3A_183 = arith.constant 0 : i32
    %dma_start3A_184 = arith.constant 0 : i32
    %dma_start3A_185 = tpu.memref_slice %arg2[%dma_start3A_183, %dma_start3A_184] : memref<10240x128xf32, #tpu.memory_space<hbm>> -> memref<10240x128xf32, #tpu.memory_space<hbm>>
    tpu.enqueue_indirect_dma source(%dma_start3A_185 : memref<10240x128xf32, #tpu.memory_space<hbm>>) target(%dma_start3A_179 : memref<64x128xf32, #tpu.memory_space<vmem>>) offsets(%dma_start3A_182 : memref<64xi32, #tpu.memory_space<vmem>>) semaphore(%arg11 : memref<!tpu.dma_semaphore, #tpu.memory_space<semaphore_mem>>)
    %dma_start3A_186 = arith.constant 0 : i32
    %dma_start3A_187 = arith.constant 3 : i32
    %dma_start3A_188 = arith.constant 3 : i32
    %dma_start3A_189 = arith.constant 0 : i32
    %dma_start3A_190 = arith.constant 0 : i32
    %dma_start3A_191 = tpu.memref_slice %arg7[%dma_start3A_188, %dma_start3A_189, %dma_start3A_190] : memref<4x64x128xf32, #tpu.memory_space<vmem>> -> memref<1x64x128xf32, #tpu.memory_space<vmem>>
    %dma_start3A_192 = tpu.memref_squeeze %dma_start3A_191 : memref<1x64x128xf32, #tpu.memory_space<vmem>> -> memref<64x128xf32, #tpu.memory_space<vmem>>
    %dma_start3A_193 = arith.constant 0 : i32
    %dma_start3A_194 = tpu.memref_slice %arg6[%dma_start3A_186, %dma_start3A_187, %dma_start3A_193] : memref<2x40x64xi32, #tpu.memory_space<vmem>> -> memref<1x1x64xi32, #tpu.memory_space<vmem>>
    %dma_start3A_195 = tpu.memref_squeeze %dma_start3A_194 : memref<1x1x64xi32, #tpu.memory_space<vmem>> -> memref<64xi32, #tpu.memory_space<vmem>>
    %dma_start3A_196 = arith.constant 0 : i32
    %dma_start3A_197 = arith.constant 0 : i32
    %dma_start3A_198 = tpu.memref_slice %arg2[%dma_start3A_196, %dma_start3A_197] : memref<10240x128xf32, #tpu.memory_space<hbm>> -> memref<10240x128xf32, #tpu.memory_space<hbm>>
    tpu.enqueue_indirect_dma source(%dma_start3A_198 : memref<10240x128xf32, #tpu.memory_space<hbm>>) target(%dma_start3A_192 : memref<64x128xf32, #tpu.memory_space<vmem>>) offsets(%dma_start3A_195 : memref<64xi32, #tpu.memory_space<vmem>>) semaphore(%arg12 : memref<!tpu.dma_semaphore, #tpu.memory_space<semaphore_mem>>)
    %scan3A_199 = arith.constant 0 : i32
    %scan3A_200 = arith.constant 10 : i32
    %scan3A_201 = arith.addi %scan3A_199, %scan3A_200 : i32
    %scan3A_202 = arith.constant 1 : i32
    scf.for %scan3A_479 = %scan3A_199 to %scan3A_201 step %scan3A_202  : i32 {
      %mul3A_480 = arith.constant 1 : i32
      %mul3A_481 = arith.muli %scan3A_479, %mul3A_480 : i32
      %add3A_482 = arith.constant 0 : i32
      %add3A_483 = arith.addi %add3A_482, %mul3A_481 : i32
      %mul3A_484 = arith.constant 4 : i32
      %mul3A_485 = arith.muli %mul3A_484, %add3A_483 : i32
      %add3A_486 = arith.constant 0 : i32
      %add3A_487 = arith.addi %mul3A_485, %add3A_486 : i32
      %dma_wait3A_488 = arith.constant 0 : i32
      %dma_wait3A_489 = arith.constant 0 : i32
      %dma_wait3A_490 = arith.constant 0 : i32
      %dma_wait3A_491 = arith.constant 0 : i32
      %dma_wait3A_492 = tpu.memref_slice %arg7[%dma_wait3A_489, %dma_wait3A_490, %dma_wait3A_491] : memref<4x64x128xf32, #tpu.memory_space<vmem>> -> memref<1x64x128xf32, #tpu.memory_space<vmem>>
      %dma_wait3A_493 = tpu.memref_squeeze %dma_wait3A_492 : memref<1x64x128xf32, #tpu.memory_space<vmem>> -> memref<64x128xf32, #tpu.memory_space<vmem>>
      %dma_wait3A_494 = arith.constant 0 : i32
      %dma_wait3A_495 = tpu.memref_slice %arg6[%dma_wait3A_488, %add3A_487, %dma_wait3A_494] : memref<2x40x64xi32, #tpu.memory_space<vmem>> -> memref<1x1x64xi32, #tpu.memory_space<vmem>>
      %dma_wait3A_496 = tpu.memref_squeeze %dma_wait3A_495 : memref<1x1x64xi32, #tpu.memory_space<vmem>> -> memref<64xi32, #tpu.memory_space<vmem>>
      %dma_wait3A_497 = arith.constant 0 : i32
      %dma_wait3A_498 = arith.constant 0 : i32
      %dma_wait3A_499 = tpu.memref_slice %arg2[%dma_wait3A_497, %dma_wait3A_498] : memref<10240x128xf32, #tpu.memory_space<hbm>> -> memref<10240x128xf32, #tpu.memory_space<hbm>>
      tpu.wait_indirect_dma semaphore(%arg9 : memref<!tpu.dma_semaphore, #tpu.memory_space<semaphore_mem>>) src(%dma_wait3A_499 : memref<10240x128xf32, #tpu.memory_space<hbm>>) dst(%dma_wait3A_493 : memref<64x128xf32, #tpu.memory_space<vmem>>)
      %add3A_500 = arith.constant 0 : i32
      %add3A_501 = arith.addi %mul3A_485, %add3A_500 : i32
      %dma_start3A_502 = arith.constant 0 : i32
      %dma_start3A_503 = arith.constant 1 : i32
      %dma_start3A_504 = arith.constant 0 : i32
      %dma_start3A_505 = arith.constant 0 : i32
      %dma_start3A_506 = tpu.memref_slice %arg7[%dma_start3A_502, %dma_start3A_504, %dma_start3A_505] : memref<4x64x128xf32, #tpu.memory_space<vmem>> -> memref<1x64x128xf32, #tpu.memory_space<vmem>>
      %dma_start3A_507 = tpu.memref_squeeze %dma_start3A_506 : memref<1x64x128xf32, #tpu.memory_space<vmem>> -> memref<64x128xf32, #tpu.memory_space<vmem>>
      %dma_start3A_508 = arith.constant 0 : i32
      %dma_start3A_509 = tpu.memref_slice %arg6[%dma_start3A_503, %add3A_501, %dma_start3A_508] : memref<2x40x64xi32, #tpu.memory_space<vmem>> -> memref<1x1x64xi32, #tpu.memory_space<vmem>>
      %dma_start3A_510 = tpu.memref_squeeze %dma_start3A_509 : memref<1x1x64xi32, #tpu.memory_space<vmem>> -> memref<64xi32, #tpu.memory_space<vmem>>
      %dma_start3A_511 = arith.constant 0 : i32
      %dma_start3A_512 = arith.constant 0 : i32
      %dma_start3A_513 = tpu.memref_slice %arg8[%dma_start3A_511, %dma_start3A_512] : memref<10240x128xf32, #tpu.memory_space<vmem_shared>> -> memref<10240x128xf32, #tpu.memory_space<vmem_shared>>
      tpu.enqueue_indirect_dma source(%dma_start3A_507 : memref<64x128xf32, #tpu.memory_space<vmem>>) target(%dma_start3A_513 : memref<10240x128xf32, #tpu.memory_space<vmem_shared>>) offsets(%dma_start3A_510 : memref<64xi32, #tpu.memory_space<vmem>>) semaphore(%arg13 : memref<!tpu.dma_semaphore, #tpu.memory_space<semaphore_mem>>) {add = true}
      %add3A_514 = arith.constant 1 : i32
      %add3A_515 = arith.addi %mul3A_485, %add3A_514 : i32
      %dma_wait3A_516 = arith.constant 0 : i32
      %dma_wait3A_517 = arith.constant 1 : i32
      %dma_wait3A_518 = arith.constant 0 : i32
      %dma_wait3A_519 = arith.constant 0 : i32
      %dma_wait3A_520 = tpu.memref_slice %arg7[%dma_wait3A_517, %dma_wait3A_518, %dma_wait3A_519] : memref<4x64x128xf32, #tpu.memory_space<vmem>> -> memref<1x64x128xf32, #tpu.memory_space<vmem>>
      %dma_wait3A_521 = tpu.memref_squeeze %dma_wait3A_520 : memref<1x64x128xf32, #tpu.memory_space<vmem>> -> memref<64x128xf32, #tpu.memory_space<vmem>>
      %dma_wait3A_522 = arith.constant 0 : i32
      %dma_wait3A_523 = tpu.memref_slice %arg6[%dma_wait3A_516, %add3A_515, %dma_wait3A_522] : memref<2x40x64xi32, #tpu.memory_space<vmem>> -> memref<1x1x64xi32, #tpu.memory_space<vmem>>
      %dma_wait3A_524 = tpu.memref_squeeze %dma_wait3A_523 : memref<1x1x64xi32, #tpu.memory_space<vmem>> -> memref<64xi32, #tpu.memory_space<vmem>>
      %dma_wait3A_525 = arith.constant 0 : i32
      %dma_wait3A_526 = arith.constant 0 : i32
      %dma_wait3A_527 = tpu.memref_slice %arg2[%dma_wait3A_525, %dma_wait3A_526] : memref<10240x128xf32, #tpu.memory_space<hbm>> -> memref<10240x128xf32, #tpu.memory_space<hbm>>
      tpu.wait_indirect_dma semaphore(%arg10 : memref<!tpu.dma_semaphore, #tpu.memory_space<semaphore_mem>>) src(%dma_wait3A_527 : memref<10240x128xf32, #tpu.memory_space<hbm>>) dst(%dma_wait3A_521 : memref<64x128xf32, #tpu.memory_space<vmem>>)
      %add3A_528 = arith.constant 1 : i32
      %add3A_529 = arith.addi %mul3A_485, %add3A_528 : i32
      %dma_start3A_530 = arith.constant 1 : i32
      %dma_start3A_531 = arith.constant 1 : i32
      %dma_start3A_532 = arith.constant 0 : i32
      %dma_start3A_533 = arith.constant 0 : i32
      %dma_start3A_534 = tpu.memref_slice %arg7[%dma_start3A_530, %dma_start3A_532, %dma_start3A_533] : memref<4x64x128xf32, #tpu.memory_space<vmem>> -> memref<1x64x128xf32, #tpu.memory_space<vmem>>
      %dma_start3A_535 = tpu.memref_squeeze %dma_start3A_534 : memref<1x64x128xf32, #tpu.memory_space<vmem>> -> memref<64x128xf32, #tpu.memory_space<vmem>>
      %dma_start3A_536 = arith.constant 0 : i32
      %dma_start3A_537 = tpu.memref_slice %arg6[%dma_start3A_531, %add3A_529, %dma_start3A_536] : memref<2x40x64xi32, #tpu.memory_space<vmem>> -> memref<1x1x64xi32, #tpu.memory_space<vmem>>
      %dma_start3A_538 = tpu.memref_squeeze %dma_start3A_537 : memref<1x1x64xi32, #tpu.memory_space<vmem>> -> memref<64xi32, #tpu.memory_space<vmem>>
      %dma_start3A_539 = arith.constant 0 : i32
      %dma_start3A_540 = arith.constant 0 : i32
      %dma_start3A_541 = tpu.memref_slice %arg8[%dma_start3A_539, %dma_start3A_540] : memref<10240x128xf32, #tpu.memory_space<vmem_shared>> -> memref<10240x128xf32, #tpu.memory_space<vmem_shared>>
      tpu.enqueue_indirect_dma source(%dma_start3A_535 : memref<64x128xf32, #tpu.memory_space<vmem>>) target(%dma_start3A_541 : memref<10240x128xf32, #tpu.memory_space<vmem_shared>>) offsets(%dma_start3A_538 : memref<64xi32, #tpu.memory_space<vmem>>) semaphore(%arg14 : memref<!tpu.dma_semaphore, #tpu.memory_space<semaphore_mem>>) {add = true}
      %add3A_542 = arith.constant 2 : i32
      %add3A_543 = arith.addi %mul3A_485, %add3A_542 : i32
      %dma_wait3A_544 = arith.constant 0 : i32
      %dma_wait3A_545 = arith.constant 2 : i32
      %dma_wait3A_546 = arith.constant 0 : i32
      %dma_wait3A_547 = arith.constant 0 : i32
      %dma_wait3A_548 = tpu.memref_slice %arg7[%dma_wait3A_545, %dma_wait3A_546, %dma_wait3A_547] : memref<4x64x128xf32, #tpu.memory_space<vmem>> -> memref<1x64x128xf32, #tpu.memory_space<vmem>>
      %dma_wait3A_549 = tpu.memref_squeeze %dma_wait3A_548 : memref<1x64x128xf32, #tpu.memory_space<vmem>> -> memref<64x128xf32, #tpu.memory_space<vmem>>
      %dma_wait3A_550 = arith.constant 0 : i32
      %dma_wait3A_551 = tpu.memref_slice %arg6[%dma_wait3A_544, %add3A_543, %dma_wait3A_550] : memref<2x40x64xi32, #tpu.memory_space<vmem>> -> memref<1x1x64xi32, #tpu.memory_space<vmem>>
      %dma_wait3A_552 = tpu.memref_squeeze %dma_wait3A_551 : memref<1x1x64xi32, #tpu.memory_space<vmem>> -> memref<64xi32, #tpu.memory_space<vmem>>
      %dma_wait3A_553 = arith.constant 0 : i32
      %dma_wait3A_554 = arith.constant 0 : i32
      %dma_wait3A_555 = tpu.memref_slice %arg2[%dma_wait3A_553, %dma_wait3A_554] : memref<10240x128xf32, #tpu.memory_space<hbm>> -> memref<10240x128xf32, #tpu.memory_space<hbm>>
      tpu.wait_indirect_dma semaphore(%arg11 : memref<!tpu.dma_semaphore, #tpu.memory_space<semaphore_mem>>) src(%dma_wait3A_555 : memref<10240x128xf32, #tpu.memory_space<hbm>>) dst(%dma_wait3A_549 : memref<64x128xf32, #tpu.memory_space<vmem>>)
      %add3A_556 = arith.constant 2 : i32
      %add3A_557 = arith.addi %mul3A_485, %add3A_556 : i32
      %dma_start3A_558 = arith.constant 2 : i32
      %dma_start3A_559 = arith.constant 1 : i32
      %dma_start3A_560 = arith.constant 0 : i32
      %dma_start3A_561 = arith.constant 0 : i32
      %dma_start3A_562 = tpu.memref_slice %arg7[%dma_start3A_558, %dma_start3A_560, %dma_start3A_561] : memref<4x64x128xf32, #tpu.memory_space<vmem>> -> memref<1x64x128xf32, #tpu.memory_space<vmem>>
      %dma_start3A_563 = tpu.memref_squeeze %dma_start3A_562 : memref<1x64x128xf32, #tpu.memory_space<vmem>> -> memref<64x128xf32, #tpu.memory_space<vmem>>
      %dma_start3A_564 = arith.constant 0 : i32
      %dma_start3A_565 = tpu.memref_slice %arg6[%dma_start3A_559, %add3A_557, %dma_start3A_564] : memref<2x40x64xi32, #tpu.memory_space<vmem>> -> memref<1x1x64xi32, #tpu.memory_space<vmem>>
      %dma_start3A_566 = tpu.memref_squeeze %dma_start3A_565 : memref<1x1x64xi32, #tpu.memory_space<vmem>> -> memref<64xi32, #tpu.memory_space<vmem>>
      %dma_start3A_567 = arith.constant 0 : i32
      %dma_start3A_568 = arith.constant 0 : i32
      %dma_start3A_569 = tpu.memref_slice %arg8[%dma_start3A_567, %dma_start3A_568] : memref<10240x128xf32, #tpu.memory_space<vmem_shared>> -> memref<10240x128xf32, #tpu.memory_space<vmem_shared>>
      tpu.enqueue_indirect_dma source(%dma_start3A_563 : memref<64x128xf32, #tpu.memory_space<vmem>>) target(%dma_start3A_569 : memref<10240x128xf32, #tpu.memory_space<vmem_shared>>) offsets(%dma_start3A_566 : memref<64xi32, #tpu.memory_space<vmem>>) semaphore(%arg15 : memref<!tpu.dma_semaphore, #tpu.memory_space<semaphore_mem>>) {add = true}
      %add3A_570 = arith.constant 3 : i32
      %add3A_571 = arith.addi %mul3A_485, %add3A_570 : i32
      %dma_wait3A_572 = arith.constant 0 : i32
      %dma_wait3A_573 = arith.constant 3 : i32
      %dma_wait3A_574 = arith.constant 0 : i32
      %dma_wait3A_575 = arith.constant 0 : i32
      %dma_wait3A_576 = tpu.memref_slice %arg7[%dma_wait3A_573, %dma_wait3A_574, %dma_wait3A_575] : memref<4x64x128xf32, #tpu.memory_space<vmem>> -> memref<1x64x128xf32, #tpu.memory_space<vmem>>
      %dma_wait3A_577 = tpu.memref_squeeze %dma_wait3A_576 : memref<1x64x128xf32, #tpu.memory_space<vmem>> -> memref<64x128xf32, #tpu.memory_space<vmem>>
      %dma_wait3A_578 = arith.constant 0 : i32
      %dma_wait3A_579 = tpu.memref_slice %arg6[%dma_wait3A_572, %add3A_571, %dma_wait3A_578] : memref<2x40x64xi32, #tpu.memory_space<vmem>> -> memref<1x1x64xi32, #tpu.memory_space<vmem>>
      %dma_wait3A_580 = tpu.memref_squeeze %dma_wait3A_579 : memref<1x1x64xi32, #tpu.memory_space<vmem>> -> memref<64xi32, #tpu.memory_space<vmem>>
      %dma_wait3A_581 = arith.constant 0 : i32
      %dma_wait3A_582 = arith.constant 0 : i32
      %dma_wait3A_583 = tpu.memref_slice %arg2[%dma_wait3A_581, %dma_wait3A_582] : memref<10240x128xf32, #tpu.memory_space<hbm>> -> memref<10240x128xf32, #tpu.memory_space<hbm>>
      tpu.wait_indirect_dma semaphore(%arg12 : memref<!tpu.dma_semaphore, #tpu.memory_space<semaphore_mem>>) src(%dma_wait3A_583 : memref<10240x128xf32, #tpu.memory_space<hbm>>) dst(%dma_wait3A_577 : memref<64x128xf32, #tpu.memory_space<vmem>>)
      %add3A_584 = arith.constant 3 : i32
      %add3A_585 = arith.addi %mul3A_485, %add3A_584 : i32
      %dma_start3A_586 = arith.constant 3 : i32
      %dma_start3A_587 = arith.constant 1 : i32
      %dma_start3A_588 = arith.constant 0 : i32
      %dma_start3A_589 = arith.constant 0 : i32
      %dma_start3A_590 = tpu.memref_slice %arg7[%dma_start3A_586, %dma_start3A_588, %dma_start3A_589] : memref<4x64x128xf32, #tpu.memory_space<vmem>> -> memref<1x64x128xf32, #tpu.memory_space<vmem>>
      %dma_start3A_591 = tpu.memref_squeeze %dma_start3A_590 : memref<1x64x128xf32, #tpu.memory_space<vmem>> -> memref<64x128xf32, #tpu.memory_space<vmem>>
      %dma_start3A_592 = arith.constant 0 : i32
      %dma_start3A_593 = tpu.memref_slice %arg6[%dma_start3A_587, %add3A_585, %dma_start3A_592] : memref<2x40x64xi32, #tpu.memory_space<vmem>> -> memref<1x1x64xi32, #tpu.memory_space<vmem>>
      %dma_start3A_594 = tpu.memref_squeeze %dma_start3A_593 : memref<1x1x64xi32, #tpu.memory_space<vmem>> -> memref<64xi32, #tpu.memory_space<vmem>>
      %dma_start3A_595 = arith.constant 0 : i32
      %dma_start3A_596 = arith.constant 0 : i32
      %dma_start3A_597 = tpu.memref_slice %arg8[%dma_start3A_595, %dma_start3A_596] : memref<10240x128xf32, #tpu.memory_space<vmem_shared>> -> memref<10240x128xf32, #tpu.memory_space<vmem_shared>>
      tpu.enqueue_indirect_dma source(%dma_start3A_591 : memref<64x128xf32, #tpu.memory_space<vmem>>) target(%dma_start3A_597 : memref<10240x128xf32, #tpu.memory_space<vmem_shared>>) offsets(%dma_start3A_594 : memref<64xi32, #tpu.memory_space<vmem>>) semaphore(%arg16 : memref<!tpu.dma_semaphore, #tpu.memory_space<semaphore_mem>>) {add = true}
      %lt3A = arith.constant 9 : i32
      %lt3A_598 = arith.cmpi slt, %add3A_483, %lt3A : i32
      %convert_element_type3A = arith.extui %lt3A_598 : i1 to i32
      %cond3A = arith.constant 0 : i32
      %cond3A_599 = arith.cmpi ne, %convert_element_type3A, %cond3A : i32
      scf.if %cond3A_599 {
        %add3A_600 = arith.constant 0 : i32
        %add3A_601 = arith.addi %mul3A_485, %add3A_600 : i32
        %dma_wait3A_602 = arith.constant 0 : i32
        %dma_wait3A_603 = arith.constant 1 : i32
        %dma_wait3A_604 = arith.constant 0 : i32
        %dma_wait3A_605 = arith.constant 0 : i32
        %dma_wait3A_606 = tpu.memref_slice %arg7[%dma_wait3A_602, %dma_wait3A_604, %dma_wait3A_605] : memref<4x64x128xf32, #tpu.memory_space<vmem>> -> memref<1x64x128xf32, #tpu.memory_space<vmem>>
        %dma_wait3A_607 = tpu.memref_squeeze %dma_wait3A_606 : memref<1x64x128xf32, #tpu.memory_space<vmem>> -> memref<64x128xf32, #tpu.memory_space<vmem>>
        %dma_wait3A_608 = arith.constant 0 : i32
        %dma_wait3A_609 = tpu.memref_slice %arg6[%dma_wait3A_603, %add3A_601, %dma_wait3A_608] : memref<2x40x64xi32, #tpu.memory_space<vmem>> -> memref<1x1x64xi32, #tpu.memory_space<vmem>>
        %dma_wait3A_610 = tpu.memref_squeeze %dma_wait3A_609 : memref<1x1x64xi32, #tpu.memory_space<vmem>> -> memref<64xi32, #tpu.memory_space<vmem>>
        %dma_wait3A_611 = arith.constant 0 : i32
        %dma_wait3A_612 = arith.constant 0 : i32
        %dma_wait3A_613 = tpu.memref_slice %arg8[%dma_wait3A_611, %dma_wait3A_612] : memref<10240x128xf32, #tpu.memory_space<vmem_shared>> -> memref<10240x128xf32, #tpu.memory_space<vmem_shared>>
        tpu.wait_indirect_dma semaphore(%arg13 : memref<!tpu.dma_semaphore, #tpu.memory_space<semaphore_mem>>) src(%dma_wait3A_607 : memref<64x128xf32, #tpu.memory_space<vmem>>) dst(%dma_wait3A_613 : memref<10240x128xf32, #tpu.memory_space<vmem_shared>>)
        %add3A_614 = arith.constant 4 : i32
        %add3A_615 = arith.addi %mul3A_485, %add3A_614 : i32
        %add3A_616 = arith.constant 0 : i32
        %add3A_617 = arith.addi %add3A_615, %add3A_616 : i32
        %dma_start3A_618 = arith.constant 0 : i32
        %dma_start3A_619 = arith.constant 0 : i32
        %dma_start3A_620 = arith.constant 0 : i32
        %dma_start3A_621 = arith.constant 0 : i32
        %dma_start3A_622 = tpu.memref_slice %arg7[%dma_start3A_619, %dma_start3A_620, %dma_start3A_621] : memref<4x64x128xf32, #tpu.memory_space<vmem>> -> memref<1x64x128xf32, #tpu.memory_space<vmem>>
        %dma_start3A_623 = tpu.memref_squeeze %dma_start3A_622 : memref<1x64x128xf32, #tpu.memory_space<vmem>> -> memref<64x128xf32, #tpu.memory_space<vmem>>
        %dma_start3A_624 = arith.constant 0 : i32
        %dma_start3A_625 = tpu.memref_slice %arg6[%dma_start3A_618, %add3A_617, %dma_start3A_624] : memref<2x40x64xi32, #tpu.memory_space<vmem>> -> memref<1x1x64xi32, #tpu.memory_space<vmem>>
        %dma_start3A_626 = tpu.memref_squeeze %dma_start3A_625 : memref<1x1x64xi32, #tpu.memory_space<vmem>> -> memref<64xi32, #tpu.memory_space<vmem>>
        %dma_start3A_627 = arith.constant 0 : i32
        %dma_start3A_628 = arith.constant 0 : i32
        %dma_start3A_629 = tpu.memref_slice %arg2[%dma_start3A_627, %dma_start3A_628] : memref<10240x128xf32, #tpu.memory_space<hbm>> -> memref<10240x128xf32, #tpu.memory_space<hbm>>
        tpu.enqueue_indirect_dma source(%dma_start3A_629 : memref<10240x128xf32, #tpu.memory_space<hbm>>) target(%dma_start3A_623 : memref<64x128xf32, #tpu.memory_space<vmem>>) offsets(%dma_start3A_626 : memref<64xi32, #tpu.memory_space<vmem>>) semaphore(%arg9 : memref<!tpu.dma_semaphore, #tpu.memory_space<semaphore_mem>>)
        %add3A_630 = arith.constant 1 : i32
        %add3A_631 = arith.addi %mul3A_485, %add3A_630 : i32
        %dma_wait3A_632 = arith.constant 1 : i32
        %dma_wait3A_633 = arith.constant 1 : i32
        %dma_wait3A_634 = arith.constant 0 : i32
        %dma_wait3A_635 = arith.constant 0 : i32
        %dma_wait3A_636 = tpu.memref_slice %arg7[%dma_wait3A_632, %dma_wait3A_634, %dma_wait3A_635] : memref<4x64x128xf32, #tpu.memory_space<vmem>> -> memref<1x64x128xf32, #tpu.memory_space<vmem>>
        %dma_wait3A_637 = tpu.memref_squeeze %dma_wait3A_636 : memref<1x64x128xf32, #tpu.memory_space<vmem>> -> memref<64x128xf32, #tpu.memory_space<vmem>>
        %dma_wait3A_638 = arith.constant 0 : i32
        %dma_wait3A_639 = tpu.memref_slice %arg6[%dma_wait3A_633, %add3A_631, %dma_wait3A_638] : memref<2x40x64xi32, #tpu.memory_space<vmem>> -> memref<1x1x64xi32, #tpu.memory_space<vmem>>
        %dma_wait3A_640 = tpu.memref_squeeze %dma_wait3A_639 : memref<1x1x64xi32, #tpu.memory_space<vmem>> -> memref<64xi32, #tpu.memory_space<vmem>>
        %dma_wait3A_641 = arith.constant 0 : i32
        %dma_wait3A_642 = arith.constant 0 : i32
        %dma_wait3A_643 = tpu.memref_slice %arg8[%dma_wait3A_641, %dma_wait3A_642] : memref<10240x128xf32, #tpu.memory_space<vmem_shared>> -> memref<10240x128xf32, #tpu.memory_space<vmem_shared>>
        tpu.wait_indirect_dma semaphore(%arg14 : memref<!tpu.dma_semaphore, #tpu.memory_space<semaphore_mem>>) src(%dma_wait3A_637 : memref<64x128xf32, #tpu.memory_space<vmem>>) dst(%dma_wait3A_643 : memref<10240x128xf32, #tpu.memory_space<vmem_shared>>)
        %add3A_644 = arith.constant 4 : i32
        %add3A_645 = arith.addi %mul3A_485, %add3A_644 : i32
        %add3A_646 = arith.constant 1 : i32
        %add3A_647 = arith.addi %add3A_645, %add3A_646 : i32
        %dma_start3A_648 = arith.constant 0 : i32
        %dma_start3A_649 = arith.constant 1 : i32
        %dma_start3A_650 = arith.constant 0 : i32
        %dma_start3A_651 = arith.constant 0 : i32
        %dma_start3A_652 = tpu.memref_slice %arg7[%dma_start3A_649, %dma_start3A_650, %dma_start3A_651] : memref<4x64x128xf32, #tpu.memory_space<vmem>> -> memref<1x64x128xf32, #tpu.memory_space<vmem>>
        %dma_start3A_653 = tpu.memref_squeeze %dma_start3A_652 : memref<1x64x128xf32, #tpu.memory_space<vmem>> -> memref<64x128xf32, #tpu.memory_space<vmem>>
        %dma_start3A_654 = arith.constant 0 : i32
        %dma_start3A_655 = tpu.memref_slice %arg6[%dma_start3A_648, %add3A_647, %dma_start3A_654] : memref<2x40x64xi32, #tpu.memory_space<vmem>> -> memref<1x1x64xi32, #tpu.memory_space<vmem>>
        %dma_start3A_656 = tpu.memref_squeeze %dma_start3A_655 : memref<1x1x64xi32, #tpu.memory_space<vmem>> -> memref<64xi32, #tpu.memory_space<vmem>>
        %dma_start3A_657 = arith.constant 0 : i32
        %dma_start3A_658 = arith.constant 0 : i32
        %dma_start3A_659 = tpu.memref_slice %arg2[%dma_start3A_657, %dma_start3A_658] : memref<10240x128xf32, #tpu.memory_space<hbm>> -> memref<10240x128xf32, #tpu.memory_space<hbm>>
        tpu.enqueue_indirect_dma source(%dma_start3A_659 : memref<10240x128xf32, #tpu.memory_space<hbm>>) target(%dma_start3A_653 : memref<64x128xf32, #tpu.memory_space<vmem>>) offsets(%dma_start3A_656 : memref<64xi32, #tpu.memory_space<vmem>>) semaphore(%arg10 : memref<!tpu.dma_semaphore, #tpu.memory_space<semaphore_mem>>)
        %add3A_660 = arith.constant 2 : i32
        %add3A_661 = arith.addi %mul3A_485, %add3A_660 : i32
        %dma_wait3A_662 = arith.constant 2 : i32
        %dma_wait3A_663 = arith.constant 1 : i32
        %dma_wait3A_664 = arith.constant 0 : i32
        %dma_wait3A_665 = arith.constant 0 : i32
        %dma_wait3A_666 = tpu.memref_slice %arg7[%dma_wait3A_662, %dma_wait3A_664, %dma_wait3A_665] : memref<4x64x128xf32, #tpu.memory_space<vmem>> -> memref<1x64x128xf32, #tpu.memory_space<vmem>>
        %dma_wait3A_667 = tpu.memref_squeeze %dma_wait3A_666 : memref<1x64x128xf32, #tpu.memory_space<vmem>> -> memref<64x128xf32, #tpu.memory_space<vmem>>
        %dma_wait3A_668 = arith.constant 0 : i32
        %dma_wait3A_669 = tpu.memref_slice %arg6[%dma_wait3A_663, %add3A_661, %dma_wait3A_668] : memref<2x40x64xi32, #tpu.memory_space<vmem>> -> memref<1x1x64xi32, #tpu.memory_space<vmem>>
        %dma_wait3A_670 = tpu.memref_squeeze %dma_wait3A_669 : memref<1x1x64xi32, #tpu.memory_space<vmem>> -> memref<64xi32, #tpu.memory_space<vmem>>
        %dma_wait3A_671 = arith.constant 0 : i32
        %dma_wait3A_672 = arith.constant 0 : i32
        %dma_wait3A_673 = tpu.memref_slice %arg8[%dma_wait3A_671, %dma_wait3A_672] : memref<10240x128xf32, #tpu.memory_space<vmem_shared>> -> memref<10240x128xf32, #tpu.memory_space<vmem_shared>>
        tpu.wait_indirect_dma semaphore(%arg15 : memref<!tpu.dma_semaphore, #tpu.memory_space<semaphore_mem>>) src(%dma_wait3A_667 : memref<64x128xf32, #tpu.memory_space<vmem>>) dst(%dma_wait3A_673 : memref<10240x128xf32, #tpu.memory_space<vmem_shared>>)
        %add3A_674 = arith.constant 4 : i32
        %add3A_675 = arith.addi %mul3A_485, %add3A_674 : i32
        %add3A_676 = arith.constant 2 : i32
        %add3A_677 = arith.addi %add3A_675, %add3A_676 : i32
        %dma_start3A_678 = arith.constant 0 : i32
        %dma_start3A_679 = arith.constant 2 : i32
        %dma_start3A_680 = arith.constant 0 : i32
        %dma_start3A_681 = arith.constant 0 : i32
        %dma_start3A_682 = tpu.memref_slice %arg7[%dma_start3A_679, %dma_start3A_680, %dma_start3A_681] : memref<4x64x128xf32, #tpu.memory_space<vmem>> -> memref<1x64x128xf32, #tpu.memory_space<vmem>>
        %dma_start3A_683 = tpu.memref_squeeze %dma_start3A_682 : memref<1x64x128xf32, #tpu.memory_space<vmem>> -> memref<64x128xf32, #tpu.memory_space<vmem>>
        %dma_start3A_684 = arith.constant 0 : i32
        %dma_start3A_685 = tpu.memref_slice %arg6[%dma_start3A_678, %add3A_677, %dma_start3A_684] : memref<2x40x64xi32, #tpu.memory_space<vmem>> -> memref<1x1x64xi32, #tpu.memory_space<vmem>>
        %dma_start3A_686 = tpu.memref_squeeze %dma_start3A_685 : memref<1x1x64xi32, #tpu.memory_space<vmem>> -> memref<64xi32, #tpu.memory_space<vmem>>
        %dma_start3A_687 = arith.constant 0 : i32
        %dma_start3A_688 = arith.constant 0 : i32
        %dma_start3A_689 = tpu.memref_slice %arg2[%dma_start3A_687, %dma_start3A_688] : memref<10240x128xf32, #tpu.memory_space<hbm>> -> memref<10240x128xf32, #tpu.memory_space<hbm>>
        tpu.enqueue_indirect_dma source(%dma_start3A_689 : memref<10240x128xf32, #tpu.memory_space<hbm>>) target(%dma_start3A_683 : memref<64x128xf32, #tpu.memory_space<vmem>>) offsets(%dma_start3A_686 : memref<64xi32, #tpu.memory_space<vmem>>) semaphore(%arg11 : memref<!tpu.dma_semaphore, #tpu.memory_space<semaphore_mem>>)
        %add3A_690 = arith.constant 3 : i32
        %add3A_691 = arith.addi %mul3A_485, %add3A_690 : i32
        %dma_wait3A_692 = arith.constant 3 : i32
        %dma_wait3A_693 = arith.constant 1 : i32
        %dma_wait3A_694 = arith.constant 0 : i32
        %dma_wait3A_695 = arith.constant 0 : i32
        %dma_wait3A_696 = tpu.memref_slice %arg7[%dma_wait3A_692, %dma_wait3A_694, %dma_wait3A_695] : memref<4x64x128xf32, #tpu.memory_space<vmem>> -> memref<1x64x128xf32, #tpu.memory_space<vmem>>
        %dma_wait3A_697 = tpu.memref_squeeze %dma_wait3A_696 : memref<1x64x128xf32, #tpu.memory_space<vmem>> -> memref<64x128xf32, #tpu.memory_space<vmem>>
        %dma_wait3A_698 = arith.constant 0 : i32
        %dma_wait3A_699 = tpu.memref_slice %arg6[%dma_wait3A_693, %add3A_691, %dma_wait3A_698] : memref<2x40x64xi32, #tpu.memory_space<vmem>> -> memref<1x1x64xi32, #tpu.memory_space<vmem>>
        %dma_wait3A_700 = tpu.memref_squeeze %dma_wait3A_699 : memref<1x1x64xi32, #tpu.memory_space<vmem>> -> memref<64xi32, #tpu.memory_space<vmem>>
        %dma_wait3A_701 = arith.constant 0 : i32
        %dma_wait3A_702 = arith.constant 0 : i32
        %dma_wait3A_703 = tpu.memref_slice %arg8[%dma_wait3A_701, %dma_wait3A_702] : memref<10240x128xf32, #tpu.memory_space<vmem_shared>> -> memref<10240x128xf32, #tpu.memory_space<vmem_shared>>
        tpu.wait_indirect_dma semaphore(%arg16 : memref<!tpu.dma_semaphore, #tpu.memory_space<semaphore_mem>>) src(%dma_wait3A_697 : memref<64x128xf32, #tpu.memory_space<vmem>>) dst(%dma_wait3A_703 : memref<10240x128xf32, #tpu.memory_space<vmem_shared>>)
        %add3A_704 = arith.constant 4 : i32
        %add3A_705 = arith.addi %mul3A_485, %add3A_704 : i32
        %add3A_706 = arith.constant 3 : i32
        %add3A_707 = arith.addi %add3A_705, %add3A_706 : i32
        %dma_start3A_708 = arith.constant 0 : i32
        %dma_start3A_709 = arith.constant 3 : i32
        %dma_start3A_710 = arith.constant 0 : i32
        %dma_start3A_711 = arith.constant 0 : i32
        %dma_start3A_712 = tpu.memref_slice %arg7[%dma_start3A_709, %dma_start3A_710, %dma_start3A_711] : memref<4x64x128xf32, #tpu.memory_space<vmem>> -> memref<1x64x128xf32, #tpu.memory_space<vmem>>
        %dma_start3A_713 = tpu.memref_squeeze %dma_start3A_712 : memref<1x64x128xf32, #tpu.memory_space<vmem>> -> memref<64x128xf32, #tpu.memory_space<vmem>>
        %dma_start3A_714 = arith.constant 0 : i32
        %dma_start3A_715 = tpu.memref_slice %arg6[%dma_start3A_708, %add3A_707, %dma_start3A_714] : memref<2x40x64xi32, #tpu.memory_space<vmem>> -> memref<1x1x64xi32, #tpu.memory_space<vmem>>
        %dma_start3A_716 = tpu.memref_squeeze %dma_start3A_715 : memref<1x1x64xi32, #tpu.memory_space<vmem>> -> memref<64xi32, #tpu.memory_space<vmem>>
        %dma_start3A_717 = arith.constant 0 : i32
        %dma_start3A_718 = arith.constant 0 : i32
        %dma_start3A_719 = tpu.memref_slice %arg2[%dma_start3A_717, %dma_start3A_718] : memref<10240x128xf32, #tpu.memory_space<hbm>> -> memref<10240x128xf32, #tpu.memory_space<hbm>>
        tpu.enqueue_indirect_dma source(%dma_start3A_719 : memref<10240x128xf32, #tpu.memory_space<hbm>>) target(%dma_start3A_713 : memref<64x128xf32, #tpu.memory_space<vmem>>) offsets(%dma_start3A_716 : memref<64xi32, #tpu.memory_space<vmem>>) semaphore(%arg12 : memref<!tpu.dma_semaphore, #tpu.memory_space<semaphore_mem>>)
      } else {
      }
    }
    %scan3A_203 = arith.constant 10 : i32
    %dma_wait3A_204 = arith.constant 0 : i32
    %dma_wait3A_205 = arith.constant 1 : i32
    %dma_wait3A_206 = arith.constant 0 : i32
    %dma_wait3A_207 = arith.constant 0 : i32
    %dma_wait3A_208 = arith.constant 0 : i32
    %dma_wait3A_209 = tpu.memref_slice %arg7[%dma_wait3A_204, %dma_wait3A_207, %dma_wait3A_208] : memref<4x64x128xf32, #tpu.memory_space<vmem>> -> memref<1x64x128xf32, #tpu.memory_space<vmem>>
    %dma_wait3A_210 = tpu.memref_squeeze %dma_wait3A_209 : memref<1x64x128xf32, #tpu.memory_space<vmem>> -> memref<64x128xf32, #tpu.memory_space<vmem>>
    %dma_wait3A_211 = arith.constant 0 : i32
    %dma_wait3A_212 = tpu.memref_slice %arg6[%dma_wait3A_205, %dma_wait3A_206, %dma_wait3A_211] : memref<2x40x64xi32, #tpu.memory_space<vmem>> -> memref<1x1x64xi32, #tpu.memory_space<vmem>>
    %dma_wait3A_213 = tpu.memref_squeeze %dma_wait3A_212 : memref<1x1x64xi32, #tpu.memory_space<vmem>> -> memref<64xi32, #tpu.memory_space<vmem>>
    %dma_wait3A_214 = arith.constant 0 : i32
    %dma_wait3A_215 = arith.constant 0 : i32
    %dma_wait3A_216 = tpu.memref_slice %arg8[%dma_wait3A_214, %dma_wait3A_215] : memref<10240x128xf32, #tpu.memory_space<vmem_shared>> -> memref<10240x128xf32, #tpu.memory_space<vmem_shared>>
    tpu.wait_indirect_dma semaphore(%arg13 : memref<!tpu.dma_semaphore, #tpu.memory_space<semaphore_mem>>) src(%dma_wait3A_210 : memref<64x128xf32, #tpu.memory_space<vmem>>) dst(%dma_wait3A_216 : memref<10240x128xf32, #tpu.memory_space<vmem_shared>>)
    %dma_wait3A_217 = arith.constant 1 : i32
    %dma_wait3A_218 = arith.constant 1 : i32
    %dma_wait3A_219 = arith.constant 1 : i32
    %dma_wait3A_220 = arith.constant 0 : i32
    %dma_wait3A_221 = arith.constant 0 : i32
    %dma_wait3A_222 = tpu.memref_slice %arg7[%dma_wait3A_217, %dma_wait3A_220, %dma_wait3A_221] : memref<4x64x128xf32, #tpu.memory_space<vmem>> -> memref<1x64x128xf32, #tpu.memory_space<vmem>>
    %dma_wait3A_223 = tpu.memref_squeeze %dma_wait3A_222 : memref<1x64x128xf32, #tpu.memory_space<vmem>> -> memref<64x128xf32, #tpu.memory_space<vmem>>
    %dma_wait3A_224 = arith.constant 0 : i32
    %dma_wait3A_225 = tpu.memref_slice %arg6[%dma_wait3A_218, %dma_wait3A_219, %dma_wait3A_224] : memref<2x40x64xi32, #tpu.memory_space<vmem>> -> memref<1x1x64xi32, #tpu.memory_space<vmem>>
    %dma_wait3A_226 = tpu.memref_squeeze %dma_wait3A_225 : memref<1x1x64xi32, #tpu.memory_space<vmem>> -> memref<64xi32, #tpu.memory_space<vmem>>
    %dma_wait3A_227 = arith.constant 0 : i32
    %dma_wait3A_228 = arith.constant 0 : i32
    %dma_wait3A_229 = tpu.memref_slice %arg8[%dma_wait3A_227, %dma_wait3A_228] : memref<10240x128xf32, #tpu.memory_space<vmem_shared>> -> memref<10240x128xf32, #tpu.memory_space<vmem_shared>>
    tpu.wait_indirect_dma semaphore(%arg14 : memref<!tpu.dma_semaphore, #tpu.memory_space<semaphore_mem>>) src(%dma_wait3A_223 : memref<64x128xf32, #tpu.memory_space<vmem>>) dst(%dma_wait3A_229 : memref<10240x128xf32, #tpu.memory_space<vmem_shared>>)
    %dma_wait3A_230 = arith.constant 2 : i32
    %dma_wait3A_231 = arith.constant 1 : i32
    %dma_wait3A_232 = arith.constant 2 : i32
    %dma_wait3A_233 = arith.constant 0 : i32
    %dma_wait3A_234 = arith.constant 0 : i32
    %dma_wait3A_235 = tpu.memref_slice %arg7[%dma_wait3A_230, %dma_wait3A_233, %dma_wait3A_234] : memref<4x64x128xf32, #tpu.memory_space<vmem>> -> memref<1x64x128xf32, #tpu.memory_space<vmem>>
    %dma_wait3A_236 = tpu.memref_squeeze %dma_wait3A_235 : memref<1x64x128xf32, #tpu.memory_space<vmem>> -> memref<64x128xf32, #tpu.memory_space<vmem>>
    %dma_wait3A_237 = arith.constant 0 : i32
    %dma_wait3A_238 = tpu.memref_slice %arg6[%dma_wait3A_231, %dma_wait3A_232, %dma_wait3A_237] : memref<2x40x64xi32, #tpu.memory_space<vmem>> -> memref<1x1x64xi32, #tpu.memory_space<vmem>>
    %dma_wait3A_239 = tpu.memref_squeeze %dma_wait3A_238 : memref<1x1x64xi32, #tpu.memory_space<vmem>> -> memref<64xi32, #tpu.memory_space<vmem>>
    %dma_wait3A_240 = arith.constant 0 : i32
    %dma_wait3A_241 = arith.constant 0 : i32
    %dma_wait3A_242 = tpu.memref_slice %arg8[%dma_wait3A_240, %dma_wait3A_241] : memref<10240x128xf32, #tpu.memory_space<vmem_shared>> -> memref<10240x128xf32, #tpu.memory_space<vmem_shared>>
    tpu.wait_indirect_dma semaphore(%arg15 : memref<!tpu.dma_semaphore, #tpu.memory_space<semaphore_mem>>) src(%dma_wait3A_236 : memref<64x128xf32, #tpu.memory_space<vmem>>) dst(%dma_wait3A_242 : memref<10240x128xf32, #tpu.memory_space<vmem_shared>>)
    %dma_wait3A_243 = arith.constant 3 : i32
    %dma_wait3A_244 = arith.constant 1 : i32
    %dma_wait3A_245 = arith.constant 3 : i32
    %dma_wait3A_246 = arith.constant 0 : i32
    %dma_wait3A_247 = arith.constant 0 : i32
    %dma_wait3A_248 = tpu.memref_slice %arg7[%dma_wait3A_243, %dma_wait3A_246, %dma_wait3A_247] : memref<4x64x128xf32, #tpu.memory_space<vmem>> -> memref<1x64x128xf32, #tpu.memory_space<vmem>>
    %dma_wait3A_249 = tpu.memref_squeeze %dma_wait3A_248 : memref<1x64x128xf32, #tpu.memory_space<vmem>> -> memref<64x128xf32, #tpu.memory_space<vmem>>
    %dma_wait3A_250 = arith.constant 0 : i32
    %dma_wait3A_251 = tpu.memref_slice %arg6[%dma_wait3A_244, %dma_wait3A_245, %dma_wait3A_250] : memref<2x40x64xi32, #tpu.memory_space<vmem>> -> memref<1x1x64xi32, #tpu.memory_space<vmem>>
    %dma_wait3A_252 = tpu.memref_squeeze %dma_wait3A_251 : memref<1x1x64xi32, #tpu.memory_space<vmem>> -> memref<64xi32, #tpu.memory_space<vmem>>
    %dma_wait3A_253 = arith.constant 0 : i32
    %dma_wait3A_254 = arith.constant 0 : i32
    %dma_wait3A_255 = tpu.memref_slice %arg8[%dma_wait3A_253, %dma_wait3A_254] : memref<10240x128xf32, #tpu.memory_space<vmem_shared>> -> memref<10240x128xf32, #tpu.memory_space<vmem_shared>>
    tpu.wait_indirect_dma semaphore(%arg16 : memref<!tpu.dma_semaphore, #tpu.memory_space<semaphore_mem>>) src(%dma_wait3A_249 : memref<64x128xf32, #tpu.memory_space<vmem>>) dst(%dma_wait3A_255 : memref<10240x128xf32, #tpu.memory_space<vmem_shared>>)
    %run_scoped3A_256 = arith.constant 0 : i32
    "tpu.region"() ({
      %run_scoped3A_479 = tpu.sem_alloc : memref<!tpu.dma_semaphore, #tpu.memory_space<semaphore_mem>>
      %dma_start3A_480 = arith.constant 0 : i32
      %dma_start3A_481 = arith.constant 0 : i32
      %dma_start3A_482 = tpu.memref_slice %arg6[%run_scoped3A_256, %dma_start3A_480, %dma_start3A_481] : memref<2x40x64xi32, #tpu.memory_space<vmem>> -> memref<1x40x64xi32, #tpu.memory_space<vmem>>
      %dma_start3A_483 = tpu.memref_squeeze %dma_start3A_482 : memref<1x40x64xi32, #tpu.memory_space<vmem>> -> memref<40x64xi32, #tpu.memory_space<vmem>>
      %dma_start3A_484 = arith.constant 80 : i32
      %dma_start3A_485 = arith.constant 0 : i32
      %dma_start3A_486 = tpu.memref_slice %arg3[%add3A, %dma_start3A_484, %dma_start3A_485] : memref<32x160x64xi32, #tpu.memory_space<hbm>> -> memref<1x40x64xi32, #tpu.memory_space<hbm>>
      %dma_start3A_487 = tpu.memref_squeeze %dma_start3A_486 : memref<1x40x64xi32, #tpu.memory_space<hbm>> -> memref<40x64xi32, #tpu.memory_space<hbm>>
      %dma_start3A_488 = arith.constant 0 : i32
      %dma_start3A_489 = arith.constant 0 : i32
      %dma_start3A_490 = tpu.memref_slice %arg6[%run_scoped3A_256, %dma_start3A_488, %dma_start3A_489] : memref<2x40x64xi32, #tpu.memory_space<vmem>> -> memref<1x40x64xi32, #tpu.memory_space<vmem>>
      %dma_start3A_491 = tpu.memref_squeeze %dma_start3A_490 : memref<1x40x64xi32, #tpu.memory_space<vmem>> -> memref<40x64xi32, #tpu.memory_space<vmem>>
      %dma_start3A_492 = arith.constant 80 : i32
      %dma_start3A_493 = arith.constant 0 : i32
      %dma_start3A_494 = tpu.memref_slice %arg3[%add3A, %dma_start3A_492, %dma_start3A_493] : memref<32x160x64xi32, #tpu.memory_space<hbm>> -> memref<1x40x64xi32, #tpu.memory_space<hbm>>
      %dma_start3A_495 = tpu.memref_squeeze %dma_start3A_494 : memref<1x40x64xi32, #tpu.memory_space<hbm>> -> memref<40x64xi32, #tpu.memory_space<hbm>>
      tpu.enqueue_dma source(%dma_start3A_495 : memref<40x64xi32, #tpu.memory_space<hbm>>) target(%dma_start3A_491 : memref<40x64xi32, #tpu.memory_space<vmem>>) target_semaphore(%run_scoped3A_479 : memref<!tpu.dma_semaphore, #tpu.memory_space<semaphore_mem>>)
      %dma_wait3A_496 = arith.constant 0 : i32
      %dma_wait3A_497 = arith.constant 0 : i32
      %dma_wait3A_498 = tpu.memref_slice %arg6[%run_scoped3A_256, %dma_wait3A_496, %dma_wait3A_497] : memref<2x40x64xi32, #tpu.memory_space<vmem>> -> memref<1x40x64xi32, #tpu.memory_space<vmem>>
      %dma_wait3A_499 = tpu.memref_squeeze %dma_wait3A_498 : memref<1x40x64xi32, #tpu.memory_space<vmem>> -> memref<40x64xi32, #tpu.memory_space<vmem>>
      %dma_wait3A_500 = arith.constant 80 : i32
      %dma_wait3A_501 = arith.constant 0 : i32
      %dma_wait3A_502 = tpu.memref_slice %arg3[%add3A, %dma_wait3A_500, %dma_wait3A_501] : memref<32x160x64xi32, #tpu.memory_space<hbm>> -> memref<1x40x64xi32, #tpu.memory_space<hbm>>
      %dma_wait3A_503 = tpu.memref_squeeze %dma_wait3A_502 : memref<1x40x64xi32, #tpu.memory_space<hbm>> -> memref<40x64xi32, #tpu.memory_space<hbm>>
      %dma_wait3A_504 = arith.constant 0 : i32
      %dma_wait3A_505 = arith.constant 0 : i32
      %dma_wait3A_506 = tpu.memref_slice %arg6[%run_scoped3A_256, %dma_wait3A_504, %dma_wait3A_505] : memref<2x40x64xi32, #tpu.memory_space<vmem>> -> memref<1x40x64xi32, #tpu.memory_space<vmem>>
      %dma_wait3A_507 = tpu.memref_squeeze %dma_wait3A_506 : memref<1x40x64xi32, #tpu.memory_space<vmem>> -> memref<40x64xi32, #tpu.memory_space<vmem>>
      %dma_wait3A_508 = arith.constant 80 : i32
      %dma_wait3A_509 = arith.constant 0 : i32
      %dma_wait3A_510 = tpu.memref_slice %arg3[%add3A, %dma_wait3A_508, %dma_wait3A_509] : memref<32x160x64xi32, #tpu.memory_space<hbm>> -> memref<1x40x64xi32, #tpu.memory_space<hbm>>
      %dma_wait3A_511 = tpu.memref_squeeze %dma_wait3A_510 : memref<1x40x64xi32, #tpu.memory_space<hbm>> -> memref<40x64xi32, #tpu.memory_space<hbm>>
      tpu.wait_dma2 semaphore(%run_scoped3A_479 : memref<!tpu.dma_semaphore, #tpu.memory_space<semaphore_mem>>) src(%dma_wait3A_511 : memref<40x64xi32, #tpu.memory_space<hbm>>) dst(%dma_wait3A_507 : memref<40x64xi32, #tpu.memory_space<vmem>>)
      tpu.yield
    }) : () -> ()
    %run_scoped3A_257 = arith.constant 1 : i32
    "tpu.region"() ({
      %run_scoped3A_479 = tpu.sem_alloc : memref<!tpu.dma_semaphore, #tpu.memory_space<semaphore_mem>>
      %dma_start3A_480 = arith.constant 0 : i32
      %dma_start3A_481 = arith.constant 0 : i32
      %dma_start3A_482 = tpu.memref_slice %arg6[%run_scoped3A_257, %dma_start3A_480, %dma_start3A_481] : memref<2x40x64xi32, #tpu.memory_space<vmem>> -> memref<1x40x64xi32, #tpu.memory_space<vmem>>
      %dma_start3A_483 = tpu.memref_squeeze %dma_start3A_482 : memref<1x40x64xi32, #tpu.memory_space<vmem>> -> memref<40x64xi32, #tpu.memory_space<vmem>>
      %dma_start3A_484 = arith.constant 80 : i32
      %dma_start3A_485 = arith.constant 0 : i32
      %dma_start3A_486 = tpu.memref_slice %arg4[%add3A, %dma_start3A_484, %dma_start3A_485] : memref<32x160x64xi32, #tpu.memory_space<hbm>> -> memref<1x40x64xi32, #tpu.memory_space<hbm>>
      %dma_start3A_487 = tpu.memref_squeeze %dma_start3A_486 : memref<1x40x64xi32, #tpu.memory_space<hbm>> -> memref<40x64xi32, #tpu.memory_space<hbm>>
      %dma_start3A_488 = arith.constant 0 : i32
      %dma_start3A_489 = arith.constant 0 : i32
      %dma_start3A_490 = tpu.memref_slice %arg6[%run_scoped3A_257, %dma_start3A_488, %dma_start3A_489] : memref<2x40x64xi32, #tpu.memory_space<vmem>> -> memref<1x40x64xi32, #tpu.memory_space<vmem>>
      %dma_start3A_491 = tpu.memref_squeeze %dma_start3A_490 : memref<1x40x64xi32, #tpu.memory_space<vmem>> -> memref<40x64xi32, #tpu.memory_space<vmem>>
      %dma_start3A_492 = arith.constant 80 : i32
      %dma_start3A_493 = arith.constant 0 : i32
      %dma_start3A_494 = tpu.memref_slice %arg4[%add3A, %dma_start3A_492, %dma_start3A_493] : memref<32x160x64xi32, #tpu.memory_space<hbm>> -> memref<1x40x64xi32, #tpu.memory_space<hbm>>
      %dma_start3A_495 = tpu.memref_squeeze %dma_start3A_494 : memref<1x40x64xi32, #tpu.memory_space<hbm>> -> memref<40x64xi32, #tpu.memory_space<hbm>>
      tpu.enqueue_dma source(%dma_start3A_495 : memref<40x64xi32, #tpu.memory_space<hbm>>) target(%dma_start3A_491 : memref<40x64xi32, #tpu.memory_space<vmem>>) target_semaphore(%run_scoped3A_479 : memref<!tpu.dma_semaphore, #tpu.memory_space<semaphore_mem>>)
      %dma_wait3A_496 = arith.constant 0 : i32
      %dma_wait3A_497 = arith.constant 0 : i32
      %dma_wait3A_498 = tpu.memref_slice %arg6[%run_scoped3A_257, %dma_wait3A_496, %dma_wait3A_497] : memref<2x40x64xi32, #tpu.memory_space<vmem>> -> memref<1x40x64xi32, #tpu.memory_space<vmem>>
      %dma_wait3A_499 = tpu.memref_squeeze %dma_wait3A_498 : memref<1x40x64xi32, #tpu.memory_space<vmem>> -> memref<40x64xi32, #tpu.memory_space<vmem>>
      %dma_wait3A_500 = arith.constant 80 : i32
      %dma_wait3A_501 = arith.constant 0 : i32
      %dma_wait3A_502 = tpu.memref_slice %arg4[%add3A, %dma_wait3A_500, %dma_wait3A_501] : memref<32x160x64xi32, #tpu.memory_space<hbm>> -> memref<1x40x64xi32, #tpu.memory_space<hbm>>
      %dma_wait3A_503 = tpu.memref_squeeze %dma_wait3A_502 : memref<1x40x64xi32, #tpu.memory_space<hbm>> -> memref<40x64xi32, #tpu.memory_space<hbm>>
      %dma_wait3A_504 = arith.constant 0 : i32
      %dma_wait3A_505 = arith.constant 0 : i32
      %dma_wait3A_506 = tpu.memref_slice %arg6[%run_scoped3A_257, %dma_wait3A_504, %dma_wait3A_505] : memref<2x40x64xi32, #tpu.memory_space<vmem>> -> memref<1x40x64xi32, #tpu.memory_space<vmem>>
      %dma_wait3A_507 = tpu.memref_squeeze %dma_wait3A_506 : memref<1x40x64xi32, #tpu.memory_space<vmem>> -> memref<40x64xi32, #tpu.memory_space<vmem>>
      %dma_wait3A_508 = arith.constant 80 : i32
      %dma_wait3A_509 = arith.constant 0 : i32
      %dma_wait3A_510 = tpu.memref_slice %arg4[%add3A, %dma_wait3A_508, %dma_wait3A_509] : memref<32x160x64xi32, #tpu.memory_space<hbm>> -> memref<1x40x64xi32, #tpu.memory_space<hbm>>
      %dma_wait3A_511 = tpu.memref_squeeze %dma_wait3A_510 : memref<1x40x64xi32, #tpu.memory_space<hbm>> -> memref<40x64xi32, #tpu.memory_space<hbm>>
      tpu.wait_dma2 semaphore(%run_scoped3A_479 : memref<!tpu.dma_semaphore, #tpu.memory_space<semaphore_mem>>) src(%dma_wait3A_511 : memref<40x64xi32, #tpu.memory_space<hbm>>) dst(%dma_wait3A_507 : memref<40x64xi32, #tpu.memory_space<vmem>>)
      tpu.yield
    }) : () -> ()
    %dma_start3A_258 = arith.constant 0 : i32
    %dma_start3A_259 = arith.constant 0 : i32
    %dma_start3A_260 = arith.constant 0 : i32
    %dma_start3A_261 = arith.constant 0 : i32
    %dma_start3A_262 = arith.constant 0 : i32
    %dma_start3A_263 = tpu.memref_slice %arg7[%dma_start3A_260, %dma_start3A_261, %dma_start3A_262] : memref<4x64x128xf32, #tpu.memory_space<vmem>> -> memref<1x64x128xf32, #tpu.memory_space<vmem>>
    %dma_start3A_264 = tpu.memref_squeeze %dma_start3A_263 : memref<1x64x128xf32, #tpu.memory_space<vmem>> -> memref<64x128xf32, #tpu.memory_space<vmem>>
    %dma_start3A_265 = arith.constant 0 : i32
    %dma_start3A_266 = tpu.memref_slice %arg6[%dma_start3A_258, %dma_start3A_259, %dma_start3A_265] : memref<2x40x64xi32, #tpu.memory_space<vmem>> -> memref<1x1x64xi32, #tpu.memory_space<vmem>>
    %dma_start3A_267 = tpu.memref_squeeze %dma_start3A_266 : memref<1x1x64xi32, #tpu.memory_space<vmem>> -> memref<64xi32, #tpu.memory_space<vmem>>
    %dma_start3A_268 = arith.constant 0 : i32
    %dma_start3A_269 = arith.constant 0 : i32
    %dma_start3A_270 = tpu.memref_slice %arg2[%dma_start3A_268, %dma_start3A_269] : memref<10240x128xf32, #tpu.memory_space<hbm>> -> memref<10240x128xf32, #tpu.memory_space<hbm>>
    tpu.enqueue_indirect_dma source(%dma_start3A_270 : memref<10240x128xf32, #tpu.memory_space<hbm>>) target(%dma_start3A_264 : memref<64x128xf32, #tpu.memory_space<vmem>>) offsets(%dma_start3A_267 : memref<64xi32, #tpu.memory_space<vmem>>) semaphore(%arg9 : memref<!tpu.dma_semaphore, #tpu.memory_space<semaphore_mem>>)
    %dma_start3A_271 = arith.constant 0 : i32
    %dma_start3A_272 = arith.constant 1 : i32
    %dma_start3A_273 = arith.constant 1 : i32
    %dma_start3A_274 = arith.constant 0 : i32
    %dma_start3A_275 = arith.constant 0 : i32
    %dma_start3A_276 = tpu.memref_slice %arg7[%dma_start3A_273, %dma_start3A_274, %dma_start3A_275] : memref<4x64x128xf32, #tpu.memory_space<vmem>> -> memref<1x64x128xf32, #tpu.memory_space<vmem>>
    %dma_start3A_277 = tpu.memref_squeeze %dma_start3A_276 : memref<1x64x128xf32, #tpu.memory_space<vmem>> -> memref<64x128xf32, #tpu.memory_space<vmem>>
    %dma_start3A_278 = arith.constant 0 : i32
    %dma_start3A_279 = tpu.memref_slice %arg6[%dma_start3A_271, %dma_start3A_272, %dma_start3A_278] : memref<2x40x64xi32, #tpu.memory_space<vmem>> -> memref<1x1x64xi32, #tpu.memory_space<vmem>>
    %dma_start3A_280 = tpu.memref_squeeze %dma_start3A_279 : memref<1x1x64xi32, #tpu.memory_space<vmem>> -> memref<64xi32, #tpu.memory_space<vmem>>
    %dma_start3A_281 = arith.constant 0 : i32
    %dma_start3A_282 = arith.constant 0 : i32
    %dma_start3A_283 = tpu.memref_slice %arg2[%dma_start3A_281, %dma_start3A_282] : memref<10240x128xf32, #tpu.memory_space<hbm>> -> memref<10240x128xf32, #tpu.memory_space<hbm>>
    tpu.enqueue_indirect_dma source(%dma_start3A_283 : memref<10240x128xf32, #tpu.memory_space<hbm>>) target(%dma_start3A_277 : memref<64x128xf32, #tpu.memory_space<vmem>>) offsets(%dma_start3A_280 : memref<64xi32, #tpu.memory_space<vmem>>) semaphore(%arg10 : memref<!tpu.dma_semaphore, #tpu.memory_space<semaphore_mem>>)
    %dma_start3A_284 = arith.constant 0 : i32
    %dma_start3A_285 = arith.constant 2 : i32
    %dma_start3A_286 = arith.constant 2 : i32
    %dma_start3A_287 = arith.constant 0 : i32
    %dma_start3A_288 = arith.constant 0 : i32
    %dma_start3A_289 = tpu.memref_slice %arg7[%dma_start3A_286, %dma_start3A_287, %dma_start3A_288] : memref<4x64x128xf32, #tpu.memory_space<vmem>> -> memref<1x64x128xf32, #tpu.memory_space<vmem>>
    %dma_start3A_290 = tpu.memref_squeeze %dma_start3A_289 : memref<1x64x128xf32, #tpu.memory_space<vmem>> -> memref<64x128xf32, #tpu.memory_space<vmem>>
    %dma_start3A_291 = arith.constant 0 : i32
    %dma_start3A_292 = tpu.memref_slice %arg6[%dma_start3A_284, %dma_start3A_285, %dma_start3A_291] : memref<2x40x64xi32, #tpu.memory_space<vmem>> -> memref<1x1x64xi32, #tpu.memory_space<vmem>>
    %dma_start3A_293 = tpu.memref_squeeze %dma_start3A_292 : memref<1x1x64xi32, #tpu.memory_space<vmem>> -> memref<64xi32, #tpu.memory_space<vmem>>
    %dma_start3A_294 = arith.constant 0 : i32
    %dma_start3A_295 = arith.constant 0 : i32
    %dma_start3A_296 = tpu.memref_slice %arg2[%dma_start3A_294, %dma_start3A_295] : memref<10240x128xf32, #tpu.memory_space<hbm>> -> memref<10240x128xf32, #tpu.memory_space<hbm>>
    tpu.enqueue_indirect_dma source(%dma_start3A_296 : memref<10240x128xf32, #tpu.memory_space<hbm>>) target(%dma_start3A_290 : memref<64x128xf32, #tpu.memory_space<vmem>>) offsets(%dma_start3A_293 : memref<64xi32, #tpu.memory_space<vmem>>) semaphore(%arg11 : memref<!tpu.dma_semaphore, #tpu.memory_space<semaphore_mem>>)
    %dma_start3A_297 = arith.constant 0 : i32
    %dma_start3A_298 = arith.constant 3 : i32
    %dma_start3A_299 = arith.constant 3 : i32
    %dma_start3A_300 = arith.constant 0 : i32
    %dma_start3A_301 = arith.constant 0 : i32
    %dma_start3A_302 = tpu.memref_slice %arg7[%dma_start3A_299, %dma_start3A_300, %dma_start3A_301] : memref<4x64x128xf32, #tpu.memory_space<vmem>> -> memref<1x64x128xf32, #tpu.memory_space<vmem>>
    %dma_start3A_303 = tpu.memref_squeeze %dma_start3A_302 : memref<1x64x128xf32, #tpu.memory_space<vmem>> -> memref<64x128xf32, #tpu.memory_space<vmem>>
    %dma_start3A_304 = arith.constant 0 : i32
    %dma_start3A_305 = tpu.memref_slice %arg6[%dma_start3A_297, %dma_start3A_298, %dma_start3A_304] : memref<2x40x64xi32, #tpu.memory_space<vmem>> -> memref<1x1x64xi32, #tpu.memory_space<vmem>>
    %dma_start3A_306 = tpu.memref_squeeze %dma_start3A_305 : memref<1x1x64xi32, #tpu.memory_space<vmem>> -> memref<64xi32, #tpu.memory_space<vmem>>
    %dma_start3A_307 = arith.constant 0 : i32
    %dma_start3A_308 = arith.constant 0 : i32
    %dma_start3A_309 = tpu.memref_slice %arg2[%dma_start3A_307, %dma_start3A_308] : memref<10240x128xf32, #tpu.memory_space<hbm>> -> memref<10240x128xf32, #tpu.memory_space<hbm>>
    tpu.enqueue_indirect_dma source(%dma_start3A_309 : memref<10240x128xf32, #tpu.memory_space<hbm>>) target(%dma_start3A_303 : memref<64x128xf32, #tpu.memory_space<vmem>>) offsets(%dma_start3A_306 : memref<64xi32, #tpu.memory_space<vmem>>) semaphore(%arg12 : memref<!tpu.dma_semaphore, #tpu.memory_space<semaphore_mem>>)
    %scan3A_310 = arith.constant 0 : i32
    %scan3A_311 = arith.constant 10 : i32
    %scan3A_312 = arith.addi %scan3A_310, %scan3A_311 : i32
    %scan3A_313 = arith.constant 1 : i32
    scf.for %scan3A_479 = %scan3A_310 to %scan3A_312 step %scan3A_313  : i32 {
      %mul3A_480 = arith.constant 1 : i32
      %mul3A_481 = arith.muli %scan3A_479, %mul3A_480 : i32
      %add3A_482 = arith.constant 0 : i32
      %add3A_483 = arith.addi %add3A_482, %mul3A_481 : i32
      %mul3A_484 = arith.constant 4 : i32
      %mul3A_485 = arith.muli %mul3A_484, %add3A_483 : i32
      %add3A_486 = arith.constant 0 : i32
      %add3A_487 = arith.addi %mul3A_485, %add3A_486 : i32
      %dma_wait3A_488 = arith.constant 0 : i32
      %dma_wait3A_489 = arith.constant 0 : i32
      %dma_wait3A_490 = arith.constant 0 : i32
      %dma_wait3A_491 = arith.constant 0 : i32
      %dma_wait3A_492 = tpu.memref_slice %arg7[%dma_wait3A_489, %dma_wait3A_490, %dma_wait3A_491] : memref<4x64x128xf32, #tpu.memory_space<vmem>> -> memref<1x64x128xf32, #tpu.memory_space<vmem>>
      %dma_wait3A_493 = tpu.memref_squeeze %dma_wait3A_492 : memref<1x64x128xf32, #tpu.memory_space<vmem>> -> memref<64x128xf32, #tpu.memory_space<vmem>>
      %dma_wait3A_494 = arith.constant 0 : i32
      %dma_wait3A_495 = tpu.memref_slice %arg6[%dma_wait3A_488, %add3A_487, %dma_wait3A_494] : memref<2x40x64xi32, #tpu.memory_space<vmem>> -> memref<1x1x64xi32, #tpu.memory_space<vmem>>
      %dma_wait3A_496 = tpu.memref_squeeze %dma_wait3A_495 : memref<1x1x64xi32, #tpu.memory_space<vmem>> -> memref<64xi32, #tpu.memory_space<vmem>>
      %dma_wait3A_497 = arith.constant 0 : i32
      %dma_wait3A_498 = arith.constant 0 : i32
      %dma_wait3A_499 = tpu.memref_slice %arg2[%dma_wait3A_497, %dma_wait3A_498] : memref<10240x128xf32, #tpu.memory_space<hbm>> -> memref<10240x128xf32, #tpu.memory_space<hbm>>
      tpu.wait_indirect_dma semaphore(%arg9 : memref<!tpu.dma_semaphore, #tpu.memory_space<semaphore_mem>>) src(%dma_wait3A_499 : memref<10240x128xf32, #tpu.memory_space<hbm>>) dst(%dma_wait3A_493 : memref<64x128xf32, #tpu.memory_space<vmem>>)
      %add3A_500 = arith.constant 0 : i32
      %add3A_501 = arith.addi %mul3A_485, %add3A_500 : i32
      %dma_start3A_502 = arith.constant 0 : i32
      %dma_start3A_503 = arith.constant 1 : i32
      %dma_start3A_504 = arith.constant 0 : i32
      %dma_start3A_505 = arith.constant 0 : i32
      %dma_start3A_506 = tpu.memref_slice %arg7[%dma_start3A_502, %dma_start3A_504, %dma_start3A_505] : memref<4x64x128xf32, #tpu.memory_space<vmem>> -> memref<1x64x128xf32, #tpu.memory_space<vmem>>
      %dma_start3A_507 = tpu.memref_squeeze %dma_start3A_506 : memref<1x64x128xf32, #tpu.memory_space<vmem>> -> memref<64x128xf32, #tpu.memory_space<vmem>>
      %dma_start3A_508 = arith.constant 0 : i32
      %dma_start3A_509 = tpu.memref_slice %arg6[%dma_start3A_503, %add3A_501, %dma_start3A_508] : memref<2x40x64xi32, #tpu.memory_space<vmem>> -> memref<1x1x64xi32, #tpu.memory_space<vmem>>
      %dma_start3A_510 = tpu.memref_squeeze %dma_start3A_509 : memref<1x1x64xi32, #tpu.memory_space<vmem>> -> memref<64xi32, #tpu.memory_space<vmem>>
      %dma_start3A_511 = arith.constant 0 : i32
      %dma_start3A_512 = arith.constant 0 : i32
      %dma_start3A_513 = tpu.memref_slice %arg8[%dma_start3A_511, %dma_start3A_512] : memref<10240x128xf32, #tpu.memory_space<vmem_shared>> -> memref<10240x128xf32, #tpu.memory_space<vmem_shared>>
      tpu.enqueue_indirect_dma source(%dma_start3A_507 : memref<64x128xf32, #tpu.memory_space<vmem>>) target(%dma_start3A_513 : memref<10240x128xf32, #tpu.memory_space<vmem_shared>>) offsets(%dma_start3A_510 : memref<64xi32, #tpu.memory_space<vmem>>) semaphore(%arg13 : memref<!tpu.dma_semaphore, #tpu.memory_space<semaphore_mem>>) {add = true}
      %add3A_514 = arith.constant 1 : i32
      %add3A_515 = arith.addi %mul3A_485, %add3A_514 : i32
      %dma_wait3A_516 = arith.constant 0 : i32
      %dma_wait3A_517 = arith.constant 1 : i32
      %dma_wait3A_518 = arith.constant 0 : i32
      %dma_wait3A_519 = arith.constant 0 : i32
      %dma_wait3A_520 = tpu.memref_slice %arg7[%dma_wait3A_517, %dma_wait3A_518, %dma_wait3A_519] : memref<4x64x128xf32, #tpu.memory_space<vmem>> -> memref<1x64x128xf32, #tpu.memory_space<vmem>>
      %dma_wait3A_521 = tpu.memref_squeeze %dma_wait3A_520 : memref<1x64x128xf32, #tpu.memory_space<vmem>> -> memref<64x128xf32, #tpu.memory_space<vmem>>
      %dma_wait3A_522 = arith.constant 0 : i32
      %dma_wait3A_523 = tpu.memref_slice %arg6[%dma_wait3A_516, %add3A_515, %dma_wait3A_522] : memref<2x40x64xi32, #tpu.memory_space<vmem>> -> memref<1x1x64xi32, #tpu.memory_space<vmem>>
      %dma_wait3A_524 = tpu.memref_squeeze %dma_wait3A_523 : memref<1x1x64xi32, #tpu.memory_space<vmem>> -> memref<64xi32, #tpu.memory_space<vmem>>
      %dma_wait3A_525 = arith.constant 0 : i32
      %dma_wait3A_526 = arith.constant 0 : i32
      %dma_wait3A_527 = tpu.memref_slice %arg2[%dma_wait3A_525, %dma_wait3A_526] : memref<10240x128xf32, #tpu.memory_space<hbm>> -> memref<10240x128xf32, #tpu.memory_space<hbm>>
      tpu.wait_indirect_dma semaphore(%arg10 : memref<!tpu.dma_semaphore, #tpu.memory_space<semaphore_mem>>) src(%dma_wait3A_527 : memref<10240x128xf32, #tpu.memory_space<hbm>>) dst(%dma_wait3A_521 : memref<64x128xf32, #tpu.memory_space<vmem>>)
      %add3A_528 = arith.constant 1 : i32
      %add3A_529 = arith.addi %mul3A_485, %add3A_528 : i32
      %dma_start3A_530 = arith.constant 1 : i32
      %dma_start3A_531 = arith.constant 1 : i32
      %dma_start3A_532 = arith.constant 0 : i32
      %dma_start3A_533 = arith.constant 0 : i32
      %dma_start3A_534 = tpu.memref_slice %arg7[%dma_start3A_530, %dma_start3A_532, %dma_start3A_533] : memref<4x64x128xf32, #tpu.memory_space<vmem>> -> memref<1x64x128xf32, #tpu.memory_space<vmem>>
      %dma_start3A_535 = tpu.memref_squeeze %dma_start3A_534 : memref<1x64x128xf32, #tpu.memory_space<vmem>> -> memref<64x128xf32, #tpu.memory_space<vmem>>
      %dma_start3A_536 = arith.constant 0 : i32
      %dma_start3A_537 = tpu.memref_slice %arg6[%dma_start3A_531, %add3A_529, %dma_start3A_536] : memref<2x40x64xi32, #tpu.memory_space<vmem>> -> memref<1x1x64xi32, #tpu.memory_space<vmem>>
      %dma_start3A_538 = tpu.memref_squeeze %dma_start3A_537 : memref<1x1x64xi32, #tpu.memory_space<vmem>> -> memref<64xi32, #tpu.memory_space<vmem>>
      %dma_start3A_539 = arith.constant 0 : i32
      %dma_start3A_540 = arith.constant 0 : i32
      %dma_start3A_541 = tpu.memref_slice %arg8[%dma_start3A_539, %dma_start3A_540] : memref<10240x128xf32, #tpu.memory_space<vmem_shared>> -> memref<10240x128xf32, #tpu.memory_space<vmem_shared>>
      tpu.enqueue_indirect_dma source(%dma_start3A_535 : memref<64x128xf32, #tpu.memory_space<vmem>>) target(%dma_start3A_541 : memref<10240x128xf32, #tpu.memory_space<vmem_shared>>) offsets(%dma_start3A_538 : memref<64xi32, #tpu.memory_space<vmem>>) semaphore(%arg14 : memref<!tpu.dma_semaphore, #tpu.memory_space<semaphore_mem>>) {add = true}
      %add3A_542 = arith.constant 2 : i32
      %add3A_543 = arith.addi %mul3A_485, %add3A_542 : i32
      %dma_wait3A_544 = arith.constant 0 : i32
      %dma_wait3A_545 = arith.constant 2 : i32
      %dma_wait3A_546 = arith.constant 0 : i32
      %dma_wait3A_547 = arith.constant 0 : i32
      %dma_wait3A_548 = tpu.memref_slice %arg7[%dma_wait3A_545, %dma_wait3A_546, %dma_wait3A_547] : memref<4x64x128xf32, #tpu.memory_space<vmem>> -> memref<1x64x128xf32, #tpu.memory_space<vmem>>
      %dma_wait3A_549 = tpu.memref_squeeze %dma_wait3A_548 : memref<1x64x128xf32, #tpu.memory_space<vmem>> -> memref<64x128xf32, #tpu.memory_space<vmem>>
      %dma_wait3A_550 = arith.constant 0 : i32
      %dma_wait3A_551 = tpu.memref_slice %arg6[%dma_wait3A_544, %add3A_543, %dma_wait3A_550] : memref<2x40x64xi32, #tpu.memory_space<vmem>> -> memref<1x1x64xi32, #tpu.memory_space<vmem>>
      %dma_wait3A_552 = tpu.memref_squeeze %dma_wait3A_551 : memref<1x1x64xi32, #tpu.memory_space<vmem>> -> memref<64xi32, #tpu.memory_space<vmem>>
      %dma_wait3A_553 = arith.constant 0 : i32
      %dma_wait3A_554 = arith.constant 0 : i32
      %dma_wait3A_555 = tpu.memref_slice %arg2[%dma_wait3A_553, %dma_wait3A_554] : memref<10240x128xf32, #tpu.memory_space<hbm>> -> memref<10240x128xf32, #tpu.memory_space<hbm>>
      tpu.wait_indirect_dma semaphore(%arg11 : memref<!tpu.dma_semaphore, #tpu.memory_space<semaphore_mem>>) src(%dma_wait3A_555 : memref<10240x128xf32, #tpu.memory_space<hbm>>) dst(%dma_wait3A_549 : memref<64x128xf32, #tpu.memory_space<vmem>>)
      %add3A_556 = arith.constant 2 : i32
      %add3A_557 = arith.addi %mul3A_485, %add3A_556 : i32
      %dma_start3A_558 = arith.constant 2 : i32
      %dma_start3A_559 = arith.constant 1 : i32
      %dma_start3A_560 = arith.constant 0 : i32
      %dma_start3A_561 = arith.constant 0 : i32
      %dma_start3A_562 = tpu.memref_slice %arg7[%dma_start3A_558, %dma_start3A_560, %dma_start3A_561] : memref<4x64x128xf32, #tpu.memory_space<vmem>> -> memref<1x64x128xf32, #tpu.memory_space<vmem>>
      %dma_start3A_563 = tpu.memref_squeeze %dma_start3A_562 : memref<1x64x128xf32, #tpu.memory_space<vmem>> -> memref<64x128xf32, #tpu.memory_space<vmem>>
      %dma_start3A_564 = arith.constant 0 : i32
      %dma_start3A_565 = tpu.memref_slice %arg6[%dma_start3A_559, %add3A_557, %dma_start3A_564] : memref<2x40x64xi32, #tpu.memory_space<vmem>> -> memref<1x1x64xi32, #tpu.memory_space<vmem>>
      %dma_start3A_566 = tpu.memref_squeeze %dma_start3A_565 : memref<1x1x64xi32, #tpu.memory_space<vmem>> -> memref<64xi32, #tpu.memory_space<vmem>>
      %dma_start3A_567 = arith.constant 0 : i32
      %dma_start3A_568 = arith.constant 0 : i32
      %dma_start3A_569 = tpu.memref_slice %arg8[%dma_start3A_567, %dma_start3A_568] : memref<10240x128xf32, #tpu.memory_space<vmem_shared>> -> memref<10240x128xf32, #tpu.memory_space<vmem_shared>>
      tpu.enqueue_indirect_dma source(%dma_start3A_563 : memref<64x128xf32, #tpu.memory_space<vmem>>) target(%dma_start3A_569 : memref<10240x128xf32, #tpu.memory_space<vmem_shared>>) offsets(%dma_start3A_566 : memref<64xi32, #tpu.memory_space<vmem>>) semaphore(%arg15 : memref<!tpu.dma_semaphore, #tpu.memory_space<semaphore_mem>>) {add = true}
      %add3A_570 = arith.constant 3 : i32
      %add3A_571 = arith.addi %mul3A_485, %add3A_570 : i32
      %dma_wait3A_572 = arith.constant 0 : i32
      %dma_wait3A_573 = arith.constant 3 : i32
      %dma_wait3A_574 = arith.constant 0 : i32
      %dma_wait3A_575 = arith.constant 0 : i32
      %dma_wait3A_576 = tpu.memref_slice %arg7[%dma_wait3A_573, %dma_wait3A_574, %dma_wait3A_575] : memref<4x64x128xf32, #tpu.memory_space<vmem>> -> memref<1x64x128xf32, #tpu.memory_space<vmem>>
      %dma_wait3A_577 = tpu.memref_squeeze %dma_wait3A_576 : memref<1x64x128xf32, #tpu.memory_space<vmem>> -> memref<64x128xf32, #tpu.memory_space<vmem>>
      %dma_wait3A_578 = arith.constant 0 : i32
      %dma_wait3A_579 = tpu.memref_slice %arg6[%dma_wait3A_572, %add3A_571, %dma_wait3A_578] : memref<2x40x64xi32, #tpu.memory_space<vmem>> -> memref<1x1x64xi32, #tpu.memory_space<vmem>>
      %dma_wait3A_580 = tpu.memref_squeeze %dma_wait3A_579 : memref<1x1x64xi32, #tpu.memory_space<vmem>> -> memref<64xi32, #tpu.memory_space<vmem>>
      %dma_wait3A_581 = arith.constant 0 : i32
      %dma_wait3A_582 = arith.constant 0 : i32
      %dma_wait3A_583 = tpu.memref_slice %arg2[%dma_wait3A_581, %dma_wait3A_582] : memref<10240x128xf32, #tpu.memory_space<hbm>> -> memref<10240x128xf32, #tpu.memory_space<hbm>>
      tpu.wait_indirect_dma semaphore(%arg12 : memref<!tpu.dma_semaphore, #tpu.memory_space<semaphore_mem>>) src(%dma_wait3A_583 : memref<10240x128xf32, #tpu.memory_space<hbm>>) dst(%dma_wait3A_577 : memref<64x128xf32, #tpu.memory_space<vmem>>)
      %add3A_584 = arith.constant 3 : i32
      %add3A_585 = arith.addi %mul3A_485, %add3A_584 : i32
      %dma_start3A_586 = arith.constant 3 : i32
      %dma_start3A_587 = arith.constant 1 : i32
      %dma_start3A_588 = arith.constant 0 : i32
      %dma_start3A_589 = arith.constant 0 : i32
      %dma_start3A_590 = tpu.memref_slice %arg7[%dma_start3A_586, %dma_start3A_588, %dma_start3A_589] : memref<4x64x128xf32, #tpu.memory_space<vmem>> -> memref<1x64x128xf32, #tpu.memory_space<vmem>>
      %dma_start3A_591 = tpu.memref_squeeze %dma_start3A_590 : memref<1x64x128xf32, #tpu.memory_space<vmem>> -> memref<64x128xf32, #tpu.memory_space<vmem>>
      %dma_start3A_592 = arith.constant 0 : i32
      %dma_start3A_593 = tpu.memref_slice %arg6[%dma_start3A_587, %add3A_585, %dma_start3A_592] : memref<2x40x64xi32, #tpu.memory_space<vmem>> -> memref<1x1x64xi32, #tpu.memory_space<vmem>>
      %dma_start3A_594 = tpu.memref_squeeze %dma_start3A_593 : memref<1x1x64xi32, #tpu.memory_space<vmem>> -> memref<64xi32, #tpu.memory_space<vmem>>
      %dma_start3A_595 = arith.constant 0 : i32
      %dma_start3A_596 = arith.constant 0 : i32
      %dma_start3A_597 = tpu.memref_slice %arg8[%dma_start3A_595, %dma_start3A_596] : memref<10240x128xf32, #tpu.memory_space<vmem_shared>> -> memref<10240x128xf32, #tpu.memory_space<vmem_shared>>
      tpu.enqueue_indirect_dma source(%dma_start3A_591 : memref<64x128xf32, #tpu.memory_space<vmem>>) target(%dma_start3A_597 : memref<10240x128xf32, #tpu.memory_space<vmem_shared>>) offsets(%dma_start3A_594 : memref<64xi32, #tpu.memory_space<vmem>>) semaphore(%arg16 : memref<!tpu.dma_semaphore, #tpu.memory_space<semaphore_mem>>) {add = true}
      %lt3A = arith.constant 9 : i32
      %lt3A_598 = arith.cmpi slt, %add3A_483, %lt3A : i32
      %convert_element_type3A = arith.extui %lt3A_598 : i1 to i32
      %cond3A = arith.constant 0 : i32
      %cond3A_599 = arith.cmpi ne, %convert_element_type3A, %cond3A : i32
      scf.if %cond3A_599 {
        %add3A_600 = arith.constant 0 : i32
        %add3A_601 = arith.addi %mul3A_485, %add3A_600 : i32
        %dma_wait3A_602 = arith.constant 0 : i32
        %dma_wait3A_603 = arith.constant 1 : i32
        %dma_wait3A_604 = arith.constant 0 : i32
        %dma_wait3A_605 = arith.constant 0 : i32
        %dma_wait3A_606 = tpu.memref_slice %arg7[%dma_wait3A_602, %dma_wait3A_604, %dma_wait3A_605] : memref<4x64x128xf32, #tpu.memory_space<vmem>> -> memref<1x64x128xf32, #tpu.memory_space<vmem>>
        %dma_wait3A_607 = tpu.memref_squeeze %dma_wait3A_606 : memref<1x64x128xf32, #tpu.memory_space<vmem>> -> memref<64x128xf32, #tpu.memory_space<vmem>>
        %dma_wait3A_608 = arith.constant 0 : i32
        %dma_wait3A_609 = tpu.memref_slice %arg6[%dma_wait3A_603, %add3A_601, %dma_wait3A_608] : memref<2x40x64xi32, #tpu.memory_space<vmem>> -> memref<1x1x64xi32, #tpu.memory_space<vmem>>
        %dma_wait3A_610 = tpu.memref_squeeze %dma_wait3A_609 : memref<1x1x64xi32, #tpu.memory_space<vmem>> -> memref<64xi32, #tpu.memory_space<vmem>>
        %dma_wait3A_611 = arith.constant 0 : i32
        %dma_wait3A_612 = arith.constant 0 : i32
        %dma_wait3A_613 = tpu.memref_slice %arg8[%dma_wait3A_611, %dma_wait3A_612] : memref<10240x128xf32, #tpu.memory_space<vmem_shared>> -> memref<10240x128xf32, #tpu.memory_space<vmem_shared>>
        tpu.wait_indirect_dma semaphore(%arg13 : memref<!tpu.dma_semaphore, #tpu.memory_space<semaphore_mem>>) src(%dma_wait3A_607 : memref<64x128xf32, #tpu.memory_space<vmem>>) dst(%dma_wait3A_613 : memref<10240x128xf32, #tpu.memory_space<vmem_shared>>)
        %add3A_614 = arith.constant 4 : i32
        %add3A_615 = arith.addi %mul3A_485, %add3A_614 : i32
        %add3A_616 = arith.constant 0 : i32
        %add3A_617 = arith.addi %add3A_615, %add3A_616 : i32
        %dma_start3A_618 = arith.constant 0 : i32
        %dma_start3A_619 = arith.constant 0 : i32
        %dma_start3A_620 = arith.constant 0 : i32
        %dma_start3A_621 = arith.constant 0 : i32
        %dma_start3A_622 = tpu.memref_slice %arg7[%dma_start3A_619, %dma_start3A_620, %dma_start3A_621] : memref<4x64x128xf32, #tpu.memory_space<vmem>> -> memref<1x64x128xf32, #tpu.memory_space<vmem>>
        %dma_start3A_623 = tpu.memref_squeeze %dma_start3A_622 : memref<1x64x128xf32, #tpu.memory_space<vmem>> -> memref<64x128xf32, #tpu.memory_space<vmem>>
        %dma_start3A_624 = arith.constant 0 : i32
        %dma_start3A_625 = tpu.memref_slice %arg6[%dma_start3A_618, %add3A_617, %dma_start3A_624] : memref<2x40x64xi32, #tpu.memory_space<vmem>> -> memref<1x1x64xi32, #tpu.memory_space<vmem>>
        %dma_start3A_626 = tpu.memref_squeeze %dma_start3A_625 : memref<1x1x64xi32, #tpu.memory_space<vmem>> -> memref<64xi32, #tpu.memory_space<vmem>>
        %dma_start3A_627 = arith.constant 0 : i32
        %dma_start3A_628 = arith.constant 0 : i32
        %dma_start3A_629 = tpu.memref_slice %arg2[%dma_start3A_627, %dma_start3A_628] : memref<10240x128xf32, #tpu.memory_space<hbm>> -> memref<10240x128xf32, #tpu.memory_space<hbm>>
        tpu.enqueue_indirect_dma source(%dma_start3A_629 : memref<10240x128xf32, #tpu.memory_space<hbm>>) target(%dma_start3A_623 : memref<64x128xf32, #tpu.memory_space<vmem>>) offsets(%dma_start3A_626 : memref<64xi32, #tpu.memory_space<vmem>>) semaphore(%arg9 : memref<!tpu.dma_semaphore, #tpu.memory_space<semaphore_mem>>)
        %add3A_630 = arith.constant 1 : i32
        %add3A_631 = arith.addi %mul3A_485, %add3A_630 : i32
        %dma_wait3A_632 = arith.constant 1 : i32
        %dma_wait3A_633 = arith.constant 1 : i32
        %dma_wait3A_634 = arith.constant 0 : i32
        %dma_wait3A_635 = arith.constant 0 : i32
        %dma_wait3A_636 = tpu.memref_slice %arg7[%dma_wait3A_632, %dma_wait3A_634, %dma_wait3A_635] : memref<4x64x128xf32, #tpu.memory_space<vmem>> -> memref<1x64x128xf32, #tpu.memory_space<vmem>>
        %dma_wait3A_637 = tpu.memref_squeeze %dma_wait3A_636 : memref<1x64x128xf32, #tpu.memory_space<vmem>> -> memref<64x128xf32, #tpu.memory_space<vmem>>
        %dma_wait3A_638 = arith.constant 0 : i32
        %dma_wait3A_639 = tpu.memref_slice %arg6[%dma_wait3A_633, %add3A_631, %dma_wait3A_638] : memref<2x40x64xi32, #tpu.memory_space<vmem>> -> memref<1x1x64xi32, #tpu.memory_space<vmem>>
        %dma_wait3A_640 = tpu.memref_squeeze %dma_wait3A_639 : memref<1x1x64xi32, #tpu.memory_space<vmem>> -> memref<64xi32, #tpu.memory_space<vmem>>
        %dma_wait3A_641 = arith.constant 0 : i32
        %dma_wait3A_642 = arith.constant 0 : i32
        %dma_wait3A_643 = tpu.memref_slice %arg8[%dma_wait3A_641, %dma_wait3A_642] : memref<10240x128xf32, #tpu.memory_space<vmem_shared>> -> memref<10240x128xf32, #tpu.memory_space<vmem_shared>>
        tpu.wait_indirect_dma semaphore(%arg14 : memref<!tpu.dma_semaphore, #tpu.memory_space<semaphore_mem>>) src(%dma_wait3A_637 : memref<64x128xf32, #tpu.memory_space<vmem>>) dst(%dma_wait3A_643 : memref<10240x128xf32, #tpu.memory_space<vmem_shared>>)
        %add3A_644 = arith.constant 4 : i32
        %add3A_645 = arith.addi %mul3A_485, %add3A_644 : i32
        %add3A_646 = arith.constant 1 : i32
        %add3A_647 = arith.addi %add3A_645, %add3A_646 : i32
        %dma_start3A_648 = arith.constant 0 : i32
        %dma_start3A_649 = arith.constant 1 : i32
        %dma_start3A_650 = arith.constant 0 : i32
        %dma_start3A_651 = arith.constant 0 : i32
        %dma_start3A_652 = tpu.memref_slice %arg7[%dma_start3A_649, %dma_start3A_650, %dma_start3A_651] : memref<4x64x128xf32, #tpu.memory_space<vmem>> -> memref<1x64x128xf32, #tpu.memory_space<vmem>>
        %dma_start3A_653 = tpu.memref_squeeze %dma_start3A_652 : memref<1x64x128xf32, #tpu.memory_space<vmem>> -> memref<64x128xf32, #tpu.memory_space<vmem>>
        %dma_start3A_654 = arith.constant 0 : i32
        %dma_start3A_655 = tpu.memref_slice %arg6[%dma_start3A_648, %add3A_647, %dma_start3A_654] : memref<2x40x64xi32, #tpu.memory_space<vmem>> -> memref<1x1x64xi32, #tpu.memory_space<vmem>>
        %dma_start3A_656 = tpu.memref_squeeze %dma_start3A_655 : memref<1x1x64xi32, #tpu.memory_space<vmem>> -> memref<64xi32, #tpu.memory_space<vmem>>
        %dma_start3A_657 = arith.constant 0 : i32
        %dma_start3A_658 = arith.constant 0 : i32
        %dma_start3A_659 = tpu.memref_slice %arg2[%dma_start3A_657, %dma_start3A_658] : memref<10240x128xf32, #tpu.memory_space<hbm>> -> memref<10240x128xf32, #tpu.memory_space<hbm>>
        tpu.enqueue_indirect_dma source(%dma_start3A_659 : memref<10240x128xf32, #tpu.memory_space<hbm>>) target(%dma_start3A_653 : memref<64x128xf32, #tpu.memory_space<vmem>>) offsets(%dma_start3A_656 : memref<64xi32, #tpu.memory_space<vmem>>) semaphore(%arg10 : memref<!tpu.dma_semaphore, #tpu.memory_space<semaphore_mem>>)
        %add3A_660 = arith.constant 2 : i32
        %add3A_661 = arith.addi %mul3A_485, %add3A_660 : i32
        %dma_wait3A_662 = arith.constant 2 : i32
        %dma_wait3A_663 = arith.constant 1 : i32
        %dma_wait3A_664 = arith.constant 0 : i32
        %dma_wait3A_665 = arith.constant 0 : i32
        %dma_wait3A_666 = tpu.memref_slice %arg7[%dma_wait3A_662, %dma_wait3A_664, %dma_wait3A_665] : memref<4x64x128xf32, #tpu.memory_space<vmem>> -> memref<1x64x128xf32, #tpu.memory_space<vmem>>
        %dma_wait3A_667 = tpu.memref_squeeze %dma_wait3A_666 : memref<1x64x128xf32, #tpu.memory_space<vmem>> -> memref<64x128xf32, #tpu.memory_space<vmem>>
        %dma_wait3A_668 = arith.constant 0 : i32
        %dma_wait3A_669 = tpu.memref_slice %arg6[%dma_wait3A_663, %add3A_661, %dma_wait3A_668] : memref<2x40x64xi32, #tpu.memory_space<vmem>> -> memref<1x1x64xi32, #tpu.memory_space<vmem>>
        %dma_wait3A_670 = tpu.memref_squeeze %dma_wait3A_669 : memref<1x1x64xi32, #tpu.memory_space<vmem>> -> memref<64xi32, #tpu.memory_space<vmem>>
        %dma_wait3A_671 = arith.constant 0 : i32
        %dma_wait3A_672 = arith.constant 0 : i32
        %dma_wait3A_673 = tpu.memref_slice %arg8[%dma_wait3A_671, %dma_wait3A_672] : memref<10240x128xf32, #tpu.memory_space<vmem_shared>> -> memref<10240x128xf32, #tpu.memory_space<vmem_shared>>
        tpu.wait_indirect_dma semaphore(%arg15 : memref<!tpu.dma_semaphore, #tpu.memory_space<semaphore_mem>>) src(%dma_wait3A_667 : memref<64x128xf32, #tpu.memory_space<vmem>>) dst(%dma_wait3A_673 : memref<10240x128xf32, #tpu.memory_space<vmem_shared>>)
        %add3A_674 = arith.constant 4 : i32
        %add3A_675 = arith.addi %mul3A_485, %add3A_674 : i32
        %add3A_676 = arith.constant 2 : i32
        %add3A_677 = arith.addi %add3A_675, %add3A_676 : i32
        %dma_start3A_678 = arith.constant 0 : i32
        %dma_start3A_679 = arith.constant 2 : i32
        %dma_start3A_680 = arith.constant 0 : i32
        %dma_start3A_681 = arith.constant 0 : i32
        %dma_start3A_682 = tpu.memref_slice %arg7[%dma_start3A_679, %dma_start3A_680, %dma_start3A_681] : memref<4x64x128xf32, #tpu.memory_space<vmem>> -> memref<1x64x128xf32, #tpu.memory_space<vmem>>
        %dma_start3A_683 = tpu.memref_squeeze %dma_start3A_682 : memref<1x64x128xf32, #tpu.memory_space<vmem>> -> memref<64x128xf32, #tpu.memory_space<vmem>>
        %dma_start3A_684 = arith.constant 0 : i32
        %dma_start3A_685 = tpu.memref_slice %arg6[%dma_start3A_678, %add3A_677, %dma_start3A_684] : memref<2x40x64xi32, #tpu.memory_space<vmem>> -> memref<1x1x64xi32, #tpu.memory_space<vmem>>
        %dma_start3A_686 = tpu.memref_squeeze %dma_start3A_685 : memref<1x1x64xi32, #tpu.memory_space<vmem>> -> memref<64xi32, #tpu.memory_space<vmem>>
        %dma_start3A_687 = arith.constant 0 : i32
        %dma_start3A_688 = arith.constant 0 : i32
        %dma_start3A_689 = tpu.memref_slice %arg2[%dma_start3A_687, %dma_start3A_688] : memref<10240x128xf32, #tpu.memory_space<hbm>> -> memref<10240x128xf32, #tpu.memory_space<hbm>>
        tpu.enqueue_indirect_dma source(%dma_start3A_689 : memref<10240x128xf32, #tpu.memory_space<hbm>>) target(%dma_start3A_683 : memref<64x128xf32, #tpu.memory_space<vmem>>) offsets(%dma_start3A_686 : memref<64xi32, #tpu.memory_space<vmem>>) semaphore(%arg11 : memref<!tpu.dma_semaphore, #tpu.memory_space<semaphore_mem>>)
        %add3A_690 = arith.constant 3 : i32
        %add3A_691 = arith.addi %mul3A_485, %add3A_690 : i32
        %dma_wait3A_692 = arith.constant 3 : i32
        %dma_wait3A_693 = arith.constant 1 : i32
        %dma_wait3A_694 = arith.constant 0 : i32
        %dma_wait3A_695 = arith.constant 0 : i32
        %dma_wait3A_696 = tpu.memref_slice %arg7[%dma_wait3A_692, %dma_wait3A_694, %dma_wait3A_695] : memref<4x64x128xf32, #tpu.memory_space<vmem>> -> memref<1x64x128xf32, #tpu.memory_space<vmem>>
        %dma_wait3A_697 = tpu.memref_squeeze %dma_wait3A_696 : memref<1x64x128xf32, #tpu.memory_space<vmem>> -> memref<64x128xf32, #tpu.memory_space<vmem>>
        %dma_wait3A_698 = arith.constant 0 : i32
        %dma_wait3A_699 = tpu.memref_slice %arg6[%dma_wait3A_693, %add3A_691, %dma_wait3A_698] : memref<2x40x64xi32, #tpu.memory_space<vmem>> -> memref<1x1x64xi32, #tpu.memory_space<vmem>>
        %dma_wait3A_700 = tpu.memref_squeeze %dma_wait3A_699 : memref<1x1x64xi32, #tpu.memory_space<vmem>> -> memref<64xi32, #tpu.memory_space<vmem>>
        %dma_wait3A_701 = arith.constant 0 : i32
        %dma_wait3A_702 = arith.constant 0 : i32
        %dma_wait3A_703 = tpu.memref_slice %arg8[%dma_wait3A_701, %dma_wait3A_702] : memref<10240x128xf32, #tpu.memory_space<vmem_shared>> -> memref<10240x128xf32, #tpu.memory_space<vmem_shared>>
        tpu.wait_indirect_dma semaphore(%arg16 : memref<!tpu.dma_semaphore, #tpu.memory_space<semaphore_mem>>) src(%dma_wait3A_697 : memref<64x128xf32, #tpu.memory_space<vmem>>) dst(%dma_wait3A_703 : memref<10240x128xf32, #tpu.memory_space<vmem_shared>>)
        %add3A_704 = arith.constant 4 : i32
        %add3A_705 = arith.addi %mul3A_485, %add3A_704 : i32
        %add3A_706 = arith.constant 3 : i32
        %add3A_707 = arith.addi %add3A_705, %add3A_706 : i32
        %dma_start3A_708 = arith.constant 0 : i32
        %dma_start3A_709 = arith.constant 3 : i32
        %dma_start3A_710 = arith.constant 0 : i32
        %dma_start3A_711 = arith.constant 0 : i32
        %dma_start3A_712 = tpu.memref_slice %arg7[%dma_start3A_709, %dma_start3A_710, %dma_start3A_711] : memref<4x64x128xf32, #tpu.memory_space<vmem>> -> memref<1x64x128xf32, #tpu.memory_space<vmem>>
        %dma_start3A_713 = tpu.memref_squeeze %dma_start3A_712 : memref<1x64x128xf32, #tpu.memory_space<vmem>> -> memref<64x128xf32, #tpu.memory_space<vmem>>
        %dma_start3A_714 = arith.constant 0 : i32
        %dma_start3A_715 = tpu.memref_slice %arg6[%dma_start3A_708, %add3A_707, %dma_start3A_714] : memref<2x40x64xi32, #tpu.memory_space<vmem>> -> memref<1x1x64xi32, #tpu.memory_space<vmem>>
        %dma_start3A_716 = tpu.memref_squeeze %dma_start3A_715 : memref<1x1x64xi32, #tpu.memory_space<vmem>> -> memref<64xi32, #tpu.memory_space<vmem>>
        %dma_start3A_717 = arith.constant 0 : i32
        %dma_start3A_718 = arith.constant 0 : i32
        %dma_start3A_719 = tpu.memref_slice %arg2[%dma_start3A_717, %dma_start3A_718] : memref<10240x128xf32, #tpu.memory_space<hbm>> -> memref<10240x128xf32, #tpu.memory_space<hbm>>
        tpu.enqueue_indirect_dma source(%dma_start3A_719 : memref<10240x128xf32, #tpu.memory_space<hbm>>) target(%dma_start3A_713 : memref<64x128xf32, #tpu.memory_space<vmem>>) offsets(%dma_start3A_716 : memref<64xi32, #tpu.memory_space<vmem>>) semaphore(%arg12 : memref<!tpu.dma_semaphore, #tpu.memory_space<semaphore_mem>>)
      } else {
      }
    }
    %scan3A_314 = arith.constant 10 : i32
    %dma_wait3A_315 = arith.constant 0 : i32
    %dma_wait3A_316 = arith.constant 1 : i32
    %dma_wait3A_317 = arith.constant 0 : i32
    %dma_wait3A_318 = arith.constant 0 : i32
    %dma_wait3A_319 = arith.constant 0 : i32
    %dma_wait3A_320 = tpu.memref_slice %arg7[%dma_wait3A_315, %dma_wait3A_318, %dma_wait3A_319] : memref<4x64x128xf32, #tpu.memory_space<vmem>> -> memref<1x64x128xf32, #tpu.memory_space<vmem>>
    %dma_wait3A_321 = tpu.memref_squeeze %dma_wait3A_320 : memref<1x64x128xf32, #tpu.memory_space<vmem>> -> memref<64x128xf32, #tpu.memory_space<vmem>>
    %dma_wait3A_322 = arith.constant 0 : i32
    %dma_wait3A_323 = tpu.memref_slice %arg6[%dma_wait3A_316, %dma_wait3A_317, %dma_wait3A_322] : memref<2x40x64xi32, #tpu.memory_space<vmem>> -> memref<1x1x64xi32, #tpu.memory_space<vmem>>
    %dma_wait3A_324 = tpu.memref_squeeze %dma_wait3A_323 : memref<1x1x64xi32, #tpu.memory_space<vmem>> -> memref<64xi32, #tpu.memory_space<vmem>>
    %dma_wait3A_325 = arith.constant 0 : i32
    %dma_wait3A_326 = arith.constant 0 : i32
    %dma_wait3A_327 = tpu.memref_slice %arg8[%dma_wait3A_325, %dma_wait3A_326] : memref<10240x128xf32, #tpu.memory_space<vmem_shared>> -> memref<10240x128xf32, #tpu.memory_space<vmem_shared>>
    tpu.wait_indirect_dma semaphore(%arg13 : memref<!tpu.dma_semaphore, #tpu.memory_space<semaphore_mem>>) src(%dma_wait3A_321 : memref<64x128xf32, #tpu.memory_space<vmem>>) dst(%dma_wait3A_327 : memref<10240x128xf32, #tpu.memory_space<vmem_shared>>)
    %dma_wait3A_328 = arith.constant 1 : i32
    %dma_wait3A_329 = arith.constant 1 : i32
    %dma_wait3A_330 = arith.constant 1 : i32
    %dma_wait3A_331 = arith.constant 0 : i32
    %dma_wait3A_332 = arith.constant 0 : i32
    %dma_wait3A_333 = tpu.memref_slice %arg7[%dma_wait3A_328, %dma_wait3A_331, %dma_wait3A_332] : memref<4x64x128xf32, #tpu.memory_space<vmem>> -> memref<1x64x128xf32, #tpu.memory_space<vmem>>
    %dma_wait3A_334 = tpu.memref_squeeze %dma_wait3A_333 : memref<1x64x128xf32, #tpu.memory_space<vmem>> -> memref<64x128xf32, #tpu.memory_space<vmem>>
    %dma_wait3A_335 = arith.constant 0 : i32
    %dma_wait3A_336 = tpu.memref_slice %arg6[%dma_wait3A_329, %dma_wait3A_330, %dma_wait3A_335] : memref<2x40x64xi32, #tpu.memory_space<vmem>> -> memref<1x1x64xi32, #tpu.memory_space<vmem>>
    %dma_wait3A_337 = tpu.memref_squeeze %dma_wait3A_336 : memref<1x1x64xi32, #tpu.memory_space<vmem>> -> memref<64xi32, #tpu.memory_space<vmem>>
    %dma_wait3A_338 = arith.constant 0 : i32
    %dma_wait3A_339 = arith.constant 0 : i32
    %dma_wait3A_340 = tpu.memref_slice %arg8[%dma_wait3A_338, %dma_wait3A_339] : memref<10240x128xf32, #tpu.memory_space<vmem_shared>> -> memref<10240x128xf32, #tpu.memory_space<vmem_shared>>
    tpu.wait_indirect_dma semaphore(%arg14 : memref<!tpu.dma_semaphore, #tpu.memory_space<semaphore_mem>>) src(%dma_wait3A_334 : memref<64x128xf32, #tpu.memory_space<vmem>>) dst(%dma_wait3A_340 : memref<10240x128xf32, #tpu.memory_space<vmem_shared>>)
    %dma_wait3A_341 = arith.constant 2 : i32
    %dma_wait3A_342 = arith.constant 1 : i32
    %dma_wait3A_343 = arith.constant 2 : i32
    %dma_wait3A_344 = arith.constant 0 : i32
    %dma_wait3A_345 = arith.constant 0 : i32
    %dma_wait3A_346 = tpu.memref_slice %arg7[%dma_wait3A_341, %dma_wait3A_344, %dma_wait3A_345] : memref<4x64x128xf32, #tpu.memory_space<vmem>> -> memref<1x64x128xf32, #tpu.memory_space<vmem>>
    %dma_wait3A_347 = tpu.memref_squeeze %dma_wait3A_346 : memref<1x64x128xf32, #tpu.memory_space<vmem>> -> memref<64x128xf32, #tpu.memory_space<vmem>>
    %dma_wait3A_348 = arith.constant 0 : i32
    %dma_wait3A_349 = tpu.memref_slice %arg6[%dma_wait3A_342, %dma_wait3A_343, %dma_wait3A_348] : memref<2x40x64xi32, #tpu.memory_space<vmem>> -> memref<1x1x64xi32, #tpu.memory_space<vmem>>
    %dma_wait3A_350 = tpu.memref_squeeze %dma_wait3A_349 : memref<1x1x64xi32, #tpu.memory_space<vmem>> -> memref<64xi32, #tpu.memory_space<vmem>>
    %dma_wait3A_351 = arith.constant 0 : i32
    %dma_wait3A_352 = arith.constant 0 : i32
    %dma_wait3A_353 = tpu.memref_slice %arg8[%dma_wait3A_351, %dma_wait3A_352] : memref<10240x128xf32, #tpu.memory_space<vmem_shared>> -> memref<10240x128xf32, #tpu.memory_space<vmem_shared>>
    tpu.wait_indirect_dma semaphore(%arg15 : memref<!tpu.dma_semaphore, #tpu.memory_space<semaphore_mem>>) src(%dma_wait3A_347 : memref<64x128xf32, #tpu.memory_space<vmem>>) dst(%dma_wait3A_353 : memref<10240x128xf32, #tpu.memory_space<vmem_shared>>)
    %dma_wait3A_354 = arith.constant 3 : i32
    %dma_wait3A_355 = arith.constant 1 : i32
    %dma_wait3A_356 = arith.constant 3 : i32
    %dma_wait3A_357 = arith.constant 0 : i32
    %dma_wait3A_358 = arith.constant 0 : i32
    %dma_wait3A_359 = tpu.memref_slice %arg7[%dma_wait3A_354, %dma_wait3A_357, %dma_wait3A_358] : memref<4x64x128xf32, #tpu.memory_space<vmem>> -> memref<1x64x128xf32, #tpu.memory_space<vmem>>
    %dma_wait3A_360 = tpu.memref_squeeze %dma_wait3A_359 : memref<1x64x128xf32, #tpu.memory_space<vmem>> -> memref<64x128xf32, #tpu.memory_space<vmem>>
    %dma_wait3A_361 = arith.constant 0 : i32
    %dma_wait3A_362 = tpu.memref_slice %arg6[%dma_wait3A_355, %dma_wait3A_356, %dma_wait3A_361] : memref<2x40x64xi32, #tpu.memory_space<vmem>> -> memref<1x1x64xi32, #tpu.memory_space<vmem>>
    %dma_wait3A_363 = tpu.memref_squeeze %dma_wait3A_362 : memref<1x1x64xi32, #tpu.memory_space<vmem>> -> memref<64xi32, #tpu.memory_space<vmem>>
    %dma_wait3A_364 = arith.constant 0 : i32
    %dma_wait3A_365 = arith.constant 0 : i32
    %dma_wait3A_366 = tpu.memref_slice %arg8[%dma_wait3A_364, %dma_wait3A_365] : memref<10240x128xf32, #tpu.memory_space<vmem_shared>> -> memref<10240x128xf32, #tpu.memory_space<vmem_shared>>
    tpu.wait_indirect_dma semaphore(%arg16 : memref<!tpu.dma_semaphore, #tpu.memory_space<semaphore_mem>>) src(%dma_wait3A_360 : memref<64x128xf32, #tpu.memory_space<vmem>>) dst(%dma_wait3A_366 : memref<10240x128xf32, #tpu.memory_space<vmem_shared>>)
    %run_scoped3A_367 = arith.constant 0 : i32
    "tpu.region"() ({
      %run_scoped3A_479 = tpu.sem_alloc : memref<!tpu.dma_semaphore, #tpu.memory_space<semaphore_mem>>
      %dma_start3A_480 = arith.constant 0 : i32
      %dma_start3A_481 = arith.constant 0 : i32
      %dma_start3A_482 = tpu.memref_slice %arg6[%run_scoped3A_367, %dma_start3A_480, %dma_start3A_481] : memref<2x40x64xi32, #tpu.memory_space<vmem>> -> memref<1x40x64xi32, #tpu.memory_space<vmem>>
      %dma_start3A_483 = tpu.memref_squeeze %dma_start3A_482 : memref<1x40x64xi32, #tpu.memory_space<vmem>> -> memref<40x64xi32, #tpu.memory_space<vmem>>
      %dma_start3A_484 = arith.constant 120 : i32
      %dma_start3A_485 = arith.constant 0 : i32
      %dma_start3A_486 = tpu.memref_slice %arg3[%add3A, %dma_start3A_484, %dma_start3A_485] : memref<32x160x64xi32, #tpu.memory_space<hbm>> -> memref<1x40x64xi32, #tpu.memory_space<hbm>>
      %dma_start3A_487 = tpu.memref_squeeze %dma_start3A_486 : memref<1x40x64xi32, #tpu.memory_space<hbm>> -> memref<40x64xi32, #tpu.memory_space<hbm>>
      %dma_start3A_488 = arith.constant 0 : i32
      %dma_start3A_489 = arith.constant 0 : i32
      %dma_start3A_490 = tpu.memref_slice %arg6[%run_scoped3A_367, %dma_start3A_488, %dma_start3A_489] : memref<2x40x64xi32, #tpu.memory_space<vmem>> -> memref<1x40x64xi32, #tpu.memory_space<vmem>>
      %dma_start3A_491 = tpu.memref_squeeze %dma_start3A_490 : memref<1x40x64xi32, #tpu.memory_space<vmem>> -> memref<40x64xi32, #tpu.memory_space<vmem>>
      %dma_start3A_492 = arith.constant 120 : i32
      %dma_start3A_493 = arith.constant 0 : i32
      %dma_start3A_494 = tpu.memref_slice %arg3[%add3A, %dma_start3A_492, %dma_start3A_493] : memref<32x160x64xi32, #tpu.memory_space<hbm>> -> memref<1x40x64xi32, #tpu.memory_space<hbm>>
      %dma_start3A_495 = tpu.memref_squeeze %dma_start3A_494 : memref<1x40x64xi32, #tpu.memory_space<hbm>> -> memref<40x64xi32, #tpu.memory_space<hbm>>
      tpu.enqueue_dma source(%dma_start3A_495 : memref<40x64xi32, #tpu.memory_space<hbm>>) target(%dma_start3A_491 : memref<40x64xi32, #tpu.memory_space<vmem>>) target_semaphore(%run_scoped3A_479 : memref<!tpu.dma_semaphore, #tpu.memory_space<semaphore_mem>>)
      %dma_wait3A_496 = arith.constant 0 : i32
      %dma_wait3A_497 = arith.constant 0 : i32
      %dma_wait3A_498 = tpu.memref_slice %arg6[%run_scoped3A_367, %dma_wait3A_496, %dma_wait3A_497] : memref<2x40x64xi32, #tpu.memory_space<vmem>> -> memref<1x40x64xi32, #tpu.memory_space<vmem>>
      %dma_wait3A_499 = tpu.memref_squeeze %dma_wait3A_498 : memref<1x40x64xi32, #tpu.memory_space<vmem>> -> memref<40x64xi32, #tpu.memory_space<vmem>>
      %dma_wait3A_500 = arith.constant 120 : i32
      %dma_wait3A_501 = arith.constant 0 : i32
      %dma_wait3A_502 = tpu.memref_slice %arg3[%add3A, %dma_wait3A_500, %dma_wait3A_501] : memref<32x160x64xi32, #tpu.memory_space<hbm>> -> memref<1x40x64xi32, #tpu.memory_space<hbm>>
      %dma_wait3A_503 = tpu.memref_squeeze %dma_wait3A_502 : memref<1x40x64xi32, #tpu.memory_space<hbm>> -> memref<40x64xi32, #tpu.memory_space<hbm>>
      %dma_wait3A_504 = arith.constant 0 : i32
      %dma_wait3A_505 = arith.constant 0 : i32
      %dma_wait3A_506 = tpu.memref_slice %arg6[%run_scoped3A_367, %dma_wait3A_504, %dma_wait3A_505] : memref<2x40x64xi32, #tpu.memory_space<vmem>> -> memref<1x40x64xi32, #tpu.memory_space<vmem>>
      %dma_wait3A_507 = tpu.memref_squeeze %dma_wait3A_506 : memref<1x40x64xi32, #tpu.memory_space<vmem>> -> memref<40x64xi32, #tpu.memory_space<vmem>>
      %dma_wait3A_508 = arith.constant 120 : i32
      %dma_wait3A_509 = arith.constant 0 : i32
      %dma_wait3A_510 = tpu.memref_slice %arg3[%add3A, %dma_wait3A_508, %dma_wait3A_509] : memref<32x160x64xi32, #tpu.memory_space<hbm>> -> memref<1x40x64xi32, #tpu.memory_space<hbm>>
      %dma_wait3A_511 = tpu.memref_squeeze %dma_wait3A_510 : memref<1x40x64xi32, #tpu.memory_space<hbm>> -> memref<40x64xi32, #tpu.memory_space<hbm>>
      tpu.wait_dma2 semaphore(%run_scoped3A_479 : memref<!tpu.dma_semaphore, #tpu.memory_space<semaphore_mem>>) src(%dma_wait3A_511 : memref<40x64xi32, #tpu.memory_space<hbm>>) dst(%dma_wait3A_507 : memref<40x64xi32, #tpu.memory_space<vmem>>)
      tpu.yield
    }) : () -> ()
    %run_scoped3A_368 = arith.constant 1 : i32
    "tpu.region"() ({
      %run_scoped3A_479 = tpu.sem_alloc : memref<!tpu.dma_semaphore, #tpu.memory_space<semaphore_mem>>
      %dma_start3A_480 = arith.constant 0 : i32
      %dma_start3A_481 = arith.constant 0 : i32
      %dma_start3A_482 = tpu.memref_slice %arg6[%run_scoped3A_368, %dma_start3A_480, %dma_start3A_481] : memref<2x40x64xi32, #tpu.memory_space<vmem>> -> memref<1x40x64xi32, #tpu.memory_space<vmem>>
      %dma_start3A_483 = tpu.memref_squeeze %dma_start3A_482 : memref<1x40x64xi32, #tpu.memory_space<vmem>> -> memref<40x64xi32, #tpu.memory_space<vmem>>
      %dma_start3A_484 = arith.constant 120 : i32
      %dma_start3A_485 = arith.constant 0 : i32
      %dma_start3A_486 = tpu.memref_slice %arg4[%add3A, %dma_start3A_484, %dma_start3A_485] : memref<32x160x64xi32, #tpu.memory_space<hbm>> -> memref<1x40x64xi32, #tpu.memory_space<hbm>>
      %dma_start3A_487 = tpu.memref_squeeze %dma_start3A_486 : memref<1x40x64xi32, #tpu.memory_space<hbm>> -> memref<40x64xi32, #tpu.memory_space<hbm>>
      %dma_start3A_488 = arith.constant 0 : i32
      %dma_start3A_489 = arith.constant 0 : i32
      %dma_start3A_490 = tpu.memref_slice %arg6[%run_scoped3A_368, %dma_start3A_488, %dma_start3A_489] : memref<2x40x64xi32, #tpu.memory_space<vmem>> -> memref<1x40x64xi32, #tpu.memory_space<vmem>>
      %dma_start3A_491 = tpu.memref_squeeze %dma_start3A_490 : memref<1x40x64xi32, #tpu.memory_space<vmem>> -> memref<40x64xi32, #tpu.memory_space<vmem>>
      %dma_start3A_492 = arith.constant 120 : i32
      %dma_start3A_493 = arith.constant 0 : i32
      %dma_start3A_494 = tpu.memref_slice %arg4[%add3A, %dma_start3A_492, %dma_start3A_493] : memref<32x160x64xi32, #tpu.memory_space<hbm>> -> memref<1x40x64xi32, #tpu.memory_space<hbm>>
      %dma_start3A_495 = tpu.memref_squeeze %dma_start3A_494 : memref<1x40x64xi32, #tpu.memory_space<hbm>> -> memref<40x64xi32, #tpu.memory_space<hbm>>
      tpu.enqueue_dma source(%dma_start3A_495 : memref<40x64xi32, #tpu.memory_space<hbm>>) target(%dma_start3A_491 : memref<40x64xi32, #tpu.memory_space<vmem>>) target_semaphore(%run_scoped3A_479 : memref<!tpu.dma_semaphore, #tpu.memory_space<semaphore_mem>>)
      %dma_wait3A_496 = arith.constant 0 : i32
      %dma_wait3A_497 = arith.constant 0 : i32
      %dma_wait3A_498 = tpu.memref_slice %arg6[%run_scoped3A_368, %dma_wait3A_496, %dma_wait3A_497] : memref<2x40x64xi32, #tpu.memory_space<vmem>> -> memref<1x40x64xi32, #tpu.memory_space<vmem>>
      %dma_wait3A_499 = tpu.memref_squeeze %dma_wait3A_498 : memref<1x40x64xi32, #tpu.memory_space<vmem>> -> memref<40x64xi32, #tpu.memory_space<vmem>>
      %dma_wait3A_500 = arith.constant 120 : i32
      %dma_wait3A_501 = arith.constant 0 : i32
      %dma_wait3A_502 = tpu.memref_slice %arg4[%add3A, %dma_wait3A_500, %dma_wait3A_501] : memref<32x160x64xi32, #tpu.memory_space<hbm>> -> memref<1x40x64xi32, #tpu.memory_space<hbm>>
      %dma_wait3A_503 = tpu.memref_squeeze %dma_wait3A_502 : memref<1x40x64xi32, #tpu.memory_space<hbm>> -> memref<40x64xi32, #tpu.memory_space<hbm>>
      %dma_wait3A_504 = arith.constant 0 : i32
      %dma_wait3A_505 = arith.constant 0 : i32
      %dma_wait3A_506 = tpu.memref_slice %arg6[%run_scoped3A_368, %dma_wait3A_504, %dma_wait3A_505] : memref<2x40x64xi32, #tpu.memory_space<vmem>> -> memref<1x40x64xi32, #tpu.memory_space<vmem>>
      %dma_wait3A_507 = tpu.memref_squeeze %dma_wait3A_506 : memref<1x40x64xi32, #tpu.memory_space<vmem>> -> memref<40x64xi32, #tpu.memory_space<vmem>>
      %dma_wait3A_508 = arith.constant 120 : i32
      %dma_wait3A_509 = arith.constant 0 : i32
      %dma_wait3A_510 = tpu.memref_slice %arg4[%add3A, %dma_wait3A_508, %dma_wait3A_509] : memref<32x160x64xi32, #tpu.memory_space<hbm>> -> memref<1x40x64xi32, #tpu.memory_space<hbm>>
      %dma_wait3A_511 = tpu.memref_squeeze %dma_wait3A_510 : memref<1x40x64xi32, #tpu.memory_space<hbm>> -> memref<40x64xi32, #tpu.memory_space<hbm>>
      tpu.wait_dma2 semaphore(%run_scoped3A_479 : memref<!tpu.dma_semaphore, #tpu.memory_space<semaphore_mem>>) src(%dma_wait3A_511 : memref<40x64xi32, #tpu.memory_space<hbm>>) dst(%dma_wait3A_507 : memref<40x64xi32, #tpu.memory_space<vmem>>)
      tpu.yield
    }) : () -> ()
    %dma_start3A_369 = arith.constant 0 : i32
    %dma_start3A_370 = arith.constant 0 : i32
    %dma_start3A_371 = arith.constant 0 : i32
    %dma_start3A_372 = arith.constant 0 : i32
    %dma_start3A_373 = arith.constant 0 : i32
    %dma_start3A_374 = tpu.memref_slice %arg7[%dma_start3A_371, %dma_start3A_372, %dma_start3A_373] : memref<4x64x128xf32, #tpu.memory_space<vmem>> -> memref<1x64x128xf32, #tpu.memory_space<vmem>>
    %dma_start3A_375 = tpu.memref_squeeze %dma_start3A_374 : memref<1x64x128xf32, #tpu.memory_space<vmem>> -> memref<64x128xf32, #tpu.memory_space<vmem>>
    %dma_start3A_376 = arith.constant 0 : i32
    %dma_start3A_377 = tpu.memref_slice %arg6[%dma_start3A_369, %dma_start3A_370, %dma_start3A_376] : memref<2x40x64xi32, #tpu.memory_space<vmem>> -> memref<1x1x64xi32, #tpu.memory_space<vmem>>
    %dma_start3A_378 = tpu.memref_squeeze %dma_start3A_377 : memref<1x1x64xi32, #tpu.memory_space<vmem>> -> memref<64xi32, #tpu.memory_space<vmem>>
    %dma_start3A_379 = arith.constant 0 : i32
    %dma_start3A_380 = arith.constant 0 : i32
    %dma_start3A_381 = tpu.memref_slice %arg2[%dma_start3A_379, %dma_start3A_380] : memref<10240x128xf32, #tpu.memory_space<hbm>> -> memref<10240x128xf32, #tpu.memory_space<hbm>>
    tpu.enqueue_indirect_dma source(%dma_start3A_381 : memref<10240x128xf32, #tpu.memory_space<hbm>>) target(%dma_start3A_375 : memref<64x128xf32, #tpu.memory_space<vmem>>) offsets(%dma_start3A_378 : memref<64xi32, #tpu.memory_space<vmem>>) semaphore(%arg9 : memref<!tpu.dma_semaphore, #tpu.memory_space<semaphore_mem>>)
    %dma_start3A_382 = arith.constant 0 : i32
    %dma_start3A_383 = arith.constant 1 : i32
    %dma_start3A_384 = arith.constant 1 : i32
    %dma_start3A_385 = arith.constant 0 : i32
    %dma_start3A_386 = arith.constant 0 : i32
    %dma_start3A_387 = tpu.memref_slice %arg7[%dma_start3A_384, %dma_start3A_385, %dma_start3A_386] : memref<4x64x128xf32, #tpu.memory_space<vmem>> -> memref<1x64x128xf32, #tpu.memory_space<vmem>>
    %dma_start3A_388 = tpu.memref_squeeze %dma_start3A_387 : memref<1x64x128xf32, #tpu.memory_space<vmem>> -> memref<64x128xf32, #tpu.memory_space<vmem>>
    %dma_start3A_389 = arith.constant 0 : i32
    %dma_start3A_390 = tpu.memref_slice %arg6[%dma_start3A_382, %dma_start3A_383, %dma_start3A_389] : memref<2x40x64xi32, #tpu.memory_space<vmem>> -> memref<1x1x64xi32, #tpu.memory_space<vmem>>
    %dma_start3A_391 = tpu.memref_squeeze %dma_start3A_390 : memref<1x1x64xi32, #tpu.memory_space<vmem>> -> memref<64xi32, #tpu.memory_space<vmem>>
    %dma_start3A_392 = arith.constant 0 : i32
    %dma_start3A_393 = arith.constant 0 : i32
    %dma_start3A_394 = tpu.memref_slice %arg2[%dma_start3A_392, %dma_start3A_393] : memref<10240x128xf32, #tpu.memory_space<hbm>> -> memref<10240x128xf32, #tpu.memory_space<hbm>>
    tpu.enqueue_indirect_dma source(%dma_start3A_394 : memref<10240x128xf32, #tpu.memory_space<hbm>>) target(%dma_start3A_388 : memref<64x128xf32, #tpu.memory_space<vmem>>) offsets(%dma_start3A_391 : memref<64xi32, #tpu.memory_space<vmem>>) semaphore(%arg10 : memref<!tpu.dma_semaphore, #tpu.memory_space<semaphore_mem>>)
    %dma_start3A_395 = arith.constant 0 : i32
    %dma_start3A_396 = arith.constant 2 : i32
    %dma_start3A_397 = arith.constant 2 : i32
    %dma_start3A_398 = arith.constant 0 : i32
    %dma_start3A_399 = arith.constant 0 : i32
    %dma_start3A_400 = tpu.memref_slice %arg7[%dma_start3A_397, %dma_start3A_398, %dma_start3A_399] : memref<4x64x128xf32, #tpu.memory_space<vmem>> -> memref<1x64x128xf32, #tpu.memory_space<vmem>>
    %dma_start3A_401 = tpu.memref_squeeze %dma_start3A_400 : memref<1x64x128xf32, #tpu.memory_space<vmem>> -> memref<64x128xf32, #tpu.memory_space<vmem>>
    %dma_start3A_402 = arith.constant 0 : i32
    %dma_start3A_403 = tpu.memref_slice %arg6[%dma_start3A_395, %dma_start3A_396, %dma_start3A_402] : memref<2x40x64xi32, #tpu.memory_space<vmem>> -> memref<1x1x64xi32, #tpu.memory_space<vmem>>
    %dma_start3A_404 = tpu.memref_squeeze %dma_start3A_403 : memref<1x1x64xi32, #tpu.memory_space<vmem>> -> memref<64xi32, #tpu.memory_space<vmem>>
    %dma_start3A_405 = arith.constant 0 : i32
    %dma_start3A_406 = arith.constant 0 : i32
    %dma_start3A_407 = tpu.memref_slice %arg2[%dma_start3A_405, %dma_start3A_406] : memref<10240x128xf32, #tpu.memory_space<hbm>> -> memref<10240x128xf32, #tpu.memory_space<hbm>>
    tpu.enqueue_indirect_dma source(%dma_start3A_407 : memref<10240x128xf32, #tpu.memory_space<hbm>>) target(%dma_start3A_401 : memref<64x128xf32, #tpu.memory_space<vmem>>) offsets(%dma_start3A_404 : memref<64xi32, #tpu.memory_space<vmem>>) semaphore(%arg11 : memref<!tpu.dma_semaphore, #tpu.memory_space<semaphore_mem>>)
    %dma_start3A_408 = arith.constant 0 : i32
    %dma_start3A_409 = arith.constant 3 : i32
    %dma_start3A_410 = arith.constant 3 : i32
    %dma_start3A_411 = arith.constant 0 : i32
    %dma_start3A_412 = arith.constant 0 : i32
    %dma_start3A_413 = tpu.memref_slice %arg7[%dma_start3A_410, %dma_start3A_411, %dma_start3A_412] : memref<4x64x128xf32, #tpu.memory_space<vmem>> -> memref<1x64x128xf32, #tpu.memory_space<vmem>>
    %dma_start3A_414 = tpu.memref_squeeze %dma_start3A_413 : memref<1x64x128xf32, #tpu.memory_space<vmem>> -> memref<64x128xf32, #tpu.memory_space<vmem>>
    %dma_start3A_415 = arith.constant 0 : i32
    %dma_start3A_416 = tpu.memref_slice %arg6[%dma_start3A_408, %dma_start3A_409, %dma_start3A_415] : memref<2x40x64xi32, #tpu.memory_space<vmem>> -> memref<1x1x64xi32, #tpu.memory_space<vmem>>
    %dma_start3A_417 = tpu.memref_squeeze %dma_start3A_416 : memref<1x1x64xi32, #tpu.memory_space<vmem>> -> memref<64xi32, #tpu.memory_space<vmem>>
    %dma_start3A_418 = arith.constant 0 : i32
    %dma_start3A_419 = arith.constant 0 : i32
    %dma_start3A_420 = tpu.memref_slice %arg2[%dma_start3A_418, %dma_start3A_419] : memref<10240x128xf32, #tpu.memory_space<hbm>> -> memref<10240x128xf32, #tpu.memory_space<hbm>>
    tpu.enqueue_indirect_dma source(%dma_start3A_420 : memref<10240x128xf32, #tpu.memory_space<hbm>>) target(%dma_start3A_414 : memref<64x128xf32, #tpu.memory_space<vmem>>) offsets(%dma_start3A_417 : memref<64xi32, #tpu.memory_space<vmem>>) semaphore(%arg12 : memref<!tpu.dma_semaphore, #tpu.memory_space<semaphore_mem>>)
    %scan3A_421 = arith.constant 0 : i32
    %scan3A_422 = arith.constant 10 : i32
    %scan3A_423 = arith.addi %scan3A_421, %scan3A_422 : i32
    %scan3A_424 = arith.constant 1 : i32
    scf.for %scan3A_479 = %scan3A_421 to %scan3A_423 step %scan3A_424  : i32 {
      %mul3A_480 = arith.constant 1 : i32
      %mul3A_481 = arith.muli %scan3A_479, %mul3A_480 : i32
      %add3A_482 = arith.constant 0 : i32
      %add3A_483 = arith.addi %add3A_482, %mul3A_481 : i32
      %mul3A_484 = arith.constant 4 : i32
      %mul3A_485 = arith.muli %mul3A_484, %add3A_483 : i32
      %add3A_486 = arith.constant 0 : i32
      %add3A_487 = arith.addi %mul3A_485, %add3A_486 : i32
      %dma_wait3A_488 = arith.constant 0 : i32
      %dma_wait3A_489 = arith.constant 0 : i32
      %dma_wait3A_490 = arith.constant 0 : i32
      %dma_wait3A_491 = arith.constant 0 : i32
      %dma_wait3A_492 = tpu.memref_slice %arg7[%dma_wait3A_489, %dma_wait3A_490, %dma_wait3A_491] : memref<4x64x128xf32, #tpu.memory_space<vmem>> -> memref<1x64x128xf32, #tpu.memory_space<vmem>>
      %dma_wait3A_493 = tpu.memref_squeeze %dma_wait3A_492 : memref<1x64x128xf32, #tpu.memory_space<vmem>> -> memref<64x128xf32, #tpu.memory_space<vmem>>
      %dma_wait3A_494 = arith.constant 0 : i32
      %dma_wait3A_495 = tpu.memref_slice %arg6[%dma_wait3A_488, %add3A_487, %dma_wait3A_494] : memref<2x40x64xi32, #tpu.memory_space<vmem>> -> memref<1x1x64xi32, #tpu.memory_space<vmem>>
      %dma_wait3A_496 = tpu.memref_squeeze %dma_wait3A_495 : memref<1x1x64xi32, #tpu.memory_space<vmem>> -> memref<64xi32, #tpu.memory_space<vmem>>
      %dma_wait3A_497 = arith.constant 0 : i32
      %dma_wait3A_498 = arith.constant 0 : i32
      %dma_wait3A_499 = tpu.memref_slice %arg2[%dma_wait3A_497, %dma_wait3A_498] : memref<10240x128xf32, #tpu.memory_space<hbm>> -> memref<10240x128xf32, #tpu.memory_space<hbm>>
      tpu.wait_indirect_dma semaphore(%arg9 : memref<!tpu.dma_semaphore, #tpu.memory_space<semaphore_mem>>) src(%dma_wait3A_499 : memref<10240x128xf32, #tpu.memory_space<hbm>>) dst(%dma_wait3A_493 : memref<64x128xf32, #tpu.memory_space<vmem>>)
      %add3A_500 = arith.constant 0 : i32
      %add3A_501 = arith.addi %mul3A_485, %add3A_500 : i32
      %dma_start3A_502 = arith.constant 0 : i32
      %dma_start3A_503 = arith.constant 1 : i32
      %dma_start3A_504 = arith.constant 0 : i32
      %dma_start3A_505 = arith.constant 0 : i32
      %dma_start3A_506 = tpu.memref_slice %arg7[%dma_start3A_502, %dma_start3A_504, %dma_start3A_505] : memref<4x64x128xf32, #tpu.memory_space<vmem>> -> memref<1x64x128xf32, #tpu.memory_space<vmem>>
      %dma_start3A_507 = tpu.memref_squeeze %dma_start3A_506 : memref<1x64x128xf32, #tpu.memory_space<vmem>> -> memref<64x128xf32, #tpu.memory_space<vmem>>
      %dma_start3A_508 = arith.constant 0 : i32
      %dma_start3A_509 = tpu.memref_slice %arg6[%dma_start3A_503, %add3A_501, %dma_start3A_508] : memref<2x40x64xi32, #tpu.memory_space<vmem>> -> memref<1x1x64xi32, #tpu.memory_space<vmem>>
      %dma_start3A_510 = tpu.memref_squeeze %dma_start3A_509 : memref<1x1x64xi32, #tpu.memory_space<vmem>> -> memref<64xi32, #tpu.memory_space<vmem>>
      %dma_start3A_511 = arith.constant 0 : i32
      %dma_start3A_512 = arith.constant 0 : i32
      %dma_start3A_513 = tpu.memref_slice %arg8[%dma_start3A_511, %dma_start3A_512] : memref<10240x128xf32, #tpu.memory_space<vmem_shared>> -> memref<10240x128xf32, #tpu.memory_space<vmem_shared>>
      tpu.enqueue_indirect_dma source(%dma_start3A_507 : memref<64x128xf32, #tpu.memory_space<vmem>>) target(%dma_start3A_513 : memref<10240x128xf32, #tpu.memory_space<vmem_shared>>) offsets(%dma_start3A_510 : memref<64xi32, #tpu.memory_space<vmem>>) semaphore(%arg13 : memref<!tpu.dma_semaphore, #tpu.memory_space<semaphore_mem>>) {add = true}
      %add3A_514 = arith.constant 1 : i32
      %add3A_515 = arith.addi %mul3A_485, %add3A_514 : i32
      %dma_wait3A_516 = arith.constant 0 : i32
      %dma_wait3A_517 = arith.constant 1 : i32
      %dma_wait3A_518 = arith.constant 0 : i32
      %dma_wait3A_519 = arith.constant 0 : i32
      %dma_wait3A_520 = tpu.memref_slice %arg7[%dma_wait3A_517, %dma_wait3A_518, %dma_wait3A_519] : memref<4x64x128xf32, #tpu.memory_space<vmem>> -> memref<1x64x128xf32, #tpu.memory_space<vmem>>
      %dma_wait3A_521 = tpu.memref_squeeze %dma_wait3A_520 : memref<1x64x128xf32, #tpu.memory_space<vmem>> -> memref<64x128xf32, #tpu.memory_space<vmem>>
      %dma_wait3A_522 = arith.constant 0 : i32
      %dma_wait3A_523 = tpu.memref_slice %arg6[%dma_wait3A_516, %add3A_515, %dma_wait3A_522] : memref<2x40x64xi32, #tpu.memory_space<vmem>> -> memref<1x1x64xi32, #tpu.memory_space<vmem>>
      %dma_wait3A_524 = tpu.memref_squeeze %dma_wait3A_523 : memref<1x1x64xi32, #tpu.memory_space<vmem>> -> memref<64xi32, #tpu.memory_space<vmem>>
      %dma_wait3A_525 = arith.constant 0 : i32
      %dma_wait3A_526 = arith.constant 0 : i32
      %dma_wait3A_527 = tpu.memref_slice %arg2[%dma_wait3A_525, %dma_wait3A_526] : memref<10240x128xf32, #tpu.memory_space<hbm>> -> memref<10240x128xf32, #tpu.memory_space<hbm>>
      tpu.wait_indirect_dma semaphore(%arg10 : memref<!tpu.dma_semaphore, #tpu.memory_space<semaphore_mem>>) src(%dma_wait3A_527 : memref<10240x128xf32, #tpu.memory_space<hbm>>) dst(%dma_wait3A_521 : memref<64x128xf32, #tpu.memory_space<vmem>>)
      %add3A_528 = arith.constant 1 : i32
      %add3A_529 = arith.addi %mul3A_485, %add3A_528 : i32
      %dma_start3A_530 = arith.constant 1 : i32
      %dma_start3A_531 = arith.constant 1 : i32
      %dma_start3A_532 = arith.constant 0 : i32
      %dma_start3A_533 = arith.constant 0 : i32
      %dma_start3A_534 = tpu.memref_slice %arg7[%dma_start3A_530, %dma_start3A_532, %dma_start3A_533] : memref<4x64x128xf32, #tpu.memory_space<vmem>> -> memref<1x64x128xf32, #tpu.memory_space<vmem>>
      %dma_start3A_535 = tpu.memref_squeeze %dma_start3A_534 : memref<1x64x128xf32, #tpu.memory_space<vmem>> -> memref<64x128xf32, #tpu.memory_space<vmem>>
      %dma_start3A_536 = arith.constant 0 : i32
      %dma_start3A_537 = tpu.memref_slice %arg6[%dma_start3A_531, %add3A_529, %dma_start3A_536] : memref<2x40x64xi32, #tpu.memory_space<vmem>> -> memref<1x1x64xi32, #tpu.memory_space<vmem>>
      %dma_start3A_538 = tpu.memref_squeeze %dma_start3A_537 : memref<1x1x64xi32, #tpu.memory_space<vmem>> -> memref<64xi32, #tpu.memory_space<vmem>>
      %dma_start3A_539 = arith.constant 0 : i32
      %dma_start3A_540 = arith.constant 0 : i32
      %dma_start3A_541 = tpu.memref_slice %arg8[%dma_start3A_539, %dma_start3A_540] : memref<10240x128xf32, #tpu.memory_space<vmem_shared>> -> memref<10240x128xf32, #tpu.memory_space<vmem_shared>>
      tpu.enqueue_indirect_dma source(%dma_start3A_535 : memref<64x128xf32, #tpu.memory_space<vmem>>) target(%dma_start3A_541 : memref<10240x128xf32, #tpu.memory_space<vmem_shared>>) offsets(%dma_start3A_538 : memref<64xi32, #tpu.memory_space<vmem>>) semaphore(%arg14 : memref<!tpu.dma_semaphore, #tpu.memory_space<semaphore_mem>>) {add = true}
      %add3A_542 = arith.constant 2 : i32
      %add3A_543 = arith.addi %mul3A_485, %add3A_542 : i32
      %dma_wait3A_544 = arith.constant 0 : i32
      %dma_wait3A_545 = arith.constant 2 : i32
      %dma_wait3A_546 = arith.constant 0 : i32
      %dma_wait3A_547 = arith.constant 0 : i32
      %dma_wait3A_548 = tpu.memref_slice %arg7[%dma_wait3A_545, %dma_wait3A_546, %dma_wait3A_547] : memref<4x64x128xf32, #tpu.memory_space<vmem>> -> memref<1x64x128xf32, #tpu.memory_space<vmem>>
      %dma_wait3A_549 = tpu.memref_squeeze %dma_wait3A_548 : memref<1x64x128xf32, #tpu.memory_space<vmem>> -> memref<64x128xf32, #tpu.memory_space<vmem>>
      %dma_wait3A_550 = arith.constant 0 : i32
      %dma_wait3A_551 = tpu.memref_slice %arg6[%dma_wait3A_544, %add3A_543, %dma_wait3A_550] : memref<2x40x64xi32, #tpu.memory_space<vmem>> -> memref<1x1x64xi32, #tpu.memory_space<vmem>>
      %dma_wait3A_552 = tpu.memref_squeeze %dma_wait3A_551 : memref<1x1x64xi32, #tpu.memory_space<vmem>> -> memref<64xi32, #tpu.memory_space<vmem>>
      %dma_wait3A_553 = arith.constant 0 : i32
      %dma_wait3A_554 = arith.constant 0 : i32
      %dma_wait3A_555 = tpu.memref_slice %arg2[%dma_wait3A_553, %dma_wait3A_554] : memref<10240x128xf32, #tpu.memory_space<hbm>> -> memref<10240x128xf32, #tpu.memory_space<hbm>>
      tpu.wait_indirect_dma semaphore(%arg11 : memref<!tpu.dma_semaphore, #tpu.memory_space<semaphore_mem>>) src(%dma_wait3A_555 : memref<10240x128xf32, #tpu.memory_space<hbm>>) dst(%dma_wait3A_549 : memref<64x128xf32, #tpu.memory_space<vmem>>)
      %add3A_556 = arith.constant 2 : i32
      %add3A_557 = arith.addi %mul3A_485, %add3A_556 : i32
      %dma_start3A_558 = arith.constant 2 : i32
      %dma_start3A_559 = arith.constant 1 : i32
      %dma_start3A_560 = arith.constant 0 : i32
      %dma_start3A_561 = arith.constant 0 : i32
      %dma_start3A_562 = tpu.memref_slice %arg7[%dma_start3A_558, %dma_start3A_560, %dma_start3A_561] : memref<4x64x128xf32, #tpu.memory_space<vmem>> -> memref<1x64x128xf32, #tpu.memory_space<vmem>>
      %dma_start3A_563 = tpu.memref_squeeze %dma_start3A_562 : memref<1x64x128xf32, #tpu.memory_space<vmem>> -> memref<64x128xf32, #tpu.memory_space<vmem>>
      %dma_start3A_564 = arith.constant 0 : i32
      %dma_start3A_565 = tpu.memref_slice %arg6[%dma_start3A_559, %add3A_557, %dma_start3A_564] : memref<2x40x64xi32, #tpu.memory_space<vmem>> -> memref<1x1x64xi32, #tpu.memory_space<vmem>>
      %dma_start3A_566 = tpu.memref_squeeze %dma_start3A_565 : memref<1x1x64xi32, #tpu.memory_space<vmem>> -> memref<64xi32, #tpu.memory_space<vmem>>
      %dma_start3A_567 = arith.constant 0 : i32
      %dma_start3A_568 = arith.constant 0 : i32
      %dma_start3A_569 = tpu.memref_slice %arg8[%dma_start3A_567, %dma_start3A_568] : memref<10240x128xf32, #tpu.memory_space<vmem_shared>> -> memref<10240x128xf32, #tpu.memory_space<vmem_shared>>
      tpu.enqueue_indirect_dma source(%dma_start3A_563 : memref<64x128xf32, #tpu.memory_space<vmem>>) target(%dma_start3A_569 : memref<10240x128xf32, #tpu.memory_space<vmem_shared>>) offsets(%dma_start3A_566 : memref<64xi32, #tpu.memory_space<vmem>>) semaphore(%arg15 : memref<!tpu.dma_semaphore, #tpu.memory_space<semaphore_mem>>) {add = true}
      %add3A_570 = arith.constant 3 : i32
      %add3A_571 = arith.addi %mul3A_485, %add3A_570 : i32
      %dma_wait3A_572 = arith.constant 0 : i32
      %dma_wait3A_573 = arith.constant 3 : i32
      %dma_wait3A_574 = arith.constant 0 : i32
      %dma_wait3A_575 = arith.constant 0 : i32
      %dma_wait3A_576 = tpu.memref_slice %arg7[%dma_wait3A_573, %dma_wait3A_574, %dma_wait3A_575] : memref<4x64x128xf32, #tpu.memory_space<vmem>> -> memref<1x64x128xf32, #tpu.memory_space<vmem>>
      %dma_wait3A_577 = tpu.memref_squeeze %dma_wait3A_576 : memref<1x64x128xf32, #tpu.memory_space<vmem>> -> memref<64x128xf32, #tpu.memory_space<vmem>>
      %dma_wait3A_578 = arith.constant 0 : i32
      %dma_wait3A_579 = tpu.memref_slice %arg6[%dma_wait3A_572, %add3A_571, %dma_wait3A_578] : memref<2x40x64xi32, #tpu.memory_space<vmem>> -> memref<1x1x64xi32, #tpu.memory_space<vmem>>
      %dma_wait3A_580 = tpu.memref_squeeze %dma_wait3A_579 : memref<1x1x64xi32, #tpu.memory_space<vmem>> -> memref<64xi32, #tpu.memory_space<vmem>>
      %dma_wait3A_581 = arith.constant 0 : i32
      %dma_wait3A_582 = arith.constant 0 : i32
      %dma_wait3A_583 = tpu.memref_slice %arg2[%dma_wait3A_581, %dma_wait3A_582] : memref<10240x128xf32, #tpu.memory_space<hbm>> -> memref<10240x128xf32, #tpu.memory_space<hbm>>
      tpu.wait_indirect_dma semaphore(%arg12 : memref<!tpu.dma_semaphore, #tpu.memory_space<semaphore_mem>>) src(%dma_wait3A_583 : memref<10240x128xf32, #tpu.memory_space<hbm>>) dst(%dma_wait3A_577 : memref<64x128xf32, #tpu.memory_space<vmem>>)
      %add3A_584 = arith.constant 3 : i32
      %add3A_585 = arith.addi %mul3A_485, %add3A_584 : i32
      %dma_start3A_586 = arith.constant 3 : i32
      %dma_start3A_587 = arith.constant 1 : i32
      %dma_start3A_588 = arith.constant 0 : i32
      %dma_start3A_589 = arith.constant 0 : i32
      %dma_start3A_590 = tpu.memref_slice %arg7[%dma_start3A_586, %dma_start3A_588, %dma_start3A_589] : memref<4x64x128xf32, #tpu.memory_space<vmem>> -> memref<1x64x128xf32, #tpu.memory_space<vmem>>
      %dma_start3A_591 = tpu.memref_squeeze %dma_start3A_590 : memref<1x64x128xf32, #tpu.memory_space<vmem>> -> memref<64x128xf32, #tpu.memory_space<vmem>>
      %dma_start3A_592 = arith.constant 0 : i32
      %dma_start3A_593 = tpu.memref_slice %arg6[%dma_start3A_587, %add3A_585, %dma_start3A_592] : memref<2x40x64xi32, #tpu.memory_space<vmem>> -> memref<1x1x64xi32, #tpu.memory_space<vmem>>
      %dma_start3A_594 = tpu.memref_squeeze %dma_start3A_593 : memref<1x1x64xi32, #tpu.memory_space<vmem>> -> memref<64xi32, #tpu.memory_space<vmem>>
      %dma_start3A_595 = arith.constant 0 : i32
      %dma_start3A_596 = arith.constant 0 : i32
      %dma_start3A_597 = tpu.memref_slice %arg8[%dma_start3A_595, %dma_start3A_596] : memref<10240x128xf32, #tpu.memory_space<vmem_shared>> -> memref<10240x128xf32, #tpu.memory_space<vmem_shared>>
      tpu.enqueue_indirect_dma source(%dma_start3A_591 : memref<64x128xf32, #tpu.memory_space<vmem>>) target(%dma_start3A_597 : memref<10240x128xf32, #tpu.memory_space<vmem_shared>>) offsets(%dma_start3A_594 : memref<64xi32, #tpu.memory_space<vmem>>) semaphore(%arg16 : memref<!tpu.dma_semaphore, #tpu.memory_space<semaphore_mem>>) {add = true}
      %lt3A = arith.constant 9 : i32
      %lt3A_598 = arith.cmpi slt, %add3A_483, %lt3A : i32
      %convert_element_type3A = arith.extui %lt3A_598 : i1 to i32
      %cond3A = arith.constant 0 : i32
      %cond3A_599 = arith.cmpi ne, %convert_element_type3A, %cond3A : i32
      scf.if %cond3A_599 {
        %add3A_600 = arith.constant 0 : i32
        %add3A_601 = arith.addi %mul3A_485, %add3A_600 : i32
        %dma_wait3A_602 = arith.constant 0 : i32
        %dma_wait3A_603 = arith.constant 1 : i32
        %dma_wait3A_604 = arith.constant 0 : i32
        %dma_wait3A_605 = arith.constant 0 : i32
        %dma_wait3A_606 = tpu.memref_slice %arg7[%dma_wait3A_602, %dma_wait3A_604, %dma_wait3A_605] : memref<4x64x128xf32, #tpu.memory_space<vmem>> -> memref<1x64x128xf32, #tpu.memory_space<vmem>>
        %dma_wait3A_607 = tpu.memref_squeeze %dma_wait3A_606 : memref<1x64x128xf32, #tpu.memory_space<vmem>> -> memref<64x128xf32, #tpu.memory_space<vmem>>
        %dma_wait3A_608 = arith.constant 0 : i32
        %dma_wait3A_609 = tpu.memref_slice %arg6[%dma_wait3A_603, %add3A_601, %dma_wait3A_608] : memref<2x40x64xi32, #tpu.memory_space<vmem>> -> memref<1x1x64xi32, #tpu.memory_space<vmem>>
        %dma_wait3A_610 = tpu.memref_squeeze %dma_wait3A_609 : memref<1x1x64xi32, #tpu.memory_space<vmem>> -> memref<64xi32, #tpu.memory_space<vmem>>
        %dma_wait3A_611 = arith.constant 0 : i32
        %dma_wait3A_612 = arith.constant 0 : i32
        %dma_wait3A_613 = tpu.memref_slice %arg8[%dma_wait3A_611, %dma_wait3A_612] : memref<10240x128xf32, #tpu.memory_space<vmem_shared>> -> memref<10240x128xf32, #tpu.memory_space<vmem_shared>>
        tpu.wait_indirect_dma semaphore(%arg13 : memref<!tpu.dma_semaphore, #tpu.memory_space<semaphore_mem>>) src(%dma_wait3A_607 : memref<64x128xf32, #tpu.memory_space<vmem>>) dst(%dma_wait3A_613 : memref<10240x128xf32, #tpu.memory_space<vmem_shared>>)
        %add3A_614 = arith.constant 4 : i32
        %add3A_615 = arith.addi %mul3A_485, %add3A_614 : i32
        %add3A_616 = arith.constant 0 : i32
        %add3A_617 = arith.addi %add3A_615, %add3A_616 : i32
        %dma_start3A_618 = arith.constant 0 : i32
        %dma_start3A_619 = arith.constant 0 : i32
        %dma_start3A_620 = arith.constant 0 : i32
        %dma_start3A_621 = arith.constant 0 : i32
        %dma_start3A_622 = tpu.memref_slice %arg7[%dma_start3A_619, %dma_start3A_620, %dma_start3A_621] : memref<4x64x128xf32, #tpu.memory_space<vmem>> -> memref<1x64x128xf32, #tpu.memory_space<vmem>>
        %dma_start3A_623 = tpu.memref_squeeze %dma_start3A_622 : memref<1x64x128xf32, #tpu.memory_space<vmem>> -> memref<64x128xf32, #tpu.memory_space<vmem>>
        %dma_start3A_624 = arith.constant 0 : i32
        %dma_start3A_625 = tpu.memref_slice %arg6[%dma_start3A_618, %add3A_617, %dma_start3A_624] : memref<2x40x64xi32, #tpu.memory_space<vmem>> -> memref<1x1x64xi32, #tpu.memory_space<vmem>>
        %dma_start3A_626 = tpu.memref_squeeze %dma_start3A_625 : memref<1x1x64xi32, #tpu.memory_space<vmem>> -> memref<64xi32, #tpu.memory_space<vmem>>
        %dma_start3A_627 = arith.constant 0 : i32
        %dma_start3A_628 = arith.constant 0 : i32
        %dma_start3A_629 = tpu.memref_slice %arg2[%dma_start3A_627, %dma_start3A_628] : memref<10240x128xf32, #tpu.memory_space<hbm>> -> memref<10240x128xf32, #tpu.memory_space<hbm>>
        tpu.enqueue_indirect_dma source(%dma_start3A_629 : memref<10240x128xf32, #tpu.memory_space<hbm>>) target(%dma_start3A_623 : memref<64x128xf32, #tpu.memory_space<vmem>>) offsets(%dma_start3A_626 : memref<64xi32, #tpu.memory_space<vmem>>) semaphore(%arg9 : memref<!tpu.dma_semaphore, #tpu.memory_space<semaphore_mem>>)
        %add3A_630 = arith.constant 1 : i32
        %add3A_631 = arith.addi %mul3A_485, %add3A_630 : i32
        %dma_wait3A_632 = arith.constant 1 : i32
        %dma_wait3A_633 = arith.constant 1 : i32
        %dma_wait3A_634 = arith.constant 0 : i32
        %dma_wait3A_635 = arith.constant 0 : i32
        %dma_wait3A_636 = tpu.memref_slice %arg7[%dma_wait3A_632, %dma_wait3A_634, %dma_wait3A_635] : memref<4x64x128xf32, #tpu.memory_space<vmem>> -> memref<1x64x128xf32, #tpu.memory_space<vmem>>
        %dma_wait3A_637 = tpu.memref_squeeze %dma_wait3A_636 : memref<1x64x128xf32, #tpu.memory_space<vmem>> -> memref<64x128xf32, #tpu.memory_space<vmem>>
        %dma_wait3A_638 = arith.constant 0 : i32
        %dma_wait3A_639 = tpu.memref_slice %arg6[%dma_wait3A_633, %add3A_631, %dma_wait3A_638] : memref<2x40x64xi32, #tpu.memory_space<vmem>> -> memref<1x1x64xi32, #tpu.memory_space<vmem>>
        %dma_wait3A_640 = tpu.memref_squeeze %dma_wait3A_639 : memref<1x1x64xi32, #tpu.memory_space<vmem>> -> memref<64xi32, #tpu.memory_space<vmem>>
        %dma_wait3A_641 = arith.constant 0 : i32
        %dma_wait3A_642 = arith.constant 0 : i32
        %dma_wait3A_643 = tpu.memref_slice %arg8[%dma_wait3A_641, %dma_wait3A_642] : memref<10240x128xf32, #tpu.memory_space<vmem_shared>> -> memref<10240x128xf32, #tpu.memory_space<vmem_shared>>
        tpu.wait_indirect_dma semaphore(%arg14 : memref<!tpu.dma_semaphore, #tpu.memory_space<semaphore_mem>>) src(%dma_wait3A_637 : memref<64x128xf32, #tpu.memory_space<vmem>>) dst(%dma_wait3A_643 : memref<10240x128xf32, #tpu.memory_space<vmem_shared>>)
        %add3A_644 = arith.constant 4 : i32
        %add3A_645 = arith.addi %mul3A_485, %add3A_644 : i32
        %add3A_646 = arith.constant 1 : i32
        %add3A_647 = arith.addi %add3A_645, %add3A_646 : i32
        %dma_start3A_648 = arith.constant 0 : i32
        %dma_start3A_649 = arith.constant 1 : i32
        %dma_start3A_650 = arith.constant 0 : i32
        %dma_start3A_651 = arith.constant 0 : i32
        %dma_start3A_652 = tpu.memref_slice %arg7[%dma_start3A_649, %dma_start3A_650, %dma_start3A_651] : memref<4x64x128xf32, #tpu.memory_space<vmem>> -> memref<1x64x128xf32, #tpu.memory_space<vmem>>
        %dma_start3A_653 = tpu.memref_squeeze %dma_start3A_652 : memref<1x64x128xf32, #tpu.memory_space<vmem>> -> memref<64x128xf32, #tpu.memory_space<vmem>>
        %dma_start3A_654 = arith.constant 0 : i32
        %dma_start3A_655 = tpu.memref_slice %arg6[%dma_start3A_648, %add3A_647, %dma_start3A_654] : memref<2x40x64xi32, #tpu.memory_space<vmem>> -> memref<1x1x64xi32, #tpu.memory_space<vmem>>
        %dma_start3A_656 = tpu.memref_squeeze %dma_start3A_655 : memref<1x1x64xi32, #tpu.memory_space<vmem>> -> memref<64xi32, #tpu.memory_space<vmem>>
        %dma_start3A_657 = arith.constant 0 : i32
        %dma_start3A_658 = arith.constant 0 : i32
        %dma_start3A_659 = tpu.memref_slice %arg2[%dma_start3A_657, %dma_start3A_658] : memref<10240x128xf32, #tpu.memory_space<hbm>> -> memref<10240x128xf32, #tpu.memory_space<hbm>>
        tpu.enqueue_indirect_dma source(%dma_start3A_659 : memref<10240x128xf32, #tpu.memory_space<hbm>>) target(%dma_start3A_653 : memref<64x128xf32, #tpu.memory_space<vmem>>) offsets(%dma_start3A_656 : memref<64xi32, #tpu.memory_space<vmem>>) semaphore(%arg10 : memref<!tpu.dma_semaphore, #tpu.memory_space<semaphore_mem>>)
        %add3A_660 = arith.constant 2 : i32
        %add3A_661 = arith.addi %mul3A_485, %add3A_660 : i32
        %dma_wait3A_662 = arith.constant 2 : i32
        %dma_wait3A_663 = arith.constant 1 : i32
        %dma_wait3A_664 = arith.constant 0 : i32
        %dma_wait3A_665 = arith.constant 0 : i32
        %dma_wait3A_666 = tpu.memref_slice %arg7[%dma_wait3A_662, %dma_wait3A_664, %dma_wait3A_665] : memref<4x64x128xf32, #tpu.memory_space<vmem>> -> memref<1x64x128xf32, #tpu.memory_space<vmem>>
        %dma_wait3A_667 = tpu.memref_squeeze %dma_wait3A_666 : memref<1x64x128xf32, #tpu.memory_space<vmem>> -> memref<64x128xf32, #tpu.memory_space<vmem>>
        %dma_wait3A_668 = arith.constant 0 : i32
        %dma_wait3A_669 = tpu.memref_slice %arg6[%dma_wait3A_663, %add3A_661, %dma_wait3A_668] : memref<2x40x64xi32, #tpu.memory_space<vmem>> -> memref<1x1x64xi32, #tpu.memory_space<vmem>>
        %dma_wait3A_670 = tpu.memref_squeeze %dma_wait3A_669 : memref<1x1x64xi32, #tpu.memory_space<vmem>> -> memref<64xi32, #tpu.memory_space<vmem>>
        %dma_wait3A_671 = arith.constant 0 : i32
        %dma_wait3A_672 = arith.constant 0 : i32
        %dma_wait3A_673 = tpu.memref_slice %arg8[%dma_wait3A_671, %dma_wait3A_672] : memref<10240x128xf32, #tpu.memory_space<vmem_shared>> -> memref<10240x128xf32, #tpu.memory_space<vmem_shared>>
        tpu.wait_indirect_dma semaphore(%arg15 : memref<!tpu.dma_semaphore, #tpu.memory_space<semaphore_mem>>) src(%dma_wait3A_667 : memref<64x128xf32, #tpu.memory_space<vmem>>) dst(%dma_wait3A_673 : memref<10240x128xf32, #tpu.memory_space<vmem_shared>>)
        %add3A_674 = arith.constant 4 : i32
        %add3A_675 = arith.addi %mul3A_485, %add3A_674 : i32
        %add3A_676 = arith.constant 2 : i32
        %add3A_677 = arith.addi %add3A_675, %add3A_676 : i32
        %dma_start3A_678 = arith.constant 0 : i32
        %dma_start3A_679 = arith.constant 2 : i32
        %dma_start3A_680 = arith.constant 0 : i32
        %dma_start3A_681 = arith.constant 0 : i32
        %dma_start3A_682 = tpu.memref_slice %arg7[%dma_start3A_679, %dma_start3A_680, %dma_start3A_681] : memref<4x64x128xf32, #tpu.memory_space<vmem>> -> memref<1x64x128xf32, #tpu.memory_space<vmem>>
        %dma_start3A_683 = tpu.memref_squeeze %dma_start3A_682 : memref<1x64x128xf32, #tpu.memory_space<vmem>> -> memref<64x128xf32, #tpu.memory_space<vmem>>
        %dma_start3A_684 = arith.constant 0 : i32
        %dma_start3A_685 = tpu.memref_slice %arg6[%dma_start3A_678, %add3A_677, %dma_start3A_684] : memref<2x40x64xi32, #tpu.memory_space<vmem>> -> memref<1x1x64xi32, #tpu.memory_space<vmem>>
        %dma_start3A_686 = tpu.memref_squeeze %dma_start3A_685 : memref<1x1x64xi32, #tpu.memory_space<vmem>> -> memref<64xi32, #tpu.memory_space<vmem>>
        %dma_start3A_687 = arith.constant 0 : i32
        %dma_start3A_688 = arith.constant 0 : i32
        %dma_start3A_689 = tpu.memref_slice %arg2[%dma_start3A_687, %dma_start3A_688] : memref<10240x128xf32, #tpu.memory_space<hbm>> -> memref<10240x128xf32, #tpu.memory_space<hbm>>
        tpu.enqueue_indirect_dma source(%dma_start3A_689 : memref<10240x128xf32, #tpu.memory_space<hbm>>) target(%dma_start3A_683 : memref<64x128xf32, #tpu.memory_space<vmem>>) offsets(%dma_start3A_686 : memref<64xi32, #tpu.memory_space<vmem>>) semaphore(%arg11 : memref<!tpu.dma_semaphore, #tpu.memory_space<semaphore_mem>>)
        %add3A_690 = arith.constant 3 : i32
        %add3A_691 = arith.addi %mul3A_485, %add3A_690 : i32
        %dma_wait3A_692 = arith.constant 3 : i32
        %dma_wait3A_693 = arith.constant 1 : i32
        %dma_wait3A_694 = arith.constant 0 : i32
        %dma_wait3A_695 = arith.constant 0 : i32
        %dma_wait3A_696 = tpu.memref_slice %arg7[%dma_wait3A_692, %dma_wait3A_694, %dma_wait3A_695] : memref<4x64x128xf32, #tpu.memory_space<vmem>> -> memref<1x64x128xf32, #tpu.memory_space<vmem>>
        %dma_wait3A_697 = tpu.memref_squeeze %dma_wait3A_696 : memref<1x64x128xf32, #tpu.memory_space<vmem>> -> memref<64x128xf32, #tpu.memory_space<vmem>>
        %dma_wait3A_698 = arith.constant 0 : i32
        %dma_wait3A_699 = tpu.memref_slice %arg6[%dma_wait3A_693, %add3A_691, %dma_wait3A_698] : memref<2x40x64xi32, #tpu.memory_space<vmem>> -> memref<1x1x64xi32, #tpu.memory_space<vmem>>
        %dma_wait3A_700 = tpu.memref_squeeze %dma_wait3A_699 : memref<1x1x64xi32, #tpu.memory_space<vmem>> -> memref<64xi32, #tpu.memory_space<vmem>>
        %dma_wait3A_701 = arith.constant 0 : i32
        %dma_wait3A_702 = arith.constant 0 : i32
        %dma_wait3A_703 = tpu.memref_slice %arg8[%dma_wait3A_701, %dma_wait3A_702] : memref<10240x128xf32, #tpu.memory_space<vmem_shared>> -> memref<10240x128xf32, #tpu.memory_space<vmem_shared>>
        tpu.wait_indirect_dma semaphore(%arg16 : memref<!tpu.dma_semaphore, #tpu.memory_space<semaphore_mem>>) src(%dma_wait3A_697 : memref<64x128xf32, #tpu.memory_space<vmem>>) dst(%dma_wait3A_703 : memref<10240x128xf32, #tpu.memory_space<vmem_shared>>)
        %add3A_704 = arith.constant 4 : i32
        %add3A_705 = arith.addi %mul3A_485, %add3A_704 : i32
        %add3A_706 = arith.constant 3 : i32
        %add3A_707 = arith.addi %add3A_705, %add3A_706 : i32
        %dma_start3A_708 = arith.constant 0 : i32
        %dma_start3A_709 = arith.constant 3 : i32
        %dma_start3A_710 = arith.constant 0 : i32
        %dma_start3A_711 = arith.constant 0 : i32
        %dma_start3A_712 = tpu.memref_slice %arg7[%dma_start3A_709, %dma_start3A_710, %dma_start3A_711] : memref<4x64x128xf32, #tpu.memory_space<vmem>> -> memref<1x64x128xf32, #tpu.memory_space<vmem>>
        %dma_start3A_713 = tpu.memref_squeeze %dma_start3A_712 : memref<1x64x128xf32, #tpu.memory_space<vmem>> -> memref<64x128xf32, #tpu.memory_space<vmem>>
        %dma_start3A_714 = arith.constant 0 : i32
        %dma_start3A_715 = tpu.memref_slice %arg6[%dma_start3A_708, %add3A_707, %dma_start3A_714] : memref<2x40x64xi32, #tpu.memory_space<vmem>> -> memref<1x1x64xi32, #tpu.memory_space<vmem>>
        %dma_start3A_716 = tpu.memref_squeeze %dma_start3A_715 : memref<1x1x64xi32, #tpu.memory_space<vmem>> -> memref<64xi32, #tpu.memory_space<vmem>>
        %dma_start3A_717 = arith.constant 0 : i32
        %dma_start3A_718 = arith.constant 0 : i32
        %dma_start3A_719 = tpu.memref_slice %arg2[%dma_start3A_717, %dma_start3A_718] : memref<10240x128xf32, #tpu.memory_space<hbm>> -> memref<10240x128xf32, #tpu.memory_space<hbm>>
        tpu.enqueue_indirect_dma source(%dma_start3A_719 : memref<10240x128xf32, #tpu.memory_space<hbm>>) target(%dma_start3A_713 : memref<64x128xf32, #tpu.memory_space<vmem>>) offsets(%dma_start3A_716 : memref<64xi32, #tpu.memory_space<vmem>>) semaphore(%arg12 : memref<!tpu.dma_semaphore, #tpu.memory_space<semaphore_mem>>)
      } else {
      }
    }
    %scan3A_425 = arith.constant 10 : i32
    %dma_wait3A_426 = arith.constant 0 : i32
    %dma_wait3A_427 = arith.constant 1 : i32
    %dma_wait3A_428 = arith.constant 0 : i32
    %dma_wait3A_429 = arith.constant 0 : i32
    %dma_wait3A_430 = arith.constant 0 : i32
    %dma_wait3A_431 = tpu.memref_slice %arg7[%dma_wait3A_426, %dma_wait3A_429, %dma_wait3A_430] : memref<4x64x128xf32, #tpu.memory_space<vmem>> -> memref<1x64x128xf32, #tpu.memory_space<vmem>>
    %dma_wait3A_432 = tpu.memref_squeeze %dma_wait3A_431 : memref<1x64x128xf32, #tpu.memory_space<vmem>> -> memref<64x128xf32, #tpu.memory_space<vmem>>
    %dma_wait3A_433 = arith.constant 0 : i32
    %dma_wait3A_434 = tpu.memref_slice %arg6[%dma_wait3A_427, %dma_wait3A_428, %dma_wait3A_433] : memref<2x40x64xi32, #tpu.memory_space<vmem>> -> memref<1x1x64xi32, #tpu.memory_space<vmem>>
    %dma_wait3A_435 = tpu.memref_squeeze %dma_wait3A_434 : memref<1x1x64xi32, #tpu.memory_space<vmem>> -> memref<64xi32, #tpu.memory_space<vmem>>
    %dma_wait3A_436 = arith.constant 0 : i32
    %dma_wait3A_437 = arith.constant 0 : i32
    %dma_wait3A_438 = tpu.memref_slice %arg8[%dma_wait3A_436, %dma_wait3A_437] : memref<10240x128xf32, #tpu.memory_space<vmem_shared>> -> memref<10240x128xf32, #tpu.memory_space<vmem_shared>>
    tpu.wait_indirect_dma semaphore(%arg13 : memref<!tpu.dma_semaphore, #tpu.memory_space<semaphore_mem>>) src(%dma_wait3A_432 : memref<64x128xf32, #tpu.memory_space<vmem>>) dst(%dma_wait3A_438 : memref<10240x128xf32, #tpu.memory_space<vmem_shared>>)
    %dma_wait3A_439 = arith.constant 1 : i32
    %dma_wait3A_440 = arith.constant 1 : i32
    %dma_wait3A_441 = arith.constant 1 : i32
    %dma_wait3A_442 = arith.constant 0 : i32
    %dma_wait3A_443 = arith.constant 0 : i32
    %dma_wait3A_444 = tpu.memref_slice %arg7[%dma_wait3A_439, %dma_wait3A_442, %dma_wait3A_443] : memref<4x64x128xf32, #tpu.memory_space<vmem>> -> memref<1x64x128xf32, #tpu.memory_space<vmem>>
    %dma_wait3A_445 = tpu.memref_squeeze %dma_wait3A_444 : memref<1x64x128xf32, #tpu.memory_space<vmem>> -> memref<64x128xf32, #tpu.memory_space<vmem>>
    %dma_wait3A_446 = arith.constant 0 : i32
    %dma_wait3A_447 = tpu.memref_slice %arg6[%dma_wait3A_440, %dma_wait3A_441, %dma_wait3A_446] : memref<2x40x64xi32, #tpu.memory_space<vmem>> -> memref<1x1x64xi32, #tpu.memory_space<vmem>>
    %dma_wait3A_448 = tpu.memref_squeeze %dma_wait3A_447 : memref<1x1x64xi32, #tpu.memory_space<vmem>> -> memref<64xi32, #tpu.memory_space<vmem>>
    %dma_wait3A_449 = arith.constant 0 : i32
    %dma_wait3A_450 = arith.constant 0 : i32
    %dma_wait3A_451 = tpu.memref_slice %arg8[%dma_wait3A_449, %dma_wait3A_450] : memref<10240x128xf32, #tpu.memory_space<vmem_shared>> -> memref<10240x128xf32, #tpu.memory_space<vmem_shared>>
    tpu.wait_indirect_dma semaphore(%arg14 : memref<!tpu.dma_semaphore, #tpu.memory_space<semaphore_mem>>) src(%dma_wait3A_445 : memref<64x128xf32, #tpu.memory_space<vmem>>) dst(%dma_wait3A_451 : memref<10240x128xf32, #tpu.memory_space<vmem_shared>>)
    %dma_wait3A_452 = arith.constant 2 : i32
    %dma_wait3A_453 = arith.constant 1 : i32
    %dma_wait3A_454 = arith.constant 2 : i32
    %dma_wait3A_455 = arith.constant 0 : i32
    %dma_wait3A_456 = arith.constant 0 : i32
    %dma_wait3A_457 = tpu.memref_slice %arg7[%dma_wait3A_452, %dma_wait3A_455, %dma_wait3A_456] : memref<4x64x128xf32, #tpu.memory_space<vmem>> -> memref<1x64x128xf32, #tpu.memory_space<vmem>>
    %dma_wait3A_458 = tpu.memref_squeeze %dma_wait3A_457 : memref<1x64x128xf32, #tpu.memory_space<vmem>> -> memref<64x128xf32, #tpu.memory_space<vmem>>
    %dma_wait3A_459 = arith.constant 0 : i32
    %dma_wait3A_460 = tpu.memref_slice %arg6[%dma_wait3A_453, %dma_wait3A_454, %dma_wait3A_459] : memref<2x40x64xi32, #tpu.memory_space<vmem>> -> memref<1x1x64xi32, #tpu.memory_space<vmem>>
    %dma_wait3A_461 = tpu.memref_squeeze %dma_wait3A_460 : memref<1x1x64xi32, #tpu.memory_space<vmem>> -> memref<64xi32, #tpu.memory_space<vmem>>
    %dma_wait3A_462 = arith.constant 0 : i32
    %dma_wait3A_463 = arith.constant 0 : i32
    %dma_wait3A_464 = tpu.memref_slice %arg8[%dma_wait3A_462, %dma_wait3A_463] : memref<10240x128xf32, #tpu.memory_space<vmem_shared>> -> memref<10240x128xf32, #tpu.memory_space<vmem_shared>>
    tpu.wait_indirect_dma semaphore(%arg15 : memref<!tpu.dma_semaphore, #tpu.memory_space<semaphore_mem>>) src(%dma_wait3A_458 : memref<64x128xf32, #tpu.memory_space<vmem>>) dst(%dma_wait3A_464 : memref<10240x128xf32, #tpu.memory_space<vmem_shared>>)
    %dma_wait3A_465 = arith.constant 3 : i32
    %dma_wait3A_466 = arith.constant 1 : i32
    %dma_wait3A_467 = arith.constant 3 : i32
    %dma_wait3A_468 = arith.constant 0 : i32
    %dma_wait3A_469 = arith.constant 0 : i32
    %dma_wait3A_470 = tpu.memref_slice %arg7[%dma_wait3A_465, %dma_wait3A_468, %dma_wait3A_469] : memref<4x64x128xf32, #tpu.memory_space<vmem>> -> memref<1x64x128xf32, #tpu.memory_space<vmem>>
    %dma_wait3A_471 = tpu.memref_squeeze %dma_wait3A_470 : memref<1x64x128xf32, #tpu.memory_space<vmem>> -> memref<64x128xf32, #tpu.memory_space<vmem>>
    %dma_wait3A_472 = arith.constant 0 : i32
    %dma_wait3A_473 = tpu.memref_slice %arg6[%dma_wait3A_466, %dma_wait3A_467, %dma_wait3A_472] : memref<2x40x64xi32, #tpu.memory_space<vmem>> -> memref<1x1x64xi32, #tpu.memory_space<vmem>>
    %dma_wait3A_474 = tpu.memref_squeeze %dma_wait3A_473 : memref<1x1x64xi32, #tpu.memory_space<vmem>> -> memref<64xi32, #tpu.memory_space<vmem>>
    %dma_wait3A_475 = arith.constant 0 : i32
    %dma_wait3A_476 = arith.constant 0 : i32
    %dma_wait3A_477 = tpu.memref_slice %arg8[%dma_wait3A_475, %dma_wait3A_476] : memref<10240x128xf32, #tpu.memory_space<vmem_shared>> -> memref<10240x128xf32, #tpu.memory_space<vmem_shared>>
    tpu.wait_indirect_dma semaphore(%arg16 : memref<!tpu.dma_semaphore, #tpu.memory_space<semaphore_mem>>) src(%dma_wait3A_471 : memref<64x128xf32, #tpu.memory_space<vmem>>) dst(%dma_wait3A_477 : memref<10240x128xf32, #tpu.memory_space<vmem_shared>>)
    %barrier3A_478 = arith.constant 0 : index
    tpu.barrier barrier_id(%barrier3A_478)
    "tpu.region"() ({
      %run_scoped3A_479 = tpu.sem_alloc : memref<!tpu.dma_semaphore, #tpu.memory_space<semaphore_mem>>
      %dma_start3A_480 = arith.constant 0 : i32
      %dma_start3A_481 = tpu.memref_slice %arg5[%arg0, %mul3A_6, %dma_start3A_480] : memref<2x10240x128xf32, #tpu.memory_space<hbm>> -> memref<1x640x128xf32, #tpu.memory_space<hbm>>
      %dma_start3A_482 = tpu.memref_squeeze %dma_start3A_481 : memref<1x640x128xf32, #tpu.memory_space<hbm>> -> memref<640x128xf32, #tpu.memory_space<hbm>>
      %dma_start3A_483 = arith.constant 0 : i32
      %dma_start3A_484 = tpu.memref_slice %arg8[%mul3A_6, %dma_start3A_483] : memref<10240x128xf32, #tpu.memory_space<vmem_shared>> -> memref<640x128xf32, #tpu.memory_space<vmem_shared>>
      tpu.enqueue_dma source(%dma_start3A_484 : memref<640x128xf32, #tpu.memory_space<vmem_shared>>) target(%dma_start3A_482 : memref<640x128xf32, #tpu.memory_space<hbm>>) target_semaphore(%run_scoped3A_479 : memref<!tpu.dma_semaphore, #tpu.memory_space<semaphore_mem>>)
      %dma_wait3A_485 = arith.constant 0 : i32
      %dma_wait3A_486 = tpu.memref_slice %arg5[%arg0, %mul3A_6, %dma_wait3A_485] : memref<2x10240x128xf32, #tpu.memory_space<hbm>> -> memref<1x640x128xf32, #tpu.memory_space<hbm>>
      %dma_wait3A_487 = tpu.memref_squeeze %dma_wait3A_486 : memref<1x640x128xf32, #tpu.memory_space<hbm>> -> memref<640x128xf32, #tpu.memory_space<hbm>>
      %dma_wait3A_488 = arith.constant 0 : i32
      %dma_wait3A_489 = tpu.memref_slice %arg8[%mul3A_6, %dma_wait3A_488] : memref<10240x128xf32, #tpu.memory_space<vmem_shared>> -> memref<640x128xf32, #tpu.memory_space<vmem_shared>>
      tpu.wait_dma2 semaphore(%run_scoped3A_479 : memref<!tpu.dma_semaphore, #tpu.memory_space<semaphore_mem>>) src(%dma_wait3A_489 : memref<640x128xf32, #tpu.memory_space<vmem_shared>>) dst(%dma_wait3A_487 : memref<640x128xf32, #tpu.memory_space<hbm>>)
      tpu.yield
    }) : () -> ()
    return
  }
}

module attributes {stable_mosaic.version = 14 : i64} {
  func.func @_h_tc(%arg0: memref<10240x128xf32, #tpu.memory_space<vmem>>, %arg1: memref<2x10240x128xf32, #tpu.memory_space<vmem>>, %arg2: memref<10240x128xf32, #tpu.memory_space<vmem>>) attributes {dimension_semantics = [], scalar_prefetch = 0 : i64, scratch_operands = 0 : i64, tpu.core_type = #tpu.core_type<tc>} {
    %get3A = arith.constant 0 : index
    %get3A_0 = arith.constant 0 : index
    %get3A_1 = arith.constant 0 : index
    %get3A_2 = vector.load %arg1[%get3A, %get3A_0, %get3A_1] : memref<2x10240x128xf32, #tpu.memory_space<vmem>>, vector<1x10240x128xf32>
    %get3A_3 = vector.shape_cast %get3A_2 : vector<1x10240x128xf32> to vector<10240x128xf32>
    %get3A_4 = arith.constant 1 : index
    %get3A_5 = arith.constant 0 : index
    %get3A_6 = arith.constant 0 : index
    %get3A_7 = vector.load %arg1[%get3A_4, %get3A_5, %get3A_6] : memref<2x10240x128xf32, #tpu.memory_space<vmem>>, vector<1x10240x128xf32>
    %get3A_8 = vector.shape_cast %get3A_7 : vector<1x10240x128xf32> to vector<10240x128xf32>
    %add3A = arith.addf %get3A_3, %get3A_8 : vector<10240x128xf32>
    %slice3A = vector.extract_strided_slice %add3A {offsets = [0, 0], sizes = [10240, 64], strides = [1, 1]} : vector<10240x128xf32> to vector<10240x64xf32>
    %reduce_max3A = arith.constant dense<0xFF800000> : vector<10240xf32>
    %reduce_max3A_9 = vector.multi_reduction <maximumf>, %slice3A, %reduce_max3A [1] : vector<10240x64xf32> to vector<10240xf32>
    %max3A = arith.constant 1.000000e+00 : f32
    %max3A_10 = vector.broadcast %max3A : f32 to vector<10240xf32>
    %max3A_11 = arith.maximumf %reduce_max3A_9, %max3A_10 : vector<10240xf32>
    %rsqrt3A = math.rsqrt %max3A_11 : vector<10240xf32>
    %get3A_12 = arith.constant 0 : index
    %get3A_13 = arith.constant 0 : index
    %get3A_14 = vector.load %arg0[%get3A_12, %get3A_13] : memref<10240x128xf32, #tpu.memory_space<vmem>>, vector<10240x128xf32>
    %broadcast_in_dim3A = vector.shape_cast %rsqrt3A : vector<10240xf32> to vector<10240x1xf32>
    %mul3A = vector.broadcast %broadcast_in_dim3A : vector<10240x1xf32> to vector<10240x128xf32>
    %mul3A_15 = arith.mulf %get3A_14, %mul3A : vector<10240x128xf32>
    %swap3A = arith.constant 0 : index
    %swap3A_16 = arith.constant 0 : index
    %swap3A_17 = vector.load %arg2[%swap3A, %swap3A_16] : memref<10240x128xf32, #tpu.memory_space<vmem>>, vector<10240x128xf32>
    tpu.vector_store %arg2[%swap3A, %swap3A_16], %mul3A_15 {strides = array<i32>} : memref<10240x128xf32, #tpu.memory_space<vmem>>, vector<10240x128xf32>,
    return
  }
}

module attributes {stable_mosaic.version = 14 : i64} {
  func.func @_final_tc(%arg0: memref<2x10240x128xf32, #tpu.memory_space<vmem>>, %arg1: memref<2x10240x128xf32, #tpu.memory_space<vmem>>, %arg2: memref<128x128xf32, #tpu.memory_space<vmem>>, %arg3: memref<1x128xf32, #tpu.memory_space<vmem>>, %arg4: memref<10000x128xf32, #tpu.memory_space<vmem>>) attributes {dimension_semantics = [], scalar_prefetch = 0 : i64, scratch_operands = 0 : i64, tpu.core_type = #tpu.core_type<tc>} {
    %get3A = arith.constant 0 : index
    %get3A_0 = arith.constant 0 : index
    %get3A_1 = arith.constant 0 : index
    %get3A_2 = vector.load %arg0[%get3A, %get3A_0, %get3A_1] : memref<2x10240x128xf32, #tpu.memory_space<vmem>>, vector<1x10240x128xf32>
    %get3A_3 = vector.shape_cast %get3A_2 : vector<1x10240x128xf32> to vector<10240x128xf32>
    %get3A_4 = arith.constant 1 : index
    %get3A_5 = arith.constant 0 : index
    %get3A_6 = arith.constant 0 : index
    %get3A_7 = vector.load %arg0[%get3A_4, %get3A_5, %get3A_6] : memref<2x10240x128xf32, #tpu.memory_space<vmem>>, vector<1x10240x128xf32>
    %get3A_8 = vector.shape_cast %get3A_7 : vector<1x10240x128xf32> to vector<10240x128xf32>
    %add3A = arith.addf %get3A_3, %get3A_8 : vector<10240x128xf32>
    %get3A_9 = arith.constant 0 : index
    %get3A_10 = arith.constant 0 : index
    %get3A_11 = arith.constant 0 : index
    %get3A_12 = vector.load %arg1[%get3A_9, %get3A_10, %get3A_11] : memref<2x10240x128xf32, #tpu.memory_space<vmem>>, vector<1x10240x128xf32>
    %get3A_13 = vector.shape_cast %get3A_12 : vector<1x10240x128xf32> to vector<10240x128xf32>
    %get3A_14 = arith.constant 1 : index
    %get3A_15 = arith.constant 0 : index
    %get3A_16 = arith.constant 0 : index
    %get3A_17 = vector.load %arg1[%get3A_14, %get3A_15, %get3A_16] : memref<2x10240x128xf32, #tpu.memory_space<vmem>>, vector<1x10240x128xf32>
    %get3A_18 = vector.shape_cast %get3A_17 : vector<1x10240x128xf32> to vector<10240x128xf32>
    %add3A_19 = arith.addf %get3A_13, %get3A_18 : vector<10240x128xf32>
    %slice3A = vector.extract_strided_slice %add3A_19 {offsets = [0, 64], sizes = [10240, 64], strides = [1, 1]} : vector<10240x128xf32> to vector<10240x64xf32>
    %reduce_max3A = arith.constant dense<0xFF800000> : vector<10240xf32>
    %reduce_max3A_20 = vector.multi_reduction <maximumf>, %slice3A, %reduce_max3A [1] : vector<10240x64xf32> to vector<10240xf32>
    %get3A_21 = arith.constant 0 : index
    %get3A_22 = arith.constant 0 : index
    %get3A_23 = vector.load %arg2[%get3A_21, %get3A_22] : memref<128x128xf32, #tpu.memory_space<vmem>>, vector<128x128xf32>
    %dot_general3A = arith.constant dense<0.000000e+00> : vector<10240x128xf32>
    %dot_general3A_24 = tpu.matmul %add3A, %get3A_23, %dot_general3A {dimension_numbers = #tpu.dot_dimension_numbers<[1], [0], [0], [1], [0, 0, 1, 1], [], []>, transpose_lhs_hint = false} : vector<10240x128xf32>, vector<128x128xf32>, vector<10240x128xf32> -> vector<10240x128xf32>
    %max3A = arith.constant 1.000000e+00 : f32
    %max3A_25 = vector.broadcast %max3A : f32 to vector<10240xf32>
    %max3A_26 = arith.maximumf %reduce_max3A_20, %max3A_25 : vector<10240xf32>
    %rsqrt3A = math.rsqrt %max3A_26 : vector<10240xf32>
    %broadcast_in_dim3A = vector.shape_cast %rsqrt3A : vector<10240xf32> to vector<10240x1xf32>
    %mul3A = vector.broadcast %broadcast_in_dim3A : vector<10240x1xf32> to vector<10240x128xf32>
    %mul3A_27 = arith.mulf %dot_general3A_24, %mul3A : vector<10240x128xf32>
    %get3A_28 = arith.constant 0 : index
    %get3A_29 = arith.constant 0 : index
    %get3A_30 = vector.load %arg3[%get3A_28, %get3A_29] : memref<1x128xf32, #tpu.memory_space<vmem>>, vector<1x128xf32>
    %add3A_31 = vector.broadcast %get3A_30 : vector<1x128xf32> to vector<10240x128xf32>
    %add3A_32 = arith.addf %mul3A_27, %add3A_31 : vector<10240x128xf32>
    %slice3A_33 = vector.extract_strided_slice %add3A_32 {offsets = [0, 0], sizes = [10000, 128], strides = [1, 1]} : vector<10240x128xf32> to vector<10000x128xf32>
    %swap3A = arith.constant 0 : index
    %swap3A_34 = arith.constant 0 : index
    %swap3A_35 = vector.load %arg4[%swap3A, %swap3A_34] : memref<10000x128xf32, #tpu.memory_space<vmem>>, vector<10000x128xf32>
    tpu.vector_store %arg4[%swap3A, %swap3A_34], %slice3A_33 {strides = array<i32>} : memref<10000x128xf32, #tpu.memory_space<vmem>>, vector<10000x128xf32>,
    return
  }
}

</mosaic_0001>

<sc_bundles>
// kernel: kernel.6.cloned.1.call-start
scs
__scs_entry_jumppad:
0x0: {  	(pc) =	sbr.rel $0x88, $3  }
0x1: {  	(tag) =	ssettag $0x0;
	lr =	simm.s32 $0x1  }
0x2: {  	[smem:$0x3F9D] =	sst lr;
	_ =	strace $0xD0000000  }
0x3: {  	_ = 	snop  }
0x4: {  	_ = 	snop  }
0x5: {  	_ = 	snop  }
0x6: {  	_ = 	snop  }
0x7: {  	_ = 	snop  }
__scs_overlays_trampoline_lowered:
0x8: {  	[smem:$0x3FAC] =	sst s0  }
0x9: {  	[smem:$0x3FAD] =	sst s1  }
0xa: {  	[smem:$0x3FAE] =	sst s2  }
0xb: {  	[smem:$0x3FAF] =	sst s3  }
0xc: {  	[smem:$0x3FB0] =	sst s4  }
0xd: {  	[smem:$0x3FB1] =	sst s5  }
0xe: {  	[smem:$0x3FB2] =	sst s6  }
0xf: {  	[smem:$0x3FB3] =	sst s7  }
0x10: {  	[smem:$0x3FB4] =	sst s8  }
0x11: {  	[smem:$0x3FB5] =	sst s9;
	s0 =	simm.s32 @!p0 $0x0  }
0x12: {  	s1 =	sld [smem:$0x3F9B];
	s0 =	simm.s32 @p0 $0x1  }
0x13: {  	[smem:$0x3FB6] =	sst s0;
	s0 =	simm.s32 @!p1 $0x0  }
0x14: {  	s2 =	sld [smem:$0x3F9A];
	s0 =	simm.s32 @p1 $0x1  }
0x15: {  	[smem:$0x3FB7] =	sst s0;
	s0 =	simm.s32 @!p2 $0x0  }
0x16: {  	s3 =	sld [smem:$0x3FDB];
	s0 =	simm.s32 @p2 $0x1  }
0x17: {  	s4 =	simm.s32 $0x1BF5;
	[smem:$0x3FB9] =	sst s0  }
0x18: {  	s0 =	sld [smem:$0x3F9C];
	_ =	swait.ge [sflag:s4], $0x0  }
0x19: {  	s7 =	sld [smem:$0x3F9D]  }
0x1a: {  	s8 =	sadd.s32 $0xFFFFE003, lr  }
0x1b: {  	s9 =	sadd.s32 $0xFFFFFEF7, lr;
	s5 =	simm.s32 $0xFFFFFFFF;
	p2 =	slt.u32 s8, $0xFFFFF086  }
0x1c: {  	p1 =	slt.u32 s9, $0xF7A;
	s5 =	simm.s32 @!p2 $0x0  }
0x1d: {  	s5 =	simm.s32 @p1 $0x1;
	p0 =	seq.s32 s7, s2  }
0x1e: {  	s7 =	smul.u32 @!p0 $0xF7A, s2;
	p2 =	seq.s32 @!p0 s5, $0x0  }
0x1f: {  	s9 =	smul.u32 $0xF7A, s1;
	s8 =	simm.s32 @!p0 $0x1BF5;
	p2 =	por !p2, p0  }
0x20: {  	[sflag:s8] =	ssyncset.s32 @!p0 $0xFFFFF086;
	s6 =	sadd.s32 @!p0 s3, s7;
	s7 =	simm.s32 @!p0 $0x108  }
0x21: {  	s3 =	sadd.s32 s3, s9;
	s6 =	sadd.s32 @!p0 $0x88, s6;
	s7 =	simm.s32 @p2 $0x1082  }
0x22: {  	[simem:s7], [sflag:s8] =	dma.local @!p0 [hbm:s6], $0xF7A  }
0x23: {  	s9 =	sor.u32 $0xD0000000, s2;
	s6 =	simm.s32 $0x108;
	_ =	swait.ge @!p0 [sflag:s8], $0x0  }
0x24: {  	s3 =	sadd.s32 $0x88, s3;
	s6 =	simm.s32 @!p1 $0x1082;
	[sflag:s4] =	ssyncset.s32 $0xFFFFF086  }
0x25: {  	[simem:s6], [sflag:s4] =	dma.local [hbm:s3], $0xF7A  }
0x26: {  	[smem:$0x3F9D] =	sst s1;
	(tag) =	ssettag s2;
	_ =	strace s9  }
0x27: {  	s1 =	sld [smem:$0x3FAD]  }
0x28: {  	s2 =	sld [smem:$0x3FAE]  }
0x29: {  	s4 =	sld [smem:$0x3FB0]  }
0x2a: {  	p0 =	seq.s32 s5, $0x0;
	s5 =	sld [smem:$0x3FB1]  }
0x2b: {  	s6 =	sld [smem:$0x3FB2]  }
0x2c: {  	s7 =	sld [smem:$0x3FB3]  }
0x2d: {  	s3 =	simm.s32 $0x108;
	s8 =	sld [smem:$0x3FB4]  }
0x2e: {  	s3 =	simm.s32 @!p0 $0x1082;
	s9 =	sld [smem:$0x3FB5]  }
0x2f: {  	lr =	sadd.s32 s0, s3;
	s0 =	sld [smem:$0x3FAC]  }
0x30: {  	s3 =	sld [smem:$0x3FAF]  }
0x31: {  	[smem:$0x3FB8] =	sst s10  }
0x32: {  	s10 =	sld [smem:$0x3FB6];
	_ =	sdelay $0x3  }
0x33: {  	p0 =	seq.s32 s10, $0x1;
	s10 =	sld [smem:$0x3FB8];
	_ =	sdelay $0x3  }
0x34: {  	[smem:$0x3FB8] =	sst s10  }
0x35: {  	s10 =	sld [smem:$0x3FB7];
	_ =	sdelay $0x3  }
0x36: {  	p1 =	seq.s32 s10, $0x1;
	s10 =	sld [smem:$0x3FB8];
	_ =	sdelay $0x3  }
0x37: {  	[smem:$0x3FB8] =	sst s10  }
0x38: {  	s10 =	sld [smem:$0x3FB9]  }
0x39: {  	_ = 	snop;
	(pc) =	sbr.ind lr, $3  }
0x3a: {  	_ = 	snop  }
0x3b: {  	_ = 	snop  }
0x3c: {  	p2 =	seq.s32 s10, $0x1;
	s10 =	sld [smem:$0x3FB8]  }
0x3d: {  	_ =	shalt  }
0x3e: {  	_ =	shalt  }
0x3f: {  	_ =	shalt  }
0x40: {  	_ =	shalt  }
0x41: {  	_ =	shalt  }
0x42: {  	_ =	shalt  }
0x43: {  	_ =	shalt  }
0x44: {  	_ =	shalt  }
0x45: {  	_ =	shalt  }
0x46: {  	_ =	shalt  }
0x47: {  	_ =	shalt  }
0x48: {  	_ =	shalt  }
0x49: {  	_ =	shalt  }
0x4a: {  	_ =	shalt  }
0x4b: {  	_ =	shalt  }
0x4c: {  	_ =	shalt  }
0x4d: {  	_ =	shalt  }
0x4e: {  	_ =	shalt  }
0x4f: {  	_ =	shalt  }
0x50: {  	_ =	shalt  }
0x51: {  	_ =	shalt  }
0x52: {  	_ =	shalt  }
0x53: {  	_ =	shalt  }
0x54: {  	_ =	shalt  }
0x55: {  	_ =	shalt  }
0x56: {  	_ =	shalt  }
0x57: {  	_ =	shalt  }
0x58: {  	_ =	shalt  }
0x59: {  	_ =	shalt  }
0x5a: {  	_ =	shalt  }
0x5b: {  	_ =	shalt  }
0x5c: {  	_ =	shalt  }
0x5d: {  	_ =	shalt  }
0x5e: {  	_ =	shalt  }
0x5f: {  	_ =	shalt  }
0x60: {  	_ =	shalt  }
0x61: {  	_ =	shalt  }
0x62: {  	_ =	shalt  }
0x63: {  	_ =	shalt  }
0x64: {  	_ =	shalt  }
0x65: {  	_ =	shalt  }
0x66: {  	_ =	shalt  }
0x67: {  	_ =	shalt  }
0x68: {  	_ =	shalt  }
0x69: {  	_ =	shalt  }
0x6a: {  	_ =	shalt  }
0x6b: {  	_ =	shalt  }
0x6c: {  	_ =	shalt  }
0x6d: {  	_ =	shalt  }
0x6e: {  	_ =	shalt  }
0x6f: {  	_ =	shalt  }
0x70: {  	_ =	shalt  }
0x71: {  	_ =	shalt  }
0x72: {  	_ =	shalt  }
0x73: {  	_ =	shalt  }
0x74: {  	_ =	shalt  }
0x75: {  	_ =	shalt  }
0x76: {  	_ =	shalt  }
0x77: {  	_ =	shalt  }
0x78: {  	_ =	shalt  }
0x79: {  	_ =	shalt  }
0x7a: {  	_ =	shalt  }
0x7b: {  	_ =	shalt  }
0x7c: {  	_ =	shalt  }
0x7d: {  	_ =	shalt  }
0x7e: {  	_ =	shalt  }
0x7f: {  	_ =	shalt  }
0x80: {  	_ =	shalt  }
0x81: {  	_ =	shalt  }
0x82: {  	_ =	shalt  }
0x83: {  	_ =	shalt  }
0x84: {  	_ =	shalt  }
0x85: {  	_ =	shalt  }
0x86: {  	_ =	shalt  }
0x87: {  	_ =	shalt  }
.Lfunc_end0:
.L_simem_size_0:
called_computation_lowered:
.L_overlay_start_0:
0x88: {  	s2 =	sld [smem:$0x3FD9]  }
0x89: {  	s3 =	sld [smem:$0x3FFE];
	_ =	sdelay $0x1  }
0x8a: {  	s1 =	srdreg.scid  }
0x8b: {  	s0 =	sand.u32 $0x1, s1  }
0x8c: {  	s16 =	sshll.u32 s0, $0xA;
	s2 =	sadd.s32 s3, s2  }
0x8d: {  	s2 =	sadd.s32 s2, s16  }
0x8e: {  	[smem:$0x3FC4] =	sst s2  }
0x8f: {  	_ = 	snop  }
0x90: {  	(tm) =	ssettm $0x1  }
0x91: {  	s17 =	sld [smem:$0x3FFB];
	_ =	sdelay $0x3  }
0x92: {  	_ =	strace s17  }
0x93: {  	s2 =	sld [smem:$0x3FFC];
	_ =	sdelay $0x3  }
0x94: {  	_ =	strace s2  }
0x95: {  	s2 =	sld [smem:$0x3FFD];
	_ =	sdelay $0x3  }
0x96: {  	_ =	strace s2  }
0x97: {  	_ =	strace $0x8FFFFFFF  }
0x98: {  	s18 =	sld [smem:$0x3FDB];
	_ =	sdelay $0x1  }
0x99: {  	s19 =	simm.s32 $_scs_section_size  }
0x9a: {  	s4 =	simm.s32 $_size__tile_overlayer_lowered;
	s5 =	simm.s32 $_tile_overlayer_lowered  }
0x9b: {  	s22 =	simm.s32 $0x1BFF;
	s21 =	sshll.u32 s5, $0x1;
	s2 =	sadd.s32 s19, s18  }
0x9c: {  	s6 =	simm.s32 $0x0;
	s20 =	sshll.u32 s4, $0x1;
	s4 =	sadd.s32 s21, s2  }
0x9d: {  	[timem:s6], [sflag:s22] =	dma.local [hbm:s4], s20  }
0x9e: {  	_ =	swait.ge [sflag:s22], s20  }
0x9f: {  	s3 =	ssub.s32 $0x0, s20;
	[sflag:s22] =	ssyncset.done $0x0  }
0xa0: {  	[sflag:s22] =	ssyncadd.s32 s3;
	_ =	sdelay $0x1  }
0xa1: {  	s23 =	simm.s32 $0x1B8B  }
0xa2: {  	_ =	swait.ge [sflag:s23], $0x1  }
0xa3: {  	[sflag:s23] =	ssyncset.done $0x0  }
0xa4: {  	s25 =	simm.s32 $0x1B8E;
	s24 =	sld [smem:$0x3FFE];
	[sflag:s23] =	ssyncadd.s32 $0xFFFFFFFF  }
0xa5: {  	s26 =	simm.s32 $execute0_lowered;
	[smem:$0x3FD2] =	sst s25  }
0xa6: {  	s4 =	sshll.u32 s26, $0x1;
	_ =	strace $0x80000046;
	[dreg:$0x1] =	wrdreg $0xFFFFFFFF  }
0xa7: {  	s28 =	simm.s32 $_size_execute0_lowered;
	s2 =	sadd.s32 s2, s4;
	[dreg:$0x0] =	wrdreg $0x0  }
0xa8: {  	s4 =	sshll.u32 s28, $0x1;
	[dreg:$0x2] =	wrdreg s2  }
0xa9: {  	[dreg:$0x3] =	wrdreg s4  }
0xaa: {  	[dreg:$0x4] =	wrdreg $0xC0  }
0xab: {  	_ =	task [dreg:s6], $0x5FFFF  }
0xac: {  	[dreg:$0x1] =	wrdreg $0xFFFFFFFF  }
0xad: {  	[dreg:$0x0] =	wrdreg $0x60  }
0xae: {  	[dreg:$0x2] =	wrdreg s24  }
0xaf: {  	[dreg:$0x3] =	wrdreg $0xA8000  }
0xb0: {  	[dreg:$0x4] =	wrdreg $0x9  }
0xb1: {  	_ =	task.clear_ibuf [dreg:s6], $0x5FFFF;
	_ =	strace $0x90000046  }
0xb2: {  	s29 =	simm.s32 $0x9;
	_ =	strace $0x80000048  }
0xb3: {  	_ =	swait.ge [sflag:s29], $0x1  }
0xb4: {  	[sflag:s29] =	ssyncadd.s32 $0xFFFFFFFF  }
0xb5: {  	_ =	strace $0x90000048  }
0xb6: {  	_ =	sfence  }
0xb7: {  	s30 =	sld [smem:$0x0];
	_ =	sdelay $0x2  }
0xb8: {  	s31 =	sshll.u32 s1, $0xD;
	s1 =	sshrl.u32 s1, $0x2  }
0xb9: {  	s3 =	sand.u32 $0x4000, s31;
	s1 =	sadd.s32 s1, s30  }
0xba: {  	s0 =	sor.u32 s3, s0;
	s1 =	sshll.u32 s1, $0x11  }
0xbb: {  	s0 =	sor.u32 s1, s0  }
0xbc: {  	s0 =	sadd.s32 $0x8F2B, s0  }
0xbd: {  	[sflag:s0] =	ssyncadd.remote.s32 $0x1  }
0xbe: {  	_ =	sfence.sel $0xFFFF  }
0xbf: {  	[dreg:$0x0] =	wrdreg $0xFFFFFFFF;
	(pc) =	sbr.abs _section_cstart, $3  }
0xc0: {  	[dreg:$0x1] =	wrdreg $0xFFFFFFFF  }
0xc1: {  	_ =	task.clear_ibuf [dreg:s6], $0x2FFFF;
	_ =	strace $0x9FFFFFFF  }
0xc2: {  	(tm) =	ssettm $0x7FFFFFFF  }
0xc3: {  	_ =	shalt  }
tec
execute0_lowered:
.L_overlay_start_1:
0x0: {  	(tag) =	ssettag $0x1  }
0x1: {  	s5 =	rddreg [dreg:$0x0]  }
0x2: {  	s1 =	rddreg [dreg:$0x1]  }
0x3: {  	s2 =	srdreg.scid;
	s0 =	rddreg [dreg:$0x2];
	s3 =	simm.s32 $0x0  }
0x4: {  	s16 =	simm.s32 $0x2;
	s17 =	simm.s32 $0x1400;
	s18 =	simm.s32 $0x80  }
0x5: {  	s19 =	simm.s32 $0x6800;
	s20 =	simm.s32 $0x1;
	s4 =	sand.u32 $0x1, s2  }
0x6: {  	s21 =	simm.s32 $0x0;
	s2 =	stileid.u32;
	s6 =	smul.u32 $0x140000, s4  }
0x7: {  	[smem:$0x7FF] =	sst s3;
	s11 =	sadd.s32 $0xB600, s5;
	s7 =	smul.u32 $0x14000, s2  }
0x8: {  	s12 =	sadd.s32 $0x1600, s5;
	s29 =	smul.u32 $0x50000, s2;
	s8 =	sshll.u32 s2, $0x1  }
0x9: {  	_ =	strace $0x80000047;
	s9 =	ssub.s32 $0x2, s4;
	s8 =	sor.u32 s4, s8  }
0xa: {  	s31 =	sshrl.u32 s9, $0x1;
	s6 =	sadd.s32 s7, s6;
	s30 =	sshrl.u32 s29, $0x2  }
0xb: {  	s8 =	smul.u32 $0x2800, s8;
	s14 =	ssub.s32 s9, s31;
	s6 =	sshrl.u32 s6, $0x3  }
0xc: {  	s4 =	sadd.s32 s30, s1;
	s14 =	smax.u32 s14, $0x1;
	s13 =	sadd.s32 s6, s5  }
0xd: {  	s5 =	sadd.s32 $0x4000, s4;
	s6 =	sadd.s32 $0x8000, s4;
	s10 =	sshrl.u32 s8, $0x3  }
0xe: {  	s7 =	sadd.s32 $0xC000, s4;
	s8 =	sadd.s32 $0x10000, s4;
	s9 =	sadd.s32 s11, s10  }
0xf: {  	s15 =	sadd.s32 $0x280, s10;
	s10 =	sadd.s32 s12, s10;
	s13 =	sadd.s32 $0x15600, s13  }
0x10: {  	v0 =	vimm.f32 $0.0e+00;
	v1 =	vimm.f32 $1.000000000e+00;
	s11 =	sadd.s32 s11, s15;
	s12 =	sadd.s32 s12, s15;
	s15 =	simm.s32 $0x2800  }
.LBB2_1:
0x11: {  	s22 =	simm.s32 $0x0;
	s23 =	simm.s32 $0x200  }
.LBB2_2:
0x12: {  	p0 =	sne.s32 s23, $0xFE00;
	[tilespmem:s22+$0x2870] =	vst v0  }
0x13: {  	[tilespmem:s22+$0x2800] =	vst v0  }
0x14: {  	[tilespmem:s22+$0x2810] =	vst v0  }
.Ltmp0:
0x15: {  	[tilespmem:s22+$0x2820] =	vst v0;
	(pc) =	sbr.rel @p0 .LBB2_2-.Ltmp0, $4  }
0x16: {  	[tilespmem:s22+$0x2830] =	vst v0  }
0x17: {  	[tilespmem:s22+$0x2840] =	vst v0  }
0x18: {  	[tilespmem:s22+$0x2850] =	vst v0  }
0x19: {  	[tilespmem:s22+$0x2860] =	vst v0;
	s22 =	sshra.s32 s23, $0x2;
	s23 =	sadd.s32 $0x200, s23  }
0x1a: {  	[tilespmem:s22+$0x2870] =	vst v0  }
0x1b: {  	[tilespmem:s22+$0x2800] =	vst v0  }
0x1c: {  	[tilespmem:s22+$0x2810] =	vst v0  }
0x1d: {  	[tilespmem:s22+$0x2820] =	vst v0  }
0x1e: {  	[tilespmem:s22+$0x2830] =	vst v0  }
0x1f: {  	[tilespmem:s22+$0x2840] =	vst v0  }
0x20: {  	[tilespmem:s22+$0x2850] =	vst v0  }
0x21: {  	[tilespmem:s22+$0x2860] =	vst v0  }
0x22: {  	[spmem:s4] =	stream.linear.scatter [tilespmem:s15], [sflag:$0x2], $0x4000, $0x38;
	[tilespmem:$0x1E800] =	vst v63  }
0x23: {  	_ =	swait.ge [sflag:s16], $0x4000  }
0x24: {  	[sflag:s16] =	ssyncset.done $0x0  }
0x25: {  	[sflag:s16] =	ssyncadd.s32 $0xFFFFC000  }
0x26: {  	[spmem:s5] =	stream.linear.scatter [tilespmem:s15], [sflag:$0x2], $0x4000, $0x38;
	[tilespmem:$0x1E800] =	vst v63  }
0x27: {  	_ =	swait.ge [sflag:s16], $0x4000  }
0x28: {  	[sflag:s16] =	ssyncset.done $0x0  }
0x29: {  	[sflag:s16] =	ssyncadd.s32 $0xFFFFC000  }
0x2a: {  	[spmem:s6] =	stream.linear.scatter [tilespmem:s15], [sflag:$0x2], $0x4000, $0x38;
	[tilespmem:$0x1E800] =	vst v63  }
0x2b: {  	_ =	swait.ge [sflag:s16], $0x4000  }
0x2c: {  	[sflag:s16] =	ssyncset.done $0x0  }
0x2d: {  	[sflag:s16] =	ssyncadd.s32 $0xFFFFC000  }
0x2e: {  	[spmem:s7] =	stream.linear.scatter [tilespmem:s15], [sflag:$0x2], $0x4000, $0x38;
	[tilespmem:$0x1E800] =	vst v63  }
0x2f: {  	_ =	swait.ge [sflag:s16], $0x4000  }
0x30: {  	[sflag:s16] =	ssyncset.done $0x0  }
0x31: {  	[sflag:s16] =	ssyncadd.s32 $0xFFFFC000  }
0x32: {  	[spmem:s8] =	stream.linear.scatter [tilespmem:s15], [sflag:$0x2], $0x4000, $0x38;
	[tilespmem:$0x1E800] =	vst v63  }
0x33: {  	_ =	swait.ge [sflag:s16], $0x4000  }
0x34: {  	[sflag:s16] =	ssyncset.done $0x0  }
0x35: {  	s22 =	simm.s32 $0x0;
	s23 =	simm.s32 $0x200;
	[sflag:s16] =	ssyncadd.s32 $0xFFFFC000  }
.LBB2_4:
0x36: {  	p0 =	sne.s32 s23, $0xFE00;
	[tilespmem:s22+$0x6870] =	vst v1  }
0x37: {  	[tilespmem:s22+$0x2800] =	vst v1  }
0x38: {  	[tilespmem:s22+$0x6800] =	vst v0  }
0x39: {  	[tilespmem:s22+$0x2810] =	vst v1  }
0x3a: {  	[tilespmem:s22+$0x6810] =	vst v0  }
0x3b: {  	[tilespmem:s22+$0x2820] =	vst v1  }
0x3c: {  	[tilespmem:s22+$0x6820] =	vst v0  }
0x3d: {  	[tilespmem:s22+$0x2830] =	vst v1  }
0x3e: {  	[tilespmem:s22+$0x6830] =	vst v0  }
0x3f: {  	[tilespmem:s22+$0x2840] =	vst v0  }
0x40: {  	[tilespmem:s22+$0x6840] =	vst v1  }
.Ltmp1:
0x41: {  	[tilespmem:s22+$0x2850] =	vst v0;
	(pc) =	sbr.rel @p0 .LBB2_4-.Ltmp1, $4  }
0x42: {  	[tilespmem:s22+$0x6850] =	vst v1  }
0x43: {  	[tilespmem:s22+$0x2860] =	vst v0  }
0x44: {  	[tilespmem:s22+$0x6860] =	vst v1  }
0x45: {  	[tilespmem:s22+$0x2870] =	vst v0;
	s22 =	sshra.s32 s23, $0x2;
	s23 =	sadd.s32 $0x200, s23  }
0x46: {  	[tilespmem:s22+$0x6870] =	vst v1  }
0x47: {  	[tilespmem:s22+$0x2800] =	vst v1  }
0x48: {  	[tilespmem:s22+$0x6800] =	vst v0  }
0x49: {  	[tilespmem:s22+$0x2810] =	vst v1  }
0x4a: {  	[tilespmem:s22+$0x6810] =	vst v0  }
0x4b: {  	[tilespmem:s22+$0x2820] =	vst v1  }
0x4c: {  	[tilespmem:s22+$0x6820] =	vst v0  }
0x4d: {  	[tilespmem:s22+$0x2830] =	vst v1  }
0x4e: {  	[tilespmem:s22+$0x6830] =	vst v0  }
0x4f: {  	[tilespmem:s22+$0x2840] =	vst v0  }
0x50: {  	[tilespmem:s22+$0x6840] =	vst v1  }
0x51: {  	[tilespmem:s22+$0x2850] =	vst v0  }
0x52: {  	[tilespmem:s22+$0x6850] =	vst v1  }
0x53: {  	[tilespmem:s22+$0x2860] =	vst v0  }
0x54: {  	[tilespmem:s22+$0x6860] =	vst v1  }
0x55: {  	[tilespmem:s22+$0x2870] =	vst v0  }
0x56: {  	[bflag:$0x0] =	sbarrier.arrive $0xFFFF  }
0x57: {  	[tilespmem:s3], [sflag:$0x2] =	stream.linear.gather [hbm4b:s9+s3], $0x1400, $0x38;
	[tilespmem:$0x1E800] =	vst v63  }
0x58: {  	_ =	swait.ge [sflag:s16], $0x1400  }
0x59: {  	[sflag:s16] =	ssyncset.done $0x0  }
0x5a: {  	[sflag:s16] =	ssyncadd.s32 $0xFFFFEC00  }
0x5b: {  	[tilespmem:s17], [sflag:$0x2] =	stream.linear.gather [hbm4b:s10+s3], $0x1400, $0x38;
	[tilespmem:$0x1E800] =	vst v63  }
0x5c: {  	_ =	swait.ge [sflag:s16], $0x1400  }
0x5d: {  	[sflag:s16] =	ssyncset.done $0x0  }
0x5e: {  	[sflag:s16] =	ssyncadd.s32 $0xFFFFEC00  }
0x5f: {  	[spmem:s1] =	stream.indirect.scatter.add.f32 [tilespmem:s15], [sflag:$0x1], $0x80, s3, s18, $0xb8;
	[tilespmem:$0x1E800] =	vst v63  }
0x60: {  	_ = 	snop  }
0x61: {  	[spmem:s1] =	stream.indirect.scatter.add.f32 [tilespmem:s19], [sflag:$0x1], $0x80, s17, s18, $0xb8;
	[tilespmem:$0x1E800] =	vst v63  }
0x62: {  	_ =	swait.ge [sflag:s20], $0x4000  }
0x63: {  	[sflag:s20] =	ssyncset.done $0x0  }
0x64: {  	[sflag:s20] =	ssyncadd.s32 $0xFFFFC000  }
0x65: {  	_ =	swait.ge [sflag:s20], $0x4000  }
0x66: {  	s31 =	simm.s32 $0x80;
	[sflag:s20] =	ssyncset.done $0x0  }
0x67: {  	s22 =	simm.s32 $0x400;
	s23 =	simm.s32 $0x1480;
	[sflag:s20] =	ssyncadd.s32 $0xFFFFC000  }
0x68: {  	[spmem:s1] =	stream.indirect.scatter.add.f32 [tilespmem:s15], [sflag:$0x1], $0x80, s31, s18, $0xb8;
	[tilespmem:$0x1E800] =	vst v63  }
.LBB2_6:
0x69: {  	[spmem:s1] =	stream.indirect.scatter.add.f32 [tilespmem:s19], [sflag:$0x1], $0x80, s23, s18, $0xb8;
	[tilespmem:$0x1E800] =	vst v63  }
0x6a: {  	s23 =	smov.u32 s22  }
0x6b: {  	p0 =	sne.s32 s22, $0x4E00;
	s22 =	sadd.s32 $0x200, s22;
	_ =	swait.ge [sflag:s20], $0x4000  }
0x6c: {  	[sflag:s20] =	ssyncset.done $0x0  }
0x6d: {  	[sflag:s20] =	ssyncadd.s32 $0xFFFFC000  }
.Ltmp2:
0x6e: {  	_ =	swait.ge [sflag:s20], $0x4000;
	(pc) =	sbr.rel @p0 .LBB2_6-.Ltmp2, $4  }
0x6f: {  	[sflag:s20] =	ssyncset.done $0x0  }
0x70: {  	s23 =	sshra.s32 s23, $0x2;
	[sflag:s20] =	ssyncadd.s32 $0xFFFFC000  }
0x71: {  	[spmem:s1] =	stream.indirect.scatter.add.f32 [tilespmem:s15], [sflag:$0x1], $0x80, s23, s18, $0xb8;
	[tilespmem:$0x1E800] =	vst v63  }
0x72: {  	s23 =	sadd.s32 $0x1400, s23  }
0x73: {  	[spmem:s1] =	stream.indirect.scatter.add.f32 [tilespmem:s19], [sflag:$0x1], $0x80, s23, s18, $0xb8;
	[tilespmem:$0x1E800] =	vst v63  }
0x74: {  	_ =	swait.ge [sflag:s20], $0x4000  }
0x75: {  	[sflag:s20] =	ssyncset.done $0x0  }
0x76: {  	[sflag:s20] =	ssyncadd.s32 $0xFFFFC000  }
0x77: {  	_ =	swait.ge [sflag:s20], $0x4000  }
0x78: {  	[sflag:s20] =	ssyncset.done $0x0  }
0x79: {  	[sflag:s20] =	ssyncadd.s32 $0xFFFFC000  }
0x7a: {  	[tilespmem:s3], [sflag:$0x2] =	stream.linear.gather [hbm4b:s11+s3], $0x1400, $0x38;
	[tilespmem:$0x1E800] =	vst v63  }
0x7b: {  	_ =	swait.ge [sflag:s16], $0x1400  }
0x7c: {  	[sflag:s16] =	ssyncset.done $0x0  }
0x7d: {  	[sflag:s16] =	ssyncadd.s32 $0xFFFFEC00  }
0x7e: {  	[tilespmem:s17], [sflag:$0x2] =	stream.linear.gather [hbm4b:s12+s3], $0x1400, $0x38;
	[tilespmem:$0x1E800] =	vst v63  }
0x7f: {  	_ =	swait.ge [sflag:s16], $0x1400  }
0x80: {  	[sflag:s16] =	ssyncset.done $0x0  }
0x81: {  	[sflag:s16] =	ssyncadd.s32 $0xFFFFEC00  }
0x82: {  	[spmem:s1] =	stream.indirect.scatter.add.f32 [tilespmem:s15], [sflag:$0x1], $0x80, s3, s18, $0xb8;
	[tilespmem:$0x1E800] =	vst v63  }
0x83: {  	_ = 	snop  }
0x84: {  	[spmem:s1] =	stream.indirect.scatter.add.f32 [tilespmem:s19], [sflag:$0x1], $0x80, s17, s18, $0xb8;
	[tilespmem:$0x1E800] =	vst v63  }
0x85: {  	_ =	swait.ge [sflag:s20], $0x4000  }
0x86: {  	[sflag:s20] =	ssyncset.done $0x0  }
0x87: {  	[sflag:s20] =	ssyncadd.s32 $0xFFFFC000  }
0x88: {  	_ =	swait.ge [sflag:s20], $0x4000  }
0x89: {  	[sflag:s20] =	ssyncset.done $0x0  }
0x8a: {  	s22 =	simm.s32 $0x80;
	[sflag:s20] =	ssyncadd.s32 $0xFFFFC000  }
0x8b: {  	[spmem:s1] =	stream.indirect.scatter.add.f32 [tilespmem:s15], [sflag:$0x1], $0x80, s22, s18, $0xb8;
	[tilespmem:$0x1E800] =	vst v63  }
0x8c: {  	s23 =	simm.s32 $0x1480;
	s22 =	simm.s32 $0x400  }
.LBB2_8:
0x8d: {  	[spmem:s1] =	stream.indirect.scatter.add.f32 [tilespmem:s19], [sflag:$0x1], $0x80, s23, s18, $0xb8;
	[tilespmem:$0x1E800] =	vst v63  }
0x8e: {  	s23 =	smov.u32 s22  }
0x8f: {  	p0 =	sne.s32 s22, $0x4E00;
	s22 =	sadd.s32 $0x200, s22;
	_ =	swait.ge [sflag:s20], $0x4000  }
0x90: {  	[sflag:s20] =	ssyncset.done $0x0  }
0x91: {  	[sflag:s20] =	ssyncadd.s32 $0xFFFFC000  }
.Ltmp3:
0x92: {  	_ =	swait.ge [sflag:s20], $0x4000;
	(pc) =	sbr.rel @p0 .LBB2_8-.Ltmp3, $4  }
0x93: {  	[sflag:s20] =	ssyncset.done $0x0  }
0x94: {  	s23 =	sshra.s32 s23, $0x2;
	[sflag:s20] =	ssyncadd.s32 $0xFFFFC000  }
0x95: {  	[spmem:s1] =	stream.indirect.scatter.add.f32 [tilespmem:s15], [sflag:$0x1], $0x80, s23, s18, $0xb8;
	[tilespmem:$0x1E800] =	vst v63  }
0x96: {  	s23 =	sadd.s32 $0x1400, s23  }
0x97: {  	[spmem:s1] =	stream.indirect.scatter.add.f32 [tilespmem:s19], [sflag:$0x1], $0x80, s23, s18, $0xb8;
	[tilespmem:$0x1E800] =	vst v63  }
0x98: {  	_ =	swait.ge [sflag:s20], $0x4000  }
0x99: {  	[sflag:s20] =	ssyncset.done $0x0  }
0x9a: {  	[sflag:s20] =	ssyncadd.s32 $0xFFFFC000  }
0x9b: {  	_ =	swait.ge [sflag:s20], $0x4000  }
0x9c: {  	s22 =	sshll.u32 s2, $0x6;
	s21 =	sadd.s32 $0x1, s21;
	[sflag:s20] =	ssyncset.done $0x0  }
0x9d: {  	s31 =	sshrl.u32 s4, $0x3;
	p0 =	sne.s32 s21, s14;
	[sflag:s20] =	ssyncadd.s32 $0xFFFFC000  }
.Ltmp4:
0x9e: {  	s22 =	sor.u32 $0x1C02, s22;
	[bflag:$0x0] =	sbarrier.arrive $0xFFFF;
	(pc) =	sbr.rel @p0 .LBB2_1-.Ltmp4, $4  }
0x9f: {  	[hbm:s13], [sflag:s22] =	dma.local [spmem:s31], $0x2800  }
0xa0: {  	_ =	swait.ge [sflag:s16], $0x2800  }
0xa1: {  	[sflag:s16] =	ssyncset.done $0x0  }
0xa2: {  	[sflag:s16] =	ssyncadd.s32 $0xFFFFD800  }
0xa3: {  	_ =	sfence.sel $0x180000  }
0xa4: {  	[bflag:$0x0] =	sbarrier.arrive $0xFFFF  }
0xa5: {  	p0 =	sne.s32 s2, $0x0;
	_ =	strace $0x90000047  }
0xa6: {  	s0 =	sadd.s32 @!p0 $0x100000, s0;
	[bflag:$0x2] =	sbarrier.arrive $0xFFFF  }
0xa7: {  	[sflag:s0] =	ssyncadd.tile.s32 @!p0 $0x1;
	_ =	shalt  }
.Lfunc_end2:
_tile_overlayer_lowered:
.L_overlay_start_2:
0xa8: {  	(tag) =	ssettag $0x2  }
0xa9: {  	s0 =	rddreg [dreg:$0x0];
	s2 =	stileid.u32  }
0xaa: {  	s1 =	rddreg [dreg:$0x1];
	p0 =	sne.s32 s2, $0x0  }
0xab: {  	s3 =	rddreg [dreg:$0x2];
	[bflag:$0x3] =	sbarrier.arrive $0xFFFF;
	s2 =	simm.s32 @!p0 $0x1C02  }
0xac: {  	[timem:s3], [sflag:s2] =	dma.local @!p0 [hbm:s0], s1  }
0xad: {  	s0 =	simm.s32 @!p0 $0x2  }
0xae: {  	_ =	swait.ge @!p0 [sflag:s0], s1  }
0xaf: {  	s1 =	ssub.s32 @!p0 $0x0, s1;
	[sflag:s0] =	ssyncset.done @!p0 $0x0  }
0xb0: {  	[sflag:s0] =	ssyncadd.s32 @!p0 s1  }
0xb1: {  	[bflag:$0x3] =	sbarrier.arrive $0xFFFF  }
0xb2: {  	_ =	shalt  }

// kernel: kernel.9.cloned.1.call-start
scs
__scs_entry_jumppad:
0x0: {  	(pc) =	sbr.rel $0x88, $3  }
0x1: {  	(tag) =	ssettag $0x0;
	lr =	simm.s32 $0x1  }
0x2: {  	[smem:$0x3F9D] =	sst lr;
	_ =	strace $0xD0000000  }
0x3: {  	_ = 	snop  }
0x4: {  	_ = 	snop  }
0x5: {  	_ = 	snop  }
0x6: {  	_ = 	snop  }
0x7: {  	_ = 	snop  }
__scs_overlays_trampoline_lowered:
0x8: {  	[smem:$0x3FAC] =	sst s0  }
0x9: {  	[smem:$0x3FAD] =	sst s1  }
0xa: {  	[smem:$0x3FAE] =	sst s2  }
0xb: {  	[smem:$0x3FAF] =	sst s3  }
0xc: {  	[smem:$0x3FB0] =	sst s4  }
0xd: {  	[smem:$0x3FB1] =	sst s5  }
0xe: {  	[smem:$0x3FB2] =	sst s6  }
0xf: {  	[smem:$0x3FB3] =	sst s7  }
0x10: {  	[smem:$0x3FB4] =	sst s8  }
0x11: {  	[smem:$0x3FB5] =	sst s9;
	s0 =	simm.s32 @!p0 $0x0  }
0x12: {  	s1 =	sld [smem:$0x3F9B];
	s0 =	simm.s32 @p0 $0x1  }
0x13: {  	[smem:$0x3FB6] =	sst s0;
	s0 =	simm.s32 @!p1 $0x0  }
0x14: {  	s2 =	sld [smem:$0x3F9A];
	s0 =	simm.s32 @p1 $0x1  }
0x15: {  	[smem:$0x3FB7] =	sst s0;
	s0 =	simm.s32 @!p2 $0x0  }
0x16: {  	s3 =	sld [smem:$0x3FDB];
	s0 =	simm.s32 @p2 $0x1  }
0x17: {  	s4 =	simm.s32 $0x1BF5;
	[smem:$0x3FB9] =	sst s0  }
0x18: {  	s0 =	sld [smem:$0x3F9C];
	_ =	swait.ge [sflag:s4], $0x0  }
0x19: {  	s7 =	sld [smem:$0x3F9D]  }
0x1a: {  	s8 =	sadd.s32 $0xFFFFE003, lr  }
0x1b: {  	s9 =	sadd.s32 $0xFFFFFEF7, lr;
	s5 =	simm.s32 $0xFFFFFFFF;
	p2 =	slt.u32 s8, $0xFFFFF086  }
0x1c: {  	p1 =	slt.u32 s9, $0xF7A;
	s5 =	simm.s32 @!p2 $0x0  }
0x1d: {  	s5 =	simm.s32 @p1 $0x1;
	p0 =	seq.s32 s7, s2  }
0x1e: {  	s7 =	smul.u32 @!p0 $0xF7A, s2;
	p2 =	seq.s32 @!p0 s5, $0x0  }
0x1f: {  	s9 =	smul.u32 $0xF7A, s1;
	s8 =	simm.s32 @!p0 $0x1BF5;
	p2 =	por !p2, p0  }
0x20: {  	[sflag:s8] =	ssyncset.s32 @!p0 $0xFFFFF086;
	s6 =	sadd.s32 @!p0 s3, s7;
	s7 =	simm.s32 @!p0 $0x108  }
0x21: {  	s3 =	sadd.s32 s3, s9;
	s6 =	sadd.s32 @!p0 $0x88, s6;
	s7 =	simm.s32 @p2 $0x1082  }
0x22: {  	[simem:s7], [sflag:s8] =	dma.local @!p0 [hbm:s6], $0xF7A  }
0x23: {  	s9 =	sor.u32 $0xD0000000, s2;
	s6 =	simm.s32 $0x108;
	_ =	swait.ge @!p0 [sflag:s8], $0x0  }
0x24: {  	s3 =	sadd.s32 $0x88, s3;
	s6 =	simm.s32 @!p1 $0x1082;
	[sflag:s4] =	ssyncset.s32 $0xFFFFF086  }
0x25: {  	[simem:s6], [sflag:s4] =	dma.local [hbm:s3], $0xF7A  }
0x26: {  	[smem:$0x3F9D] =	sst s1;
	(tag) =	ssettag s2;
	_ =	strace s9  }
0x27: {  	s1 =	sld [smem:$0x3FAD]  }
0x28: {  	s2 =	sld [smem:$0x3FAE]  }
0x29: {  	s4 =	sld [smem:$0x3FB0]  }
0x2a: {  	p0 =	seq.s32 s5, $0x0;
	s5 =	sld [smem:$0x3FB1]  }
0x2b: {  	s6 =	sld [smem:$0x3FB2]  }
0x2c: {  	s7 =	sld [smem:$0x3FB3]  }
0x2d: {  	s3 =	simm.s32 $0x108;
	s8 =	sld [smem:$0x3FB4]  }
0x2e: {  	s3 =	simm.s32 @!p0 $0x1082;
	s9 =	sld [smem:$0x3FB5]  }
0x2f: {  	lr =	sadd.s32 s0, s3;
	s0 =	sld [smem:$0x3FAC]  }
0x30: {  	s3 =	sld [smem:$0x3FAF]  }
0x31: {  	[smem:$0x3FB8] =	sst s10  }
0x32: {  	s10 =	sld [smem:$0x3FB6];
	_ =	sdelay $0x3  }
0x33: {  	p0 =	seq.s32 s10, $0x1;
	s10 =	sld [smem:$0x3FB8];
	_ =	sdelay $0x3  }
0x34: {  	[smem:$0x3FB8] =	sst s10  }
0x35: {  	s10 =	sld [smem:$0x3FB7];
	_ =	sdelay $0x3  }
0x36: {  	p1 =	seq.s32 s10, $0x1;
	s10 =	sld [smem:$0x3FB8];
	_ =	sdelay $0x3  }
0x37: {  	[smem:$0x3FB8] =	sst s10  }
0x38: {  	s10 =	sld [smem:$0x3FB9]  }
0x39: {  	_ = 	snop;
	(pc) =	sbr.ind lr, $3  }
0x3a: {  	_ = 	snop  }
0x3b: {  	_ = 	snop  }
0x3c: {  	p2 =	seq.s32 s10, $0x1;
	s10 =	sld [smem:$0x3FB8]  }
0x3d: {  	_ =	shalt  }
0x3e: {  	_ =	shalt  }
0x3f: {  	_ =	shalt  }
0x40: {  	_ =	shalt  }
0x41: {  	_ =	shalt  }
0x42: {  	_ =	shalt  }
0x43: {  	_ =	shalt  }
0x44: {  	_ =	shalt  }
0x45: {  	_ =	shalt  }
0x46: {  	_ =	shalt  }
0x47: {  	_ =	shalt  }
0x48: {  	_ =	shalt  }
0x49: {  	_ =	shalt  }
0x4a: {  	_ =	shalt  }
0x4b: {  	_ =	shalt  }
0x4c: {  	_ =	shalt  }
0x4d: {  	_ =	shalt  }
0x4e: {  	_ =	shalt  }
0x4f: {  	_ =	shalt  }
0x50: {  	_ =	shalt  }
0x51: {  	_ =	shalt  }
0x52: {  	_ =	shalt  }
0x53: {  	_ =	shalt  }
0x54: {  	_ =	shalt  }
0x55: {  	_ =	shalt  }
0x56: {  	_ =	shalt  }
0x57: {  	_ =	shalt  }
0x58: {  	_ =	shalt  }
0x59: {  	_ =	shalt  }
0x5a: {  	_ =	shalt  }
0x5b: {  	_ =	shalt  }
0x5c: {  	_ =	shalt  }
0x5d: {  	_ =	shalt  }
0x5e: {  	_ =	shalt  }
0x5f: {  	_ =	shalt  }
0x60: {  	_ =	shalt  }
0x61: {  	_ =	shalt  }
0x62: {  	_ =	shalt  }
0x63: {  	_ =	shalt  }
0x64: {  	_ =	shalt  }
0x65: {  	_ =	shalt  }
0x66: {  	_ =	shalt  }
0x67: {  	_ =	shalt  }
0x68: {  	_ =	shalt  }
0x69: {  	_ =	shalt  }
0x6a: {  	_ =	shalt  }
0x6b: {  	_ =	shalt  }
0x6c: {  	_ =	shalt  }
0x6d: {  	_ =	shalt  }
0x6e: {  	_ =	shalt  }
0x6f: {  	_ =	shalt  }
0x70: {  	_ =	shalt  }
0x71: {  	_ =	shalt  }
0x72: {  	_ =	shalt  }
0x73: {  	_ =	shalt  }
0x74: {  	_ =	shalt  }
0x75: {  	_ =	shalt  }
0x76: {  	_ =	shalt  }
0x77: {  	_ =	shalt  }
0x78: {  	_ =	shalt  }
0x79: {  	_ =	shalt  }
0x7a: {  	_ =	shalt  }
0x7b: {  	_ =	shalt  }
0x7c: {  	_ =	shalt  }
0x7d: {  	_ =	shalt  }
0x7e: {  	_ =	shalt  }
0x7f: {  	_ =	shalt  }
0x80: {  	_ =	shalt  }
0x81: {  	_ =	shalt  }
0x82: {  	_ =	shalt  }
0x83: {  	_ =	shalt  }
0x84: {  	_ =	shalt  }
0x85: {  	_ =	shalt  }
0x86: {  	_ =	shalt  }
0x87: {  	_ =	shalt  }
.Lfunc_end0:
.L_simem_size_0:
called_computation.1_lowered:
.L_overlay_start_0:
0x88: {  	s2 =	sld [smem:$0x3FD9]  }
0x89: {  	s3 =	sld [smem:$0x3FFE];
	_ =	sdelay $0x1  }
0x8a: {  	s1 =	srdreg.scid  }
0x8b: {  	s0 =	sand.u32 $0x1, s1  }
0x8c: {  	s17 =	sshll.u32 s0, $0xA;
	s2 =	sadd.s32 s3, s2  }
0x8d: {  	s2 =	sadd.s32 s2, s17  }
0x8e: {  	[smem:$0x3FC4] =	sst s2  }
0x8f: {  	_ = 	snop  }
0x90: {  	s2 =	sld [smem:$0x3FD0];
	(tm) =	ssettm $0x1  }
0x91: {  	s18 =	sld [smem:$0x3FFB];
	_ =	sdelay $0x3  }
0x92: {  	_ =	strace s18  }
0x93: {  	s3 =	sld [smem:$0x3FFC];
	_ =	sdelay $0x3  }
0x94: {  	_ =	strace s3  }
0x95: {  	s3 =	sld [smem:$0x3FFD];
	_ =	sdelay $0x3  }
0x96: {  	_ =	strace s3  }
0x97: {  	_ =	strace $0x8FFFFFFF  }
0x98: {  	s19 =	sld [smem:$0x3FDB];
	_ =	sdelay $0x1  }
0x99: {  	s4 =	simm.s32 $_scs_section_size  }
0x9a: {  	s5 =	simm.s32 $_size__tile_overlayer_lowered;
	s6 =	simm.s32 $_tile_overlayer_lowered  }
0x9b: {  	s22 =	simm.s32 $0x1BFF;
	s21 =	sshll.u32 s6, $0x1;
	s3 =	sadd.s32 s4, s19  }
0x9c: {  	s7 =	simm.s32 $0x0;
	s20 =	sshll.u32 s5, $0x1;
	s5 =	sadd.s32 s21, s3  }
0x9d: {  	[timem:s7], [sflag:s22] =	dma.local [hbm:s5], s20  }
0x9e: {  	_ =	swait.ge [sflag:s22], s20  }
0x9f: {  	s4 =	ssub.s32 $0x0, s20;
	[sflag:s22] =	ssyncset.done $0x0  }
0xa0: {  	[sflag:s22] =	ssyncadd.s32 s4;
	_ =	sdelay $0x1  }
0xa1: {  	s23 =	simm.s32 $0x1B8B  }
0xa2: {  	_ =	swait.ge [sflag:s23], $0x1  }
0xa3: {  	[sflag:s23] =	ssyncset.done $0x0  }
0xa4: {  	s25 =	simm.s32 $0x1B8E;
	s24 =	sld [smem:$0x3FFE];
	[sflag:s23] =	ssyncadd.s32 $0xFFFFFFFF  }
0xa5: {  	s26 =	simm.s32 $execute0_lowered;
	[smem:$0x3FD2] =	sst s25  }
0xa6: {  	s5 =	sshll.u32 s26, $0x1;
	_ =	strace $0x80000049;
	[dreg:$0x1] =	wrdreg $0xFFFFFFFF  }
0xa7: {  	s28 =	simm.s32 $_size_execute0_lowered;
	s3 =	sadd.s32 s3, s5;
	[dreg:$0x0] =	wrdreg $0x0  }
0xa8: {  	s5 =	sshll.u32 s28, $0x1;
	[dreg:$0x2] =	wrdreg s3  }
0xa9: {  	[dreg:$0x3] =	wrdreg s5  }
0xaa: {  	[dreg:$0x4] =	wrdreg $0xC0  }
0xab: {  	_ =	task [dreg:s7], $0x5FFFF  }
0xac: {  	[dreg:$0x1] =	wrdreg $0xFFFFFFFF  }
0xad: {  	[dreg:$0x0] =	wrdreg $0x60  }
0xae: {  	[dreg:$0x2] =	wrdreg s24  }
0xaf: {  	[dreg:$0x3] =	wrdreg s2  }
0xb0: {  	[dreg:$0x4] =	wrdreg $0xA8000  }
0xb1: {  	[dreg:$0x5] =	wrdreg $0x9  }
0xb2: {  	_ =	task.clear_ibuf [dreg:s7], $0x6FFFF;
	_ =	strace $0x90000049  }
0xb3: {  	s29 =	simm.s32 $0x9;
	_ =	strace $0x8000004B  }
0xb4: {  	_ =	swait.ge [sflag:s29], $0x1  }
0xb5: {  	[sflag:s29] =	ssyncadd.s32 $0xFFFFFFFF  }
0xb6: {  	_ =	strace $0x9000004B  }
0xb7: {  	_ =	sfence  }
0xb8: {  	s30 =	sld [smem:$0x0];
	_ =	sdelay $0x2  }
0xb9: {  	s31 =	sshll.u32 s1, $0xD;
	s1 =	sshrl.u32 s1, $0x2  }
0xba: {  	s3 =	sand.u32 $0x4000, s31;
	s1 =	sadd.s32 s1, s30  }
0xbb: {  	s0 =	sor.u32 s3, s0;
	s1 =	sshll.u32 s1, $0x11  }
0xbc: {  	s0 =	sor.u32 s1, s0  }
0xbd: {  	s0 =	sadd.s32 $0x8F2B, s0  }
0xbe: {  	[sflag:s0] =	ssyncadd.remote.s32 $0x1  }
0xbf: {  	_ =	sfence.sel $0xFFFF  }
0xc0: {  	[dreg:$0x0] =	wrdreg $0xFFFFFFFF;
	(pc) =	sbr.abs _section_cstart, $3  }
0xc1: {  	[dreg:$0x1] =	wrdreg $0xFFFFFFFF  }
0xc2: {  	_ =	task.clear_ibuf [dreg:s7], $0x2FFFF;
	_ =	strace $0x9FFFFFFF  }
0xc3: {  	(tm) =	ssettm $0x7FFFFFFF  }
tec
execute0_lowered:
.L_overlay_start_1:
0x0: {  	(tag) =	ssettag $0x1  }
0x1: {  	s0 =	rddreg [dreg:$0x0]  }
0x2: {  	s1 =	rddreg [dreg:$0x1]  }
0x3: {  	s3 =	srdreg.scid;
	s10 =	stileid.u32  }
0x4: {  	s2 =	rddreg [dreg:$0x2];
	s6 =	sand.u32 $0x1, s3;
	s5 =	smul.u32 $0x14000, s10  }
0x5: {  	s3 =	simm.s32 $0x0;
	s7 =	smul.u32 $0x50000, s10;
	s10 =	sshll.u32 s10, $0x1  }
0x6: {  	s4 =	smul.u32 $0x140000, s6;
	s9 =	ssub.s32 $0x2, s6;
	s6 =	sor.u32 s6, s10  }
0x7: {  	[smem:$0x7FF] =	sst s3;
	s6 =	smul.u32 $0x5000, s6  }
0x8: {  	s8 =	sadd.s32 $0x65600, s0;
	_ =	strace $0x8000004A;
	s5 =	sadd.s32 s5, s4  }
0x9: {  	s25 =	sshrl.u32 s7, $0x2;
	s5 =	sshrl.u32 s5, $0x3;
	s6 =	sshrl.u32 s6, $0x3  }
0xa: {  	s4 =	sadd.s32 $0x1600, s0;
	s0 =	sadd.s32 s5, s0;
	s19 =	sadd.s32 s1, s6  }
0xb: {  	s5 =	sadd.s32 s25, s2;
	s21 =	sadd.s32 s8, s6;
	[dreg:$0xd] =	wrdreg s19  }
0xc: {  	s10 =	sadd.s32 $0x2000, s5;
	[dreg:$0xe] =	wrdreg s21  }
0xd: {  	s11 =	sadd.s32 $0x4000, s5;
	[dreg:$0x4] =	wrdreg s10  }
0xe: {  	s12 =	sadd.s32 $0x6000, s5;
	[dreg:$0x5] =	wrdreg s11  }
0xf: {  	s28 =	simm.s32 $0x1400;
	s13 =	sadd.s32 $0x8000, s5;
	[dreg:$0x6] =	wrdreg s12  }
0x10: {  	s29 =	simm.s32 $0x40;
	s14 =	sadd.s32 $0xA000, s5;
	[dreg:$0x7] =	wrdreg s13  }
0x11: {  	s30 =	simm.s32 $0x80;
	s15 =	sadd.s32 $0xC000, s5;
	[dreg:$0x8] =	wrdreg s14  }
0x12: {  	s31 =	simm.s32 $0x4800;
	s16 =	sadd.s32 $0xE000, s5;
	[dreg:$0x9] =	wrdreg s15  }
0x13: {  	s26 =	sshrl.u32 s9, $0x1;
	s17 =	sadd.s32 $0x10000, s5;
	[dreg:$0xa] =	wrdreg s16  }
0x14: {  	s20 =	sadd.s32 $0x280, s6;
	s18 =	sadd.s32 $0x12000, s5;
	[dreg:$0xb] =	wrdreg s17  }
0x15: {  	s7 =	ssub.s32 s9, s26;
	s22 =	sadd.s32 s1, s20;
	[dreg:$0xc] =	wrdreg s18  }
0x16: {  	s23 =	sadd.s32 $0x500, s6;
	s9 =	sadd.s32 s8, s20;
	[dreg:$0xf] =	wrdreg s22  }
0x17: {  	s6 =	sadd.s32 $0x780, s6;
	s24 =	sadd.s32 s1, s23;
	[dreg:$0x10] =	wrdreg s9  }
0x18: {  	s25 =	sadd.s32 s8, s23;
	s1 =	sadd.s32 s1, s6;
	[dreg:$0x11] =	wrdreg s24  }
0x19: {  	s26 =	sadd.s32 s8, s6;
	s23 =	sadd.s32 $0x79600, s0;
	[dreg:$0x12] =	wrdreg s25  }
0x1a: {  	s0 =	simm.s32 $0x100;
	s6 =	simm.s32 $0x180;
	[dreg:$0x13] =	wrdreg s1  }
0x1b: {  	s8 =	simm.s32 $0x1;
	s19 =	simm.s32 $0x2780;
	[dreg:$0x14] =	wrdreg s26  }
0x1c: {  	s24 =	smax.u32 s7, $0x1;
	s25 =	simm.s32 $0x2800;
	s26 =	simm.s32 $0x9  }
0x1d: {  	s1 =	simm.s32 $0x6800;
	s7 =	simm.s32 $0x8800;
	s9 =	simm.s32 $0x2  }
0x1e: {  	s10 =	simm.s32 $0x3;
	s11 =	simm.s32 $0x4;
	s12 =	simm.s32 $0x5  }
0x1f: {  	s13 =	simm.s32 $0x6;
	s14 =	simm.s32 $0x7;
	s15 =	simm.s32 $0x8  }
0x20: {  	v0 =	vimm.f32 $0.0e+00;
	s16 =	simm.s32 $0x2600;
	s17 =	simm.s32 $0x2680;
	s18 =	simm.s32 $0x2700  }
.LBB2_1:
0x21: {  	s20 =	simm.s32 $0x0;
	s21 =	simm.s32 $0x200  }
.LBB2_2:
0x22: {  	p0 =	sne.s32 s21, $0x7E00;
	[tilespmem:s20+$0x2870] =	vst v0  }
0x23: {  	[tilespmem:s20+$0x2800] =	vst v0  }
0x24: {  	[tilespmem:s20+$0x2810] =	vst v0  }
.Ltmp0:
0x25: {  	[tilespmem:s20+$0x2820] =	vst v0;
	(pc) =	sbr.rel @p0 .LBB2_2-.Ltmp0, $4  }
0x26: {  	[tilespmem:s20+$0x2830] =	vst v0  }
0x27: {  	[tilespmem:s20+$0x2840] =	vst v0  }
0x28: {  	[tilespmem:s20+$0x2850] =	vst v0  }
0x29: {  	[tilespmem:s20+$0x2860] =	vst v0;
	s20 =	sshra.s32 s21, $0x2;
	s21 =	sadd.s32 $0x200, s21  }
0x2a: {  	[tilespmem:s20+$0x2870] =	vst v0  }
0x2b: {  	[tilespmem:s20+$0x2800] =	vst v0  }
0x2c: {  	[tilespmem:s20+$0x2810] =	vst v0  }
0x2d: {  	[tilespmem:s20+$0x2820] =	vst v0  }
0x2e: {  	[tilespmem:s20+$0x2830] =	vst v0  }
0x2f: {  	[tilespmem:s20+$0x2840] =	vst v0  }
0x30: {  	[tilespmem:s20+$0x2850] =	vst v0  }
0x31: {  	[tilespmem:s20+$0x2860] =	vst v0  }
0x32: {  	[spmem:s5] =	stream.linear.scatter [tilespmem:s25], [sflag:$0x9], $0x2000, $0x38;
	[tilespmem:$0x1E800] =	vst v63  }
0x33: {  	_ =	swait.ge [sflag:s26], $0x2000  }
0x34: {  	[sflag:s26] =	ssyncset.done $0x0  }
0x35: {  	s21 =	rddreg [dreg:$0x4];
	[sflag:s26] =	ssyncadd.s32 $0xFFFFE000  }
0x36: {  	[spmem:s21] =	stream.linear.scatter [tilespmem:s25], [sflag:$0x9], $0x2000, $0x38;
	[tilespmem:$0x1E800] =	vst v63  }
0x37: {  	_ =	swait.ge [sflag:s26], $0x2000  }
0x38: {  	[sflag:s26] =	ssyncset.done $0x0  }
0x39: {  	s22 =	rddreg [dreg:$0x5];
	[sflag:s26] =	ssyncadd.s32 $0xFFFFE000  }
0x3a: {  	[spmem:s22] =	stream.linear.scatter [tilespmem:s25], [sflag:$0x9], $0x2000, $0x38;
	[tilespmem:$0x1E800] =	vst v63  }
0x3b: {  	_ =	swait.ge [sflag:s26], $0x2000  }
0x3c: {  	[sflag:s26] =	ssyncset.done $0x0  }
0x3d: {  	s21 =	rddreg [dreg:$0x6];
	[sflag:s26] =	ssyncadd.s32 $0xFFFFE000  }
0x3e: {  	[spmem:s21] =	stream.linear.scatter [tilespmem:s25], [sflag:$0x9], $0x2000, $0x38;
	[tilespmem:$0x1E800] =	vst v63  }
0x3f: {  	_ =	swait.ge [sflag:s26], $0x2000  }
0x40: {  	[sflag:s26] =	ssyncset.done $0x0  }
0x41: {  	s22 =	rddreg [dreg:$0x7];
	[sflag:s26] =	ssyncadd.s32 $0xFFFFE000  }
0x42: {  	[spmem:s22] =	stream.linear.scatter [tilespmem:s25], [sflag:$0x9], $0x2000, $0x38;
	[tilespmem:$0x1E800] =	vst v63  }
0x43: {  	_ =	swait.ge [sflag:s26], $0x2000  }
0x44: {  	[sflag:s26] =	ssyncset.done $0x0  }
0x45: {  	s21 =	rddreg [dreg:$0x8];
	[sflag:s26] =	ssyncadd.s32 $0xFFFFE000  }
0x46: {  	[spmem:s21] =	stream.linear.scatter [tilespmem:s25], [sflag:$0x9], $0x2000, $0x38;
	[tilespmem:$0x1E800] =	vst v63  }
0x47: {  	_ =	swait.ge [sflag:s26], $0x2000  }
0x48: {  	[sflag:s26] =	ssyncset.done $0x0  }
0x49: {  	s22 =	rddreg [dreg:$0x9];
	[sflag:s26] =	ssyncadd.s32 $0xFFFFE000  }
0x4a: {  	[spmem:s22] =	stream.linear.scatter [tilespmem:s25], [sflag:$0x9], $0x2000, $0x38;
	[tilespmem:$0x1E800] =	vst v63  }
0x4b: {  	_ =	swait.ge [sflag:s26], $0x2000  }
0x4c: {  	[sflag:s26] =	ssyncset.done $0x0  }
0x4d: {  	s21 =	rddreg [dreg:$0xa];
	[sflag:s26] =	ssyncadd.s32 $0xFFFFE000  }
0x4e: {  	[spmem:s21] =	stream.linear.scatter [tilespmem:s25], [sflag:$0x9], $0x2000, $0x38;
	[tilespmem:$0x1E800] =	vst v63  }
0x4f: {  	_ =	swait.ge [sflag:s26], $0x2000  }
0x50: {  	[sflag:s26] =	ssyncset.done $0x0  }
0x51: {  	s22 =	rddreg [dreg:$0xb];
	[sflag:s26] =	ssyncadd.s32 $0xFFFFE000  }
0x52: {  	[spmem:s22] =	stream.linear.scatter [tilespmem:s25], [sflag:$0x9], $0x2000, $0x38;
	[tilespmem:$0x1E800] =	vst v63  }
0x53: {  	_ =	swait.ge [sflag:s26], $0x2000  }
0x54: {  	[sflag:s26] =	ssyncset.done $0x0  }
0x55: {  	s21 =	rddreg [dreg:$0xc];
	[sflag:s26] =	ssyncadd.s32 $0xFFFFE000  }
0x56: {  	[spmem:s21] =	stream.linear.scatter [tilespmem:s25], [sflag:$0x9], $0x2000, $0x38;
	[tilespmem:$0x1E800] =	vst v63  }
0x57: {  	_ =	swait.ge [sflag:s26], $0x2000  }
0x58: {  	[sflag:s26] =	ssyncset.done $0x0  }
0x59: {  	[sflag:s26] =	ssyncadd.s32 $0xFFFFE000  }
0x5a: {  	[bflag:$0x0] =	sbarrier.arrive $0xFFFF  }
0x5b: {  	s20 =	simm.s32 $0x0;
	s21 =	rddreg [dreg:$0xd]  }
0x5c: {  	[tilespmem:s20], [sflag:$0x9] =	stream.linear.gather [hbm4b:s21+s20], $0x1400, $0x38;
	[tilespmem:$0x1E800] =	vst v63  }
0x5d: {  	_ =	swait.ge [sflag:s26], $0x1400  }
0x5e: {  	[sflag:s26] =	ssyncset.done $0x0  }
0x5f: {  	s22 =	rddreg [dreg:$0xe];
	[sflag:s26] =	ssyncadd.s32 $0xFFFFEC00  }
0x60: {  	[tilespmem:s28], [sflag:$0x9] =	stream.linear.gather [hbm4b:s22+s20], $0x1400, $0x38;
	[tilespmem:$0x1E800] =	vst v63  }
0x61: {  	_ =	swait.ge [sflag:s26], $0x1400  }
0x62: {  	[sflag:s26] =	ssyncset.done $0x0  }
0x63: {  	[sflag:s26] =	ssyncadd.s32 $0xFFFFEC00  }
0x64: {  	[tilespmem:s25], [sflag:$0x1] =	stream.indirect.gather [hbm4b:s4+s29], $0x80, s20, s29, $0xb8;
	[tilespmem:$0x1E800] =	vst v63  }
0x65: {  	_ = 	snop  }
0x66: {  	[tilespmem:s31], [sflag:$0x2] =	stream.indirect.gather [hbm4b:s4+s29], $0x80, s30, s29, $0xb8;
	[tilespmem:$0x1E800] =	vst v63  }
0x67: {  	_ = 	snop  }
0x68: {  	[tilespmem:s1], [sflag:$0x3] =	stream.indirect.gather [hbm4b:s4+s29], $0x80, s0, s29, $0xb8;
	[tilespmem:$0x1E800] =	vst v63  }
0x69: {  	_ = 	snop  }
0x6a: {  	[tilespmem:s7], [sflag:$0x4] =	stream.indirect.gather [hbm4b:s4+s29], $0x80, s6, s29, $0xb8;
	[tilespmem:$0x1E800] =	vst v63  }
0x6b: {  	_ =	swait.ge [sflag:s8], $0x2000  }
0x6c: {  	[sflag:s8] =	ssyncset.done $0x0  }
0x6d: {  	s22 =	simm.s32 $0x1400;
	[sflag:s8] =	ssyncadd.s32 $0xFFFFE000  }
0x6e: {  	[spmem:s2] =	stream.indirect.scatter.add.f32 [tilespmem:s25], [sflag:$0x5], $0x80, s22, s29, $0xb8;
	[tilespmem:$0x1E800] =	vst v63  }
0x6f: {  	_ =	swait.ge [sflag:s9], $0x2000  }
0x70: {  	[sflag:s9] =	ssyncset.done $0x0  }
0x71: {  	s21 =	simm.s32 $0x1480;
	[sflag:s9] =	ssyncadd.s32 $0xFFFFE000  }
0x72: {  	[spmem:s2] =	stream.indirect.scatter.add.f32 [tilespmem:s31], [sflag:$0x6], $0x80, s21, s29, $0xb8;
	[tilespmem:$0x1E800] =	vst v63  }
0x73: {  	_ =	swait.ge [sflag:s10], $0x2000  }
0x74: {  	[sflag:s10] =	ssyncset.done $0x0  }
0x75: {  	s22 =	simm.s32 $0x1500;
	[sflag:s10] =	ssyncadd.s32 $0xFFFFE000  }
0x76: {  	[spmem:s2] =	stream.indirect.scatter.add.f32 [tilespmem:s1], [sflag:$0x7], $0x80, s22, s29, $0xb8;
	[tilespmem:$0x1E800] =	vst v63  }
0x77: {  	_ =	swait.ge [sflag:s11], $0x2000  }
0x78: {  	[sflag:s11] =	ssyncset.done $0x0  }
0x79: {  	s21 =	simm.s32 $0x1580;
	[sflag:s11] =	ssyncadd.s32 $0xFFFFE000  }
0x7a: {  	[spmem:s2] =	stream.indirect.scatter.add.f32 [tilespmem:s7], [sflag:$0x8], $0x80, s21, s29, $0xb8;
	[tilespmem:$0x1E800] =	vst v63  }
0x7b: {  	_ =	swait.ge [sflag:s12], $0x2000  }
0x7c: {  	[sflag:s12] =	ssyncset.done $0x0  }
0x7d: {  	s22 =	simm.s32 $0x200;
	[sflag:s12] =	ssyncadd.s32 $0xFFFFE000  }
0x7e: {  	[tilespmem:s25], [sflag:$0x1] =	stream.indirect.gather [hbm4b:s4+s29], $0x80, s22, s29, $0xb8;
	[tilespmem:$0x1E800] =	vst v63  }
0x7f: {  	_ =	swait.ge [sflag:s13], $0x2000  }
0x80: {  	[sflag:s13] =	ssyncset.done $0x0  }
0x81: {  	s21 =	simm.s32 $0x280;
	[sflag:s13] =	ssyncadd.s32 $0xFFFFE000  }
0x82: {  	[tilespmem:s31], [sflag:$0x2] =	stream.indirect.gather [hbm4b:s4+s29], $0x80, s21, s29, $0xb8;
	[tilespmem:$0x1E800] =	vst v63  }
0x83: {  	_ =	swait.ge [sflag:s14], $0x2000  }
0x84: {  	[sflag:s14] =	ssyncset.done $0x0  }
0x85: {  	s22 =	simm.s32 $0x300;
	[sflag:s14] =	ssyncadd.s32 $0xFFFFE000  }
0x86: {  	[tilespmem:s1], [sflag:$0x3] =	stream.indirect.gather [hbm4b:s4+s29], $0x80, s22, s29, $0xb8;
	[tilespmem:$0x1E800] =	vst v63  }
0x87: {  	_ =	swait.ge [sflag:s15], $0x2000  }
0x88: {  	[sflag:s15] =	ssyncset.done $0x0  }
0x89: {  	s20 =	simm.s32 $0x800;
	s21 =	simm.s32 $0x380;
	[sflag:s15] =	ssyncadd.s32 $0xFFFFE000  }
.LBB2_4:
0x8a: {  	[tilespmem:s7], [sflag:$0x4] =	stream.indirect.gather [hbm4b:s4+s29], $0x80, s21, s29, $0xb8;
	[tilespmem:$0x1E800] =	vst v63  }
0x8b: {  	s21 =	smov.u32 s20  }
0x8c: {  	p0 =	sne.s32 s20, $0x4000;
	s20 =	sadd.s32 $0x800, s20;
	_ =	swait.ge [sflag:s8], $0x2000  }
0x8d: {  	s21 =	sshra.s32 s21, $0x2;
	[sflag:s8] =	ssyncset.done $0x0  }
0x8e: {  	s22 =	sadd.s32 $0x1400, s21;
	[sflag:s8] =	ssyncadd.s32 $0xFFFFE000  }
0x8f: {  	[spmem:s2] =	stream.indirect.scatter.add.f32 [tilespmem:s25], [sflag:$0x5], $0x80, s22, s29, $0xb8;
	[tilespmem:$0x1E800] =	vst v63  }
0x90: {  	_ =	swait.ge [sflag:s9], $0x2000  }
0x91: {  	[sflag:s9] =	ssyncset.done $0x0  }
0x92: {  	s22 =	sadd.s32 $0x1480, s21;
	[sflag:s9] =	ssyncadd.s32 $0xFFFFE000  }
0x93: {  	[spmem:s2] =	stream.indirect.scatter.add.f32 [tilespmem:s31], [sflag:$0x6], $0x80, s22, s29, $0xb8;
	[tilespmem:$0x1E800] =	vst v63  }
0x94: {  	_ =	swait.ge [sflag:s10], $0x2000  }
0x95: {  	[sflag:s10] =	ssyncset.done $0x0  }
0x96: {  	s22 =	sadd.s32 $0x1500, s21;
	[sflag:s10] =	ssyncadd.s32 $0xFFFFE000  }
0x97: {  	[spmem:s2] =	stream.indirect.scatter.add.f32 [tilespmem:s1], [sflag:$0x7], $0x80, s22, s29, $0xb8;
	[tilespmem:$0x1E800] =	vst v63  }
0x98: {  	_ =	swait.ge [sflag:s11], $0x2000  }
0x99: {  	[sflag:s11] =	ssyncset.done $0x0  }
0x9a: {  	s22 =	sadd.s32 $0x1580, s21;
	[sflag:s11] =	ssyncadd.s32 $0xFFFFE000  }
0x9b: {  	[spmem:s2] =	stream.indirect.scatter.add.f32 [tilespmem:s7], [sflag:$0x8], $0x80, s22, s29, $0xb8;
	[tilespmem:$0x1E800] =	vst v63  }
0x9c: {  	_ =	swait.ge [sflag:s12], $0x2000  }
0x9d: {  	[sflag:s12] =	ssyncset.done $0x0  }
0x9e: {  	s22 =	sadd.s32 $0x200, s21;
	[sflag:s12] =	ssyncadd.s32 $0xFFFFE000  }
0x9f: {  	[tilespmem:s25], [sflag:$0x1] =	stream.indirect.gather [hbm4b:s4+s29], $0x80, s22, s29, $0xb8;
	[tilespmem:$0x1E800] =	vst v63  }
0xa0: {  	_ =	swait.ge [sflag:s13], $0x2000  }
0xa1: {  	[sflag:s13] =	ssyncset.done $0x0  }
0xa2: {  	s22 =	sadd.s32 $0x280, s21;
	[sflag:s13] =	ssyncadd.s32 $0xFFFFE000  }
0xa3: {  	[tilespmem:s31], [sflag:$0x2] =	stream.indirect.gather [hbm4b:s4+s29], $0x80, s22, s29, $0xb8;
	[tilespmem:$0x1E800] =	vst v63  }
0xa4: {  	_ =	swait.ge [sflag:s14], $0x2000  }
0xa5: {  	[sflag:s14] =	ssyncset.done $0x0  }
.Ltmp1:
0xa6: {  	s22 =	sadd.s32 $0x300, s21;
	[sflag:s14] =	ssyncadd.s32 $0xFFFFE000;
	(pc) =	sbr.rel @p0 .LBB2_4-.Ltmp1, $4  }
0xa7: {  	[tilespmem:s1], [sflag:$0x3] =	stream.indirect.gather [hbm4b:s4+s29], $0x80, s22, s29, $0xb8;
	[tilespmem:$0x1E800] =	vst v63  }
0xa8: {  	_ =	swait.ge [sflag:s15], $0x2000  }
0xa9: {  	[sflag:s15] =	ssyncset.done $0x0  }
0xaa: {  	s21 =	sadd.s32 $0x380, s21;
	[sflag:s15] =	ssyncadd.s32 $0xFFFFE000  }
0xab: {  	[tilespmem:s7], [sflag:$0x4] =	stream.indirect.gather [hbm4b:s4+s29], $0x80, s21, s29, $0xb8;
	[tilespmem:$0x1E800] =	vst v63  }
0xac: {  	_ =	swait.ge [sflag:s8], $0x2000  }
0xad: {  	[sflag:s8] =	ssyncset.done $0x0  }
0xae: {  	[sflag:s8] =	ssyncadd.s32 $0xFFFFE000  }
0xaf: {  	[spmem:s2] =	stream.indirect.scatter.add.f32 [tilespmem:s25], [sflag:$0x5], $0x80, s16, s29, $0xb8;
	[tilespmem:$0x1E800] =	vst v63  }
0xb0: {  	_ =	swait.ge [sflag:s9], $0x2000  }
0xb1: {  	[sflag:s9] =	ssyncset.done $0x0  }
0xb2: {  	[sflag:s9] =	ssyncadd.s32 $0xFFFFE000  }
0xb3: {  	[spmem:s2] =	stream.indirect.scatter.add.f32 [tilespmem:s31], [sflag:$0x6], $0x80, s17, s29, $0xb8;
	[tilespmem:$0x1E800] =	vst v63  }
0xb4: {  	_ =	swait.ge [sflag:s10], $0x2000  }
0xb5: {  	[sflag:s10] =	ssyncset.done $0x0  }
0xb6: {  	[sflag:s10] =	ssyncadd.s32 $0xFFFFE000  }
0xb7: {  	[spmem:s2] =	stream.indirect.scatter.add.f32 [tilespmem:s1], [sflag:$0x7], $0x80, s18, s29, $0xb8;
	[tilespmem:$0x1E800] =	vst v63  }
0xb8: {  	_ =	swait.ge [sflag:s11], $0x2000  }
0xb9: {  	[sflag:s11] =	ssyncset.done $0x0  }
0xba: {  	[sflag:s11] =	ssyncadd.s32 $0xFFFFE000  }
0xbb: {  	[spmem:s2] =	stream.indirect.scatter.add.f32 [tilespmem:s7], [sflag:$0x8], $0x80, s19, s29, $0xb8;
	[tilespmem:$0x1E800] =	vst v63  }
0xbc: {  	_ =	swait.ge [sflag:s12], $0x2000  }
0xbd: {  	[sflag:s12] =	ssyncset.done $0x0  }
0xbe: {  	[sflag:s12] =	ssyncadd.s32 $0xFFFFE000  }
0xbf: {  	_ =	swait.ge [sflag:s13], $0x2000  }
0xc0: {  	[sflag:s13] =	ssyncset.done $0x0  }
0xc1: {  	[sflag:s13] =	ssyncadd.s32 $0xFFFFE000  }
0xc2: {  	_ =	swait.ge [sflag:s14], $0x2000  }
0xc3: {  	[sflag:s14] =	ssyncset.done $0x0  }
0xc4: {  	[sflag:s14] =	ssyncadd.s32 $0xFFFFE000  }
0xc5: {  	_ =	swait.ge [sflag:s15], $0x2000  }
0xc6: {  	[sflag:s15] =	ssyncset.done $0x0  }
0xc7: {  	s20 =	simm.s32 $0x0;
	s22 =	rddreg [dreg:$0xf];
	[sflag:s15] =	ssyncadd.s32 $0xFFFFE000  }
0xc8: {  	[tilespmem:s20], [sflag:$0x9] =	stream.linear.gather [hbm4b:s22+s20], $0x1400, $0x38;
	[tilespmem:$0x1E800] =	vst v63  }
0xc9: {  	_ =	swait.ge [sflag:s26], $0x1400  }
0xca: {  	[sflag:s26] =	ssyncset.done $0x0  }
0xcb: {  	s22 =	rddreg [dreg:$0x10];
	[sflag:s26] =	ssyncadd.s32 $0xFFFFEC00  }
0xcc: {  	[tilespmem:s28], [sflag:$0x9] =	stream.linear.gather [hbm4b:s22+s20], $0x1400, $0x38;
	[tilespmem:$0x1E800] =	vst v63  }
0xcd: {  	_ =	swait.ge [sflag:s26], $0x1400  }
0xce: {  	[sflag:s26] =	ssyncset.done $0x0  }
0xcf: {  	[sflag:s26] =	ssyncadd.s32 $0xFFFFEC00  }
0xd0: {  	[tilespmem:s25], [sflag:$0x1] =	stream.indirect.gather [hbm4b:s4+s29], $0x80, s20, s29, $0xb8;
	[tilespmem:$0x1E800] =	vst v63  }
0xd1: {  	_ = 	snop  }
0xd2: {  	[tilespmem:s31], [sflag:$0x2] =	stream.indirect.gather [hbm4b:s4+s29], $0x80, s30, s29, $0xb8;
	[tilespmem:$0x1E800] =	vst v63  }
0xd3: {  	_ = 	snop  }
0xd4: {  	[tilespmem:s1], [sflag:$0x3] =	stream.indirect.gather [hbm4b:s4+s29], $0x80, s0, s29, $0xb8;
	[tilespmem:$0x1E800] =	vst v63  }
0xd5: {  	_ = 	snop  }
0xd6: {  	[tilespmem:s7], [sflag:$0x4] =	stream.indirect.gather [hbm4b:s4+s29], $0x80, s6, s29, $0xb8;
	[tilespmem:$0x1E800] =	vst v63  }
0xd7: {  	_ =	swait.ge [sflag:s8], $0x2000  }
0xd8: {  	[sflag:s8] =	ssyncset.done $0x0  }
0xd9: {  	s22 =	simm.s32 $0x1400;
	[sflag:s8] =	ssyncadd.s32 $0xFFFFE000  }
0xda: {  	[spmem:s2] =	stream.indirect.scatter.add.f32 [tilespmem:s25], [sflag:$0x5], $0x80, s22, s29, $0xb8;
	[tilespmem:$0x1E800] =	vst v63  }
0xdb: {  	_ =	swait.ge [sflag:s9], $0x2000  }
0xdc: {  	[sflag:s9] =	ssyncset.done $0x0  }
0xdd: {  	s21 =	simm.s32 $0x1480;
	[sflag:s9] =	ssyncadd.s32 $0xFFFFE000  }
0xde: {  	[spmem:s2] =	stream.indirect.scatter.add.f32 [tilespmem:s31], [sflag:$0x6], $0x80, s21, s29, $0xb8;
	[tilespmem:$0x1E800] =	vst v63  }
0xdf: {  	_ =	swait.ge [sflag:s10], $0x2000  }
0xe0: {  	[sflag:s10] =	ssyncset.done $0x0  }
0xe1: {  	s22 =	simm.s32 $0x1500;
	[sflag:s10] =	ssyncadd.s32 $0xFFFFE000  }
0xe2: {  	[spmem:s2] =	stream.indirect.scatter.add.f32 [tilespmem:s1], [sflag:$0x7], $0x80, s22, s29, $0xb8;
	[tilespmem:$0x1E800] =	vst v63  }
0xe3: {  	_ =	swait.ge [sflag:s11], $0x2000  }
0xe4: {  	[sflag:s11] =	ssyncset.done $0x0  }
0xe5: {  	s21 =	simm.s32 $0x1580;
	[sflag:s11] =	ssyncadd.s32 $0xFFFFE000  }
0xe6: {  	[spmem:s2] =	stream.indirect.scatter.add.f32 [tilespmem:s7], [sflag:$0x8], $0x80, s21, s29, $0xb8;
	[tilespmem:$0x1E800] =	vst v63  }
0xe7: {  	_ =	swait.ge [sflag:s12], $0x2000  }
0xe8: {  	[sflag:s12] =	ssyncset.done $0x0  }
0xe9: {  	s22 =	simm.s32 $0x200;
	[sflag:s12] =	ssyncadd.s32 $0xFFFFE000  }
0xea: {  	[tilespmem:s25], [sflag:$0x1] =	stream.indirect.gather [hbm4b:s4+s29], $0x80, s22, s29, $0xb8;
	[tilespmem:$0x1E800] =	vst v63  }
0xeb: {  	_ =	swait.ge [sflag:s13], $0x2000  }
0xec: {  	[sflag:s13] =	ssyncset.done $0x0  }
0xed: {  	s21 =	simm.s32 $0x280;
	[sflag:s13] =	ssyncadd.s32 $0xFFFFE000  }
0xee: {  	[tilespmem:s31], [sflag:$0x2] =	stream.indirect.gather [hbm4b:s4+s29], $0x80, s21, s29, $0xb8;
	[tilespmem:$0x1E800] =	vst v63  }
0xef: {  	_ =	swait.ge [sflag:s14], $0x2000  }
0xf0: {  	[sflag:s14] =	ssyncset.done $0x0  }
0xf1: {  	s22 =	simm.s32 $0x300;
	[sflag:s14] =	ssyncadd.s32 $0xFFFFE000  }
0xf2: {  	[tilespmem:s1], [sflag:$0x3] =	stream.indirect.gather [hbm4b:s4+s29], $0x80, s22, s29, $0xb8;
	[tilespmem:$0x1E800] =	vst v63  }
0xf3: {  	_ =	swait.ge [sflag:s15], $0x2000  }
0xf4: {  	[sflag:s15] =	ssyncset.done $0x0  }
0xf5: {  	s20 =	simm.s32 $0x800;
	s21 =	simm.s32 $0x380;
	[sflag:s15] =	ssyncadd.s32 $0xFFFFE000  }
.LBB2_6:
0xf6: {  	[tilespmem:s7], [sflag:$0x4] =	stream.indirect.gather [hbm4b:s4+s29], $0x80, s21, s29, $0xb8;
	[tilespmem:$0x1E800] =	vst v63  }
0xf7: {  	s21 =	smov.u32 s20  }
0xf8: {  	p0 =	sne.s32 s20, $0x4000;
	s20 =	sadd.s32 $0x800, s20;
	_ =	swait.ge [sflag:s8], $0x2000  }
0xf9: {  	s21 =	sshra.s32 s21, $0x2;
	[sflag:s8] =	ssyncset.done $0x0  }
0xfa: {  	s22 =	sadd.s32 $0x1400, s21;
	[sflag:s8] =	ssyncadd.s32 $0xFFFFE000  }
0xfb: {  	[spmem:s2] =	stream.indirect.scatter.add.f32 [tilespmem:s25], [sflag:$0x5], $0x80, s22, s29, $0xb8;
	[tilespmem:$0x1E800] =	vst v63  }
0xfc: {  	_ =	swait.ge [sflag:s9], $0x2000  }
0xfd: {  	[sflag:s9] =	ssyncset.done $0x0  }
0xfe: {  	s22 =	sadd.s32 $0x1480, s21;
	[sflag:s9] =	ssyncadd.s32 $0xFFFFE000  }
0xff: {  	[spmem:s2] =	stream.indirect.scatter.add.f32 [tilespmem:s31], [sflag:$0x6], $0x80, s22, s29, $0xb8;
	[tilespmem:$0x1E800] =	vst v63  }
0x100: {  	_ =	swait.ge [sflag:s10], $0x2000  }
0x101: {  	[sflag:s10] =	ssyncset.done $0x0  }
0x102: {  	s22 =	sadd.s32 $0x1500, s21;
	[sflag:s10] =	ssyncadd.s32 $0xFFFFE000  }
0x103: {  	[spmem:s2] =	stream.indirect.scatter.add.f32 [tilespmem:s1], [sflag:$0x7], $0x80, s22, s29, $0xb8;
	[tilespmem:$0x1E800] =	vst v63  }
0x104: {  	_ =	swait.ge [sflag:s11], $0x2000  }
0x105: {  	[sflag:s11] =	ssyncset.done $0x0  }
0x106: {  	s22 =	sadd.s32 $0x1580, s21;
	[sflag:s11] =	ssyncadd.s32 $0xFFFFE000  }
0x107: {  	[spmem:s2] =	stream.indirect.scatter.add.f32 [tilespmem:s7], [sflag:$0x8], $0x80, s22, s29, $0xb8;
	[tilespmem:$0x1E800] =	vst v63  }
0x108: {  	_ =	swait.ge [sflag:s12], $0x2000  }
0x109: {  	[sflag:s12] =	ssyncset.done $0x0  }
0x10a: {  	s22 =	sadd.s32 $0x200, s21;
	[sflag:s12] =	ssyncadd.s32 $0xFFFFE000  }
0x10b: {  	[tilespmem:s25], [sflag:$0x1] =	stream.indirect.gather [hbm4b:s4+s29], $0x80, s22, s29, $0xb8;
	[tilespmem:$0x1E800] =	vst v63  }
0x10c: {  	_ =	swait.ge [sflag:s13], $0x2000  }
0x10d: {  	[sflag:s13] =	ssyncset.done $0x0  }
0x10e: {  	s22 =	sadd.s32 $0x280, s21;
	[sflag:s13] =	ssyncadd.s32 $0xFFFFE000  }
0x10f: {  	[tilespmem:s31], [sflag:$0x2] =	stream.indirect.gather [hbm4b:s4+s29], $0x80, s22, s29, $0xb8;
	[tilespmem:$0x1E800] =	vst v63  }
0x110: {  	_ =	swait.ge [sflag:s14], $0x2000  }
0x111: {  	[sflag:s14] =	ssyncset.done $0x0  }
.Ltmp2:
0x112: {  	s22 =	sadd.s32 $0x300, s21;
	[sflag:s14] =	ssyncadd.s32 $0xFFFFE000;
	(pc) =	sbr.rel @p0 .LBB2_6-.Ltmp2, $4  }
0x113: {  	[tilespmem:s1], [sflag:$0x3] =	stream.indirect.gather [hbm4b:s4+s29], $0x80, s22, s29, $0xb8;
	[tilespmem:$0x1E800] =	vst v63  }
0x114: {  	_ =	swait.ge [sflag:s15], $0x2000  }
0x115: {  	[sflag:s15] =	ssyncset.done $0x0  }
0x116: {  	s21 =	sadd.s32 $0x380, s21;
	[sflag:s15] =	ssyncadd.s32 $0xFFFFE000  }
0x117: {  	[tilespmem:s7], [sflag:$0x4] =	stream.indirect.gather [hbm4b:s4+s29], $0x80, s21, s29, $0xb8;
	[tilespmem:$0x1E800] =	vst v63  }
0x118: {  	_ =	swait.ge [sflag:s8], $0x2000  }
0x119: {  	[sflag:s8] =	ssyncset.done $0x0  }
0x11a: {  	[sflag:s8] =	ssyncadd.s32 $0xFFFFE000  }
0x11b: {  	[spmem:s2] =	stream.indirect.scatter.add.f32 [tilespmem:s25], [sflag:$0x5], $0x80, s16, s29, $0xb8;
	[tilespmem:$0x1E800] =	vst v63  }
0x11c: {  	_ =	swait.ge [sflag:s9], $0x2000  }
0x11d: {  	[sflag:s9] =	ssyncset.done $0x0  }
0x11e: {  	[sflag:s9] =	ssyncadd.s32 $0xFFFFE000  }
0x11f: {  	[spmem:s2] =	stream.indirect.scatter.add.f32 [tilespmem:s31], [sflag:$0x6], $0x80, s17, s29, $0xb8;
	[tilespmem:$0x1E800] =	vst v63  }
0x120: {  	_ =	swait.ge [sflag:s10], $0x2000  }
0x121: {  	[sflag:s10] =	ssyncset.done $0x0  }
0x122: {  	[sflag:s10] =	ssyncadd.s32 $0xFFFFE000  }
0x123: {  	[spmem:s2] =	stream.indirect.scatter.add.f32 [tilespmem:s1], [sflag:$0x7], $0x80, s18, s29, $0xb8;
	[tilespmem:$0x1E800] =	vst v63  }
0x124: {  	_ =	swait.ge [sflag:s11], $0x2000  }
0x125: {  	[sflag:s11] =	ssyncset.done $0x0  }
0x126: {  	[sflag:s11] =	ssyncadd.s32 $0xFFFFE000  }
0x127: {  	[spmem:s2] =	stream.indirect.scatter.add.f32 [tilespmem:s7], [sflag:$0x8], $0x80, s19, s29, $0xb8;
	[tilespmem:$0x1E800] =	vst v63  }
0x128: {  	_ =	swait.ge [sflag:s12], $0x2000  }
0x129: {  	[sflag:s12] =	ssyncset.done $0x0  }
0x12a: {  	[sflag:s12] =	ssyncadd.s32 $0xFFFFE000  }
0x12b: {  	_ =	swait.ge [sflag:s13], $0x2000  }
0x12c: {  	[sflag:s13] =	ssyncset.done $0x0  }
0x12d: {  	[sflag:s13] =	ssyncadd.s32 $0xFFFFE000  }
0x12e: {  	_ =	swait.ge [sflag:s14], $0x2000  }
0x12f: {  	[sflag:s14] =	ssyncset.done $0x0  }
0x130: {  	[sflag:s14] =	ssyncadd.s32 $0xFFFFE000  }
0x131: {  	_ =	swait.ge [sflag:s15], $0x2000  }
0x132: {  	[sflag:s15] =	ssyncset.done $0x0  }
0x133: {  	s20 =	simm.s32 $0x0;
	s22 =	rddreg [dreg:$0x11];
	[sflag:s15] =	ssyncadd.s32 $0xFFFFE000  }
0x134: {  	[tilespmem:s20], [sflag:$0x9] =	stream.linear.gather [hbm4b:s22+s20], $0x1400, $0x38;
	[tilespmem:$0x1E800] =	vst v63  }
0x135: {  	_ =	swait.ge [sflag:s26], $0x1400  }
0x136: {  	[sflag:s26] =	ssyncset.done $0x0  }
0x137: {  	s22 =	rddreg [dreg:$0x12];
	[sflag:s26] =	ssyncadd.s32 $0xFFFFEC00  }
0x138: {  	[tilespmem:s28], [sflag:$0x9] =	stream.linear.gather [hbm4b:s22+s20], $0x1400, $0x38;
	[tilespmem:$0x1E800] =	vst v63  }
0x139: {  	_ =	swait.ge [sflag:s26], $0x1400  }
0x13a: {  	[sflag:s26] =	ssyncset.done $0x0  }
0x13b: {  	[sflag:s26] =	ssyncadd.s32 $0xFFFFEC00  }
0x13c: {  	[tilespmem:s25], [sflag:$0x1] =	stream.indirect.gather [hbm4b:s4+s29], $0x80, s20, s29, $0xb8;
	[tilespmem:$0x1E800] =	vst v63  }
0x13d: {  	_ = 	snop  }
0x13e: {  	[tilespmem:s31], [sflag:$0x2] =	stream.indirect.gather [hbm4b:s4+s29], $0x80, s30, s29, $0xb8;
	[tilespmem:$0x1E800] =	vst v63  }
0x13f: {  	_ = 	snop  }
0x140: {  	[tilespmem:s1], [sflag:$0x3] =	stream.indirect.gather [hbm4b:s4+s29], $0x80, s0, s29, $0xb8;
	[tilespmem:$0x1E800] =	vst v63  }
0x141: {  	_ = 	snop  }
0x142: {  	[tilespmem:s7], [sflag:$0x4] =	stream.indirect.gather [hbm4b:s4+s29], $0x80, s6, s29, $0xb8;
	[tilespmem:$0x1E800] =	vst v63  }
0x143: {  	_ =	swait.ge [sflag:s8], $0x2000  }
0x144: {  	[sflag:s8] =	ssyncset.done $0x0  }
0x145: {  	s22 =	simm.s32 $0x1400;
	[sflag:s8] =	ssyncadd.s32 $0xFFFFE000  }
0x146: {  	[spmem:s2] =	stream.indirect.scatter.add.f32 [tilespmem:s25], [sflag:$0x5], $0x80, s22, s29, $0xb8;
	[tilespmem:$0x1E800] =	vst v63  }
0x147: {  	_ =	swait.ge [sflag:s9], $0x2000  }
0x148: {  	[sflag:s9] =	ssyncset.done $0x0  }
0x149: {  	s21 =	simm.s32 $0x1480;
	[sflag:s9] =	ssyncadd.s32 $0xFFFFE000  }
0x14a: {  	[spmem:s2] =	stream.indirect.scatter.add.f32 [tilespmem:s31], [sflag:$0x6], $0x80, s21, s29, $0xb8;
	[tilespmem:$0x1E800] =	vst v63  }
0x14b: {  	_ =	swait.ge [sflag:s10], $0x2000  }
0x14c: {  	[sflag:s10] =	ssyncset.done $0x0  }
0x14d: {  	s22 =	simm.s32 $0x1500;
	[sflag:s10] =	ssyncadd.s32 $0xFFFFE000  }
0x14e: {  	[spmem:s2] =	stream.indirect.scatter.add.f32 [tilespmem:s1], [sflag:$0x7], $0x80, s22, s29, $0xb8;
	[tilespmem:$0x1E800] =	vst v63  }
0x14f: {  	_ =	swait.ge [sflag:s11], $0x2000  }
0x150: {  	[sflag:s11] =	ssyncset.done $0x0  }
0x151: {  	s21 =	simm.s32 $0x1580;
	[sflag:s11] =	ssyncadd.s32 $0xFFFFE000  }
0x152: {  	[spmem:s2] =	stream.indirect.scatter.add.f32 [tilespmem:s7], [sflag:$0x8], $0x80, s21, s29, $0xb8;
	[tilespmem:$0x1E800] =	vst v63  }
0x153: {  	_ =	swait.ge [sflag:s12], $0x2000  }
0x154: {  	[sflag:s12] =	ssyncset.done $0x0  }
0x155: {  	s22 =	simm.s32 $0x200;
	[sflag:s12] =	ssyncadd.s32 $0xFFFFE000  }
0x156: {  	[tilespmem:s25], [sflag:$0x1] =	stream.indirect.gather [hbm4b:s4+s29], $0x80, s22, s29, $0xb8;
	[tilespmem:$0x1E800] =	vst v63  }
0x157: {  	_ =	swait.ge [sflag:s13], $0x2000  }
0x158: {  	[sflag:s13] =	ssyncset.done $0x0  }
0x159: {  	s21 =	simm.s32 $0x280;
	[sflag:s13] =	ssyncadd.s32 $0xFFFFE000  }
0x15a: {  	[tilespmem:s31], [sflag:$0x2] =	stream.indirect.gather [hbm4b:s4+s29], $0x80, s21, s29, $0xb8;
	[tilespmem:$0x1E800] =	vst v63  }
0x15b: {  	_ =	swait.ge [sflag:s14], $0x2000  }
0x15c: {  	[sflag:s14] =	ssyncset.done $0x0  }
0x15d: {  	s22 =	simm.s32 $0x300;
	[sflag:s14] =	ssyncadd.s32 $0xFFFFE000  }
0x15e: {  	[tilespmem:s1], [sflag:$0x3] =	stream.indirect.gather [hbm4b:s4+s29], $0x80, s22, s29, $0xb8;
	[tilespmem:$0x1E800] =	vst v63  }
0x15f: {  	_ =	swait.ge [sflag:s15], $0x2000  }
0x160: {  	[sflag:s15] =	ssyncset.done $0x0  }
0x161: {  	s20 =	simm.s32 $0x800;
	s21 =	simm.s32 $0x380;
	[sflag:s15] =	ssyncadd.s32 $0xFFFFE000  }
.LBB2_8:
0x162: {  	[tilespmem:s7], [sflag:$0x4] =	stream.indirect.gather [hbm4b:s4+s29], $0x80, s21, s29, $0xb8;
	[tilespmem:$0x1E800] =	vst v63  }
0x163: {  	s21 =	smov.u32 s20  }
0x164: {  	p0 =	sne.s32 s20, $0x4000;
	s20 =	sadd.s32 $0x800, s20;
	_ =	swait.ge [sflag:s8], $0x2000  }
0x165: {  	s21 =	sshra.s32 s21, $0x2;
	[sflag:s8] =	ssyncset.done $0x0  }
0x166: {  	s22 =	sadd.s32 $0x1400, s21;
	[sflag:s8] =	ssyncadd.s32 $0xFFFFE000  }
0x167: {  	[spmem:s2] =	stream.indirect.scatter.add.f32 [tilespmem:s25], [sflag:$0x5], $0x80, s22, s29, $0xb8;
	[tilespmem:$0x1E800] =	vst v63  }
0x168: {  	_ =	swait.ge [sflag:s9], $0x2000  }
0x169: {  	[sflag:s9] =	ssyncset.done $0x0  }
0x16a: {  	s22 =	sadd.s32 $0x1480, s21;
	[sflag:s9] =	ssyncadd.s32 $0xFFFFE000  }
0x16b: {  	[spmem:s2] =	stream.indirect.scatter.add.f32 [tilespmem:s31], [sflag:$0x6], $0x80, s22, s29, $0xb8;
	[tilespmem:$0x1E800] =	vst v63  }
0x16c: {  	_ =	swait.ge [sflag:s10], $0x2000  }
0x16d: {  	[sflag:s10] =	ssyncset.done $0x0  }
0x16e: {  	s22 =	sadd.s32 $0x1500, s21;
	[sflag:s10] =	ssyncadd.s32 $0xFFFFE000  }
0x16f: {  	[spmem:s2] =	stream.indirect.scatter.add.f32 [tilespmem:s1], [sflag:$0x7], $0x80, s22, s29, $0xb8;
	[tilespmem:$0x1E800] =	vst v63  }
0x170: {  	_ =	swait.ge [sflag:s11], $0x2000  }
0x171: {  	[sflag:s11] =	ssyncset.done $0x0  }
0x172: {  	s22 =	sadd.s32 $0x1580, s21;
	[sflag:s11] =	ssyncadd.s32 $0xFFFFE000  }
0x173: {  	[spmem:s2] =	stream.indirect.scatter.add.f32 [tilespmem:s7], [sflag:$0x8], $0x80, s22, s29, $0xb8;
	[tilespmem:$0x1E800] =	vst v63  }
0x174: {  	_ =	swait.ge [sflag:s12], $0x2000  }
0x175: {  	[sflag:s12] =	ssyncset.done $0x0  }
0x176: {  	s22 =	sadd.s32 $0x200, s21;
	[sflag:s12] =	ssyncadd.s32 $0xFFFFE000  }
0x177: {  	[tilespmem:s25], [sflag:$0x1] =	stream.indirect.gather [hbm4b:s4+s29], $0x80, s22, s29, $0xb8;
	[tilespmem:$0x1E800] =	vst v63  }
0x178: {  	_ =	swait.ge [sflag:s13], $0x2000  }
0x179: {  	[sflag:s13] =	ssyncset.done $0x0  }
0x17a: {  	s22 =	sadd.s32 $0x280, s21;
	[sflag:s13] =	ssyncadd.s32 $0xFFFFE000  }
0x17b: {  	[tilespmem:s31], [sflag:$0x2] =	stream.indirect.gather [hbm4b:s4+s29], $0x80, s22, s29, $0xb8;
	[tilespmem:$0x1E800] =	vst v63  }
0x17c: {  	_ =	swait.ge [sflag:s14], $0x2000  }
0x17d: {  	[sflag:s14] =	ssyncset.done $0x0  }
.Ltmp3:
0x17e: {  	s22 =	sadd.s32 $0x300, s21;
	[sflag:s14] =	ssyncadd.s32 $0xFFFFE000;
	(pc) =	sbr.rel @p0 .LBB2_8-.Ltmp3, $4  }
0x17f: {  	[tilespmem:s1], [sflag:$0x3] =	stream.indirect.gather [hbm4b:s4+s29], $0x80, s22, s29, $0xb8;
	[tilespmem:$0x1E800] =	vst v63  }
0x180: {  	_ =	swait.ge [sflag:s15], $0x2000  }
0x181: {  	[sflag:s15] =	ssyncset.done $0x0  }
0x182: {  	s21 =	sadd.s32 $0x380, s21;
	[sflag:s15] =	ssyncadd.s32 $0xFFFFE000  }
0x183: {  	[tilespmem:s7], [sflag:$0x4] =	stream.indirect.gather [hbm4b:s4+s29], $0x80, s21, s29, $0xb8;
	[tilespmem:$0x1E800] =	vst v63  }
0x184: {  	_ =	swait.ge [sflag:s8], $0x2000  }
0x185: {  	[sflag:s8] =	ssyncset.done $0x0  }
0x186: {  	[sflag:s8] =	ssyncadd.s32 $0xFFFFE000  }
0x187: {  	[spmem:s2] =	stream.indirect.scatter.add.f32 [tilespmem:s25], [sflag:$0x5], $0x80, s16, s29, $0xb8;
	[tilespmem:$0x1E800] =	vst v63  }
0x188: {  	_ =	swait.ge [sflag:s9], $0x2000  }
0x189: {  	[sflag:s9] =	ssyncset.done $0x0  }
0x18a: {  	[sflag:s9] =	ssyncadd.s32 $0xFFFFE000  }
0x18b: {  	[spmem:s2] =	stream.indirect.scatter.add.f32 [tilespmem:s31], [sflag:$0x6], $0x80, s17, s29, $0xb8;
	[tilespmem:$0x1E800] =	vst v63  }
0x18c: {  	_ =	swait.ge [sflag:s10], $0x2000  }
0x18d: {  	[sflag:s10] =	ssyncset.done $0x0  }
0x18e: {  	[sflag:s10] =	ssyncadd.s32 $0xFFFFE000  }
0x18f: {  	[spmem:s2] =	stream.indirect.scatter.add.f32 [tilespmem:s1], [sflag:$0x7], $0x80, s18, s29, $0xb8;
	[tilespmem:$0x1E800] =	vst v63  }
0x190: {  	_ =	swait.ge [sflag:s11], $0x2000  }
0x191: {  	[sflag:s11] =	ssyncset.done $0x0  }
0x192: {  	[sflag:s11] =	ssyncadd.s32 $0xFFFFE000  }
0x193: {  	[spmem:s2] =	stream.indirect.scatter.add.f32 [tilespmem:s7], [sflag:$0x8], $0x80, s19, s29, $0xb8;
	[tilespmem:$0x1E800] =	vst v63  }
0x194: {  	_ =	swait.ge [sflag:s12], $0x2000  }
0x195: {  	[sflag:s12] =	ssyncset.done $0x0  }
0x196: {  	[sflag:s12] =	ssyncadd.s32 $0xFFFFE000  }
0x197: {  	_ =	swait.ge [sflag:s13], $0x2000  }
0x198: {  	[sflag:s13] =	ssyncset.done $0x0  }
0x199: {  	[sflag:s13] =	ssyncadd.s32 $0xFFFFE000  }
0x19a: {  	_ =	swait.ge [sflag:s14], $0x2000  }
0x19b: {  	[sflag:s14] =	ssyncset.done $0x0  }
0x19c: {  	[sflag:s14] =	ssyncadd.s32 $0xFFFFE000  }
0x19d: {  	_ =	swait.ge [sflag:s15], $0x2000  }
0x19e: {  	[sflag:s15] =	ssyncset.done $0x0  }
0x19f: {  	s20 =	simm.s32 $0x0;
	s22 =	rddreg [dreg:$0x13];
	[sflag:s15] =	ssyncadd.s32 $0xFFFFE000  }
0x1a0: {  	[tilespmem:s20], [sflag:$0x9] =	stream.linear.gather [hbm4b:s22+s20], $0x1400, $0x38;
	[tilespmem:$0x1E800] =	vst v63  }
0x1a1: {  	_ =	swait.ge [sflag:s26], $0x1400  }
0x1a2: {  	[sflag:s26] =	ssyncset.done $0x0  }
0x1a3: {  	s22 =	rddreg [dreg:$0x14];
	[sflag:s26] =	ssyncadd.s32 $0xFFFFEC00  }
0x1a4: {  	[tilespmem:s28], [sflag:$0x9] =	stream.linear.gather [hbm4b:s22+s20], $0x1400, $0x38;
	[tilespmem:$0x1E800] =	vst v63  }
0x1a5: {  	_ =	swait.ge [sflag:s26], $0x1400  }
0x1a6: {  	[sflag:s26] =	ssyncset.done $0x0  }
0x1a7: {  	[sflag:s26] =	ssyncadd.s32 $0xFFFFEC00  }
0x1a8: {  	[tilespmem:s25], [sflag:$0x1] =	stream.indirect.gather [hbm4b:s4+s29], $0x80, s20, s29, $0xb8;
	[tilespmem:$0x1E800] =	vst v63  }
0x1a9: {  	_ = 	snop  }
0x1aa: {  	[tilespmem:s31], [sflag:$0x2] =	stream.indirect.gather [hbm4b:s4+s29], $0x80, s30, s29, $0xb8;
	[tilespmem:$0x1E800] =	vst v63  }
0x1ab: {  	_ = 	snop  }
0x1ac: {  	[tilespmem:s1], [sflag:$0x3] =	stream.indirect.gather [hbm4b:s4+s29], $0x80, s0, s29, $0xb8;
	[tilespmem:$0x1E800] =	vst v63  }
0x1ad: {  	_ = 	snop  }
0x1ae: {  	[tilespmem:s7], [sflag:$0x4] =	stream.indirect.gather [hbm4b:s4+s29], $0x80, s6, s29, $0xb8;
	[tilespmem:$0x1E800] =	vst v63  }
0x1af: {  	_ =	swait.ge [sflag:s8], $0x2000  }
0x1b0: {  	[sflag:s8] =	ssyncset.done $0x0  }
0x1b1: {  	s22 =	simm.s32 $0x1400;
	[sflag:s8] =	ssyncadd.s32 $0xFFFFE000  }
0x1b2: {  	[spmem:s2] =	stream.indirect.scatter.add.f32 [tilespmem:s25], [sflag:$0x5], $0x80, s22, s29, $0xb8;
	[tilespmem:$0x1E800] =	vst v63  }
0x1b3: {  	_ =	swait.ge [sflag:s9], $0x2000  }
0x1b4: {  	[sflag:s9] =	ssyncset.done $0x0  }
0x1b5: {  	s21 =	simm.s32 $0x1480;
	[sflag:s9] =	ssyncadd.s32 $0xFFFFE000  }
0x1b6: {  	[spmem:s2] =	stream.indirect.scatter.add.f32 [tilespmem:s31], [sflag:$0x6], $0x80, s21, s29, $0xb8;
	[tilespmem:$0x1E800] =	vst v63  }
0x1b7: {  	_ =	swait.ge [sflag:s10], $0x2000  }
0x1b8: {  	[sflag:s10] =	ssyncset.done $0x0  }
0x1b9: {  	s22 =	simm.s32 $0x1500;
	[sflag:s10] =	ssyncadd.s32 $0xFFFFE000  }
0x1ba: {  	[spmem:s2] =	stream.indirect.scatter.add.f32 [tilespmem:s1], [sflag:$0x7], $0x80, s22, s29, $0xb8;
	[tilespmem:$0x1E800] =	vst v63  }
0x1bb: {  	_ =	swait.ge [sflag:s11], $0x2000  }
0x1bc: {  	[sflag:s11] =	ssyncset.done $0x0  }
0x1bd: {  	s21 =	simm.s32 $0x1580;
	[sflag:s11] =	ssyncadd.s32 $0xFFFFE000  }
0x1be: {  	[spmem:s2] =	stream.indirect.scatter.add.f32 [tilespmem:s7], [sflag:$0x8], $0x80, s21, s29, $0xb8;
	[tilespmem:$0x1E800] =	vst v63  }
0x1bf: {  	_ =	swait.ge [sflag:s12], $0x2000  }
0x1c0: {  	[sflag:s12] =	ssyncset.done $0x0  }
0x1c1: {  	s22 =	simm.s32 $0x200;
	[sflag:s12] =	ssyncadd.s32 $0xFFFFE000  }
0x1c2: {  	[tilespmem:s25], [sflag:$0x1] =	stream.indirect.gather [hbm4b:s4+s29], $0x80, s22, s29, $0xb8;
	[tilespmem:$0x1E800] =	vst v63  }
0x1c3: {  	_ =	swait.ge [sflag:s13], $0x2000  }
0x1c4: {  	[sflag:s13] =	ssyncset.done $0x0  }
0x1c5: {  	s21 =	simm.s32 $0x280;
	[sflag:s13] =	ssyncadd.s32 $0xFFFFE000  }
0x1c6: {  	[tilespmem:s31], [sflag:$0x2] =	stream.indirect.gather [hbm4b:s4+s29], $0x80, s21, s29, $0xb8;
	[tilespmem:$0x1E800] =	vst v63  }
0x1c7: {  	_ =	swait.ge [sflag:s14], $0x2000  }
0x1c8: {  	[sflag:s14] =	ssyncset.done $0x0  }
0x1c9: {  	s22 =	simm.s32 $0x300;
	[sflag:s14] =	ssyncadd.s32 $0xFFFFE000  }
0x1ca: {  	[tilespmem:s1], [sflag:$0x3] =	stream.indirect.gather [hbm4b:s4+s29], $0x80, s22, s29, $0xb8;
	[tilespmem:$0x1E800] =	vst v63  }
0x1cb: {  	_ =	swait.ge [sflag:s15], $0x2000  }
0x1cc: {  	[sflag:s15] =	ssyncset.done $0x0  }
0x1cd: {  	s20 =	simm.s32 $0x800;
	s21 =	simm.s32 $0x380;
	[sflag:s15] =	ssyncadd.s32 $0xFFFFE000  }
.LBB2_10:
0x1ce: {  	[tilespmem:s7], [sflag:$0x4] =	stream.indirect.gather [hbm4b:s4+s29], $0x80, s21, s29, $0xb8;
	[tilespmem:$0x1E800] =	vst v63  }
0x1cf: {  	s21 =	smov.u32 s20  }
0x1d0: {  	p0 =	sne.s32 s20, $0x4000;
	s20 =	sadd.s32 $0x800, s20;
	_ =	swait.ge [sflag:s8], $0x2000  }
0x1d1: {  	s21 =	sshra.s32 s21, $0x2;
	[sflag:s8] =	ssyncset.done $0x0  }
0x1d2: {  	s22 =	sadd.s32 $0x1400, s21;
	[sflag:s8] =	ssyncadd.s32 $0xFFFFE000  }
0x1d3: {  	[spmem:s2] =	stream.indirect.scatter.add.f32 [tilespmem:s25], [sflag:$0x5], $0x80, s22, s29, $0xb8;
	[tilespmem:$0x1E800] =	vst v63  }
0x1d4: {  	_ =	swait.ge [sflag:s9], $0x2000  }
0x1d5: {  	[sflag:s9] =	ssyncset.done $0x0  }
0x1d6: {  	s22 =	sadd.s32 $0x1480, s21;
	[sflag:s9] =	ssyncadd.s32 $0xFFFFE000  }
0x1d7: {  	[spmem:s2] =	stream.indirect.scatter.add.f32 [tilespmem:s31], [sflag:$0x6], $0x80, s22, s29, $0xb8;
	[tilespmem:$0x1E800] =	vst v63  }
0x1d8: {  	_ =	swait.ge [sflag:s10], $0x2000  }
0x1d9: {  	[sflag:s10] =	ssyncset.done $0x0  }
0x1da: {  	s22 =	sadd.s32 $0x1500, s21;
	[sflag:s10] =	ssyncadd.s32 $0xFFFFE000  }
0x1db: {  	[spmem:s2] =	stream.indirect.scatter.add.f32 [tilespmem:s1], [sflag:$0x7], $0x80, s22, s29, $0xb8;
	[tilespmem:$0x1E800] =	vst v63  }
0x1dc: {  	_ =	swait.ge [sflag:s11], $0x2000  }
0x1dd: {  	[sflag:s11] =	ssyncset.done $0x0  }
0x1de: {  	s22 =	sadd.s32 $0x1580, s21;
	[sflag:s11] =	ssyncadd.s32 $0xFFFFE000  }
0x1df: {  	[spmem:s2] =	stream.indirect.scatter.add.f32 [tilespmem:s7], [sflag:$0x8], $0x80, s22, s29, $0xb8;
	[tilespmem:$0x1E800] =	vst v63  }
0x1e0: {  	_ =	swait.ge [sflag:s12], $0x2000  }
0x1e1: {  	[sflag:s12] =	ssyncset.done $0x0  }
0x1e2: {  	s22 =	sadd.s32 $0x200, s21;
	[sflag:s12] =	ssyncadd.s32 $0xFFFFE000  }
0x1e3: {  	[tilespmem:s25], [sflag:$0x1] =	stream.indirect.gather [hbm4b:s4+s29], $0x80, s22, s29, $0xb8;
	[tilespmem:$0x1E800] =	vst v63  }
0x1e4: {  	_ =	swait.ge [sflag:s13], $0x2000  }
0x1e5: {  	[sflag:s13] =	ssyncset.done $0x0  }
0x1e6: {  	s22 =	sadd.s32 $0x280, s21;
	[sflag:s13] =	ssyncadd.s32 $0xFFFFE000  }
0x1e7: {  	[tilespmem:s31], [sflag:$0x2] =	stream.indirect.gather [hbm4b:s4+s29], $0x80, s22, s29, $0xb8;
	[tilespmem:$0x1E800] =	vst v63  }
0x1e8: {  	_ =	swait.ge [sflag:s14], $0x2000  }
0x1e9: {  	[sflag:s14] =	ssyncset.done $0x0  }
.Ltmp4:
0x1ea: {  	s22 =	sadd.s32 $0x300, s21;
	[sflag:s14] =	ssyncadd.s32 $0xFFFFE000;
	(pc) =	sbr.rel @p0 .LBB2_10-.Ltmp4, $4  }
0x1eb: {  	[tilespmem:s1], [sflag:$0x3] =	stream.indirect.gather [hbm4b:s4+s29], $0x80, s22, s29, $0xb8;
	[tilespmem:$0x1E800] =	vst v63  }
0x1ec: {  	_ =	swait.ge [sflag:s15], $0x2000  }
0x1ed: {  	[sflag:s15] =	ssyncset.done $0x0  }
0x1ee: {  	s21 =	sadd.s32 $0x380, s21;
	[sflag:s15] =	ssyncadd.s32 $0xFFFFE000  }
0x1ef: {  	[tilespmem:s7], [sflag:$0x4] =	stream.indirect.gather [hbm4b:s4+s29], $0x80, s21, s29, $0xb8;
	[tilespmem:$0x1E800] =	vst v63  }
0x1f0: {  	_ =	swait.ge [sflag:s8], $0x2000  }
0x1f1: {  	[sflag:s8] =	ssyncset.done $0x0  }
0x1f2: {  	[sflag:s8] =	ssyncadd.s32 $0xFFFFE000  }
0x1f3: {  	[spmem:s2] =	stream.indirect.scatter.add.f32 [tilespmem:s25], [sflag:$0x5], $0x80, s16, s29, $0xb8;
	[tilespmem:$0x1E800] =	vst v63  }
0x1f4: {  	_ =	swait.ge [sflag:s9], $0x2000  }
0x1f5: {  	[sflag:s9] =	ssyncset.done $0x0  }
0x1f6: {  	[sflag:s9] =	ssyncadd.s32 $0xFFFFE000  }
0x1f7: {  	[spmem:s2] =	stream.indirect.scatter.add.f32 [tilespmem:s31], [sflag:$0x6], $0x80, s17, s29, $0xb8;
	[tilespmem:$0x1E800] =	vst v63  }
0x1f8: {  	_ =	swait.ge [sflag:s10], $0x2000  }
0x1f9: {  	[sflag:s10] =	ssyncset.done $0x0  }
0x1fa: {  	[sflag:s10] =	ssyncadd.s32 $0xFFFFE000  }
0x1fb: {  	[spmem:s2] =	stream.indirect.scatter.add.f32 [tilespmem:s1], [sflag:$0x7], $0x80, s18, s29, $0xb8;
	[tilespmem:$0x1E800] =	vst v63  }
0x1fc: {  	_ =	swait.ge [sflag:s11], $0x2000  }
0x1fd: {  	[sflag:s11] =	ssyncset.done $0x0  }
0x1fe: {  	[sflag:s11] =	ssyncadd.s32 $0xFFFFE000  }
0x1ff: {  	[spmem:s2] =	stream.indirect.scatter.add.f32 [tilespmem:s7], [sflag:$0x8], $0x80, s19, s29, $0xb8;
	[tilespmem:$0x1E800] =	vst v63  }
0x200: {  	_ =	swait.ge [sflag:s12], $0x2000  }
0x201: {  	[sflag:s12] =	ssyncset.done $0x0  }
0x202: {  	[sflag:s12] =	ssyncadd.s32 $0xFFFFE000  }
0x203: {  	_ =	swait.ge [sflag:s13], $0x2000  }
0x204: {  	[sflag:s13] =	ssyncset.done $0x0  }
0x205: {  	[sflag:s13] =	ssyncadd.s32 $0xFFFFE000  }
0x206: {  	_ =	swait.ge [sflag:s14], $0x2000  }
0x207: {  	[sflag:s14] =	ssyncset.done $0x0  }
0x208: {  	[sflag:s14] =	ssyncadd.s32 $0xFFFFE000  }
0x209: {  	s20 =	stileid.u32;
	_ =	swait.ge [sflag:s15], $0x2000  }
0x20a: {  	s22 =	sshrl.u32 s5, $0x3;
	s3 =	sadd.s32 $0x1, s3;
	[sflag:s15] =	ssyncset.done $0x0  }
0x20b: {  	s20 =	sshll.u32 s20, $0x6;
	p0 =	sne.s32 s3, s24;
	[sflag:s15] =	ssyncadd.s32 $0xFFFFE000  }
.Ltmp5:
0x20c: {  	s20 =	sor.u32 $0x1C09, s20;
	[bflag:$0x0] =	sbarrier.arrive $0xFFFF;
	(pc) =	sbr.rel @p0 .LBB2_1-.Ltmp5, $4  }
0x20d: {  	[hbm:s23], [sflag:s20] =	dma.local [spmem:s22], $0x2800  }
0x20e: {  	_ =	swait.ge [sflag:s26], $0x2800  }
0x20f: {  	[sflag:s26] =	ssyncset.done $0x0  }
0x210: {  	[sflag:s26] =	ssyncadd.s32 $0xFFFFD800  }
0x211: {  	_ =	sfence.sel $0x180000  }
0x212: {  	[bflag:$0x0] =	sbarrier.arrive $0xFFFF  }
0x213: {  	_ =	strace $0x9000004A  }
0x214: {  	s0 =	stileid.u32;
	[bflag:$0x2] =	sbarrier.arrive $0xFFFF  }
0x215: {  	p0 =	sne.s32 s0, $0x0;
	s0 =	rddreg [dreg:$0x3]  }
0x216: {  	s0 =	sadd.s32 @!p0 $0x100000, s0  }
0x217: {  	[sflag:s0] =	ssyncadd.tile.s32 @!p0 $0x1;
	_ =	shalt  }
.Lfunc_end2:
_tile_overlayer_lowered:
.L_overlay_start_2:
0x218: {  	(tag) =	ssettag $0x2  }
0x219: {  	s0 =	rddreg [dreg:$0x0];
	s2 =	stileid.u32  }
0x21a: {  	s1 =	rddreg [dreg:$0x1];
	p0 =	sne.s32 s2, $0x0  }
0x21b: {  	s3 =	rddreg [dreg:$0x2];
	[bflag:$0x3] =	sbarrier.arrive $0xFFFF;
	s2 =	simm.s32 @!p0 $0x1C09  }
0x21c: {  	[timem:s3], [sflag:s2] =	dma.local @!p0 [hbm:s0], s1  }
0x21d: {  	s0 =	simm.s32 @!p0 $0x9  }
0x21e: {  	_ =	swait.ge @!p0 [sflag:s0], s1  }
0x21f: {  	s1 =	ssub.s32 @!p0 $0x0, s1;
	[sflag:s0] =	ssyncset.done @!p0 $0x0  }
0x220: {  	[sflag:s0] =	ssyncadd.s32 @!p0 s1  }
0x221: {  	[bflag:$0x3] =	sbarrier.arrive $0xFFFF  }
0x222: {  	_ =	shalt  }

</sc_bundles>
